<compile_context>
chip_gen: v7x
topology: tpu7x:2x2x1
jax: 0.10.2.dev20260603
libtpu: 0.0.44.dev20260713+nightly
codegen_flags: <defaults>
</compile_context>

<pallas_src>
import functools

import jax
import jax.numpy as jnp
from jax import lax
from jax.experimental import pallas as pl
from jax.experimental.pallas import tpu as pltpu
from jax.experimental.pallas import tpu_sc as plsc

_INTERPRET = False

NE = 8
NT = 2048
D = 1024
F = 2816
K = 2
NA = NT * K
M = 512
NB = NA // M
NS = NB + NE - 1
NF = 2
FC = F // NF
LANES = 128
MT = 256
NTB = NT // MT


def _router_body(x_ref, rw_ref, logits_ref, probs_ref, route_ref, aux_ref):
    x = x_ref[...]
    rw = rw_ref[...]
    logits = jax.lax.dot_general(x, rw, (((1,), (1,)), ((), ())),
                                 preferred_element_type=jnp.float32)
    logits_ref[...] = logits
    cols = jax.lax.broadcasted_iota(jnp.int32, (NT, LANES), 1)
    valid = cols < NE
    neg = jnp.where(valid, logits, -jnp.inf)
    m = jnp.max(neg, axis=1, keepdims=True)
    ex = jnp.exp(neg - m)
    probs = ex / jnp.sum(ex, axis=1, keepdims=True)
    probs_ref[...] = probs
    p1 = jnp.max(jnp.where(valid, probs, -1.0), axis=1, keepdims=True)
    i1 = jnp.min(jnp.where(valid & (probs == p1), cols, LANES), axis=1,
                 keepdims=True)
    m1 = cols == i1
    p2 = jnp.max(jnp.where(valid & ~m1, probs, -1.0), axis=1, keepdims=True)
    i2 = jnp.min(jnp.where(valid & ~m1 & (probs == p2), cols, LANES), axis=1,
                 keepdims=True)
    m2 = cols == i2
    tot = p1 + p2
    w1 = p1 / tot
    w2 = p2 / tot

    oh1 = m1.astype(jnp.float32)
    oh2 = m2.astype(jnp.float32)
    tot1 = jnp.sum(oh1, axis=0, keepdims=True)
    tot2 = jnp.sum(oh2, axis=0, keepdims=True)
    counts = tot1 + tot2
    eu_r = jax.lax.broadcasted_iota(jnp.int32, (LANES, LANES), 0)
    eu_c = jax.lax.broadcasted_iota(jnp.int32, (LANES, LANES), 1)
    tri_e = (eu_r < eu_c).astype(jnp.float32)
    off_row = jax.lax.dot_general(counts, tri_e, (((1,), (0,)), ((), ())),
                                  precision=jax.lax.Precision.HIGHEST,
                                  preferred_element_type=jnp.float32)
    r_io = jax.lax.broadcasted_iota(jnp.int32, (NT, NT), 0)
    c_io = jax.lax.broadcasted_iota(jnp.int32, (NT, NT), 1)
    tri = (c_io < r_io).astype(jnp.float32)
    cnt1 = jax.lax.dot_general(tri, oh1, (((1,), (0,)), ((), ())),
                               preferred_element_type=jnp.float32)
    cnt2 = jax.lax.dot_general(tri, oh2, (((1,), (0,)), ((), ())),
                               preferred_element_type=jnp.float32)
    pos1 = jnp.sum(jnp.where(m1, off_row + cnt1, 0.0), axis=1, keepdims=True)
    pos2 = jnp.sum(jnp.where(m2, off_row + tot1 + cnt2, 0.0), axis=1,
                   keepdims=True)

    route = (jnp.where(cols == 0, i1.astype(jnp.float32), 0.0)
             + jnp.where(cols == 1, i2.astype(jnp.float32), 0.0)
             + jnp.where(cols == 2, w1, 0.0)
             + jnp.where(cols == 3, w2, 0.0)
             + jnp.where(cols == 4, pos1, 0.0)
             + jnp.where(cols == 5, pos2, 0.0))
    route_ref[...] = route
    avgp = jnp.mean(probs, axis=0, keepdims=True)
    aux_ref[...] = jnp.concatenate([counts / float(NA), avgp], axis=0)


def _run_router(x, rw_pad):
    return pl.pallas_call(
        _router_body,
        out_shape=(
            jax.ShapeDtypeStruct((NT, LANES), jnp.float32),
            jax.ShapeDtypeStruct((NT, LANES), jnp.float32),
            jax.ShapeDtypeStruct((NT, LANES), jnp.float32),
            jax.ShapeDtypeStruct((2, LANES), jnp.float32),
        ),
        compiler_params=pltpu.CompilerParams(
            vmem_limit_bytes=100 * 1024 * 1024),
        interpret=_INTERPRET,
    )(x, rw_pad)


NC = 2
NSUB = 16
NW = NC * NSUB
TPW = NT // NW
SUB = 32


def _sc_dispatch_body(x_hbm, pos_hbm, w_hbm, xs_hbm, ws_hbm,
                      rows_v, idx_v, w_v, sem):
    wid = lax.axis_index("s") * NC + lax.axis_index("c")
    pltpu.sync_copy(x_hbm.at[pl.ds(wid * TPW, TPW)], rows_v)
    pltpu.sync_copy(pos_hbm.at[wid], idx_v)
    pltpu.sync_copy(w_hbm.at[wid], w_v)
    for k in range(K):
        pltpu.async_copy(rows_v, xs_hbm.at[idx_v.at[k]], sem).wait()
        pltpu.async_copy(w_v.at[k], ws_hbm.at[idx_v.at[k]], sem).wait()


def _run_sc_dispatch(x, pos_w, wts_w):
    f = functools.partial(
        pl.kernel,
        out_type=(
            jax.ShapeDtypeStruct((NA, D), jnp.float32),
            jax.ShapeDtypeStruct((NA, LANES), jnp.float32),
        ),
        mesh=plsc.VectorSubcoreMesh(core_axis_name="c", subcore_axis_name="s"),
        scratch_types=(
            pltpu.VMEM((TPW, D), jnp.float32),
            pltpu.VMEM((K, TPW), jnp.int32),
            pltpu.VMEM((K, TPW, LANES), jnp.float32),
            pltpu.SemaphoreType.DMA,
        ),
    )(_sc_dispatch_body)
    return f(x, pos_w, wts_w)


def _sc_combine_body(y_hbm, pos_hbm, out_hbm, idx_v, a_v, b_v, sem):
    wid = lax.axis_index("s") * NC + lax.axis_index("c")
    pltpu.sync_copy(pos_hbm.at[wid], idx_v)
    for sub in range(TPW // SUB):
        pltpu.async_copy(y_hbm.at[idx_v.at[0, pl.ds(sub * SUB, SUB)]],
                         a_v, sem).wait()
        pltpu.async_copy(y_hbm.at[idx_v.at[1, pl.ds(sub * SUB, SUB)]],
                         b_v, sem).wait()

        def _add_row(r, carry):
            for u in range(D // 16):
                a_v[r, pl.ds(u * 16, 16)] += b_v[r, pl.ds(u * 16, 16)]
            return carry

        lax.fori_loop(0, SUB, _add_row, 0)
        pltpu.sync_copy(a_v, out_hbm.at[pl.ds(wid * TPW + sub * SUB, SUB)])


def _run_sc_combine(y_sorted, pos_w):
    f = functools.partial(
        pl.kernel,
        out_type=jax.ShapeDtypeStruct((NT, D), jnp.float32),
        mesh=plsc.VectorSubcoreMesh(core_axis_name="c", subcore_axis_name="s"),
        scratch_types=(
            pltpu.VMEM((K, TPW), jnp.int32),
            pltpu.VMEM((SUB, D), jnp.float32),
            pltpu.VMEM((SUB, D), jnp.float32),
            pltpu.SemaphoreType.DMA,
        ),
    )(_sc_combine_body)
    return f(y_sorted, pos_w)


def _ffn_body(g_sr, b_sr, first_sr, lo_sr, hi_sr,
              xs_ref, w_ref, gw_ref, uw_ref, dw_ref, out_ref, acc_ref):
    c = pl.program_id(0)
    s = pl.program_id(1)
    lo = lo_sr[s]
    hi = hi_sr[s]
    b = b_sr[s]
    xb = xs_ref[...]
    g_ = jax.lax.dot_general(xb, gw_ref[0], (((1,), (1,)), ((), ())),
                             preferred_element_type=jnp.float32)
    u_ = jax.lax.dot_general(xb, uw_ref[0], (((1,), (1,)), ((), ())),
                             preferred_element_type=jnp.float32)
    h = g_ / (1.0 + jnp.exp(-g_)) * u_
    rows = jax.lax.broadcasted_iota(jnp.int32, (M, 1), 0)
    scale = jnp.where((rows >= lo) & (rows < hi), w_ref[:, 0:1], 0.0)
    h = h * scale
    y = jax.lax.dot_general(h, dw_ref[0], (((1,), (1,)), ((), ())),
                            preferred_element_type=jnp.float32)

    fresh = (c == 0) & (first_sr[s] == 1)

    @pl.when(fresh)
    def _():
        acc_ref[b] = y

    @pl.when(~fresh)
    def _():
        acc_ref[b] += y

    @pl.when(c == NF - 1)
    def _():
        out_ref[...] = acc_ref[b]


def _run_ffn(steps, x_sorted, w_sorted, gate_w, up_w, down_w):
    g_s, b_s, first_s, lo_s, hi_s = steps
    grid_spec = pltpu.PrefetchScalarGridSpec(
        num_scalar_prefetch=5,
        grid=(NF, NS),
        in_specs=[
            pl.BlockSpec((M, D), lambda c, s, g, b, f, lo, hi: (b[s], 0)),
            pl.BlockSpec((M, LANES), lambda c, s, g, b, f, lo, hi: (b[s], 0)),
            pl.BlockSpec((1, FC, D), lambda c, s, g, b, f, lo, hi: (g[s], c, 0)),
            pl.BlockSpec((1, FC, D), lambda c, s, g, b, f, lo, hi: (g[s], c, 0)),
            pl.BlockSpec((1, D, FC), lambda c, s, g, b, f, lo, hi: (g[s], 0, c)),
        ],
        out_specs=pl.BlockSpec((M, D), lambda c, s, g, b, f, lo, hi: (b[s], 0)),
        scratch_shapes=[pltpu.VMEM((NB, M, D), jnp.float32)],
    )
    return pl.pallas_call(
        _ffn_body,
        grid_spec=grid_spec,
        out_shape=jax.ShapeDtypeStruct((NA, D), jnp.float32),
        compiler_params=pltpu.CompilerParams(
            vmem_limit_bytes=128 * 1024 * 1024),
        interpret=_INTERPRET,
    )(g_s, b_s, first_s, lo_s, hi_s,
      x_sorted, w_sorted, gate_w, up_w, down_w)


def kernel(hidden_states, router_w, gate_w, up_w, down_w):
    b, s, d = hidden_states.shape
    x = hidden_states.reshape(NT, D)
    rw_pad = jnp.zeros((LANES, D), jnp.float32).at[:NE].set(router_w)

    logits_p, probs_p, route, aux = _run_router(x, rw_pad)
    logits = logits_p[:, :NE]
    probs = probs_p[:, :NE]
    expert_frac = aux[0, :NE]
    avg_prob = aux[1, :NE]

    pos = jnp.stack([route[:, 4], route[:, 5]]).astype(jnp.int32)
    wts = jnp.stack([route[:, 2], route[:, 3]])

    counts = (expert_frac * float(NA)).astype(jnp.int32)
    off = jnp.concatenate([jnp.zeros((1,), jnp.int32),
                           jnp.cumsum(counts).astype(jnp.int32)])

    b_lo = off[:NE] // M
    b_hi = (off[1:] - 1) // M
    nb = jnp.where(counts > 0, b_hi - b_lo + 1, 0)
    cnb = jnp.concatenate([jnp.zeros((1,), jnp.int32),
                           jnp.cumsum(nb).astype(jnp.int32)])
    s_ar = jnp.arange(NS, dtype=jnp.int32)
    g_s = jnp.clip(jnp.searchsorted(cnb, s_ar, side='right') - 1,
                   0, NE - 1).astype(jnp.int32)
    valid_s = s_ar < cnb[NE]
    b_s = jnp.where(valid_s, b_lo[g_s] + s_ar - cnb[g_s],
                    NB - 1).astype(jnp.int32)
    lo_s = jnp.clip(off[g_s] - b_s * M, 0, M).astype(jnp.int32)
    hi_s = jnp.where(valid_s,
                     jnp.clip(off[g_s + 1] - b_s * M, 0, M), 0).astype(jnp.int32)
    first_s = (jnp.concatenate([jnp.ones((1,), jnp.bool_),
                                b_s[1:] != b_s[:-1]])
               & valid_s).astype(jnp.int32)

    pos_w = pos.reshape(K, NW, TPW).transpose(1, 0, 2)
    wts_w = jnp.broadcast_to(
        wts.reshape(K, NW, TPW).transpose(1, 0, 2)[..., None],
        (NW, K, TPW, LANES))

    x_sorted, w_sorted = _run_sc_dispatch(x, pos_w, wts_w)
    y_sorted = _run_ffn((g_s, b_s, first_s, lo_s, hi_s),
                        x_sorted, w_sorted, gate_w, up_w, down_w)
    out = _run_sc_combine(y_sorted, pos_w[:, :, :])

    return (out.reshape(b, s, d), expert_frac, avg_prob, logits, probs)

# --- scband reference (transcript-rebuilt; emitter-appended) ---
"""Pipeline reference for scband-mo-elayer-16466904613124 (READ-ONLY COPY).

The authoritative reference and input builder live on the scoring server;
editing this copy changes nothing except your own understanding.
"""

import jax, jax.numpy as jnp
import numpy as np

HIDDEN = 1024
FF = 2816
E = 8
TOPK = 2
B, S = 1, 2048


def setup_inputs(seed: int = 0) -> dict:
    key = jax.random.key(seed)
    k1, k2, k3, k4, k5 = jax.random.split(key, 5)
    hidden_states = jax.random.normal(k1, (B, S, HIDDEN), dtype=jnp.float32)
    router_w = jax.random.normal(k2, (E, HIDDEN), dtype=jnp.float32) * 0.02
    gate_w = jax.random.normal(k3, (E, FF, HIDDEN), dtype=jnp.float32) * 0.02
    up_w = jax.random.normal(k4, (E, FF, HIDDEN), dtype=jnp.float32) * 0.02
    down_w = jax.random.normal(k5, (E, HIDDEN, FF), dtype=jnp.float32) * 0.02
    return {"hidden_states": hidden_states, "router_w": router_w, "gate_w": gate_w, "up_w": up_w, "down_w": down_w}


def reference(hidden_states, router_w, gate_w, up_w, down_w):
    b, s, d = hidden_states.shape
    flat = hidden_states.reshape(-1, d)
    num_tokens = flat.shape[0]
    n_experts = router_w.shape[0]
    # router
    logits = flat @ router_w.T
    probs = jax.nn.softmax(logits, axis=-1)
    top_k_probs, top_k_indices = jax.lax.top_k(probs, TOPK)
    top_k_weights = top_k_probs / jnp.sum(top_k_probs, axis=-1, keepdims=True)
    # dense combine weights: combine[t, e] = sum_k w[t,k] * (idx[t,k]==e)
    combine = jnp.zeros((num_tokens, n_experts), dtype=flat.dtype)
    combine = combine.at[jnp.arange(num_tokens)[:, None], top_k_indices].add(top_k_weights)
    # expert computation (dense over experts; math identical to masked dispatch)
    output = jnp.zeros_like(flat)
    for e in range(n_experts):
        g = flat @ gate_w[e].T
        u = flat @ up_w[e].T
        h = jax.nn.silu(g) * u
        y = h @ down_w[e].T
        output = output + combine[:, e:e + 1] * y
    output = output.reshape(b, s, d)
    # aux stats
    counts = jnp.sum(jax.nn.one_hot(top_k_indices, n_experts, dtype=jnp.float32), axis=(0, 1))
    expert_frac = jax.lax.stop_gradient(counts / (num_tokens * TOPK))
    avg_prob = jax.lax.stop_gradient(probs.mean(axis=0))
    return (output, expert_frac, avg_prob, logits, jax.lax.stop_gradient(probs))

if __name__ == "__main__":
    import jax
    _d = setup_inputs()
    print(jax.jit(kernel)(*tuple(_d.values())))

</pallas_src>

<mosaic_0001>
#map = affine_map<(d0, d1) -> (0, 0)>
#map1 = affine_map<(d0, d1) -> (0, 0, 0)>
#map2 = affine_map<(d0, d1) -> (0, 0, 0, 0)>
module attributes {stable_mosaic.version = 14 : i64} {
  func.func @_sc_dispatch_body(%arg0: i32, %arg1: i32, %arg2: memref<2048x1024xf32, #tpu.memory_space<hbm>>, %arg3: memref<32x2x64xi32, #tpu.memory_space<hbm>>, %arg4: memref<32x2x64x128xf32, #tpu.memory_space<hbm>>, %arg5: memref<4096x1024xf32, #tpu.memory_space<hbm>>, %arg6: memref<4096x128xf32, #tpu.memory_space<hbm>>, %arg7: memref<64x1024xf32, #tpu.memory_space<vmem>>, %arg8: memref<2x64xi32, #tpu.memory_space<vmem>>, %arg9: memref<2x64x128xf32, #tpu.memory_space<vmem>>, %arg10: memref<!tpu.dma_semaphore, #tpu.memory_space<semaphore_mem>>) attributes {dimension_semantics = [#tpu.dimension_semantics<core_parallel>, #tpu.dimension_semantics<subcore_parallel>], iteration_bounds = array<i64: 2, 16>, scalar_prefetch = 0 : i64, scratch_operands = 4 : i64, tpu.core_type = #tpu.core_type<sc_vector_subcore>, window_params = [{transform_indices = #map}, {transform_indices = #map1}, {transform_indices = #map2}, {transform_indices = #map}, {transform_indices = #map}]} {
    %mul3A = arith.constant 2 : i32
    %mul3A_0 = arith.muli %arg1, %mul3A : i32
    %add3A = arith.addi %mul3A_0, %arg0 : i32
    %mul3A_1 = arith.constant 64 : i32
    %mul3A_2 = arith.muli %add3A, %mul3A_1 : i32
    "tpu.region"() ({
      %run_scoped3A = tpu.sem_alloc : memref<!tpu.dma_semaphore, #tpu.memory_space<semaphore_mem>>
      %dma_start3A_77 = arith.constant 0 : i32
      %dma_start3A_78 = tpu.memref_slice %arg2[%mul3A_2, %dma_start3A_77] : memref<2048x1024xf32, #tpu.memory_space<hbm>> -> memref<64x1024xf32, #tpu.memory_space<hbm>>
      %dma_start3A_79 = arith.constant 0 : i32
      %dma_start3A_80 = tpu.memref_slice %arg2[%mul3A_2, %dma_start3A_79] : memref<2048x1024xf32, #tpu.memory_space<hbm>> -> memref<64x1024xf32, #tpu.memory_space<hbm>>
      tpu.enqueue_dma source(%dma_start3A_80 : memref<64x1024xf32, #tpu.memory_space<hbm>>) target(%arg7 : memref<64x1024xf32, #tpu.memory_space<vmem>>) target_semaphore(%run_scoped3A : memref<!tpu.dma_semaphore, #tpu.memory_space<semaphore_mem>>)
      %dma_wait3A_81 = arith.constant 0 : i32
      %dma_wait3A_82 = tpu.memref_slice %arg2[%mul3A_2, %dma_wait3A_81] : memref<2048x1024xf32, #tpu.memory_space<hbm>> -> memref<64x1024xf32, #tpu.memory_space<hbm>>
      %dma_wait3A_83 = arith.constant 0 : i32
      %dma_wait3A_84 = tpu.memref_slice %arg2[%mul3A_2, %dma_wait3A_83] : memref<2048x1024xf32, #tpu.memory_space<hbm>> -> memref<64x1024xf32, #tpu.memory_space<hbm>>
      tpu.wait_dma2 semaphore(%run_scoped3A : memref<!tpu.dma_semaphore, #tpu.memory_space<semaphore_mem>>) src(%dma_wait3A_84 : memref<64x1024xf32, #tpu.memory_space<hbm>>) dst(%arg7 : memref<64x1024xf32, #tpu.memory_space<vmem>>)
      tpu.yield
    }) : () -> ()
    "tpu.region"() ({
      %run_scoped3A = tpu.sem_alloc : memref<!tpu.dma_semaphore, #tpu.memory_space<semaphore_mem>>
      %dma_start3A_77 = arith.constant 0 : i32
      %dma_start3A_78 = arith.constant 0 : i32
      %dma_start3A_79 = tpu.memref_slice %arg3[%add3A, %dma_start3A_77, %dma_start3A_78] : memref<32x2x64xi32, #tpu.memory_space<hbm>> -> memref<1x2x64xi32, #tpu.memory_space<hbm>>
      %dma_start3A_80 = tpu.memref_squeeze %dma_start3A_79 : memref<1x2x64xi32, #tpu.memory_space<hbm>> -> memref<2x64xi32, #tpu.memory_space<hbm>>
      %dma_start3A_81 = arith.constant 0 : i32
      %dma_start3A_82 = arith.constant 0 : i32
      %dma_start3A_83 = tpu.memref_slice %arg3[%add3A, %dma_start3A_81, %dma_start3A_82] : memref<32x2x64xi32, #tpu.memory_space<hbm>> -> memref<1x2x64xi32, #tpu.memory_space<hbm>>
      %dma_start3A_84 = tpu.memref_squeeze %dma_start3A_83 : memref<1x2x64xi32, #tpu.memory_space<hbm>> -> memref<2x64xi32, #tpu.memory_space<hbm>>
      tpu.enqueue_dma source(%dma_start3A_84 : memref<2x64xi32, #tpu.memory_space<hbm>>) target(%arg8 : memref<2x64xi32, #tpu.memory_space<vmem>>) target_semaphore(%run_scoped3A : memref<!tpu.dma_semaphore, #tpu.memory_space<semaphore_mem>>)
      %dma_wait3A_85 = arith.constant 0 : i32
      %dma_wait3A_86 = arith.constant 0 : i32
      %dma_wait3A_87 = tpu.memref_slice %arg3[%add3A, %dma_wait3A_85, %dma_wait3A_86] : memref<32x2x64xi32, #tpu.memory_space<hbm>> -> memref<1x2x64xi32, #tpu.memory_space<hbm>>
      %dma_wait3A_88 = tpu.memref_squeeze %dma_wait3A_87 : memref<1x2x64xi32, #tpu.memory_space<hbm>> -> memref<2x64xi32, #tpu.memory_space<hbm>>
      %dma_wait3A_89 = arith.constant 0 : i32
      %dma_wait3A_90 = arith.constant 0 : i32
      %dma_wait3A_91 = tpu.memref_slice %arg3[%add3A, %dma_wait3A_89, %dma_wait3A_90] : memref<32x2x64xi32, #tpu.memory_space<hbm>> -> memref<1x2x64xi32, #tpu.memory_space<hbm>>
      %dma_wait3A_92 = tpu.memref_squeeze %dma_wait3A_91 : memref<1x2x64xi32, #tpu.memory_space<hbm>> -> memref<2x64xi32, #tpu.memory_space<hbm>>
      tpu.wait_dma2 semaphore(%run_scoped3A : memref<!tpu.dma_semaphore, #tpu.memory_space<semaphore_mem>>) src(%dma_wait3A_92 : memref<2x64xi32, #tpu.memory_space<hbm>>) dst(%arg8 : memref<2x64xi32, #tpu.memory_space<vmem>>)
      tpu.yield
    }) : () -> ()
    "tpu.region"() ({
      %run_scoped3A = tpu.sem_alloc : memref<!tpu.dma_semaphore, #tpu.memory_space<semaphore_mem>>
      %dma_start3A_77 = arith.constant 0 : i32
      %dma_start3A_78 = arith.constant 0 : i32
      %dma_start3A_79 = arith.constant 0 : i32
      %dma_start3A_80 = tpu.memref_slice %arg4[%add3A, %dma_start3A_77, %dma_start3A_78, %dma_start3A_79] : memref<32x2x64x128xf32, #tpu.memory_space<hbm>> -> memref<1x2x64x128xf32, #tpu.memory_space<hbm>>
      %dma_start3A_81 = tpu.memref_squeeze %dma_start3A_80 : memref<1x2x64x128xf32, #tpu.memory_space<hbm>> -> memref<2x64x128xf32, #tpu.memory_space<hbm>>
      %dma_start3A_82 = arith.constant 0 : i32
      %dma_start3A_83 = arith.constant 0 : i32
      %dma_start3A_84 = arith.constant 0 : i32
      %dma_start3A_85 = tpu.memref_slice %arg4[%add3A, %dma_start3A_82, %dma_start3A_83, %dma_start3A_84] : memref<32x2x64x128xf32, #tpu.memory_space<hbm>> -> memref<1x2x64x128xf32, #tpu.memory_space<hbm>>
      %dma_start3A_86 = tpu.memref_squeeze %dma_start3A_85 : memref<1x2x64x128xf32, #tpu.memory_space<hbm>> -> memref<2x64x128xf32, #tpu.memory_space<hbm>>
      tpu.enqueue_dma source(%dma_start3A_86 : memref<2x64x128xf32, #tpu.memory_space<hbm>>) target(%arg9 : memref<2x64x128xf32, #tpu.memory_space<vmem>>) target_semaphore(%run_scoped3A : memref<!tpu.dma_semaphore, #tpu.memory_space<semaphore_mem>>)
      %dma_wait3A_87 = arith.constant 0 : i32
      %dma_wait3A_88 = arith.constant 0 : i32
      %dma_wait3A_89 = arith.constant 0 : i32
      %dma_wait3A_90 = tpu.memref_slice %arg4[%add3A, %dma_wait3A_87, %dma_wait3A_88, %dma_wait3A_89] : memref<32x2x64x128xf32, #tpu.memory_space<hbm>> -> memref<1x2x64x128xf32, #tpu.memory_space<hbm>>
      %dma_wait3A_91 = tpu.memref_squeeze %dma_wait3A_90 : memref<1x2x64x128xf32, #tpu.memory_space<hbm>> -> memref<2x64x128xf32, #tpu.memory_space<hbm>>
      %dma_wait3A_92 = arith.constant 0 : i32
      %dma_wait3A_93 = arith.constant 0 : i32
      %dma_wait3A_94 = arith.constant 0 : i32
      %dma_wait3A_95 = tpu.memref_slice %arg4[%add3A, %dma_wait3A_92, %dma_wait3A_93, %dma_wait3A_94] : memref<32x2x64x128xf32, #tpu.memory_space<hbm>> -> memref<1x2x64x128xf32, #tpu.memory_space<hbm>>
      %dma_wait3A_96 = tpu.memref_squeeze %dma_wait3A_95 : memref<1x2x64x128xf32, #tpu.memory_space<hbm>> -> memref<2x64x128xf32, #tpu.memory_space<hbm>>
      tpu.wait_dma2 semaphore(%run_scoped3A : memref<!tpu.dma_semaphore, #tpu.memory_space<semaphore_mem>>) src(%dma_wait3A_96 : memref<2x64x128xf32, #tpu.memory_space<hbm>>) dst(%arg9 : memref<2x64x128xf32, #tpu.memory_space<vmem>>)
      tpu.yield
    }) : () -> ()
    %dma_start3A = arith.constant 0 : i32
    %dma_start3A_3 = arith.constant 0 : i32
    %dma_start3A_4 = tpu.memref_slice %arg8[%dma_start3A, %dma_start3A_3] : memref<2x64xi32, #tpu.memory_space<vmem>> -> memref<1x64xi32, #tpu.memory_space<vmem>>
    %dma_start3A_5 = tpu.memref_squeeze %dma_start3A_4 : memref<1x64xi32, #tpu.memory_space<vmem>> -> memref<64xi32, #tpu.memory_space<vmem>>
    %dma_start3A_6 = arith.constant 0 : i32
    %dma_start3A_7 = arith.constant 0 : i32
    %dma_start3A_8 = tpu.memref_slice %arg5[%dma_start3A_6, %dma_start3A_7] : memref<4096x1024xf32, #tpu.memory_space<hbm>> -> memref<4096x1024xf32, #tpu.memory_space<hbm>>
    tpu.enqueue_indirect_dma source(%arg7 : memref<64x1024xf32, #tpu.memory_space<vmem>>) target(%dma_start3A_8 : memref<4096x1024xf32, #tpu.memory_space<hbm>>) offsets(%dma_start3A_5 : memref<64xi32, #tpu.memory_space<vmem>>) semaphore(%arg10 : memref<!tpu.dma_semaphore, #tpu.memory_space<semaphore_mem>>)
    %dma_wait3A = arith.constant 0 : i32
    %dma_wait3A_9 = arith.constant 0 : i32
    %dma_wait3A_10 = tpu.memref_slice %arg8[%dma_wait3A, %dma_wait3A_9] : memref<2x64xi32, #tpu.memory_space<vmem>> -> memref<1x64xi32, #tpu.memory_space<vmem>>
    %dma_wait3A_11 = tpu.memref_squeeze %dma_wait3A_10 : memref<1x64xi32, #tpu.memory_space<vmem>> -> memref<64xi32, #tpu.memory_space<vmem>>
    %dma_wait3A_12 = arith.constant 0 : i32
    %dma_wait3A_13 = arith.constant 0 : i32
    %dma_wait3A_14 = tpu.memref_slice %arg5[%dma_wait3A_12, %dma_wait3A_13] : memref<4096x1024xf32, #tpu.memory_space<hbm>> -> memref<4096x1024xf32, #tpu.memory_space<hbm>>
    tpu.wait_indirect_dma semaphore(%arg10 : memref<!tpu.dma_semaphore, #tpu.memory_space<semaphore_mem>>) src(%arg7 : memref<64x1024xf32, #tpu.memory_space<vmem>>) dst(%dma_wait3A_14 : memref<4096x1024xf32, #tpu.memory_space<hbm>>)
    %dma_start3A_15 = arith.constant 0 : i32
    %dma_start3A_16 = arith.constant 0 : i32
    %dma_start3A_17 = arith.constant 0 : i32
    %dma_start3A_18 = arith.constant 0 : i32
    %dma_start3A_19 = tpu.memref_slice %arg9[%dma_start3A_15, %dma_start3A_17, %dma_start3A_18] : memref<2x64x128xf32, #tpu.memory_space<vmem>> -> memref<1x64x128xf32, #tpu.memory_space<vmem>>
    %dma_start3A_20 = tpu.memref_squeeze %dma_start3A_19 : memref<1x64x128xf32, #tpu.memory_space<vmem>> -> memref<64x128xf32, #tpu.memory_space<vmem>>
    %dma_start3A_21 = arith.constant 0 : i32
    %dma_start3A_22 = tpu.memref_slice %arg8[%dma_start3A_16, %dma_start3A_21] : memref<2x64xi32, #tpu.memory_space<vmem>> -> memref<1x64xi32, #tpu.memory_space<vmem>>
    %dma_start3A_23 = tpu.memref_squeeze %dma_start3A_22 : memref<1x64xi32, #tpu.memory_space<vmem>> -> memref<64xi32, #tpu.memory_space<vmem>>
    %dma_start3A_24 = arith.constant 0 : i32
    %dma_start3A_25 = arith.constant 0 : i32
    %dma_start3A_26 = tpu.memref_slice %arg6[%dma_start3A_24, %dma_start3A_25] : memref<4096x128xf32, #tpu.memory_space<hbm>> -> memref<4096x128xf32, #tpu.memory_space<hbm>>
    tpu.enqueue_indirect_dma source(%dma_start3A_20 : memref<64x128xf32, #tpu.memory_space<vmem>>) target(%dma_start3A_26 : memref<4096x128xf32, #tpu.memory_space<hbm>>) offsets(%dma_start3A_23 : memref<64xi32, #tpu.memory_space<vmem>>) semaphore(%arg10 : memref<!tpu.dma_semaphore, #tpu.memory_space<semaphore_mem>>)
    %dma_wait3A_27 = arith.constant 0 : i32
    %dma_wait3A_28 = arith.constant 0 : i32
    %dma_wait3A_29 = arith.constant 0 : i32
    %dma_wait3A_30 = arith.constant 0 : i32
    %dma_wait3A_31 = tpu.memref_slice %arg9[%dma_wait3A_27, %dma_wait3A_29, %dma_wait3A_30] : memref<2x64x128xf32, #tpu.memory_space<vmem>> -> memref<1x64x128xf32, #tpu.memory_space<vmem>>
    %dma_wait3A_32 = tpu.memref_squeeze %dma_wait3A_31 : memref<1x64x128xf32, #tpu.memory_space<vmem>> -> memref<64x128xf32, #tpu.memory_space<vmem>>
    %dma_wait3A_33 = arith.constant 0 : i32
    %dma_wait3A_34 = tpu.memref_slice %arg8[%dma_wait3A_28, %dma_wait3A_33] : memref<2x64xi32, #tpu.memory_space<vmem>> -> memref<1x64xi32, #tpu.memory_space<vmem>>
    %dma_wait3A_35 = tpu.memref_squeeze %dma_wait3A_34 : memref<1x64xi32, #tpu.memory_space<vmem>> -> memref<64xi32, #tpu.memory_space<vmem>>
    %dma_wait3A_36 = arith.constant 0 : i32
    %dma_wait3A_37 = arith.constant 0 : i32
    %dma_wait3A_38 = tpu.memref_slice %arg6[%dma_wait3A_36, %dma_wait3A_37] : memref<4096x128xf32, #tpu.memory_space<hbm>> -> memref<4096x128xf32, #tpu.memory_space<hbm>>
    tpu.wait_indirect_dma semaphore(%arg10 : memref<!tpu.dma_semaphore, #tpu.memory_space<semaphore_mem>>) src(%dma_wait3A_32 : memref<64x128xf32, #tpu.memory_space<vmem>>) dst(%dma_wait3A_38 : memref<4096x128xf32, #tpu.memory_space<hbm>>)
    %dma_start3A_39 = arith.constant 1 : i32
    %dma_start3A_40 = arith.constant 0 : i32
    %dma_start3A_41 = tpu.memref_slice %arg8[%dma_start3A_39, %dma_start3A_40] : memref<2x64xi32, #tpu.memory_space<vmem>> -> memref<1x64xi32, #tpu.memory_space<vmem>>
    %dma_start3A_42 = tpu.memref_squeeze %dma_start3A_41 : memref<1x64xi32, #tpu.memory_space<vmem>> -> memref<64xi32, #tpu.memory_space<vmem>>
    %dma_start3A_43 = arith.constant 0 : i32
    %dma_start3A_44 = arith.constant 0 : i32
    %dma_start3A_45 = tpu.memref_slice %arg5[%dma_start3A_43, %dma_start3A_44] : memref<4096x1024xf32, #tpu.memory_space<hbm>> -> memref<4096x1024xf32, #tpu.memory_space<hbm>>
    tpu.enqueue_indirect_dma source(%arg7 : memref<64x1024xf32, #tpu.memory_space<vmem>>) target(%dma_start3A_45 : memref<4096x1024xf32, #tpu.memory_space<hbm>>) offsets(%dma_start3A_42 : memref<64xi32, #tpu.memory_space<vmem>>) semaphore(%arg10 : memref<!tpu.dma_semaphore, #tpu.memory_space<semaphore_mem>>)
    %dma_wait3A_46 = arith.constant 1 : i32
    %dma_wait3A_47 = arith.constant 0 : i32
    %dma_wait3A_48 = tpu.memref_slice %arg8[%dma_wait3A_46, %dma_wait3A_47] : memref<2x64xi32, #tpu.memory_space<vmem>> -> memref<1x64xi32, #tpu.memory_space<vmem>>
    %dma_wait3A_49 = tpu.memref_squeeze %dma_wait3A_48 : memref<1x64xi32, #tpu.memory_space<vmem>> -> memref<64xi32, #tpu.memory_space<vmem>>
    %dma_wait3A_50 = arith.constant 0 : i32
    %dma_wait3A_51 = arith.constant 0 : i32
    %dma_wait3A_52 = tpu.memref_slice %arg5[%dma_wait3A_50, %dma_wait3A_51] : memref<4096x1024xf32, #tpu.memory_space<hbm>> -> memref<4096x1024xf32, #tpu.memory_space<hbm>>
    tpu.wait_indirect_dma semaphore(%arg10 : memref<!tpu.dma_semaphore, #tpu.memory_space<semaphore_mem>>) src(%arg7 : memref<64x1024xf32, #tpu.memory_space<vmem>>) dst(%dma_wait3A_52 : memref<4096x1024xf32, #tpu.memory_space<hbm>>)
    %dma_start3A_53 = arith.constant 1 : i32
    %dma_start3A_54 = arith.constant 1 : i32
    %dma_start3A_55 = arith.constant 0 : i32
    %dma_start3A_56 = arith.constant 0 : i32
    %dma_start3A_57 = tpu.memref_slice %arg9[%dma_start3A_53, %dma_start3A_55, %dma_start3A_56] : memref<2x64x128xf32, #tpu.memory_space<vmem>> -> memref<1x64x128xf32, #tpu.memory_space<vmem>>
    %dma_start3A_58 = tpu.memref_squeeze %dma_start3A_57 : memref<1x64x128xf32, #tpu.memory_space<vmem>> -> memref<64x128xf32, #tpu.memory_space<vmem>>
    %dma_start3A_59 = arith.constant 0 : i32
    %dma_start3A_60 = tpu.memref_slice %arg8[%dma_start3A_54, %dma_start3A_59] : memref<2x64xi32, #tpu.memory_space<vmem>> -> memref<1x64xi32, #tpu.memory_space<vmem>>
    %dma_start3A_61 = tpu.memref_squeeze %dma_start3A_60 : memref<1x64xi32, #tpu.memory_space<vmem>> -> memref<64xi32, #tpu.memory_space<vmem>>
    %dma_start3A_62 = arith.constant 0 : i32
    %dma_start3A_63 = arith.constant 0 : i32
    %dma_start3A_64 = tpu.memref_slice %arg6[%dma_start3A_62, %dma_start3A_63] : memref<4096x128xf32, #tpu.memory_space<hbm>> -> memref<4096x128xf32, #tpu.memory_space<hbm>>
    tpu.enqueue_indirect_dma source(%dma_start3A_58 : memref<64x128xf32, #tpu.memory_space<vmem>>) target(%dma_start3A_64 : memref<4096x128xf32, #tpu.memory_space<hbm>>) offsets(%dma_start3A_61 : memref<64xi32, #tpu.memory_space<vmem>>) semaphore(%arg10 : memref<!tpu.dma_semaphore, #tpu.memory_space<semaphore_mem>>)
    %dma_wait3A_65 = arith.constant 1 : i32
    %dma_wait3A_66 = arith.constant 1 : i32
    %dma_wait3A_67 = arith.constant 0 : i32
    %dma_wait3A_68 = arith.constant 0 : i32
    %dma_wait3A_69 = tpu.memref_slice %arg9[%dma_wait3A_65, %dma_wait3A_67, %dma_wait3A_68] : memref<2x64x128xf32, #tpu.memory_space<vmem>> -> memref<1x64x128xf32, #tpu.memory_space<vmem>>
    %dma_wait3A_70 = tpu.memref_squeeze %dma_wait3A_69 : memref<1x64x128xf32, #tpu.memory_space<vmem>> -> memref<64x128xf32, #tpu.memory_space<vmem>>
    %dma_wait3A_71 = arith.constant 0 : i32
    %dma_wait3A_72 = tpu.memref_slice %arg8[%dma_wait3A_66, %dma_wait3A_71] : memref<2x64xi32, #tpu.memory_space<vmem>> -> memref<1x64xi32, #tpu.memory_space<vmem>>
    %dma_wait3A_73 = tpu.memref_squeeze %dma_wait3A_72 : memref<1x64xi32, #tpu.memory_space<vmem>> -> memref<64xi32, #tpu.memory_space<vmem>>
    %dma_wait3A_74 = arith.constant 0 : i32
    %dma_wait3A_75 = arith.constant 0 : i32
    %dma_wait3A_76 = tpu.memref_slice %arg6[%dma_wait3A_74, %dma_wait3A_75] : memref<4096x128xf32, #tpu.memory_space<hbm>> -> memref<4096x128xf32, #tpu.memory_space<hbm>>
    tpu.wait_indirect_dma semaphore(%arg10 : memref<!tpu.dma_semaphore, #tpu.memory_space<semaphore_mem>>) src(%dma_wait3A_70 : memref<64x128xf32, #tpu.memory_space<vmem>>) dst(%dma_wait3A_76 : memref<4096x128xf32, #tpu.memory_space<hbm>>)
    return
  }
}

#map = affine_map<(d0, d1) -> (0, 0)>
#map1 = affine_map<(d0, d1) -> (0, 0, 0)>
module attributes {stable_mosaic.version = 14 : i64} {
  func.func @_sc_combine_body(%arg0: i32, %arg1: i32, %arg2: memref<4096x1024xf32, #tpu.memory_space<hbm>>, %arg3: memref<32x2x64xi32, #tpu.memory_space<hbm>>, %arg4: memref<2048x1024xf32, #tpu.memory_space<hbm>>, %arg5: memref<2x64xi32, #tpu.memory_space<vmem>>, %arg6: memref<32x1024xf32, #tpu.memory_space<vmem>>, %arg7: memref<32x1024xf32, #tpu.memory_space<vmem>>, %arg8: memref<!tpu.dma_semaphore, #tpu.memory_space<semaphore_mem>>) attributes {dimension_semantics = [#tpu.dimension_semantics<core_parallel>, #tpu.dimension_semantics<subcore_parallel>], iteration_bounds = array<i64: 2, 16>, scalar_prefetch = 0 : i64, scratch_operands = 4 : i64, tpu.core_type = #tpu.core_type<sc_vector_subcore>, window_params = [{transform_indices = #map}, {transform_indices = #map1}, {transform_indices = #map}]} {
    %mul3A = arith.constant 2 : i32
    %mul3A_0 = arith.muli %arg1, %mul3A : i32
    %add3A = arith.addi %mul3A_0, %arg0 : i32
    "tpu.region"() ({
      %run_scoped3A = tpu.sem_alloc : memref<!tpu.dma_semaphore, #tpu.memory_space<semaphore_mem>>
      %dma_start3A_74 = arith.constant 0 : i32
      %dma_start3A_75 = arith.constant 0 : i32
      %dma_start3A_76 = tpu.memref_slice %arg3[%add3A, %dma_start3A_74, %dma_start3A_75] : memref<32x2x64xi32, #tpu.memory_space<hbm>> -> memref<1x2x64xi32, #tpu.memory_space<hbm>>
      %dma_start3A_77 = tpu.memref_squeeze %dma_start3A_76 : memref<1x2x64xi32, #tpu.memory_space<hbm>> -> memref<2x64xi32, #tpu.memory_space<hbm>>
      %dma_start3A_78 = arith.constant 0 : i32
      %dma_start3A_79 = arith.constant 0 : i32
      %dma_start3A_80 = tpu.memref_slice %arg3[%add3A, %dma_start3A_78, %dma_start3A_79] : memref<32x2x64xi32, #tpu.memory_space<hbm>> -> memref<1x2x64xi32, #tpu.memory_space<hbm>>
      %dma_start3A_81 = tpu.memref_squeeze %dma_start3A_80 : memref<1x2x64xi32, #tpu.memory_space<hbm>> -> memref<2x64xi32, #tpu.memory_space<hbm>>
      tpu.enqueue_dma source(%dma_start3A_81 : memref<2x64xi32, #tpu.memory_space<hbm>>) target(%arg5 : memref<2x64xi32, #tpu.memory_space<vmem>>) target_semaphore(%run_scoped3A : memref<!tpu.dma_semaphore, #tpu.memory_space<semaphore_mem>>)
      %dma_wait3A_82 = arith.constant 0 : i32
      %dma_wait3A_83 = arith.constant 0 : i32
      %dma_wait3A_84 = tpu.memref_slice %arg3[%add3A, %dma_wait3A_82, %dma_wait3A_83] : memref<32x2x64xi32, #tpu.memory_space<hbm>> -> memref<1x2x64xi32, #tpu.memory_space<hbm>>
      %dma_wait3A_85 = tpu.memref_squeeze %dma_wait3A_84 : memref<1x2x64xi32, #tpu.memory_space<hbm>> -> memref<2x64xi32, #tpu.memory_space<hbm>>
      %dma_wait3A_86 = arith.constant 0 : i32
      %dma_wait3A_87 = arith.constant 0 : i32
      %dma_wait3A_88 = tpu.memref_slice %arg3[%add3A, %dma_wait3A_86, %dma_wait3A_87] : memref<32x2x64xi32, #tpu.memory_space<hbm>> -> memref<1x2x64xi32, #tpu.memory_space<hbm>>
      %dma_wait3A_89 = tpu.memref_squeeze %dma_wait3A_88 : memref<1x2x64xi32, #tpu.memory_space<hbm>> -> memref<2x64xi32, #tpu.memory_space<hbm>>
      tpu.wait_dma2 semaphore(%run_scoped3A : memref<!tpu.dma_semaphore, #tpu.memory_space<semaphore_mem>>) src(%dma_wait3A_89 : memref<2x64xi32, #tpu.memory_space<hbm>>) dst(%arg5 : memref<2x64xi32, #tpu.memory_space<vmem>>)
      tpu.yield
    }) : () -> ()
    %dma_start3A = arith.constant 0 : i32
    %dma_start3A_1 = arith.constant 0 : i32
    %dma_start3A_2 = tpu.memref_slice %arg5[%dma_start3A, %dma_start3A_1] : memref<2x64xi32, #tpu.memory_space<vmem>> -> memref<1x32xi32, #tpu.memory_space<vmem>>
    %dma_start3A_3 = tpu.memref_squeeze %dma_start3A_2 : memref<1x32xi32, #tpu.memory_space<vmem>> -> memref<32xi32, #tpu.memory_space<vmem>>
    %dma_start3A_4 = arith.constant 0 : i32
    %dma_start3A_5 = arith.constant 0 : i32
    %dma_start3A_6 = tpu.memref_slice %arg2[%dma_start3A_4, %dma_start3A_5] : memref<4096x1024xf32, #tpu.memory_space<hbm>> -> memref<4096x1024xf32, #tpu.memory_space<hbm>>
    tpu.enqueue_indirect_dma source(%dma_start3A_6 : memref<4096x1024xf32, #tpu.memory_space<hbm>>) target(%arg6 : memref<32x1024xf32, #tpu.memory_space<vmem>>) offsets(%dma_start3A_3 : memref<32xi32, #tpu.memory_space<vmem>>) semaphore(%arg8 : memref<!tpu.dma_semaphore, #tpu.memory_space<semaphore_mem>>)
    %dma_wait3A = arith.constant 0 : i32
    %dma_wait3A_7 = arith.constant 0 : i32
    %dma_wait3A_8 = tpu.memref_slice %arg5[%dma_wait3A, %dma_wait3A_7] : memref<2x64xi32, #tpu.memory_space<vmem>> -> memref<1x32xi32, #tpu.memory_space<vmem>>
    %dma_wait3A_9 = tpu.memref_squeeze %dma_wait3A_8 : memref<1x32xi32, #tpu.memory_space<vmem>> -> memref<32xi32, #tpu.memory_space<vmem>>
    %dma_wait3A_10 = arith.constant 0 : i32
    %dma_wait3A_11 = arith.constant 0 : i32
    %dma_wait3A_12 = tpu.memref_slice %arg2[%dma_wait3A_10, %dma_wait3A_11] : memref<4096x1024xf32, #tpu.memory_space<hbm>> -> memref<4096x1024xf32, #tpu.memory_space<hbm>>
    tpu.wait_indirect_dma semaphore(%arg8 : memref<!tpu.dma_semaphore, #tpu.memory_space<semaphore_mem>>) src(%dma_wait3A_12 : memref<4096x1024xf32, #tpu.memory_space<hbm>>) dst(%arg6 : memref<32x1024xf32, #tpu.memory_space<vmem>>)
    %dma_start3A_13 = arith.constant 1 : i32
    %dma_start3A_14 = arith.constant 0 : i32
    %dma_start3A_15 = tpu.memref_slice %arg5[%dma_start3A_13, %dma_start3A_14] : memref<2x64xi32, #tpu.memory_space<vmem>> -> memref<1x32xi32, #tpu.memory_space<vmem>>
    %dma_start3A_16 = tpu.memref_squeeze %dma_start3A_15 : memref<1x32xi32, #tpu.memory_space<vmem>> -> memref<32xi32, #tpu.memory_space<vmem>>
    %dma_start3A_17 = arith.constant 0 : i32
    %dma_start3A_18 = arith.constant 0 : i32
    %dma_start3A_19 = tpu.memref_slice %arg2[%dma_start3A_17, %dma_start3A_18] : memref<4096x1024xf32, #tpu.memory_space<hbm>> -> memref<4096x1024xf32, #tpu.memory_space<hbm>>
    tpu.enqueue_indirect_dma source(%dma_start3A_19 : memref<4096x1024xf32, #tpu.memory_space<hbm>>) target(%arg7 : memref<32x1024xf32, #tpu.memory_space<vmem>>) offsets(%dma_start3A_16 : memref<32xi32, #tpu.memory_space<vmem>>) semaphore(%arg8 : memref<!tpu.dma_semaphore, #tpu.memory_space<semaphore_mem>>)
    %dma_wait3A_20 = arith.constant 1 : i32
    %dma_wait3A_21 = arith.constant 0 : i32
    %dma_wait3A_22 = tpu.memref_slice %arg5[%dma_wait3A_20, %dma_wait3A_21] : memref<2x64xi32, #tpu.memory_space<vmem>> -> memref<1x32xi32, #tpu.memory_space<vmem>>
    %dma_wait3A_23 = tpu.memref_squeeze %dma_wait3A_22 : memref<1x32xi32, #tpu.memory_space<vmem>> -> memref<32xi32, #tpu.memory_space<vmem>>
    %dma_wait3A_24 = arith.constant 0 : i32
    %dma_wait3A_25 = arith.constant 0 : i32
    %dma_wait3A_26 = tpu.memref_slice %arg2[%dma_wait3A_24, %dma_wait3A_25] : memref<4096x1024xf32, #tpu.memory_space<hbm>> -> memref<4096x1024xf32, #tpu.memory_space<hbm>>
    tpu.wait_indirect_dma semaphore(%arg8 : memref<!tpu.dma_semaphore, #tpu.memory_space<semaphore_mem>>) src(%dma_wait3A_26 : memref<4096x1024xf32, #tpu.memory_space<hbm>>) dst(%arg7 : memref<32x1024xf32, #tpu.memory_space<vmem>>)
    %scan3A = arith.constant 0 : i32
    %scan3A_27 = arith.constant 0 : i32
    %scan3A_28 = arith.constant 32 : i32
    %scan3A_29 = arith.addi %scan3A_27, %scan3A_28 : i32
    %scan3A_30 = arith.constant 1 : i32
    scf.for %scan3A_74 = %scan3A_27 to %scan3A_29 step %scan3A_30  : i32 {
      %get3A = arith.index_cast %scan3A_74 : i32 to index
      %get3A_75 = arith.constant 0 : index
      %get3A_76 = tpu.vector_load %arg6[%get3A, %get3A_75] {strides = array<i32>} : memref<32x1024xf32, #tpu.memory_space<vmem>>, vector<1x16xf32>,
      %get3A_77 = vector.shape_cast %get3A_76 : vector<1x16xf32> to vector<16xf32>
      %get3A_78 = arith.index_cast %scan3A_74 : i32 to index
      %get3A_79 = arith.constant 0 : index
      %get3A_80 = tpu.vector_load %arg7[%get3A_78, %get3A_79] {strides = array<i32>} : memref<32x1024xf32, #tpu.memory_space<vmem>>, vector<1x16xf32>,
      %get3A_81 = vector.shape_cast %get3A_80 : vector<1x16xf32> to vector<16xf32>
      %add3A_82 = arith.addf %get3A_77, %get3A_81 : vector<16xf32>
      %swap3A = arith.index_cast %scan3A_74 : i32 to index
      %swap3A_83 = arith.constant 0 : index
      %swap3A_84 = tpu.vector_load %arg6[%swap3A, %swap3A_83] {strides = array<i32>} : memref<32x1024xf32, #tpu.memory_space<vmem>>, vector<1x16xf32>,
      %swap3A_85 = vector.shape_cast %swap3A_84 : vector<1x16xf32> to vector<16xf32>
      %swap3A_86 = vector.shape_cast %add3A_82 : vector<16xf32> to vector<1x16xf32>
      tpu.vector_store %arg6[%swap3A, %swap3A_83], %swap3A_86 {strides = array<i32>} : memref<32x1024xf32, #tpu.memory_space<vmem>>, vector<1x16xf32>,
      %get3A_87 = arith.index_cast %scan3A_74 : i32 to index
      %get3A_88 = arith.constant 16 : index
      %get3A_89 = tpu.vector_load %arg6[%get3A_87, %get3A_88] {strides = array<i32>} : memref<32x1024xf32, #tpu.memory_space<vmem>>, vector<1x16xf32>,
      %get3A_90 = vector.shape_cast %get3A_89 : vector<1x16xf32> to vector<16xf32>
      %get3A_91 = arith.index_cast %scan3A_74 : i32 to index
      %get3A_92 = arith.constant 16 : index
      %get3A_93 = tpu.vector_load %arg7[%get3A_91, %get3A_92] {strides = array<i32>} : memref<32x1024xf32, #tpu.memory_space<vmem>>, vector<1x16xf32>,
      %get3A_94 = vector.shape_cast %get3A_93 : vector<1x16xf32> to vector<16xf32>
      %add3A_95 = arith.addf %get3A_90, %get3A_94 : vector<16xf32>
      %swap3A_96 = arith.index_cast %scan3A_74 : i32 to index
      %swap3A_97 = arith.constant 16 : index
      %swap3A_98 = tpu.vector_load %arg6[%swap3A_96, %swap3A_97] {strides = array<i32>} : memref<32x1024xf32, #tpu.memory_space<vmem>>, vector<1x16xf32>,
      %swap3A_99 = vector.shape_cast %swap3A_98 : vector<1x16xf32> to vector<16xf32>
      %swap3A_100 = vector.shape_cast %add3A_95 : vector<16xf32> to vector<1x16xf32>
      tpu.vector_store %arg6[%swap3A_96, %swap3A_97], %swap3A_100 {strides = array<i32>} : memref<32x1024xf32, #tpu.memory_space<vmem>>, vector<1x16xf32>,
      %get3A_101 = arith.index_cast %scan3A_74 : i32 to index
      %get3A_102 = arith.constant 32 : index
      %get3A_103 = tpu.vector_load %arg6[%get3A_101, %get3A_102] {strides = array<i32>} : memref<32x1024xf32, #tpu.memory_space<vmem>>, vector<1x16xf32>,
      %get3A_104 = vector.shape_cast %get3A_103 : vector<1x16xf32> to vector<16xf32>
      %get3A_105 = arith.index_cast %scan3A_74 : i32 to index
      %get3A_106 = arith.constant 32 : index
      %get3A_107 = tpu.vector_load %arg7[%get3A_105, %get3A_106] {strides = array<i32>} : memref<32x1024xf32, #tpu.memory_space<vmem>>, vector<1x16xf32>,
      %get3A_108 = vector.shape_cast %get3A_107 : vector<1x16xf32> to vector<16xf32>
      %add3A_109 = arith.addf %get3A_104, %get3A_108 : vector<16xf32>
      %swap3A_110 = arith.index_cast %scan3A_74 : i32 to index
      %swap3A_111 = arith.constant 32 : index
      %swap3A_112 = tpu.vector_load %arg6[%swap3A_110, %swap3A_111] {strides = array<i32>} : memref<32x1024xf32, #tpu.memory_space<vmem>>, vector<1x16xf32>,
      %swap3A_113 = vector.shape_cast %swap3A_112 : vector<1x16xf32> to vector<16xf32>
      %swap3A_114 = vector.shape_cast %add3A_109 : vector<16xf32> to vector<1x16xf32>
      tpu.vector_store %arg6[%swap3A_110, %swap3A_111], %swap3A_114 {strides = array<i32>} : memref<32x1024xf32, #tpu.memory_space<vmem>>, vector<1x16xf32>,
      %get3A_115 = arith.index_cast %scan3A_74 : i32 to index
      %get3A_116 = arith.constant 48 : index
      %get3A_117 = tpu.vector_load %arg6[%get3A_115, %get3A_116] {strides = array<i32>} : memref<32x1024xf32, #tpu.memory_space<vmem>>, vector<1x16xf32>,
      %get3A_118 = vector.shape_cast %get3A_117 : vector<1x16xf32> to vector<16xf32>
      %get3A_119 = arith.index_cast %scan3A_74 : i32 to index
      %get3A_120 = arith.constant 48 : index
      %get3A_121 = tpu.vector_load %arg7[%get3A_119, %get3A_120] {strides = array<i32>} : memref<32x1024xf32, #tpu.memory_space<vmem>>, vector<1x16xf32>,
      %get3A_122 = vector.shape_cast %get3A_121 : vector<1x16xf32> to vector<16xf32>
      %add3A_123 = arith.addf %get3A_118, %get3A_122 : vector<16xf32>
      %swap3A_124 = arith.index_cast %scan3A_74 : i32 to index
      %swap3A_125 = arith.constant 48 : index
      %swap3A_126 = tpu.vector_load %arg6[%swap3A_124, %swap3A_125] {strides = array<i32>} : memref<32x1024xf32, #tpu.memory_space<vmem>>, vector<1x16xf32>,
      %swap3A_127 = vector.shape_cast %swap3A_126 : vector<1x16xf32> to vector<16xf32>
      %swap3A_128 = vector.shape_cast %add3A_123 : vector<16xf32> to vector<1x16xf32>
      tpu.vector_store %arg6[%swap3A_124, %swap3A_125], %swap3A_128 {strides = array<i32>} : memref<32x1024xf32, #tpu.memory_space<vmem>>, vector<1x16xf32>,
      %get3A_129 = arith.index_cast %scan3A_74 : i32 to index
      %get3A_130 = arith.constant 64 : index
      %get3A_131 = tpu.vector_load %arg6[%get3A_129, %get3A_130] {strides = array<i32>} : memref<32x1024xf32, #tpu.memory_space<vmem>>, vector<1x16xf32>,
      %get3A_132 = vector.shape_cast %get3A_131 : vector<1x16xf32> to vector<16xf32>
      %get3A_133 = arith.index_cast %scan3A_74 : i32 to index
      %get3A_134 = arith.constant 64 : index
      %get3A_135 = tpu.vector_load %arg7[%get3A_133, %get3A_134] {strides = array<i32>} : memref<32x1024xf32, #tpu.memory_space<vmem>>, vector<1x16xf32>,
      %get3A_136 = vector.shape_cast %get3A_135 : vector<1x16xf32> to vector<16xf32>
      %add3A_137 = arith.addf %get3A_132, %get3A_136 : vector<16xf32>
      %swap3A_138 = arith.index_cast %scan3A_74 : i32 to index
      %swap3A_139 = arith.constant 64 : index
      %swap3A_140 = tpu.vector_load %arg6[%swap3A_138, %swap3A_139] {strides = array<i32>} : memref<32x1024xf32, #tpu.memory_space<vmem>>, vector<1x16xf32>,
      %swap3A_141 = vector.shape_cast %swap3A_140 : vector<1x16xf32> to vector<16xf32>
      %swap3A_142 = vector.shape_cast %add3A_137 : vector<16xf32> to vector<1x16xf32>
      tpu.vector_store %arg6[%swap3A_138, %swap3A_139], %swap3A_142 {strides = array<i32>} : memref<32x1024xf32, #tpu.memory_space<vmem>>, vector<1x16xf32>,
      %get3A_143 = arith.index_cast %scan3A_74 : i32 to index
      %get3A_144 = arith.constant 80 : index
      %get3A_145 = tpu.vector_load %arg6[%get3A_143, %get3A_144] {strides = array<i32>} : memref<32x1024xf32, #tpu.memory_space<vmem>>, vector<1x16xf32>,
      %get3A_146 = vector.shape_cast %get3A_145 : vector<1x16xf32> to vector<16xf32>
      %get3A_147 = arith.index_cast %scan3A_74 : i32 to index
      %get3A_148 = arith.constant 80 : index
      %get3A_149 = tpu.vector_load %arg7[%get3A_147, %get3A_148] {strides = array<i32>} : memref<32x1024xf32, #tpu.memory_space<vmem>>, vector<1x16xf32>,
      %get3A_150 = vector.shape_cast %get3A_149 : vector<1x16xf32> to vector<16xf32>
      %add3A_151 = arith.addf %get3A_146, %get3A_150 : vector<16xf32>
      %swap3A_152 = arith.index_cast %scan3A_74 : i32 to index
      %swap3A_153 = arith.constant 80 : index
      %swap3A_154 = tpu.vector_load %arg6[%swap3A_152, %swap3A_153] {strides = array<i32>} : memref<32x1024xf32, #tpu.memory_space<vmem>>, vector<1x16xf32>,
      %swap3A_155 = vector.shape_cast %swap3A_154 : vector<1x16xf32> to vector<16xf32>
      %swap3A_156 = vector.shape_cast %add3A_151 : vector<16xf32> to vector<1x16xf32>
      tpu.vector_store %arg6[%swap3A_152, %swap3A_153], %swap3A_156 {strides = array<i32>} : memref<32x1024xf32, #tpu.memory_space<vmem>>, vector<1x16xf32>,
      %get3A_157 = arith.index_cast %scan3A_74 : i32 to index
      %get3A_158 = arith.constant 96 : index
      %get3A_159 = tpu.vector_load %arg6[%get3A_157, %get3A_158] {strides = array<i32>} : memref<32x1024xf32, #tpu.memory_space<vmem>>, vector<1x16xf32>,
      %get3A_160 = vector.shape_cast %get3A_159 : vector<1x16xf32> to vector<16xf32>
      %get3A_161 = arith.index_cast %scan3A_74 : i32 to index
      %get3A_162 = arith.constant 96 : index
      %get3A_163 = tpu.vector_load %arg7[%get3A_161, %get3A_162] {strides = array<i32>} : memref<32x1024xf32, #tpu.memory_space<vmem>>, vector<1x16xf32>,
      %get3A_164 = vector.shape_cast %get3A_163 : vector<1x16xf32> to vector<16xf32>
      %add3A_165 = arith.addf %get3A_160, %get3A_164 : vector<16xf32>
      %swap3A_166 = arith.index_cast %scan3A_74 : i32 to index
      %swap3A_167 = arith.constant 96 : index
      %swap3A_168 = tpu.vector_load %arg6[%swap3A_166, %swap3A_167] {strides = array<i32>} : memref<32x1024xf32, #tpu.memory_space<vmem>>, vector<1x16xf32>,
      %swap3A_169 = vector.shape_cast %swap3A_168 : vector<1x16xf32> to vector<16xf32>
      %swap3A_170 = vector.shape_cast %add3A_165 : vector<16xf32> to vector<1x16xf32>
      tpu.vector_store %arg6[%swap3A_166, %swap3A_167], %swap3A_170 {strides = array<i32>} : memref<32x1024xf32, #tpu.memory_space<vmem>>, vector<1x16xf32>,
      %get3A_171 = arith.index_cast %scan3A_74 : i32 to index
      %get3A_172 = arith.constant 112 : index
      %get3A_173 = tpu.vector_load %arg6[%get3A_171, %get3A_172] {strides = array<i32>} : memref<32x1024xf32, #tpu.memory_space<vmem>>, vector<1x16xf32>,
      %get3A_174 = vector.shape_cast %get3A_173 : vector<1x16xf32> to vector<16xf32>
      %get3A_175 = arith.index_cast %scan3A_74 : i32 to index
      %get3A_176 = arith.constant 112 : index
      %get3A_177 = tpu.vector_load %arg7[%get3A_175, %get3A_176] {strides = array<i32>} : memref<32x1024xf32, #tpu.memory_space<vmem>>, vector<1x16xf32>,
      %get3A_178 = vector.shape_cast %get3A_177 : vector<1x16xf32> to vector<16xf32>
      %add3A_179 = arith.addf %get3A_174, %get3A_178 : vector<16xf32>
      %swap3A_180 = arith.index_cast %scan3A_74 : i32 to index
      %swap3A_181 = arith.constant 112 : index
      %swap3A_182 = tpu.vector_load %arg6[%swap3A_180, %swap3A_181] {strides = array<i32>} : memref<32x1024xf32, #tpu.memory_space<vmem>>, vector<1x16xf32>,
      %swap3A_183 = vector.shape_cast %swap3A_182 : vector<1x16xf32> to vector<16xf32>
      %swap3A_184 = vector.shape_cast %add3A_179 : vector<16xf32> to vector<1x16xf32>
      tpu.vector_store %arg6[%swap3A_180, %swap3A_181], %swap3A_184 {strides = array<i32>} : memref<32x1024xf32, #tpu.memory_space<vmem>>, vector<1x16xf32>,
      %get3A_185 = arith.index_cast %scan3A_74 : i32 to index
      %get3A_186 = arith.constant 128 : index
      %get3A_187 = tpu.vector_load %arg6[%get3A_185, %get3A_186] {strides = array<i32>} : memref<32x1024xf32, #tpu.memory_space<vmem>>, vector<1x16xf32>,
      %get3A_188 = vector.shape_cast %get3A_187 : vector<1x16xf32> to vector<16xf32>
      %get3A_189 = arith.index_cast %scan3A_74 : i32 to index
      %get3A_190 = arith.constant 128 : index
      %get3A_191 = tpu.vector_load %arg7[%get3A_189, %get3A_190] {strides = array<i32>} : memref<32x1024xf32, #tpu.memory_space<vmem>>, vector<1x16xf32>,
      %get3A_192 = vector.shape_cast %get3A_191 : vector<1x16xf32> to vector<16xf32>
      %add3A_193 = arith.addf %get3A_188, %get3A_192 : vector<16xf32>
      %swap3A_194 = arith.index_cast %scan3A_74 : i32 to index
      %swap3A_195 = arith.constant 128 : index
      %swap3A_196 = tpu.vector_load %arg6[%swap3A_194, %swap3A_195] {strides = array<i32>} : memref<32x1024xf32, #tpu.memory_space<vmem>>, vector<1x16xf32>,
      %swap3A_197 = vector.shape_cast %swap3A_196 : vector<1x16xf32> to vector<16xf32>
      %swap3A_198 = vector.shape_cast %add3A_193 : vector<16xf32> to vector<1x16xf32>
      tpu.vector_store %arg6[%swap3A_194, %swap3A_195], %swap3A_198 {strides = array<i32>} : memref<32x1024xf32, #tpu.memory_space<vmem>>, vector<1x16xf32>,
      %get3A_199 = arith.index_cast %scan3A_74 : i32 to index
      %get3A_200 = arith.constant 144 : index
      %get3A_201 = tpu.vector_load %arg6[%get3A_199, %get3A_200] {strides = array<i32>} : memref<32x1024xf32, #tpu.memory_space<vmem>>, vector<1x16xf32>,
      %get3A_202 = vector.shape_cast %get3A_201 : vector<1x16xf32> to vector<16xf32>
      %get3A_203 = arith.index_cast %scan3A_74 : i32 to index
      %get3A_204 = arith.constant 144 : index
      %get3A_205 = tpu.vector_load %arg7[%get3A_203, %get3A_204] {strides = array<i32>} : memref<32x1024xf32, #tpu.memory_space<vmem>>, vector<1x16xf32>,
      %get3A_206 = vector.shape_cast %get3A_205 : vector<1x16xf32> to vector<16xf32>
      %add3A_207 = arith.addf %get3A_202, %get3A_206 : vector<16xf32>
      %swap3A_208 = arith.index_cast %scan3A_74 : i32 to index
      %swap3A_209 = arith.constant 144 : index
      %swap3A_210 = tpu.vector_load %arg6[%swap3A_208, %swap3A_209] {strides = array<i32>} : memref<32x1024xf32, #tpu.memory_space<vmem>>, vector<1x16xf32>,
      %swap3A_211 = vector.shape_cast %swap3A_210 : vector<1x16xf32> to vector<16xf32>
      %swap3A_212 = vector.shape_cast %add3A_207 : vector<16xf32> to vector<1x16xf32>
      tpu.vector_store %arg6[%swap3A_208, %swap3A_209], %swap3A_212 {strides = array<i32>} : memref<32x1024xf32, #tpu.memory_space<vmem>>, vector<1x16xf32>,
      %get3A_213 = arith.index_cast %scan3A_74 : i32 to index
      %get3A_214 = arith.constant 160 : index
      %get3A_215 = tpu.vector_load %arg6[%get3A_213, %get3A_214] {strides = array<i32>} : memref<32x1024xf32, #tpu.memory_space<vmem>>, vector<1x16xf32>,
      %get3A_216 = vector.shape_cast %get3A_215 : vector<1x16xf32> to vector<16xf32>
      %get3A_217 = arith.index_cast %scan3A_74 : i32 to index
      %get3A_218 = arith.constant 160 : index
      %get3A_219 = tpu.vector_load %arg7[%get3A_217, %get3A_218] {strides = array<i32>} : memref<32x1024xf32, #tpu.memory_space<vmem>>, vector<1x16xf32>,
      %get3A_220 = vector.shape_cast %get3A_219 : vector<1x16xf32> to vector<16xf32>
      %add3A_221 = arith.addf %get3A_216, %get3A_220 : vector<16xf32>
      %swap3A_222 = arith.index_cast %scan3A_74 : i32 to index
      %swap3A_223 = arith.constant 160 : index
      %swap3A_224 = tpu.vector_load %arg6[%swap3A_222, %swap3A_223] {strides = array<i32>} : memref<32x1024xf32, #tpu.memory_space<vmem>>, vector<1x16xf32>,
      %swap3A_225 = vector.shape_cast %swap3A_224 : vector<1x16xf32> to vector<16xf32>
      %swap3A_226 = vector.shape_cast %add3A_221 : vector<16xf32> to vector<1x16xf32>
      tpu.vector_store %arg6[%swap3A_222, %swap3A_223], %swap3A_226 {strides = array<i32>} : memref<32x1024xf32, #tpu.memory_space<vmem>>, vector<1x16xf32>,
      %get3A_227 = arith.index_cast %scan3A_74 : i32 to index
      %get3A_228 = arith.constant 176 : index
      %get3A_229 = tpu.vector_load %arg6[%get3A_227, %get3A_228] {strides = array<i32>} : memref<32x1024xf32, #tpu.memory_space<vmem>>, vector<1x16xf32>,
      %get3A_230 = vector.shape_cast %get3A_229 : vector<1x16xf32> to vector<16xf32>
      %get3A_231 = arith.index_cast %scan3A_74 : i32 to index
      %get3A_232 = arith.constant 176 : index
      %get3A_233 = tpu.vector_load %arg7[%get3A_231, %get3A_232] {strides = array<i32>} : memref<32x1024xf32, #tpu.memory_space<vmem>>, vector<1x16xf32>,
      %get3A_234 = vector.shape_cast %get3A_233 : vector<1x16xf32> to vector<16xf32>
      %add3A_235 = arith.addf %get3A_230, %get3A_234 : vector<16xf32>
      %swap3A_236 = arith.index_cast %scan3A_74 : i32 to index
      %swap3A_237 = arith.constant 176 : index
      %swap3A_238 = tpu.vector_load %arg6[%swap3A_236, %swap3A_237] {strides = array<i32>} : memref<32x1024xf32, #tpu.memory_space<vmem>>, vector<1x16xf32>,
      %swap3A_239 = vector.shape_cast %swap3A_238 : vector<1x16xf32> to vector<16xf32>
      %swap3A_240 = vector.shape_cast %add3A_235 : vector<16xf32> to vector<1x16xf32>
      tpu.vector_store %arg6[%swap3A_236, %swap3A_237], %swap3A_240 {strides = array<i32>} : memref<32x1024xf32, #tpu.memory_space<vmem>>, vector<1x16xf32>,
      %get3A_241 = arith.index_cast %scan3A_74 : i32 to index
      %get3A_242 = arith.constant 192 : index
      %get3A_243 = tpu.vector_load %arg6[%get3A_241, %get3A_242] {strides = array<i32>} : memref<32x1024xf32, #tpu.memory_space<vmem>>, vector<1x16xf32>,
      %get3A_244 = vector.shape_cast %get3A_243 : vector<1x16xf32> to vector<16xf32>
      %get3A_245 = arith.index_cast %scan3A_74 : i32 to index
      %get3A_246 = arith.constant 192 : index
      %get3A_247 = tpu.vector_load %arg7[%get3A_245, %get3A_246] {strides = array<i32>} : memref<32x1024xf32, #tpu.memory_space<vmem>>, vector<1x16xf32>,
      %get3A_248 = vector.shape_cast %get3A_247 : vector<1x16xf32> to vector<16xf32>
      %add3A_249 = arith.addf %get3A_244, %get3A_248 : vector<16xf32>
      %swap3A_250 = arith.index_cast %scan3A_74 : i32 to index
      %swap3A_251 = arith.constant 192 : index
      %swap3A_252 = tpu.vector_load %arg6[%swap3A_250, %swap3A_251] {strides = array<i32>} : memref<32x1024xf32, #tpu.memory_space<vmem>>, vector<1x16xf32>,
      %swap3A_253 = vector.shape_cast %swap3A_252 : vector<1x16xf32> to vector<16xf32>
      %swap3A_254 = vector.shape_cast %add3A_249 : vector<16xf32> to vector<1x16xf32>
      tpu.vector_store %arg6[%swap3A_250, %swap3A_251], %swap3A_254 {strides = array<i32>} : memref<32x1024xf32, #tpu.memory_space<vmem>>, vector<1x16xf32>,
      %get3A_255 = arith.index_cast %scan3A_74 : i32 to index
      %get3A_256 = arith.constant 208 : index
      %get3A_257 = tpu.vector_load %arg6[%get3A_255, %get3A_256] {strides = array<i32>} : memref<32x1024xf32, #tpu.memory_space<vmem>>, vector<1x16xf32>,
      %get3A_258 = vector.shape_cast %get3A_257 : vector<1x16xf32> to vector<16xf32>
      %get3A_259 = arith.index_cast %scan3A_74 : i32 to index
      %get3A_260 = arith.constant 208 : index
      %get3A_261 = tpu.vector_load %arg7[%get3A_259, %get3A_260] {strides = array<i32>} : memref<32x1024xf32, #tpu.memory_space<vmem>>, vector<1x16xf32>,
      %get3A_262 = vector.shape_cast %get3A_261 : vector<1x16xf32> to vector<16xf32>
      %add3A_263 = arith.addf %get3A_258, %get3A_262 : vector<16xf32>
      %swap3A_264 = arith.index_cast %scan3A_74 : i32 to index
      %swap3A_265 = arith.constant 208 : index
      %swap3A_266 = tpu.vector_load %arg6[%swap3A_264, %swap3A_265] {strides = array<i32>} : memref<32x1024xf32, #tpu.memory_space<vmem>>, vector<1x16xf32>,
      %swap3A_267 = vector.shape_cast %swap3A_266 : vector<1x16xf32> to vector<16xf32>
      %swap3A_268 = vector.shape_cast %add3A_263 : vector<16xf32> to vector<1x16xf32>
      tpu.vector_store %arg6[%swap3A_264, %swap3A_265], %swap3A_268 {strides = array<i32>} : memref<32x1024xf32, #tpu.memory_space<vmem>>, vector<1x16xf32>,
      %get3A_269 = arith.index_cast %scan3A_74 : i32 to index
      %get3A_270 = arith.constant 224 : index
      %get3A_271 = tpu.vector_load %arg6[%get3A_269, %get3A_270] {strides = array<i32>} : memref<32x1024xf32, #tpu.memory_space<vmem>>, vector<1x16xf32>,
      %get3A_272 = vector.shape_cast %get3A_271 : vector<1x16xf32> to vector<16xf32>
      %get3A_273 = arith.index_cast %scan3A_74 : i32 to index
      %get3A_274 = arith.constant 224 : index
      %get3A_275 = tpu.vector_load %arg7[%get3A_273, %get3A_274] {strides = array<i32>} : memref<32x1024xf32, #tpu.memory_space<vmem>>, vector<1x16xf32>,
      %get3A_276 = vector.shape_cast %get3A_275 : vector<1x16xf32> to vector<16xf32>
      %add3A_277 = arith.addf %get3A_272, %get3A_276 : vector<16xf32>
      %swap3A_278 = arith.index_cast %scan3A_74 : i32 to index
      %swap3A_279 = arith.constant 224 : index
      %swap3A_280 = tpu.vector_load %arg6[%swap3A_278, %swap3A_279] {strides = array<i32>} : memref<32x1024xf32, #tpu.memory_space<vmem>>, vector<1x16xf32>,
      %swap3A_281 = vector.shape_cast %swap3A_280 : vector<1x16xf32> to vector<16xf32>
      %swap3A_282 = vector.shape_cast %add3A_277 : vector<16xf32> to vector<1x16xf32>
      tpu.vector_store %arg6[%swap3A_278, %swap3A_279], %swap3A_282 {strides = array<i32>} : memref<32x1024xf32, #tpu.memory_space<vmem>>, vector<1x16xf32>,
      %get3A_283 = arith.index_cast %scan3A_74 : i32 to index
      %get3A_284 = arith.constant 240 : index
      %get3A_285 = tpu.vector_load %arg6[%get3A_283, %get3A_284] {strides = array<i32>} : memref<32x1024xf32, #tpu.memory_space<vmem>>, vector<1x16xf32>,
      %get3A_286 = vector.shape_cast %get3A_285 : vector<1x16xf32> to vector<16xf32>
      %get3A_287 = arith.index_cast %scan3A_74 : i32 to index
      %get3A_288 = arith.constant 240 : index
      %get3A_289 = tpu.vector_load %arg7[%get3A_287, %get3A_288] {strides = array<i32>} : memref<32x1024xf32, #tpu.memory_space<vmem>>, vector<1x16xf32>,
      %get3A_290 = vector.shape_cast %get3A_289 : vector<1x16xf32> to vector<16xf32>
      %add3A_291 = arith.addf %get3A_286, %get3A_290 : vector<16xf32>
      %swap3A_292 = arith.index_cast %scan3A_74 : i32 to index
      %swap3A_293 = arith.constant 240 : index
      %swap3A_294 = tpu.vector_load %arg6[%swap3A_292, %swap3A_293] {strides = array<i32>} : memref<32x1024xf32, #tpu.memory_space<vmem>>, vector<1x16xf32>,
      %swap3A_295 = vector.shape_cast %swap3A_294 : vector<1x16xf32> to vector<16xf32>
      %swap3A_296 = vector.shape_cast %add3A_291 : vector<16xf32> to vector<1x16xf32>
      tpu.vector_store %arg6[%swap3A_292, %swap3A_293], %swap3A_296 {strides = array<i32>} : memref<32x1024xf32, #tpu.memory_space<vmem>>, vector<1x16xf32>,
      %get3A_297 = arith.index_cast %scan3A_74 : i32 to index
      %get3A_298 = arith.constant 256 : index
      %get3A_299 = tpu.vector_load %arg6[%get3A_297, %get3A_298] {strides = array<i32>} : memref<32x1024xf32, #tpu.memory_space<vmem>>, vector<1x16xf32>,
      %get3A_300 = vector.shape_cast %get3A_299 : vector<1x16xf32> to vector<16xf32>
      %get3A_301 = arith.index_cast %scan3A_74 : i32 to index
      %get3A_302 = arith.constant 256 : index
      %get3A_303 = tpu.vector_load %arg7[%get3A_301, %get3A_302] {strides = array<i32>} : memref<32x1024xf32, #tpu.memory_space<vmem>>, vector<1x16xf32>,
      %get3A_304 = vector.shape_cast %get3A_303 : vector<1x16xf32> to vector<16xf32>
      %add3A_305 = arith.addf %get3A_300, %get3A_304 : vector<16xf32>
      %swap3A_306 = arith.index_cast %scan3A_74 : i32 to index
      %swap3A_307 = arith.constant 256 : index
      %swap3A_308 = tpu.vector_load %arg6[%swap3A_306, %swap3A_307] {strides = array<i32>} : memref<32x1024xf32, #tpu.memory_space<vmem>>, vector<1x16xf32>,
      %swap3A_309 = vector.shape_cast %swap3A_308 : vector<1x16xf32> to vector<16xf32>
      %swap3A_310 = vector.shape_cast %add3A_305 : vector<16xf32> to vector<1x16xf32>
      tpu.vector_store %arg6[%swap3A_306, %swap3A_307], %swap3A_310 {strides = array<i32>} : memref<32x1024xf32, #tpu.memory_space<vmem>>, vector<1x16xf32>,
      %get3A_311 = arith.index_cast %scan3A_74 : i32 to index
      %get3A_312 = arith.constant 272 : index
      %get3A_313 = tpu.vector_load %arg6[%get3A_311, %get3A_312] {strides = array<i32>} : memref<32x1024xf32, #tpu.memory_space<vmem>>, vector<1x16xf32>,
      %get3A_314 = vector.shape_cast %get3A_313 : vector<1x16xf32> to vector<16xf32>
      %get3A_315 = arith.index_cast %scan3A_74 : i32 to index
      %get3A_316 = arith.constant 272 : index
      %get3A_317 = tpu.vector_load %arg7[%get3A_315, %get3A_316] {strides = array<i32>} : memref<32x1024xf32, #tpu.memory_space<vmem>>, vector<1x16xf32>,
      %get3A_318 = vector.shape_cast %get3A_317 : vector<1x16xf32> to vector<16xf32>
      %add3A_319 = arith.addf %get3A_314, %get3A_318 : vector<16xf32>
      %swap3A_320 = arith.index_cast %scan3A_74 : i32 to index
      %swap3A_321 = arith.constant 272 : index
      %swap3A_322 = tpu.vector_load %arg6[%swap3A_320, %swap3A_321] {strides = array<i32>} : memref<32x1024xf32, #tpu.memory_space<vmem>>, vector<1x16xf32>,
      %swap3A_323 = vector.shape_cast %swap3A_322 : vector<1x16xf32> to vector<16xf32>
      %swap3A_324 = vector.shape_cast %add3A_319 : vector<16xf32> to vector<1x16xf32>
      tpu.vector_store %arg6[%swap3A_320, %swap3A_321], %swap3A_324 {strides = array<i32>} : memref<32x1024xf32, #tpu.memory_space<vmem>>, vector<1x16xf32>,
      %get3A_325 = arith.index_cast %scan3A_74 : i32 to index
      %get3A_326 = arith.constant 288 : index
      %get3A_327 = tpu.vector_load %arg6[%get3A_325, %get3A_326] {strides = array<i32>} : memref<32x1024xf32, #tpu.memory_space<vmem>>, vector<1x16xf32>,
      %get3A_328 = vector.shape_cast %get3A_327 : vector<1x16xf32> to vector<16xf32>
      %get3A_329 = arith.index_cast %scan3A_74 : i32 to index
      %get3A_330 = arith.constant 288 : index
      %get3A_331 = tpu.vector_load %arg7[%get3A_329, %get3A_330] {strides = array<i32>} : memref<32x1024xf32, #tpu.memory_space<vmem>>, vector<1x16xf32>,
      %get3A_332 = vector.shape_cast %get3A_331 : vector<1x16xf32> to vector<16xf32>
      %add3A_333 = arith.addf %get3A_328, %get3A_332 : vector<16xf32>
      %swap3A_334 = arith.index_cast %scan3A_74 : i32 to index
      %swap3A_335 = arith.constant 288 : index
      %swap3A_336 = tpu.vector_load %arg6[%swap3A_334, %swap3A_335] {strides = array<i32>} : memref<32x1024xf32, #tpu.memory_space<vmem>>, vector<1x16xf32>,
      %swap3A_337 = vector.shape_cast %swap3A_336 : vector<1x16xf32> to vector<16xf32>
      %swap3A_338 = vector.shape_cast %add3A_333 : vector<16xf32> to vector<1x16xf32>
      tpu.vector_store %arg6[%swap3A_334, %swap3A_335], %swap3A_338 {strides = array<i32>} : memref<32x1024xf32, #tpu.memory_space<vmem>>, vector<1x16xf32>,
      %get3A_339 = arith.index_cast %scan3A_74 : i32 to index
      %get3A_340 = arith.constant 304 : index
      %get3A_341 = tpu.vector_load %arg6[%get3A_339, %get3A_340] {strides = array<i32>} : memref<32x1024xf32, #tpu.memory_space<vmem>>, vector<1x16xf32>,
      %get3A_342 = vector.shape_cast %get3A_341 : vector<1x16xf32> to vector<16xf32>
      %get3A_343 = arith.index_cast %scan3A_74 : i32 to index
      %get3A_344 = arith.constant 304 : index
      %get3A_345 = tpu.vector_load %arg7[%get3A_343, %get3A_344] {strides = array<i32>} : memref<32x1024xf32, #tpu.memory_space<vmem>>, vector<1x16xf32>,
      %get3A_346 = vector.shape_cast %get3A_345 : vector<1x16xf32> to vector<16xf32>
      %add3A_347 = arith.addf %get3A_342, %get3A_346 : vector<16xf32>
      %swap3A_348 = arith.index_cast %scan3A_74 : i32 to index
      %swap3A_349 = arith.constant 304 : index
      %swap3A_350 = tpu.vector_load %arg6[%swap3A_348, %swap3A_349] {strides = array<i32>} : memref<32x1024xf32, #tpu.memory_space<vmem>>, vector<1x16xf32>,
      %swap3A_351 = vector.shape_cast %swap3A_350 : vector<1x16xf32> to vector<16xf32>
      %swap3A_352 = vector.shape_cast %add3A_347 : vector<16xf32> to vector<1x16xf32>
      tpu.vector_store %arg6[%swap3A_348, %swap3A_349], %swap3A_352 {strides = array<i32>} : memref<32x1024xf32, #tpu.memory_space<vmem>>, vector<1x16xf32>,
      %get3A_353 = arith.index_cast %scan3A_74 : i32 to index
      %get3A_354 = arith.constant 320 : index
      %get3A_355 = tpu.vector_load %arg6[%get3A_353, %get3A_354] {strides = array<i32>} : memref<32x1024xf32, #tpu.memory_space<vmem>>, vector<1x16xf32>,
      %get3A_356 = vector.shape_cast %get3A_355 : vector<1x16xf32> to vector<16xf32>
      %get3A_357 = arith.index_cast %scan3A_74 : i32 to index
      %get3A_358 = arith.constant 320 : index
      %get3A_359 = tpu.vector_load %arg7[%get3A_357, %get3A_358] {strides = array<i32>} : memref<32x1024xf32, #tpu.memory_space<vmem>>, vector<1x16xf32>,
      %get3A_360 = vector.shape_cast %get3A_359 : vector<1x16xf32> to vector<16xf32>
      %add3A_361 = arith.addf %get3A_356, %get3A_360 : vector<16xf32>
      %swap3A_362 = arith.index_cast %scan3A_74 : i32 to index
      %swap3A_363 = arith.constant 320 : index
      %swap3A_364 = tpu.vector_load %arg6[%swap3A_362, %swap3A_363] {strides = array<i32>} : memref<32x1024xf32, #tpu.memory_space<vmem>>, vector<1x16xf32>,
      %swap3A_365 = vector.shape_cast %swap3A_364 : vector<1x16xf32> to vector<16xf32>
      %swap3A_366 = vector.shape_cast %add3A_361 : vector<16xf32> to vector<1x16xf32>
      tpu.vector_store %arg6[%swap3A_362, %swap3A_363], %swap3A_366 {strides = array<i32>} : memref<32x1024xf32, #tpu.memory_space<vmem>>, vector<1x16xf32>,
      %get3A_367 = arith.index_cast %scan3A_74 : i32 to index
      %get3A_368 = arith.constant 336 : index
      %get3A_369 = tpu.vector_load %arg6[%get3A_367, %get3A_368] {strides = array<i32>} : memref<32x1024xf32, #tpu.memory_space<vmem>>, vector<1x16xf32>,
      %get3A_370 = vector.shape_cast %get3A_369 : vector<1x16xf32> to vector<16xf32>
      %get3A_371 = arith.index_cast %scan3A_74 : i32 to index
      %get3A_372 = arith.constant 336 : index
      %get3A_373 = tpu.vector_load %arg7[%get3A_371, %get3A_372] {strides = array<i32>} : memref<32x1024xf32, #tpu.memory_space<vmem>>, vector<1x16xf32>,
      %get3A_374 = vector.shape_cast %get3A_373 : vector<1x16xf32> to vector<16xf32>
      %add3A_375 = arith.addf %get3A_370, %get3A_374 : vector<16xf32>
      %swap3A_376 = arith.index_cast %scan3A_74 : i32 to index
      %swap3A_377 = arith.constant 336 : index
      %swap3A_378 = tpu.vector_load %arg6[%swap3A_376, %swap3A_377] {strides = array<i32>} : memref<32x1024xf32, #tpu.memory_space<vmem>>, vector<1x16xf32>,
      %swap3A_379 = vector.shape_cast %swap3A_378 : vector<1x16xf32> to vector<16xf32>
      %swap3A_380 = vector.shape_cast %add3A_375 : vector<16xf32> to vector<1x16xf32>
      tpu.vector_store %arg6[%swap3A_376, %swap3A_377], %swap3A_380 {strides = array<i32>} : memref<32x1024xf32, #tpu.memory_space<vmem>>, vector<1x16xf32>,
      %get3A_381 = arith.index_cast %scan3A_74 : i32 to index
      %get3A_382 = arith.constant 352 : index
      %get3A_383 = tpu.vector_load %arg6[%get3A_381, %get3A_382] {strides = array<i32>} : memref<32x1024xf32, #tpu.memory_space<vmem>>, vector<1x16xf32>,
      %get3A_384 = vector.shape_cast %get3A_383 : vector<1x16xf32> to vector<16xf32>
      %get3A_385 = arith.index_cast %scan3A_74 : i32 to index
      %get3A_386 = arith.constant 352 : index
      %get3A_387 = tpu.vector_load %arg7[%get3A_385, %get3A_386] {strides = array<i32>} : memref<32x1024xf32, #tpu.memory_space<vmem>>, vector<1x16xf32>,
      %get3A_388 = vector.shape_cast %get3A_387 : vector<1x16xf32> to vector<16xf32>
      %add3A_389 = arith.addf %get3A_384, %get3A_388 : vector<16xf32>
      %swap3A_390 = arith.index_cast %scan3A_74 : i32 to index
      %swap3A_391 = arith.constant 352 : index
      %swap3A_392 = tpu.vector_load %arg6[%swap3A_390, %swap3A_391] {strides = array<i32>} : memref<32x1024xf32, #tpu.memory_space<vmem>>, vector<1x16xf32>,
      %swap3A_393 = vector.shape_cast %swap3A_392 : vector<1x16xf32> to vector<16xf32>
      %swap3A_394 = vector.shape_cast %add3A_389 : vector<16xf32> to vector<1x16xf32>
      tpu.vector_store %arg6[%swap3A_390, %swap3A_391], %swap3A_394 {strides = array<i32>} : memref<32x1024xf32, #tpu.memory_space<vmem>>, vector<1x16xf32>,
      %get3A_395 = arith.index_cast %scan3A_74 : i32 to index
      %get3A_396 = arith.constant 368 : index
      %get3A_397 = tpu.vector_load %arg6[%get3A_395, %get3A_396] {strides = array<i32>} : memref<32x1024xf32, #tpu.memory_space<vmem>>, vector<1x16xf32>,
      %get3A_398 = vector.shape_cast %get3A_397 : vector<1x16xf32> to vector<16xf32>
      %get3A_399 = arith.index_cast %scan3A_74 : i32 to index
      %get3A_400 = arith.constant 368 : index
      %get3A_401 = tpu.vector_load %arg7[%get3A_399, %get3A_400] {strides = array<i32>} : memref<32x1024xf32, #tpu.memory_space<vmem>>, vector<1x16xf32>,
      %get3A_402 = vector.shape_cast %get3A_401 : vector<1x16xf32> to vector<16xf32>
      %add3A_403 = arith.addf %get3A_398, %get3A_402 : vector<16xf32>
      %swap3A_404 = arith.index_cast %scan3A_74 : i32 to index
      %swap3A_405 = arith.constant 368 : index
      %swap3A_406 = tpu.vector_load %arg6[%swap3A_404, %swap3A_405] {strides = array<i32>} : memref<32x1024xf32, #tpu.memory_space<vmem>>, vector<1x16xf32>,
      %swap3A_407 = vector.shape_cast %swap3A_406 : vector<1x16xf32> to vector<16xf32>
      %swap3A_408 = vector.shape_cast %add3A_403 : vector<16xf32> to vector<1x16xf32>
      tpu.vector_store %arg6[%swap3A_404, %swap3A_405], %swap3A_408 {strides = array<i32>} : memref<32x1024xf32, #tpu.memory_space<vmem>>, vector<1x16xf32>,
      %get3A_409 = arith.index_cast %scan3A_74 : i32 to index
      %get3A_410 = arith.constant 384 : index
      %get3A_411 = tpu.vector_load %arg6[%get3A_409, %get3A_410] {strides = array<i32>} : memref<32x1024xf32, #tpu.memory_space<vmem>>, vector<1x16xf32>,
      %get3A_412 = vector.shape_cast %get3A_411 : vector<1x16xf32> to vector<16xf32>
      %get3A_413 = arith.index_cast %scan3A_74 : i32 to index
      %get3A_414 = arith.constant 384 : index
      %get3A_415 = tpu.vector_load %arg7[%get3A_413, %get3A_414] {strides = array<i32>} : memref<32x1024xf32, #tpu.memory_space<vmem>>, vector<1x16xf32>,
      %get3A_416 = vector.shape_cast %get3A_415 : vector<1x16xf32> to vector<16xf32>
      %add3A_417 = arith.addf %get3A_412, %get3A_416 : vector<16xf32>
      %swap3A_418 = arith.index_cast %scan3A_74 : i32 to index
      %swap3A_419 = arith.constant 384 : index
      %swap3A_420 = tpu.vector_load %arg6[%swap3A_418, %swap3A_419] {strides = array<i32>} : memref<32x1024xf32, #tpu.memory_space<vmem>>, vector<1x16xf32>,
      %swap3A_421 = vector.shape_cast %swap3A_420 : vector<1x16xf32> to vector<16xf32>
      %swap3A_422 = vector.shape_cast %add3A_417 : vector<16xf32> to vector<1x16xf32>
      tpu.vector_store %arg6[%swap3A_418, %swap3A_419], %swap3A_422 {strides = array<i32>} : memref<32x1024xf32, #tpu.memory_space<vmem>>, vector<1x16xf32>,
      %get3A_423 = arith.index_cast %scan3A_74 : i32 to index
      %get3A_424 = arith.constant 400 : index
      %get3A_425 = tpu.vector_load %arg6[%get3A_423, %get3A_424] {strides = array<i32>} : memref<32x1024xf32, #tpu.memory_space<vmem>>, vector<1x16xf32>,
      %get3A_426 = vector.shape_cast %get3A_425 : vector<1x16xf32> to vector<16xf32>
      %get3A_427 = arith.index_cast %scan3A_74 : i32 to index
      %get3A_428 = arith.constant 400 : index
      %get3A_429 = tpu.vector_load %arg7[%get3A_427, %get3A_428] {strides = array<i32>} : memref<32x1024xf32, #tpu.memory_space<vmem>>, vector<1x16xf32>,
      %get3A_430 = vector.shape_cast %get3A_429 : vector<1x16xf32> to vector<16xf32>
      %add3A_431 = arith.addf %get3A_426, %get3A_430 : vector<16xf32>
      %swap3A_432 = arith.index_cast %scan3A_74 : i32 to index
      %swap3A_433 = arith.constant 400 : index
      %swap3A_434 = tpu.vector_load %arg6[%swap3A_432, %swap3A_433] {strides = array<i32>} : memref<32x1024xf32, #tpu.memory_space<vmem>>, vector<1x16xf32>,
      %swap3A_435 = vector.shape_cast %swap3A_434 : vector<1x16xf32> to vector<16xf32>
      %swap3A_436 = vector.shape_cast %add3A_431 : vector<16xf32> to vector<1x16xf32>
      tpu.vector_store %arg6[%swap3A_432, %swap3A_433], %swap3A_436 {strides = array<i32>} : memref<32x1024xf32, #tpu.memory_space<vmem>>, vector<1x16xf32>,
      %get3A_437 = arith.index_cast %scan3A_74 : i32 to index
      %get3A_438 = arith.constant 416 : index
      %get3A_439 = tpu.vector_load %arg6[%get3A_437, %get3A_438] {strides = array<i32>} : memref<32x1024xf32, #tpu.memory_space<vmem>>, vector<1x16xf32>,
      %get3A_440 = vector.shape_cast %get3A_439 : vector<1x16xf32> to vector<16xf32>
      %get3A_441 = arith.index_cast %scan3A_74 : i32 to index
      %get3A_442 = arith.constant 416 : index
      %get3A_443 = tpu.vector_load %arg7[%get3A_441, %get3A_442] {strides = array<i32>} : memref<32x1024xf32, #tpu.memory_space<vmem>>, vector<1x16xf32>,
      %get3A_444 = vector.shape_cast %get3A_443 : vector<1x16xf32> to vector<16xf32>
      %add3A_445 = arith.addf %get3A_440, %get3A_444 : vector<16xf32>
      %swap3A_446 = arith.index_cast %scan3A_74 : i32 to index
      %swap3A_447 = arith.constant 416 : index
      %swap3A_448 = tpu.vector_load %arg6[%swap3A_446, %swap3A_447] {strides = array<i32>} : memref<32x1024xf32, #tpu.memory_space<vmem>>, vector<1x16xf32>,
      %swap3A_449 = vector.shape_cast %swap3A_448 : vector<1x16xf32> to vector<16xf32>
      %swap3A_450 = vector.shape_cast %add3A_445 : vector<16xf32> to vector<1x16xf32>
      tpu.vector_store %arg6[%swap3A_446, %swap3A_447], %swap3A_450 {strides = array<i32>} : memref<32x1024xf32, #tpu.memory_space<vmem>>, vector<1x16xf32>,
      %get3A_451 = arith.index_cast %scan3A_74 : i32 to index
      %get3A_452 = arith.constant 432 : index
      %get3A_453 = tpu.vector_load %arg6[%get3A_451, %get3A_452] {strides = array<i32>} : memref<32x1024xf32, #tpu.memory_space<vmem>>, vector<1x16xf32>,
      %get3A_454 = vector.shape_cast %get3A_453 : vector<1x16xf32> to vector<16xf32>
      %get3A_455 = arith.index_cast %scan3A_74 : i32 to index
      %get3A_456 = arith.constant 432 : index
      %get3A_457 = tpu.vector_load %arg7[%get3A_455, %get3A_456] {strides = array<i32>} : memref<32x1024xf32, #tpu.memory_space<vmem>>, vector<1x16xf32>,
      %get3A_458 = vector.shape_cast %get3A_457 : vector<1x16xf32> to vector<16xf32>
      %add3A_459 = arith.addf %get3A_454, %get3A_458 : vector<16xf32>
      %swap3A_460 = arith.index_cast %scan3A_74 : i32 to index
      %swap3A_461 = arith.constant 432 : index
      %swap3A_462 = tpu.vector_load %arg6[%swap3A_460, %swap3A_461] {strides = array<i32>} : memref<32x1024xf32, #tpu.memory_space<vmem>>, vector<1x16xf32>,
      %swap3A_463 = vector.shape_cast %swap3A_462 : vector<1x16xf32> to vector<16xf32>
      %swap3A_464 = vector.shape_cast %add3A_459 : vector<16xf32> to vector<1x16xf32>
      tpu.vector_store %arg6[%swap3A_460, %swap3A_461], %swap3A_464 {strides = array<i32>} : memref<32x1024xf32, #tpu.memory_space<vmem>>, vector<1x16xf32>,
      %get3A_465 = arith.index_cast %scan3A_74 : i32 to index
      %get3A_466 = arith.constant 448 : index
      %get3A_467 = tpu.vector_load %arg6[%get3A_465, %get3A_466] {strides = array<i32>} : memref<32x1024xf32, #tpu.memory_space<vmem>>, vector<1x16xf32>,
      %get3A_468 = vector.shape_cast %get3A_467 : vector<1x16xf32> to vector<16xf32>
      %get3A_469 = arith.index_cast %scan3A_74 : i32 to index
      %get3A_470 = arith.constant 448 : index
      %get3A_471 = tpu.vector_load %arg7[%get3A_469, %get3A_470] {strides = array<i32>} : memref<32x1024xf32, #tpu.memory_space<vmem>>, vector<1x16xf32>,
      %get3A_472 = vector.shape_cast %get3A_471 : vector<1x16xf32> to vector<16xf32>
      %add3A_473 = arith.addf %get3A_468, %get3A_472 : vector<16xf32>
      %swap3A_474 = arith.index_cast %scan3A_74 : i32 to index
      %swap3A_475 = arith.constant 448 : index
      %swap3A_476 = tpu.vector_load %arg6[%swap3A_474, %swap3A_475] {strides = array<i32>} : memref<32x1024xf32, #tpu.memory_space<vmem>>, vector<1x16xf32>,
      %swap3A_477 = vector.shape_cast %swap3A_476 : vector<1x16xf32> to vector<16xf32>
      %swap3A_478 = vector.shape_cast %add3A_473 : vector<16xf32> to vector<1x16xf32>
      tpu.vector_store %arg6[%swap3A_474, %swap3A_475], %swap3A_478 {strides = array<i32>} : memref<32x1024xf32, #tpu.memory_space<vmem>>, vector<1x16xf32>,
      %get3A_479 = arith.index_cast %scan3A_74 : i32 to index
      %get3A_480 = arith.constant 464 : index
      %get3A_481 = tpu.vector_load %arg6[%get3A_479, %get3A_480] {strides = array<i32>} : memref<32x1024xf32, #tpu.memory_space<vmem>>, vector<1x16xf32>,
      %get3A_482 = vector.shape_cast %get3A_481 : vector<1x16xf32> to vector<16xf32>
      %get3A_483 = arith.index_cast %scan3A_74 : i32 to index
      %get3A_484 = arith.constant 464 : index
      %get3A_485 = tpu.vector_load %arg7[%get3A_483, %get3A_484] {strides = array<i32>} : memref<32x1024xf32, #tpu.memory_space<vmem>>, vector<1x16xf32>,
      %get3A_486 = vector.shape_cast %get3A_485 : vector<1x16xf32> to vector<16xf32>
      %add3A_487 = arith.addf %get3A_482, %get3A_486 : vector<16xf32>
      %swap3A_488 = arith.index_cast %scan3A_74 : i32 to index
      %swap3A_489 = arith.constant 464 : index
      %swap3A_490 = tpu.vector_load %arg6[%swap3A_488, %swap3A_489] {strides = array<i32>} : memref<32x1024xf32, #tpu.memory_space<vmem>>, vector<1x16xf32>,
      %swap3A_491 = vector.shape_cast %swap3A_490 : vector<1x16xf32> to vector<16xf32>
      %swap3A_492 = vector.shape_cast %add3A_487 : vector<16xf32> to vector<1x16xf32>
      tpu.vector_store %arg6[%swap3A_488, %swap3A_489], %swap3A_492 {strides = array<i32>} : memref<32x1024xf32, #tpu.memory_space<vmem>>, vector<1x16xf32>,
      %get3A_493 = arith.index_cast %scan3A_74 : i32 to index
      %get3A_494 = arith.constant 480 : index
      %get3A_495 = tpu.vector_load %arg6[%get3A_493, %get3A_494] {strides = array<i32>} : memref<32x1024xf32, #tpu.memory_space<vmem>>, vector<1x16xf32>,
      %get3A_496 = vector.shape_cast %get3A_495 : vector<1x16xf32> to vector<16xf32>
      %get3A_497 = arith.index_cast %scan3A_74 : i32 to index
      %get3A_498 = arith.constant 480 : index
      %get3A_499 = tpu.vector_load %arg7[%get3A_497, %get3A_498] {strides = array<i32>} : memref<32x1024xf32, #tpu.memory_space<vmem>>, vector<1x16xf32>,
      %get3A_500 = vector.shape_cast %get3A_499 : vector<1x16xf32> to vector<16xf32>
      %add3A_501 = arith.addf %get3A_496, %get3A_500 : vector<16xf32>
      %swap3A_502 = arith.index_cast %scan3A_74 : i32 to index
      %swap3A_503 = arith.constant 480 : index
      %swap3A_504 = tpu.vector_load %arg6[%swap3A_502, %swap3A_503] {strides = array<i32>} : memref<32x1024xf32, #tpu.memory_space<vmem>>, vector<1x16xf32>,
      %swap3A_505 = vector.shape_cast %swap3A_504 : vector<1x16xf32> to vector<16xf32>
      %swap3A_506 = vector.shape_cast %add3A_501 : vector<16xf32> to vector<1x16xf32>
      tpu.vector_store %arg6[%swap3A_502, %swap3A_503], %swap3A_506 {strides = array<i32>} : memref<32x1024xf32, #tpu.memory_space<vmem>>, vector<1x16xf32>,
      %get3A_507 = arith.index_cast %scan3A_74 : i32 to index
      %get3A_508 = arith.constant 496 : index
      %get3A_509 = tpu.vector_load %arg6[%get3A_507, %get3A_508] {strides = array<i32>} : memref<32x1024xf32, #tpu.memory_space<vmem>>, vector<1x16xf32>,
      %get3A_510 = vector.shape_cast %get3A_509 : vector<1x16xf32> to vector<16xf32>
      %get3A_511 = arith.index_cast %scan3A_74 : i32 to index
      %get3A_512 = arith.constant 496 : index
      %get3A_513 = tpu.vector_load %arg7[%get3A_511, %get3A_512] {strides = array<i32>} : memref<32x1024xf32, #tpu.memory_space<vmem>>, vector<1x16xf32>,
      %get3A_514 = vector.shape_cast %get3A_513 : vector<1x16xf32> to vector<16xf32>
      %add3A_515 = arith.addf %get3A_510, %get3A_514 : vector<16xf32>
      %swap3A_516 = arith.index_cast %scan3A_74 : i32 to index
      %swap3A_517 = arith.constant 496 : index
      %swap3A_518 = tpu.vector_load %arg6[%swap3A_516, %swap3A_517] {strides = array<i32>} : memref<32x1024xf32, #tpu.memory_space<vmem>>, vector<1x16xf32>,
      %swap3A_519 = vector.shape_cast %swap3A_518 : vector<1x16xf32> to vector<16xf32>
      %swap3A_520 = vector.shape_cast %add3A_515 : vector<16xf32> to vector<1x16xf32>
      tpu.vector_store %arg6[%swap3A_516, %swap3A_517], %swap3A_520 {strides = array<i32>} : memref<32x1024xf32, #tpu.memory_space<vmem>>, vector<1x16xf32>,
      %get3A_521 = arith.index_cast %scan3A_74 : i32 to index
      %get3A_522 = arith.constant 512 : index
      %get3A_523 = tpu.vector_load %arg6[%get3A_521, %get3A_522] {strides = array<i32>} : memref<32x1024xf32, #tpu.memory_space<vmem>>, vector<1x16xf32>,
      %get3A_524 = vector.shape_cast %get3A_523 : vector<1x16xf32> to vector<16xf32>
      %get3A_525 = arith.index_cast %scan3A_74 : i32 to index
      %get3A_526 = arith.constant 512 : index
      %get3A_527 = tpu.vector_load %arg7[%get3A_525, %get3A_526] {strides = array<i32>} : memref<32x1024xf32, #tpu.memory_space<vmem>>, vector<1x16xf32>,
      %get3A_528 = vector.shape_cast %get3A_527 : vector<1x16xf32> to vector<16xf32>
      %add3A_529 = arith.addf %get3A_524, %get3A_528 : vector<16xf32>
      %swap3A_530 = arith.index_cast %scan3A_74 : i32 to index
      %swap3A_531 = arith.constant 512 : index
      %swap3A_532 = tpu.vector_load %arg6[%swap3A_530, %swap3A_531] {strides = array<i32>} : memref<32x1024xf32, #tpu.memory_space<vmem>>, vector<1x16xf32>,
      %swap3A_533 = vector.shape_cast %swap3A_532 : vector<1x16xf32> to vector<16xf32>
      %swap3A_534 = vector.shape_cast %add3A_529 : vector<16xf32> to vector<1x16xf32>
      tpu.vector_store %arg6[%swap3A_530, %swap3A_531], %swap3A_534 {strides = array<i32>} : memref<32x1024xf32, #tpu.memory_space<vmem>>, vector<1x16xf32>,
      %get3A_535 = arith.index_cast %scan3A_74 : i32 to index
      %get3A_536 = arith.constant 528 : index
      %get3A_537 = tpu.vector_load %arg6[%get3A_535, %get3A_536] {strides = array<i32>} : memref<32x1024xf32, #tpu.memory_space<vmem>>, vector<1x16xf32>,
      %get3A_538 = vector.shape_cast %get3A_537 : vector<1x16xf32> to vector<16xf32>
      %get3A_539 = arith.index_cast %scan3A_74 : i32 to index
      %get3A_540 = arith.constant 528 : index
      %get3A_541 = tpu.vector_load %arg7[%get3A_539, %get3A_540] {strides = array<i32>} : memref<32x1024xf32, #tpu.memory_space<vmem>>, vector<1x16xf32>,
      %get3A_542 = vector.shape_cast %get3A_541 : vector<1x16xf32> to vector<16xf32>
      %add3A_543 = arith.addf %get3A_538, %get3A_542 : vector<16xf32>
      %swap3A_544 = arith.index_cast %scan3A_74 : i32 to index
      %swap3A_545 = arith.constant 528 : index
      %swap3A_546 = tpu.vector_load %arg6[%swap3A_544, %swap3A_545] {strides = array<i32>} : memref<32x1024xf32, #tpu.memory_space<vmem>>, vector<1x16xf32>,
      %swap3A_547 = vector.shape_cast %swap3A_546 : vector<1x16xf32> to vector<16xf32>
      %swap3A_548 = vector.shape_cast %add3A_543 : vector<16xf32> to vector<1x16xf32>
      tpu.vector_store %arg6[%swap3A_544, %swap3A_545], %swap3A_548 {strides = array<i32>} : memref<32x1024xf32, #tpu.memory_space<vmem>>, vector<1x16xf32>,
      %get3A_549 = arith.index_cast %scan3A_74 : i32 to index
      %get3A_550 = arith.constant 544 : index
      %get3A_551 = tpu.vector_load %arg6[%get3A_549, %get3A_550] {strides = array<i32>} : memref<32x1024xf32, #tpu.memory_space<vmem>>, vector<1x16xf32>,
      %get3A_552 = vector.shape_cast %get3A_551 : vector<1x16xf32> to vector<16xf32>
      %get3A_553 = arith.index_cast %scan3A_74 : i32 to index
      %get3A_554 = arith.constant 544 : index
      %get3A_555 = tpu.vector_load %arg7[%get3A_553, %get3A_554] {strides = array<i32>} : memref<32x1024xf32, #tpu.memory_space<vmem>>, vector<1x16xf32>,
      %get3A_556 = vector.shape_cast %get3A_555 : vector<1x16xf32> to vector<16xf32>
      %add3A_557 = arith.addf %get3A_552, %get3A_556 : vector<16xf32>
      %swap3A_558 = arith.index_cast %scan3A_74 : i32 to index
      %swap3A_559 = arith.constant 544 : index
      %swap3A_560 = tpu.vector_load %arg6[%swap3A_558, %swap3A_559] {strides = array<i32>} : memref<32x1024xf32, #tpu.memory_space<vmem>>, vector<1x16xf32>,
      %swap3A_561 = vector.shape_cast %swap3A_560 : vector<1x16xf32> to vector<16xf32>
      %swap3A_562 = vector.shape_cast %add3A_557 : vector<16xf32> to vector<1x16xf32>
      tpu.vector_store %arg6[%swap3A_558, %swap3A_559], %swap3A_562 {strides = array<i32>} : memref<32x1024xf32, #tpu.memory_space<vmem>>, vector<1x16xf32>,
      %get3A_563 = arith.index_cast %scan3A_74 : i32 to index
      %get3A_564 = arith.constant 560 : index
      %get3A_565 = tpu.vector_load %arg6[%get3A_563, %get3A_564] {strides = array<i32>} : memref<32x1024xf32, #tpu.memory_space<vmem>>, vector<1x16xf32>,
      %get3A_566 = vector.shape_cast %get3A_565 : vector<1x16xf32> to vector<16xf32>
      %get3A_567 = arith.index_cast %scan3A_74 : i32 to index
      %get3A_568 = arith.constant 560 : index
      %get3A_569 = tpu.vector_load %arg7[%get3A_567, %get3A_568] {strides = array<i32>} : memref<32x1024xf32, #tpu.memory_space<vmem>>, vector<1x16xf32>,
      %get3A_570 = vector.shape_cast %get3A_569 : vector<1x16xf32> to vector<16xf32>
      %add3A_571 = arith.addf %get3A_566, %get3A_570 : vector<16xf32>
      %swap3A_572 = arith.index_cast %scan3A_74 : i32 to index
      %swap3A_573 = arith.constant 560 : index
      %swap3A_574 = tpu.vector_load %arg6[%swap3A_572, %swap3A_573] {strides = array<i32>} : memref<32x1024xf32, #tpu.memory_space<vmem>>, vector<1x16xf32>,
      %swap3A_575 = vector.shape_cast %swap3A_574 : vector<1x16xf32> to vector<16xf32>
      %swap3A_576 = vector.shape_cast %add3A_571 : vector<16xf32> to vector<1x16xf32>
      tpu.vector_store %arg6[%swap3A_572, %swap3A_573], %swap3A_576 {strides = array<i32>} : memref<32x1024xf32, #tpu.memory_space<vmem>>, vector<1x16xf32>,
      %get3A_577 = arith.index_cast %scan3A_74 : i32 to index
      %get3A_578 = arith.constant 576 : index
      %get3A_579 = tpu.vector_load %arg6[%get3A_577, %get3A_578] {strides = array<i32>} : memref<32x1024xf32, #tpu.memory_space<vmem>>, vector<1x16xf32>,
      %get3A_580 = vector.shape_cast %get3A_579 : vector<1x16xf32> to vector<16xf32>
      %get3A_581 = arith.index_cast %scan3A_74 : i32 to index
      %get3A_582 = arith.constant 576 : index
      %get3A_583 = tpu.vector_load %arg7[%get3A_581, %get3A_582] {strides = array<i32>} : memref<32x1024xf32, #tpu.memory_space<vmem>>, vector<1x16xf32>,
      %get3A_584 = vector.shape_cast %get3A_583 : vector<1x16xf32> to vector<16xf32>
      %add3A_585 = arith.addf %get3A_580, %get3A_584 : vector<16xf32>
      %swap3A_586 = arith.index_cast %scan3A_74 : i32 to index
      %swap3A_587 = arith.constant 576 : index
      %swap3A_588 = tpu.vector_load %arg6[%swap3A_586, %swap3A_587] {strides = array<i32>} : memref<32x1024xf32, #tpu.memory_space<vmem>>, vector<1x16xf32>,
      %swap3A_589 = vector.shape_cast %swap3A_588 : vector<1x16xf32> to vector<16xf32>
      %swap3A_590 = vector.shape_cast %add3A_585 : vector<16xf32> to vector<1x16xf32>
      tpu.vector_store %arg6[%swap3A_586, %swap3A_587], %swap3A_590 {strides = array<i32>} : memref<32x1024xf32, #tpu.memory_space<vmem>>, vector<1x16xf32>,
      %get3A_591 = arith.index_cast %scan3A_74 : i32 to index
      %get3A_592 = arith.constant 592 : index
      %get3A_593 = tpu.vector_load %arg6[%get3A_591, %get3A_592] {strides = array<i32>} : memref<32x1024xf32, #tpu.memory_space<vmem>>, vector<1x16xf32>,
      %get3A_594 = vector.shape_cast %get3A_593 : vector<1x16xf32> to vector<16xf32>
      %get3A_595 = arith.index_cast %scan3A_74 : i32 to index
      %get3A_596 = arith.constant 592 : index
      %get3A_597 = tpu.vector_load %arg7[%get3A_595, %get3A_596] {strides = array<i32>} : memref<32x1024xf32, #tpu.memory_space<vmem>>, vector<1x16xf32>,
      %get3A_598 = vector.shape_cast %get3A_597 : vector<1x16xf32> to vector<16xf32>
      %add3A_599 = arith.addf %get3A_594, %get3A_598 : vector<16xf32>
      %swap3A_600 = arith.index_cast %scan3A_74 : i32 to index
      %swap3A_601 = arith.constant 592 : index
      %swap3A_602 = tpu.vector_load %arg6[%swap3A_600, %swap3A_601] {strides = array<i32>} : memref<32x1024xf32, #tpu.memory_space<vmem>>, vector<1x16xf32>,
      %swap3A_603 = vector.shape_cast %swap3A_602 : vector<1x16xf32> to vector<16xf32>
      %swap3A_604 = vector.shape_cast %add3A_599 : vector<16xf32> to vector<1x16xf32>
      tpu.vector_store %arg6[%swap3A_600, %swap3A_601], %swap3A_604 {strides = array<i32>} : memref<32x1024xf32, #tpu.memory_space<vmem>>, vector<1x16xf32>,
      %get3A_605 = arith.index_cast %scan3A_74 : i32 to index
      %get3A_606 = arith.constant 608 : index
      %get3A_607 = tpu.vector_load %arg6[%get3A_605, %get3A_606] {strides = array<i32>} : memref<32x1024xf32, #tpu.memory_space<vmem>>, vector<1x16xf32>,
      %get3A_608 = vector.shape_cast %get3A_607 : vector<1x16xf32> to vector<16xf32>
      %get3A_609 = arith.index_cast %scan3A_74 : i32 to index
      %get3A_610 = arith.constant 608 : index
      %get3A_611 = tpu.vector_load %arg7[%get3A_609, %get3A_610] {strides = array<i32>} : memref<32x1024xf32, #tpu.memory_space<vmem>>, vector<1x16xf32>,
      %get3A_612 = vector.shape_cast %get3A_611 : vector<1x16xf32> to vector<16xf32>
      %add3A_613 = arith.addf %get3A_608, %get3A_612 : vector<16xf32>
      %swap3A_614 = arith.index_cast %scan3A_74 : i32 to index
      %swap3A_615 = arith.constant 608 : index
      %swap3A_616 = tpu.vector_load %arg6[%swap3A_614, %swap3A_615] {strides = array<i32>} : memref<32x1024xf32, #tpu.memory_space<vmem>>, vector<1x16xf32>,
      %swap3A_617 = vector.shape_cast %swap3A_616 : vector<1x16xf32> to vector<16xf32>
      %swap3A_618 = vector.shape_cast %add3A_613 : vector<16xf32> to vector<1x16xf32>
      tpu.vector_store %arg6[%swap3A_614, %swap3A_615], %swap3A_618 {strides = array<i32>} : memref<32x1024xf32, #tpu.memory_space<vmem>>, vector<1x16xf32>,
      %get3A_619 = arith.index_cast %scan3A_74 : i32 to index
      %get3A_620 = arith.constant 624 : index
      %get3A_621 = tpu.vector_load %arg6[%get3A_619, %get3A_620] {strides = array<i32>} : memref<32x1024xf32, #tpu.memory_space<vmem>>, vector<1x16xf32>,
      %get3A_622 = vector.shape_cast %get3A_621 : vector<1x16xf32> to vector<16xf32>
      %get3A_623 = arith.index_cast %scan3A_74 : i32 to index
      %get3A_624 = arith.constant 624 : index
      %get3A_625 = tpu.vector_load %arg7[%get3A_623, %get3A_624] {strides = array<i32>} : memref<32x1024xf32, #tpu.memory_space<vmem>>, vector<1x16xf32>,
      %get3A_626 = vector.shape_cast %get3A_625 : vector<1x16xf32> to vector<16xf32>
      %add3A_627 = arith.addf %get3A_622, %get3A_626 : vector<16xf32>
      %swap3A_628 = arith.index_cast %scan3A_74 : i32 to index
      %swap3A_629 = arith.constant 624 : index
      %swap3A_630 = tpu.vector_load %arg6[%swap3A_628, %swap3A_629] {strides = array<i32>} : memref<32x1024xf32, #tpu.memory_space<vmem>>, vector<1x16xf32>,
      %swap3A_631 = vector.shape_cast %swap3A_630 : vector<1x16xf32> to vector<16xf32>
      %swap3A_632 = vector.shape_cast %add3A_627 : vector<16xf32> to vector<1x16xf32>
      tpu.vector_store %arg6[%swap3A_628, %swap3A_629], %swap3A_632 {strides = array<i32>} : memref<32x1024xf32, #tpu.memory_space<vmem>>, vector<1x16xf32>,
      %get3A_633 = arith.index_cast %scan3A_74 : i32 to index
      %get3A_634 = arith.constant 640 : index
      %get3A_635 = tpu.vector_load %arg6[%get3A_633, %get3A_634] {strides = array<i32>} : memref<32x1024xf32, #tpu.memory_space<vmem>>, vector<1x16xf32>,
      %get3A_636 = vector.shape_cast %get3A_635 : vector<1x16xf32> to vector<16xf32>
      %get3A_637 = arith.index_cast %scan3A_74 : i32 to index
      %get3A_638 = arith.constant 640 : index
      %get3A_639 = tpu.vector_load %arg7[%get3A_637, %get3A_638] {strides = array<i32>} : memref<32x1024xf32, #tpu.memory_space<vmem>>, vector<1x16xf32>,
      %get3A_640 = vector.shape_cast %get3A_639 : vector<1x16xf32> to vector<16xf32>
      %add3A_641 = arith.addf %get3A_636, %get3A_640 : vector<16xf32>
      %swap3A_642 = arith.index_cast %scan3A_74 : i32 to index
      %swap3A_643 = arith.constant 640 : index
      %swap3A_644 = tpu.vector_load %arg6[%swap3A_642, %swap3A_643] {strides = array<i32>} : memref<32x1024xf32, #tpu.memory_space<vmem>>, vector<1x16xf32>,
      %swap3A_645 = vector.shape_cast %swap3A_644 : vector<1x16xf32> to vector<16xf32>
      %swap3A_646 = vector.shape_cast %add3A_641 : vector<16xf32> to vector<1x16xf32>
      tpu.vector_store %arg6[%swap3A_642, %swap3A_643], %swap3A_646 {strides = array<i32>} : memref<32x1024xf32, #tpu.memory_space<vmem>>, vector<1x16xf32>,
      %get3A_647 = arith.index_cast %scan3A_74 : i32 to index
      %get3A_648 = arith.constant 656 : index
      %get3A_649 = tpu.vector_load %arg6[%get3A_647, %get3A_648] {strides = array<i32>} : memref<32x1024xf32, #tpu.memory_space<vmem>>, vector<1x16xf32>,
      %get3A_650 = vector.shape_cast %get3A_649 : vector<1x16xf32> to vector<16xf32>
      %get3A_651 = arith.index_cast %scan3A_74 : i32 to index
      %get3A_652 = arith.constant 656 : index
      %get3A_653 = tpu.vector_load %arg7[%get3A_651, %get3A_652] {strides = array<i32>} : memref<32x1024xf32, #tpu.memory_space<vmem>>, vector<1x16xf32>,
      %get3A_654 = vector.shape_cast %get3A_653 : vector<1x16xf32> to vector<16xf32>
      %add3A_655 = arith.addf %get3A_650, %get3A_654 : vector<16xf32>
      %swap3A_656 = arith.index_cast %scan3A_74 : i32 to index
      %swap3A_657 = arith.constant 656 : index
      %swap3A_658 = tpu.vector_load %arg6[%swap3A_656, %swap3A_657] {strides = array<i32>} : memref<32x1024xf32, #tpu.memory_space<vmem>>, vector<1x16xf32>,
      %swap3A_659 = vector.shape_cast %swap3A_658 : vector<1x16xf32> to vector<16xf32>
      %swap3A_660 = vector.shape_cast %add3A_655 : vector<16xf32> to vector<1x16xf32>
      tpu.vector_store %arg6[%swap3A_656, %swap3A_657], %swap3A_660 {strides = array<i32>} : memref<32x1024xf32, #tpu.memory_space<vmem>>, vector<1x16xf32>,
      %get3A_661 = arith.index_cast %scan3A_74 : i32 to index
      %get3A_662 = arith.constant 672 : index
      %get3A_663 = tpu.vector_load %arg6[%get3A_661, %get3A_662] {strides = array<i32>} : memref<32x1024xf32, #tpu.memory_space<vmem>>, vector<1x16xf32>,
      %get3A_664 = vector.shape_cast %get3A_663 : vector<1x16xf32> to vector<16xf32>
      %get3A_665 = arith.index_cast %scan3A_74 : i32 to index
      %get3A_666 = arith.constant 672 : index
      %get3A_667 = tpu.vector_load %arg7[%get3A_665, %get3A_666] {strides = array<i32>} : memref<32x1024xf32, #tpu.memory_space<vmem>>, vector<1x16xf32>,
      %get3A_668 = vector.shape_cast %get3A_667 : vector<1x16xf32> to vector<16xf32>
      %add3A_669 = arith.addf %get3A_664, %get3A_668 : vector<16xf32>
      %swap3A_670 = arith.index_cast %scan3A_74 : i32 to index
      %swap3A_671 = arith.constant 672 : index
      %swap3A_672 = tpu.vector_load %arg6[%swap3A_670, %swap3A_671] {strides = array<i32>} : memref<32x1024xf32, #tpu.memory_space<vmem>>, vector<1x16xf32>,
      %swap3A_673 = vector.shape_cast %swap3A_672 : vector<1x16xf32> to vector<16xf32>
      %swap3A_674 = vector.shape_cast %add3A_669 : vector<16xf32> to vector<1x16xf32>
      tpu.vector_store %arg6[%swap3A_670, %swap3A_671], %swap3A_674 {strides = array<i32>} : memref<32x1024xf32, #tpu.memory_space<vmem>>, vector<1x16xf32>,
      %get3A_675 = arith.index_cast %scan3A_74 : i32 to index
      %get3A_676 = arith.constant 688 : index
      %get3A_677 = tpu.vector_load %arg6[%get3A_675, %get3A_676] {strides = array<i32>} : memref<32x1024xf32, #tpu.memory_space<vmem>>, vector<1x16xf32>,
      %get3A_678 = vector.shape_cast %get3A_677 : vector<1x16xf32> to vector<16xf32>
      %get3A_679 = arith.index_cast %scan3A_74 : i32 to index
      %get3A_680 = arith.constant 688 : index
      %get3A_681 = tpu.vector_load %arg7[%get3A_679, %get3A_680] {strides = array<i32>} : memref<32x1024xf32, #tpu.memory_space<vmem>>, vector<1x16xf32>,
      %get3A_682 = vector.shape_cast %get3A_681 : vector<1x16xf32> to vector<16xf32>
      %add3A_683 = arith.addf %get3A_678, %get3A_682 : vector<16xf32>
      %swap3A_684 = arith.index_cast %scan3A_74 : i32 to index
      %swap3A_685 = arith.constant 688 : index
      %swap3A_686 = tpu.vector_load %arg6[%swap3A_684, %swap3A_685] {strides = array<i32>} : memref<32x1024xf32, #tpu.memory_space<vmem>>, vector<1x16xf32>,
      %swap3A_687 = vector.shape_cast %swap3A_686 : vector<1x16xf32> to vector<16xf32>
      %swap3A_688 = vector.shape_cast %add3A_683 : vector<16xf32> to vector<1x16xf32>
      tpu.vector_store %arg6[%swap3A_684, %swap3A_685], %swap3A_688 {strides = array<i32>} : memref<32x1024xf32, #tpu.memory_space<vmem>>, vector<1x16xf32>,
      %get3A_689 = arith.index_cast %scan3A_74 : i32 to index
      %get3A_690 = arith.constant 704 : index
      %get3A_691 = tpu.vector_load %arg6[%get3A_689, %get3A_690] {strides = array<i32>} : memref<32x1024xf32, #tpu.memory_space<vmem>>, vector<1x16xf32>,
      %get3A_692 = vector.shape_cast %get3A_691 : vector<1x16xf32> to vector<16xf32>
      %get3A_693 = arith.index_cast %scan3A_74 : i32 to index
      %get3A_694 = arith.constant 704 : index
      %get3A_695 = tpu.vector_load %arg7[%get3A_693, %get3A_694] {strides = array<i32>} : memref<32x1024xf32, #tpu.memory_space<vmem>>, vector<1x16xf32>,
      %get3A_696 = vector.shape_cast %get3A_695 : vector<1x16xf32> to vector<16xf32>
      %add3A_697 = arith.addf %get3A_692, %get3A_696 : vector<16xf32>
      %swap3A_698 = arith.index_cast %scan3A_74 : i32 to index
      %swap3A_699 = arith.constant 704 : index
      %swap3A_700 = tpu.vector_load %arg6[%swap3A_698, %swap3A_699] {strides = array<i32>} : memref<32x1024xf32, #tpu.memory_space<vmem>>, vector<1x16xf32>,
      %swap3A_701 = vector.shape_cast %swap3A_700 : vector<1x16xf32> to vector<16xf32>
      %swap3A_702 = vector.shape_cast %add3A_697 : vector<16xf32> to vector<1x16xf32>
      tpu.vector_store %arg6[%swap3A_698, %swap3A_699], %swap3A_702 {strides = array<i32>} : memref<32x1024xf32, #tpu.memory_space<vmem>>, vector<1x16xf32>,
      %get3A_703 = arith.index_cast %scan3A_74 : i32 to index
      %get3A_704 = arith.constant 720 : index
      %get3A_705 = tpu.vector_load %arg6[%get3A_703, %get3A_704] {strides = array<i32>} : memref<32x1024xf32, #tpu.memory_space<vmem>>, vector<1x16xf32>,
      %get3A_706 = vector.shape_cast %get3A_705 : vector<1x16xf32> to vector<16xf32>
      %get3A_707 = arith.index_cast %scan3A_74 : i32 to index
      %get3A_708 = arith.constant 720 : index
      %get3A_709 = tpu.vector_load %arg7[%get3A_707, %get3A_708] {strides = array<i32>} : memref<32x1024xf32, #tpu.memory_space<vmem>>, vector<1x16xf32>,
      %get3A_710 = vector.shape_cast %get3A_709 : vector<1x16xf32> to vector<16xf32>
      %add3A_711 = arith.addf %get3A_706, %get3A_710 : vector<16xf32>
      %swap3A_712 = arith.index_cast %scan3A_74 : i32 to index
      %swap3A_713 = arith.constant 720 : index
      %swap3A_714 = tpu.vector_load %arg6[%swap3A_712, %swap3A_713] {strides = array<i32>} : memref<32x1024xf32, #tpu.memory_space<vmem>>, vector<1x16xf32>,
      %swap3A_715 = vector.shape_cast %swap3A_714 : vector<1x16xf32> to vector<16xf32>
      %swap3A_716 = vector.shape_cast %add3A_711 : vector<16xf32> to vector<1x16xf32>
      tpu.vector_store %arg6[%swap3A_712, %swap3A_713], %swap3A_716 {strides = array<i32>} : memref<32x1024xf32, #tpu.memory_space<vmem>>, vector<1x16xf32>,
      %get3A_717 = arith.index_cast %scan3A_74 : i32 to index
      %get3A_718 = arith.constant 736 : index
      %get3A_719 = tpu.vector_load %arg6[%get3A_717, %get3A_718] {strides = array<i32>} : memref<32x1024xf32, #tpu.memory_space<vmem>>, vector<1x16xf32>,
      %get3A_720 = vector.shape_cast %get3A_719 : vector<1x16xf32> to vector<16xf32>
      %get3A_721 = arith.index_cast %scan3A_74 : i32 to index
      %get3A_722 = arith.constant 736 : index
      %get3A_723 = tpu.vector_load %arg7[%get3A_721, %get3A_722] {strides = array<i32>} : memref<32x1024xf32, #tpu.memory_space<vmem>>, vector<1x16xf32>,
      %get3A_724 = vector.shape_cast %get3A_723 : vector<1x16xf32> to vector<16xf32>
      %add3A_725 = arith.addf %get3A_720, %get3A_724 : vector<16xf32>
      %swap3A_726 = arith.index_cast %scan3A_74 : i32 to index
      %swap3A_727 = arith.constant 736 : index
      %swap3A_728 = tpu.vector_load %arg6[%swap3A_726, %swap3A_727] {strides = array<i32>} : memref<32x1024xf32, #tpu.memory_space<vmem>>, vector<1x16xf32>,
      %swap3A_729 = vector.shape_cast %swap3A_728 : vector<1x16xf32> to vector<16xf32>
      %swap3A_730 = vector.shape_cast %add3A_725 : vector<16xf32> to vector<1x16xf32>
      tpu.vector_store %arg6[%swap3A_726, %swap3A_727], %swap3A_730 {strides = array<i32>} : memref<32x1024xf32, #tpu.memory_space<vmem>>, vector<1x16xf32>,
      %get3A_731 = arith.index_cast %scan3A_74 : i32 to index
      %get3A_732 = arith.constant 752 : index
      %get3A_733 = tpu.vector_load %arg6[%get3A_731, %get3A_732] {strides = array<i32>} : memref<32x1024xf32, #tpu.memory_space<vmem>>, vector<1x16xf32>,
      %get3A_734 = vector.shape_cast %get3A_733 : vector<1x16xf32> to vector<16xf32>
      %get3A_735 = arith.index_cast %scan3A_74 : i32 to index
      %get3A_736 = arith.constant 752 : index
      %get3A_737 = tpu.vector_load %arg7[%get3A_735, %get3A_736] {strides = array<i32>} : memref<32x1024xf32, #tpu.memory_space<vmem>>, vector<1x16xf32>,
      %get3A_738 = vector.shape_cast %get3A_737 : vector<1x16xf32> to vector<16xf32>
      %add3A_739 = arith.addf %get3A_734, %get3A_738 : vector<16xf32>
      %swap3A_740 = arith.index_cast %scan3A_74 : i32 to index
      %swap3A_741 = arith.constant 752 : index
      %swap3A_742 = tpu.vector_load %arg6[%swap3A_740, %swap3A_741] {strides = array<i32>} : memref<32x1024xf32, #tpu.memory_space<vmem>>, vector<1x16xf32>,
      %swap3A_743 = vector.shape_cast %swap3A_742 : vector<1x16xf32> to vector<16xf32>
      %swap3A_744 = vector.shape_cast %add3A_739 : vector<16xf32> to vector<1x16xf32>
      tpu.vector_store %arg6[%swap3A_740, %swap3A_741], %swap3A_744 {strides = array<i32>} : memref<32x1024xf32, #tpu.memory_space<vmem>>, vector<1x16xf32>,
      %get3A_745 = arith.index_cast %scan3A_74 : i32 to index
      %get3A_746 = arith.constant 768 : index
      %get3A_747 = tpu.vector_load %arg6[%get3A_745, %get3A_746] {strides = array<i32>} : memref<32x1024xf32, #tpu.memory_space<vmem>>, vector<1x16xf32>,
      %get3A_748 = vector.shape_cast %get3A_747 : vector<1x16xf32> to vector<16xf32>
      %get3A_749 = arith.index_cast %scan3A_74 : i32 to index
      %get3A_750 = arith.constant 768 : index
      %get3A_751 = tpu.vector_load %arg7[%get3A_749, %get3A_750] {strides = array<i32>} : memref<32x1024xf32, #tpu.memory_space<vmem>>, vector<1x16xf32>,
      %get3A_752 = vector.shape_cast %get3A_751 : vector<1x16xf32> to vector<16xf32>
      %add3A_753 = arith.addf %get3A_748, %get3A_752 : vector<16xf32>
      %swap3A_754 = arith.index_cast %scan3A_74 : i32 to index
      %swap3A_755 = arith.constant 768 : index
      %swap3A_756 = tpu.vector_load %arg6[%swap3A_754, %swap3A_755] {strides = array<i32>} : memref<32x1024xf32, #tpu.memory_space<vmem>>, vector<1x16xf32>,
      %swap3A_757 = vector.shape_cast %swap3A_756 : vector<1x16xf32> to vector<16xf32>
      %swap3A_758 = vector.shape_cast %add3A_753 : vector<16xf32> to vector<1x16xf32>
      tpu.vector_store %arg6[%swap3A_754, %swap3A_755], %swap3A_758 {strides = array<i32>} : memref<32x1024xf32, #tpu.memory_space<vmem>>, vector<1x16xf32>,
      %get3A_759 = arith.index_cast %scan3A_74 : i32 to index
      %get3A_760 = arith.constant 784 : index
      %get3A_761 = tpu.vector_load %arg6[%get3A_759, %get3A_760] {strides = array<i32>} : memref<32x1024xf32, #tpu.memory_space<vmem>>, vector<1x16xf32>,
      %get3A_762 = vector.shape_cast %get3A_761 : vector<1x16xf32> to vector<16xf32>
      %get3A_763 = arith.index_cast %scan3A_74 : i32 to index
      %get3A_764 = arith.constant 784 : index
      %get3A_765 = tpu.vector_load %arg7[%get3A_763, %get3A_764] {strides = array<i32>} : memref<32x1024xf32, #tpu.memory_space<vmem>>, vector<1x16xf32>,
      %get3A_766 = vector.shape_cast %get3A_765 : vector<1x16xf32> to vector<16xf32>
      %add3A_767 = arith.addf %get3A_762, %get3A_766 : vector<16xf32>
      %swap3A_768 = arith.index_cast %scan3A_74 : i32 to index
      %swap3A_769 = arith.constant 784 : index
      %swap3A_770 = tpu.vector_load %arg6[%swap3A_768, %swap3A_769] {strides = array<i32>} : memref<32x1024xf32, #tpu.memory_space<vmem>>, vector<1x16xf32>,
      %swap3A_771 = vector.shape_cast %swap3A_770 : vector<1x16xf32> to vector<16xf32>
      %swap3A_772 = vector.shape_cast %add3A_767 : vector<16xf32> to vector<1x16xf32>
      tpu.vector_store %arg6[%swap3A_768, %swap3A_769], %swap3A_772 {strides = array<i32>} : memref<32x1024xf32, #tpu.memory_space<vmem>>, vector<1x16xf32>,
      %get3A_773 = arith.index_cast %scan3A_74 : i32 to index
      %get3A_774 = arith.constant 800 : index
      %get3A_775 = tpu.vector_load %arg6[%get3A_773, %get3A_774] {strides = array<i32>} : memref<32x1024xf32, #tpu.memory_space<vmem>>, vector<1x16xf32>,
      %get3A_776 = vector.shape_cast %get3A_775 : vector<1x16xf32> to vector<16xf32>
      %get3A_777 = arith.index_cast %scan3A_74 : i32 to index
      %get3A_778 = arith.constant 800 : index
      %get3A_779 = tpu.vector_load %arg7[%get3A_777, %get3A_778] {strides = array<i32>} : memref<32x1024xf32, #tpu.memory_space<vmem>>, vector<1x16xf32>,
      %get3A_780 = vector.shape_cast %get3A_779 : vector<1x16xf32> to vector<16xf32>
      %add3A_781 = arith.addf %get3A_776, %get3A_780 : vector<16xf32>
      %swap3A_782 = arith.index_cast %scan3A_74 : i32 to index
      %swap3A_783 = arith.constant 800 : index
      %swap3A_784 = tpu.vector_load %arg6[%swap3A_782, %swap3A_783] {strides = array<i32>} : memref<32x1024xf32, #tpu.memory_space<vmem>>, vector<1x16xf32>,
      %swap3A_785 = vector.shape_cast %swap3A_784 : vector<1x16xf32> to vector<16xf32>
      %swap3A_786 = vector.shape_cast %add3A_781 : vector<16xf32> to vector<1x16xf32>
      tpu.vector_store %arg6[%swap3A_782, %swap3A_783], %swap3A_786 {strides = array<i32>} : memref<32x1024xf32, #tpu.memory_space<vmem>>, vector<1x16xf32>,
      %get3A_787 = arith.index_cast %scan3A_74 : i32 to index
      %get3A_788 = arith.constant 816 : index
      %get3A_789 = tpu.vector_load %arg6[%get3A_787, %get3A_788] {strides = array<i32>} : memref<32x1024xf32, #tpu.memory_space<vmem>>, vector<1x16xf32>,
      %get3A_790 = vector.shape_cast %get3A_789 : vector<1x16xf32> to vector<16xf32>
      %get3A_791 = arith.index_cast %scan3A_74 : i32 to index
      %get3A_792 = arith.constant 816 : index
      %get3A_793 = tpu.vector_load %arg7[%get3A_791, %get3A_792] {strides = array<i32>} : memref<32x1024xf32, #tpu.memory_space<vmem>>, vector<1x16xf32>,
      %get3A_794 = vector.shape_cast %get3A_793 : vector<1x16xf32> to vector<16xf32>
      %add3A_795 = arith.addf %get3A_790, %get3A_794 : vector<16xf32>
      %swap3A_796 = arith.index_cast %scan3A_74 : i32 to index
      %swap3A_797 = arith.constant 816 : index
      %swap3A_798 = tpu.vector_load %arg6[%swap3A_796, %swap3A_797] {strides = array<i32>} : memref<32x1024xf32, #tpu.memory_space<vmem>>, vector<1x16xf32>,
      %swap3A_799 = vector.shape_cast %swap3A_798 : vector<1x16xf32> to vector<16xf32>
      %swap3A_800 = vector.shape_cast %add3A_795 : vector<16xf32> to vector<1x16xf32>
      tpu.vector_store %arg6[%swap3A_796, %swap3A_797], %swap3A_800 {strides = array<i32>} : memref<32x1024xf32, #tpu.memory_space<vmem>>, vector<1x16xf32>,
      %get3A_801 = arith.index_cast %scan3A_74 : i32 to index
      %get3A_802 = arith.constant 832 : index
      %get3A_803 = tpu.vector_load %arg6[%get3A_801, %get3A_802] {strides = array<i32>} : memref<32x1024xf32, #tpu.memory_space<vmem>>, vector<1x16xf32>,
      %get3A_804 = vector.shape_cast %get3A_803 : vector<1x16xf32> to vector<16xf32>
      %get3A_805 = arith.index_cast %scan3A_74 : i32 to index
      %get3A_806 = arith.constant 832 : index
      %get3A_807 = tpu.vector_load %arg7[%get3A_805, %get3A_806] {strides = array<i32>} : memref<32x1024xf32, #tpu.memory_space<vmem>>, vector<1x16xf32>,
      %get3A_808 = vector.shape_cast %get3A_807 : vector<1x16xf32> to vector<16xf32>
      %add3A_809 = arith.addf %get3A_804, %get3A_808 : vector<16xf32>
      %swap3A_810 = arith.index_cast %scan3A_74 : i32 to index
      %swap3A_811 = arith.constant 832 : index
      %swap3A_812 = tpu.vector_load %arg6[%swap3A_810, %swap3A_811] {strides = array<i32>} : memref<32x1024xf32, #tpu.memory_space<vmem>>, vector<1x16xf32>,
      %swap3A_813 = vector.shape_cast %swap3A_812 : vector<1x16xf32> to vector<16xf32>
      %swap3A_814 = vector.shape_cast %add3A_809 : vector<16xf32> to vector<1x16xf32>
      tpu.vector_store %arg6[%swap3A_810, %swap3A_811], %swap3A_814 {strides = array<i32>} : memref<32x1024xf32, #tpu.memory_space<vmem>>, vector<1x16xf32>,
      %get3A_815 = arith.index_cast %scan3A_74 : i32 to index
      %get3A_816 = arith.constant 848 : index
      %get3A_817 = tpu.vector_load %arg6[%get3A_815, %get3A_816] {strides = array<i32>} : memref<32x1024xf32, #tpu.memory_space<vmem>>, vector<1x16xf32>,
      %get3A_818 = vector.shape_cast %get3A_817 : vector<1x16xf32> to vector<16xf32>
      %get3A_819 = arith.index_cast %scan3A_74 : i32 to index
      %get3A_820 = arith.constant 848 : index
      %get3A_821 = tpu.vector_load %arg7[%get3A_819, %get3A_820] {strides = array<i32>} : memref<32x1024xf32, #tpu.memory_space<vmem>>, vector<1x16xf32>,
      %get3A_822 = vector.shape_cast %get3A_821 : vector<1x16xf32> to vector<16xf32>
      %add3A_823 = arith.addf %get3A_818, %get3A_822 : vector<16xf32>
      %swap3A_824 = arith.index_cast %scan3A_74 : i32 to index
      %swap3A_825 = arith.constant 848 : index
      %swap3A_826 = tpu.vector_load %arg6[%swap3A_824, %swap3A_825] {strides = array<i32>} : memref<32x1024xf32, #tpu.memory_space<vmem>>, vector<1x16xf32>,
      %swap3A_827 = vector.shape_cast %swap3A_826 : vector<1x16xf32> to vector<16xf32>
      %swap3A_828 = vector.shape_cast %add3A_823 : vector<16xf32> to vector<1x16xf32>
      tpu.vector_store %arg6[%swap3A_824, %swap3A_825], %swap3A_828 {strides = array<i32>} : memref<32x1024xf32, #tpu.memory_space<vmem>>, vector<1x16xf32>,
      %get3A_829 = arith.index_cast %scan3A_74 : i32 to index
      %get3A_830 = arith.constant 864 : index
      %get3A_831 = tpu.vector_load %arg6[%get3A_829, %get3A_830] {strides = array<i32>} : memref<32x1024xf32, #tpu.memory_space<vmem>>, vector<1x16xf32>,
      %get3A_832 = vector.shape_cast %get3A_831 : vector<1x16xf32> to vector<16xf32>
      %get3A_833 = arith.index_cast %scan3A_74 : i32 to index
      %get3A_834 = arith.constant 864 : index
      %get3A_835 = tpu.vector_load %arg7[%get3A_833, %get3A_834] {strides = array<i32>} : memref<32x1024xf32, #tpu.memory_space<vmem>>, vector<1x16xf32>,
      %get3A_836 = vector.shape_cast %get3A_835 : vector<1x16xf32> to vector<16xf32>
      %add3A_837 = arith.addf %get3A_832, %get3A_836 : vector<16xf32>
      %swap3A_838 = arith.index_cast %scan3A_74 : i32 to index
      %swap3A_839 = arith.constant 864 : index
      %swap3A_840 = tpu.vector_load %arg6[%swap3A_838, %swap3A_839] {strides = array<i32>} : memref<32x1024xf32, #tpu.memory_space<vmem>>, vector<1x16xf32>,
      %swap3A_841 = vector.shape_cast %swap3A_840 : vector<1x16xf32> to vector<16xf32>
      %swap3A_842 = vector.shape_cast %add3A_837 : vector<16xf32> to vector<1x16xf32>
      tpu.vector_store %arg6[%swap3A_838, %swap3A_839], %swap3A_842 {strides = array<i32>} : memref<32x1024xf32, #tpu.memory_space<vmem>>, vector<1x16xf32>,
      %get3A_843 = arith.index_cast %scan3A_74 : i32 to index
      %get3A_844 = arith.constant 880 : index
      %get3A_845 = tpu.vector_load %arg6[%get3A_843, %get3A_844] {strides = array<i32>} : memref<32x1024xf32, #tpu.memory_space<vmem>>, vector<1x16xf32>,
      %get3A_846 = vector.shape_cast %get3A_845 : vector<1x16xf32> to vector<16xf32>
      %get3A_847 = arith.index_cast %scan3A_74 : i32 to index
      %get3A_848 = arith.constant 880 : index
      %get3A_849 = tpu.vector_load %arg7[%get3A_847, %get3A_848] {strides = array<i32>} : memref<32x1024xf32, #tpu.memory_space<vmem>>, vector<1x16xf32>,
      %get3A_850 = vector.shape_cast %get3A_849 : vector<1x16xf32> to vector<16xf32>
      %add3A_851 = arith.addf %get3A_846, %get3A_850 : vector<16xf32>
      %swap3A_852 = arith.index_cast %scan3A_74 : i32 to index
      %swap3A_853 = arith.constant 880 : index
      %swap3A_854 = tpu.vector_load %arg6[%swap3A_852, %swap3A_853] {strides = array<i32>} : memref<32x1024xf32, #tpu.memory_space<vmem>>, vector<1x16xf32>,
      %swap3A_855 = vector.shape_cast %swap3A_854 : vector<1x16xf32> to vector<16xf32>
      %swap3A_856 = vector.shape_cast %add3A_851 : vector<16xf32> to vector<1x16xf32>
      tpu.vector_store %arg6[%swap3A_852, %swap3A_853], %swap3A_856 {strides = array<i32>} : memref<32x1024xf32, #tpu.memory_space<vmem>>, vector<1x16xf32>,
      %get3A_857 = arith.index_cast %scan3A_74 : i32 to index
      %get3A_858 = arith.constant 896 : index
      %get3A_859 = tpu.vector_load %arg6[%get3A_857, %get3A_858] {strides = array<i32>} : memref<32x1024xf32, #tpu.memory_space<vmem>>, vector<1x16xf32>,
      %get3A_860 = vector.shape_cast %get3A_859 : vector<1x16xf32> to vector<16xf32>
      %get3A_861 = arith.index_cast %scan3A_74 : i32 to index
      %get3A_862 = arith.constant 896 : index
      %get3A_863 = tpu.vector_load %arg7[%get3A_861, %get3A_862] {strides = array<i32>} : memref<32x1024xf32, #tpu.memory_space<vmem>>, vector<1x16xf32>,
      %get3A_864 = vector.shape_cast %get3A_863 : vector<1x16xf32> to vector<16xf32>
      %add3A_865 = arith.addf %get3A_860, %get3A_864 : vector<16xf32>
      %swap3A_866 = arith.index_cast %scan3A_74 : i32 to index
      %swap3A_867 = arith.constant 896 : index
      %swap3A_868 = tpu.vector_load %arg6[%swap3A_866, %swap3A_867] {strides = array<i32>} : memref<32x1024xf32, #tpu.memory_space<vmem>>, vector<1x16xf32>,
      %swap3A_869 = vector.shape_cast %swap3A_868 : vector<1x16xf32> to vector<16xf32>
      %swap3A_870 = vector.shape_cast %add3A_865 : vector<16xf32> to vector<1x16xf32>
      tpu.vector_store %arg6[%swap3A_866, %swap3A_867], %swap3A_870 {strides = array<i32>} : memref<32x1024xf32, #tpu.memory_space<vmem>>, vector<1x16xf32>,
      %get3A_871 = arith.index_cast %scan3A_74 : i32 to index
      %get3A_872 = arith.constant 912 : index
      %get3A_873 = tpu.vector_load %arg6[%get3A_871, %get3A_872] {strides = array<i32>} : memref<32x1024xf32, #tpu.memory_space<vmem>>, vector<1x16xf32>,
      %get3A_874 = vector.shape_cast %get3A_873 : vector<1x16xf32> to vector<16xf32>
      %get3A_875 = arith.index_cast %scan3A_74 : i32 to index
      %get3A_876 = arith.constant 912 : index
      %get3A_877 = tpu.vector_load %arg7[%get3A_875, %get3A_876] {strides = array<i32>} : memref<32x1024xf32, #tpu.memory_space<vmem>>, vector<1x16xf32>,
      %get3A_878 = vector.shape_cast %get3A_877 : vector<1x16xf32> to vector<16xf32>
      %add3A_879 = arith.addf %get3A_874, %get3A_878 : vector<16xf32>
      %swap3A_880 = arith.index_cast %scan3A_74 : i32 to index
      %swap3A_881 = arith.constant 912 : index
      %swap3A_882 = tpu.vector_load %arg6[%swap3A_880, %swap3A_881] {strides = array<i32>} : memref<32x1024xf32, #tpu.memory_space<vmem>>, vector<1x16xf32>,
      %swap3A_883 = vector.shape_cast %swap3A_882 : vector<1x16xf32> to vector<16xf32>
      %swap3A_884 = vector.shape_cast %add3A_879 : vector<16xf32> to vector<1x16xf32>
      tpu.vector_store %arg6[%swap3A_880, %swap3A_881], %swap3A_884 {strides = array<i32>} : memref<32x1024xf32, #tpu.memory_space<vmem>>, vector<1x16xf32>,
      %get3A_885 = arith.index_cast %scan3A_74 : i32 to index
      %get3A_886 = arith.constant 928 : index
      %get3A_887 = tpu.vector_load %arg6[%get3A_885, %get3A_886] {strides = array<i32>} : memref<32x1024xf32, #tpu.memory_space<vmem>>, vector<1x16xf32>,
      %get3A_888 = vector.shape_cast %get3A_887 : vector<1x16xf32> to vector<16xf32>
      %get3A_889 = arith.index_cast %scan3A_74 : i32 to index
      %get3A_890 = arith.constant 928 : index
      %get3A_891 = tpu.vector_load %arg7[%get3A_889, %get3A_890] {strides = array<i32>} : memref<32x1024xf32, #tpu.memory_space<vmem>>, vector<1x16xf32>,
      %get3A_892 = vector.shape_cast %get3A_891 : vector<1x16xf32> to vector<16xf32>
      %add3A_893 = arith.addf %get3A_888, %get3A_892 : vector<16xf32>
      %swap3A_894 = arith.index_cast %scan3A_74 : i32 to index
      %swap3A_895 = arith.constant 928 : index
      %swap3A_896 = tpu.vector_load %arg6[%swap3A_894, %swap3A_895] {strides = array<i32>} : memref<32x1024xf32, #tpu.memory_space<vmem>>, vector<1x16xf32>,
      %swap3A_897 = vector.shape_cast %swap3A_896 : vector<1x16xf32> to vector<16xf32>
      %swap3A_898 = vector.shape_cast %add3A_893 : vector<16xf32> to vector<1x16xf32>
      tpu.vector_store %arg6[%swap3A_894, %swap3A_895], %swap3A_898 {strides = array<i32>} : memref<32x1024xf32, #tpu.memory_space<vmem>>, vector<1x16xf32>,
      %get3A_899 = arith.index_cast %scan3A_74 : i32 to index
      %get3A_900 = arith.constant 944 : index
      %get3A_901 = tpu.vector_load %arg6[%get3A_899, %get3A_900] {strides = array<i32>} : memref<32x1024xf32, #tpu.memory_space<vmem>>, vector<1x16xf32>,
      %get3A_902 = vector.shape_cast %get3A_901 : vector<1x16xf32> to vector<16xf32>
      %get3A_903 = arith.index_cast %scan3A_74 : i32 to index
      %get3A_904 = arith.constant 944 : index
      %get3A_905 = tpu.vector_load %arg7[%get3A_903, %get3A_904] {strides = array<i32>} : memref<32x1024xf32, #tpu.memory_space<vmem>>, vector<1x16xf32>,
      %get3A_906 = vector.shape_cast %get3A_905 : vector<1x16xf32> to vector<16xf32>
      %add3A_907 = arith.addf %get3A_902, %get3A_906 : vector<16xf32>
      %swap3A_908 = arith.index_cast %scan3A_74 : i32 to index
      %swap3A_909 = arith.constant 944 : index
      %swap3A_910 = tpu.vector_load %arg6[%swap3A_908, %swap3A_909] {strides = array<i32>} : memref<32x1024xf32, #tpu.memory_space<vmem>>, vector<1x16xf32>,
      %swap3A_911 = vector.shape_cast %swap3A_910 : vector<1x16xf32> to vector<16xf32>
      %swap3A_912 = vector.shape_cast %add3A_907 : vector<16xf32> to vector<1x16xf32>
      tpu.vector_store %arg6[%swap3A_908, %swap3A_909], %swap3A_912 {strides = array<i32>} : memref<32x1024xf32, #tpu.memory_space<vmem>>, vector<1x16xf32>,
      %get3A_913 = arith.index_cast %scan3A_74 : i32 to index
      %get3A_914 = arith.constant 960 : index
      %get3A_915 = tpu.vector_load %arg6[%get3A_913, %get3A_914] {strides = array<i32>} : memref<32x1024xf32, #tpu.memory_space<vmem>>, vector<1x16xf32>,
      %get3A_916 = vector.shape_cast %get3A_915 : vector<1x16xf32> to vector<16xf32>
      %get3A_917 = arith.index_cast %scan3A_74 : i32 to index
      %get3A_918 = arith.constant 960 : index
      %get3A_919 = tpu.vector_load %arg7[%get3A_917, %get3A_918] {strides = array<i32>} : memref<32x1024xf32, #tpu.memory_space<vmem>>, vector<1x16xf32>,
      %get3A_920 = vector.shape_cast %get3A_919 : vector<1x16xf32> to vector<16xf32>
      %add3A_921 = arith.addf %get3A_916, %get3A_920 : vector<16xf32>
      %swap3A_922 = arith.index_cast %scan3A_74 : i32 to index
      %swap3A_923 = arith.constant 960 : index
      %swap3A_924 = tpu.vector_load %arg6[%swap3A_922, %swap3A_923] {strides = array<i32>} : memref<32x1024xf32, #tpu.memory_space<vmem>>, vector<1x16xf32>,
      %swap3A_925 = vector.shape_cast %swap3A_924 : vector<1x16xf32> to vector<16xf32>
      %swap3A_926 = vector.shape_cast %add3A_921 : vector<16xf32> to vector<1x16xf32>
      tpu.vector_store %arg6[%swap3A_922, %swap3A_923], %swap3A_926 {strides = array<i32>} : memref<32x1024xf32, #tpu.memory_space<vmem>>, vector<1x16xf32>,
      %get3A_927 = arith.index_cast %scan3A_74 : i32 to index
      %get3A_928 = arith.constant 976 : index
      %get3A_929 = tpu.vector_load %arg6[%get3A_927, %get3A_928] {strides = array<i32>} : memref<32x1024xf32, #tpu.memory_space<vmem>>, vector<1x16xf32>,
      %get3A_930 = vector.shape_cast %get3A_929 : vector<1x16xf32> to vector<16xf32>
      %get3A_931 = arith.index_cast %scan3A_74 : i32 to index
      %get3A_932 = arith.constant 976 : index
      %get3A_933 = tpu.vector_load %arg7[%get3A_931, %get3A_932] {strides = array<i32>} : memref<32x1024xf32, #tpu.memory_space<vmem>>, vector<1x16xf32>,
      %get3A_934 = vector.shape_cast %get3A_933 : vector<1x16xf32> to vector<16xf32>
      %add3A_935 = arith.addf %get3A_930, %get3A_934 : vector<16xf32>
      %swap3A_936 = arith.index_cast %scan3A_74 : i32 to index
      %swap3A_937 = arith.constant 976 : index
      %swap3A_938 = tpu.vector_load %arg6[%swap3A_936, %swap3A_937] {strides = array<i32>} : memref<32x1024xf32, #tpu.memory_space<vmem>>, vector<1x16xf32>,
      %swap3A_939 = vector.shape_cast %swap3A_938 : vector<1x16xf32> to vector<16xf32>
      %swap3A_940 = vector.shape_cast %add3A_935 : vector<16xf32> to vector<1x16xf32>
      tpu.vector_store %arg6[%swap3A_936, %swap3A_937], %swap3A_940 {strides = array<i32>} : memref<32x1024xf32, #tpu.memory_space<vmem>>, vector<1x16xf32>,
      %get3A_941 = arith.index_cast %scan3A_74 : i32 to index
      %get3A_942 = arith.constant 992 : index
      %get3A_943 = tpu.vector_load %arg6[%get3A_941, %get3A_942] {strides = array<i32>} : memref<32x1024xf32, #tpu.memory_space<vmem>>, vector<1x16xf32>,
      %get3A_944 = vector.shape_cast %get3A_943 : vector<1x16xf32> to vector<16xf32>
      %get3A_945 = arith.index_cast %scan3A_74 : i32 to index
      %get3A_946 = arith.constant 992 : index
      %get3A_947 = tpu.vector_load %arg7[%get3A_945, %get3A_946] {strides = array<i32>} : memref<32x1024xf32, #tpu.memory_space<vmem>>, vector<1x16xf32>,
      %get3A_948 = vector.shape_cast %get3A_947 : vector<1x16xf32> to vector<16xf32>
      %add3A_949 = arith.addf %get3A_944, %get3A_948 : vector<16xf32>
      %swap3A_950 = arith.index_cast %scan3A_74 : i32 to index
      %swap3A_951 = arith.constant 992 : index
      %swap3A_952 = tpu.vector_load %arg6[%swap3A_950, %swap3A_951] {strides = array<i32>} : memref<32x1024xf32, #tpu.memory_space<vmem>>, vector<1x16xf32>,
      %swap3A_953 = vector.shape_cast %swap3A_952 : vector<1x16xf32> to vector<16xf32>
      %swap3A_954 = vector.shape_cast %add3A_949 : vector<16xf32> to vector<1x16xf32>
      tpu.vector_store %arg6[%swap3A_950, %swap3A_951], %swap3A_954 {strides = array<i32>} : memref<32x1024xf32, #tpu.memory_space<vmem>>, vector<1x16xf32>,
      %get3A_955 = arith.index_cast %scan3A_74 : i32 to index
      %get3A_956 = arith.constant 1008 : index
      %get3A_957 = tpu.vector_load %arg6[%get3A_955, %get3A_956] {strides = array<i32>} : memref<32x1024xf32, #tpu.memory_space<vmem>>, vector<1x16xf32>,
      %get3A_958 = vector.shape_cast %get3A_957 : vector<1x16xf32> to vector<16xf32>
      %get3A_959 = arith.index_cast %scan3A_74 : i32 to index
      %get3A_960 = arith.constant 1008 : index
      %get3A_961 = tpu.vector_load %arg7[%get3A_959, %get3A_960] {strides = array<i32>} : memref<32x1024xf32, #tpu.memory_space<vmem>>, vector<1x16xf32>,
      %get3A_962 = vector.shape_cast %get3A_961 : vector<1x16xf32> to vector<16xf32>
      %add3A_963 = arith.addf %get3A_958, %get3A_962 : vector<16xf32>
      %swap3A_964 = arith.index_cast %scan3A_74 : i32 to index
      %swap3A_965 = arith.constant 1008 : index
      %swap3A_966 = tpu.vector_load %arg6[%swap3A_964, %swap3A_965] {strides = array<i32>} : memref<32x1024xf32, #tpu.memory_space<vmem>>, vector<1x16xf32>,
      %swap3A_967 = vector.shape_cast %swap3A_966 : vector<1x16xf32> to vector<16xf32>
      %swap3A_968 = vector.shape_cast %add3A_963 : vector<16xf32> to vector<1x16xf32>
      tpu.vector_store %arg6[%swap3A_964, %swap3A_965], %swap3A_968 {strides = array<i32>} : memref<32x1024xf32, #tpu.memory_space<vmem>>, vector<1x16xf32>,
    }
    %scan3A_31 = arith.constant 32 : i32
    %mul3A_32 = arith.constant 64 : i32
    %mul3A_33 = arith.muli %add3A, %mul3A_32 : i32
    %add3A_34 = arith.constant 0 : i32
    %add3A_35 = arith.addi %mul3A_33, %add3A_34 : i32
    "tpu.region"() ({
      %run_scoped3A = tpu.sem_alloc : memref<!tpu.dma_semaphore, #tpu.memory_space<semaphore_mem>>
      %dma_start3A_74 = arith.constant 0 : i32
      %dma_start3A_75 = tpu.memref_slice %arg4[%add3A_35, %dma_start3A_74] : memref<2048x1024xf32, #tpu.memory_space<hbm>> -> memref<32x1024xf32, #tpu.memory_space<hbm>>
      %dma_start3A_76 = arith.constant 0 : i32
      %dma_start3A_77 = tpu.memref_slice %arg4[%add3A_35, %dma_start3A_76] : memref<2048x1024xf32, #tpu.memory_space<hbm>> -> memref<32x1024xf32, #tpu.memory_space<hbm>>
      tpu.enqueue_dma source(%arg6 : memref<32x1024xf32, #tpu.memory_space<vmem>>) target(%dma_start3A_77 : memref<32x1024xf32, #tpu.memory_space<hbm>>) target_semaphore(%run_scoped3A : memref<!tpu.dma_semaphore, #tpu.memory_space<semaphore_mem>>)
      %dma_wait3A_78 = arith.constant 0 : i32
      %dma_wait3A_79 = tpu.memref_slice %arg4[%add3A_35, %dma_wait3A_78] : memref<2048x1024xf32, #tpu.memory_space<hbm>> -> memref<32x1024xf32, #tpu.memory_space<hbm>>
      %dma_wait3A_80 = arith.constant 0 : i32
      %dma_wait3A_81 = tpu.memref_slice %arg4[%add3A_35, %dma_wait3A_80] : memref<2048x1024xf32, #tpu.memory_space<hbm>> -> memref<32x1024xf32, #tpu.memory_space<hbm>>
      tpu.wait_dma2 semaphore(%run_scoped3A : memref<!tpu.dma_semaphore, #tpu.memory_space<semaphore_mem>>) src(%arg6 : memref<32x1024xf32, #tpu.memory_space<vmem>>) dst(%dma_wait3A_81 : memref<32x1024xf32, #tpu.memory_space<hbm>>)
      tpu.yield
    }) : () -> ()
    %dma_start3A_36 = arith.constant 0 : i32
    %dma_start3A_37 = arith.constant 32 : i32
    %dma_start3A_38 = tpu.memref_slice %arg5[%dma_start3A_36, %dma_start3A_37] : memref<2x64xi32, #tpu.memory_space<vmem>> -> memref<1x32xi32, #tpu.memory_space<vmem>>
    %dma_start3A_39 = tpu.memref_squeeze %dma_start3A_38 : memref<1x32xi32, #tpu.memory_space<vmem>> -> memref<32xi32, #tpu.memory_space<vmem>>
    %dma_start3A_40 = arith.constant 0 : i32
    %dma_start3A_41 = arith.constant 0 : i32
    %dma_start3A_42 = tpu.memref_slice %arg2[%dma_start3A_40, %dma_start3A_41] : memref<4096x1024xf32, #tpu.memory_space<hbm>> -> memref<4096x1024xf32, #tpu.memory_space<hbm>>
    tpu.enqueue_indirect_dma source(%dma_start3A_42 : memref<4096x1024xf32, #tpu.memory_space<hbm>>) target(%arg6 : memref<32x1024xf32, #tpu.memory_space<vmem>>) offsets(%dma_start3A_39 : memref<32xi32, #tpu.memory_space<vmem>>) semaphore(%arg8 : memref<!tpu.dma_semaphore, #tpu.memory_space<semaphore_mem>>)
    %dma_wait3A_43 = arith.constant 0 : i32
    %dma_wait3A_44 = arith.constant 32 : i32
    %dma_wait3A_45 = tpu.memref_slice %arg5[%dma_wait3A_43, %dma_wait3A_44] : memref<2x64xi32, #tpu.memory_space<vmem>> -> memref<1x32xi32, #tpu.memory_space<vmem>>
    %dma_wait3A_46 = tpu.memref_squeeze %dma_wait3A_45 : memref<1x32xi32, #tpu.memory_space<vmem>> -> memref<32xi32, #tpu.memory_space<vmem>>
    %dma_wait3A_47 = arith.constant 0 : i32
    %dma_wait3A_48 = arith.constant 0 : i32
    %dma_wait3A_49 = tpu.memref_slice %arg2[%dma_wait3A_47, %dma_wait3A_48] : memref<4096x1024xf32, #tpu.memory_space<hbm>> -> memref<4096x1024xf32, #tpu.memory_space<hbm>>
    tpu.wait_indirect_dma semaphore(%arg8 : memref<!tpu.dma_semaphore, #tpu.memory_space<semaphore_mem>>) src(%dma_wait3A_49 : memref<4096x1024xf32, #tpu.memory_space<hbm>>) dst(%arg6 : memref<32x1024xf32, #tpu.memory_space<vmem>>)
    %dma_start3A_50 = arith.constant 1 : i32
    %dma_start3A_51 = arith.constant 32 : i32
    %dma_start3A_52 = tpu.memref_slice %arg5[%dma_start3A_50, %dma_start3A_51] : memref<2x64xi32, #tpu.memory_space<vmem>> -> memref<1x32xi32, #tpu.memory_space<vmem>>
    %dma_start3A_53 = tpu.memref_squeeze %dma_start3A_52 : memref<1x32xi32, #tpu.memory_space<vmem>> -> memref<32xi32, #tpu.memory_space<vmem>>
    %dma_start3A_54 = arith.constant 0 : i32
    %dma_start3A_55 = arith.constant 0 : i32
    %dma_start3A_56 = tpu.memref_slice %arg2[%dma_start3A_54, %dma_start3A_55] : memref<4096x1024xf32, #tpu.memory_space<hbm>> -> memref<4096x1024xf32, #tpu.memory_space<hbm>>
    tpu.enqueue_indirect_dma source(%dma_start3A_56 : memref<4096x1024xf32, #tpu.memory_space<hbm>>) target(%arg7 : memref<32x1024xf32, #tpu.memory_space<vmem>>) offsets(%dma_start3A_53 : memref<32xi32, #tpu.memory_space<vmem>>) semaphore(%arg8 : memref<!tpu.dma_semaphore, #tpu.memory_space<semaphore_mem>>)
    %dma_wait3A_57 = arith.constant 1 : i32
    %dma_wait3A_58 = arith.constant 32 : i32
    %dma_wait3A_59 = tpu.memref_slice %arg5[%dma_wait3A_57, %dma_wait3A_58] : memref<2x64xi32, #tpu.memory_space<vmem>> -> memref<1x32xi32, #tpu.memory_space<vmem>>
    %dma_wait3A_60 = tpu.memref_squeeze %dma_wait3A_59 : memref<1x32xi32, #tpu.memory_space<vmem>> -> memref<32xi32, #tpu.memory_space<vmem>>
    %dma_wait3A_61 = arith.constant 0 : i32
    %dma_wait3A_62 = arith.constant 0 : i32
    %dma_wait3A_63 = tpu.memref_slice %arg2[%dma_wait3A_61, %dma_wait3A_62] : memref<4096x1024xf32, #tpu.memory_space<hbm>> -> memref<4096x1024xf32, #tpu.memory_space<hbm>>
    tpu.wait_indirect_dma semaphore(%arg8 : memref<!tpu.dma_semaphore, #tpu.memory_space<semaphore_mem>>) src(%dma_wait3A_63 : memref<4096x1024xf32, #tpu.memory_space<hbm>>) dst(%arg7 : memref<32x1024xf32, #tpu.memory_space<vmem>>)
    %scan3A_64 = arith.constant 0 : i32
    %scan3A_65 = arith.constant 0 : i32
    %scan3A_66 = arith.constant 32 : i32
    %scan3A_67 = arith.addi %scan3A_65, %scan3A_66 : i32
    %scan3A_68 = arith.constant 1 : i32
    scf.for %scan3A_74 = %scan3A_65 to %scan3A_67 step %scan3A_68  : i32 {
      %get3A = arith.index_cast %scan3A_74 : i32 to index
      %get3A_75 = arith.constant 0 : index
      %get3A_76 = tpu.vector_load %arg6[%get3A, %get3A_75] {strides = array<i32>} : memref<32x1024xf32, #tpu.memory_space<vmem>>, vector<1x16xf32>,
      %get3A_77 = vector.shape_cast %get3A_76 : vector<1x16xf32> to vector<16xf32>
      %get3A_78 = arith.index_cast %scan3A_74 : i32 to index
      %get3A_79 = arith.constant 0 : index
      %get3A_80 = tpu.vector_load %arg7[%get3A_78, %get3A_79] {strides = array<i32>} : memref<32x1024xf32, #tpu.memory_space<vmem>>, vector<1x16xf32>,
      %get3A_81 = vector.shape_cast %get3A_80 : vector<1x16xf32> to vector<16xf32>
      %add3A_82 = arith.addf %get3A_77, %get3A_81 : vector<16xf32>
      %swap3A = arith.index_cast %scan3A_74 : i32 to index
      %swap3A_83 = arith.constant 0 : index
      %swap3A_84 = tpu.vector_load %arg6[%swap3A, %swap3A_83] {strides = array<i32>} : memref<32x1024xf32, #tpu.memory_space<vmem>>, vector<1x16xf32>,
      %swap3A_85 = vector.shape_cast %swap3A_84 : vector<1x16xf32> to vector<16xf32>
      %swap3A_86 = vector.shape_cast %add3A_82 : vector<16xf32> to vector<1x16xf32>
      tpu.vector_store %arg6[%swap3A, %swap3A_83], %swap3A_86 {strides = array<i32>} : memref<32x1024xf32, #tpu.memory_space<vmem>>, vector<1x16xf32>,
      %get3A_87 = arith.index_cast %scan3A_74 : i32 to index
      %get3A_88 = arith.constant 16 : index
      %get3A_89 = tpu.vector_load %arg6[%get3A_87, %get3A_88] {strides = array<i32>} : memref<32x1024xf32, #tpu.memory_space<vmem>>, vector<1x16xf32>,
      %get3A_90 = vector.shape_cast %get3A_89 : vector<1x16xf32> to vector<16xf32>
      %get3A_91 = arith.index_cast %scan3A_74 : i32 to index
      %get3A_92 = arith.constant 16 : index
      %get3A_93 = tpu.vector_load %arg7[%get3A_91, %get3A_92] {strides = array<i32>} : memref<32x1024xf32, #tpu.memory_space<vmem>>, vector<1x16xf32>,
      %get3A_94 = vector.shape_cast %get3A_93 : vector<1x16xf32> to vector<16xf32>
      %add3A_95 = arith.addf %get3A_90, %get3A_94 : vector<16xf32>
      %swap3A_96 = arith.index_cast %scan3A_74 : i32 to index
      %swap3A_97 = arith.constant 16 : index
      %swap3A_98 = tpu.vector_load %arg6[%swap3A_96, %swap3A_97] {strides = array<i32>} : memref<32x1024xf32, #tpu.memory_space<vmem>>, vector<1x16xf32>,
      %swap3A_99 = vector.shape_cast %swap3A_98 : vector<1x16xf32> to vector<16xf32>
      %swap3A_100 = vector.shape_cast %add3A_95 : vector<16xf32> to vector<1x16xf32>
      tpu.vector_store %arg6[%swap3A_96, %swap3A_97], %swap3A_100 {strides = array<i32>} : memref<32x1024xf32, #tpu.memory_space<vmem>>, vector<1x16xf32>,
      %get3A_101 = arith.index_cast %scan3A_74 : i32 to index
      %get3A_102 = arith.constant 32 : index
      %get3A_103 = tpu.vector_load %arg6[%get3A_101, %get3A_102] {strides = array<i32>} : memref<32x1024xf32, #tpu.memory_space<vmem>>, vector<1x16xf32>,
      %get3A_104 = vector.shape_cast %get3A_103 : vector<1x16xf32> to vector<16xf32>
      %get3A_105 = arith.index_cast %scan3A_74 : i32 to index
      %get3A_106 = arith.constant 32 : index
      %get3A_107 = tpu.vector_load %arg7[%get3A_105, %get3A_106] {strides = array<i32>} : memref<32x1024xf32, #tpu.memory_space<vmem>>, vector<1x16xf32>,
      %get3A_108 = vector.shape_cast %get3A_107 : vector<1x16xf32> to vector<16xf32>
      %add3A_109 = arith.addf %get3A_104, %get3A_108 : vector<16xf32>
      %swap3A_110 = arith.index_cast %scan3A_74 : i32 to index
      %swap3A_111 = arith.constant 32 : index
      %swap3A_112 = tpu.vector_load %arg6[%swap3A_110, %swap3A_111] {strides = array<i32>} : memref<32x1024xf32, #tpu.memory_space<vmem>>, vector<1x16xf32>,
      %swap3A_113 = vector.shape_cast %swap3A_112 : vector<1x16xf32> to vector<16xf32>
      %swap3A_114 = vector.shape_cast %add3A_109 : vector<16xf32> to vector<1x16xf32>
      tpu.vector_store %arg6[%swap3A_110, %swap3A_111], %swap3A_114 {strides = array<i32>} : memref<32x1024xf32, #tpu.memory_space<vmem>>, vector<1x16xf32>,
      %get3A_115 = arith.index_cast %scan3A_74 : i32 to index
      %get3A_116 = arith.constant 48 : index
      %get3A_117 = tpu.vector_load %arg6[%get3A_115, %get3A_116] {strides = array<i32>} : memref<32x1024xf32, #tpu.memory_space<vmem>>, vector<1x16xf32>,
      %get3A_118 = vector.shape_cast %get3A_117 : vector<1x16xf32> to vector<16xf32>
      %get3A_119 = arith.index_cast %scan3A_74 : i32 to index
      %get3A_120 = arith.constant 48 : index
      %get3A_121 = tpu.vector_load %arg7[%get3A_119, %get3A_120] {strides = array<i32>} : memref<32x1024xf32, #tpu.memory_space<vmem>>, vector<1x16xf32>,
      %get3A_122 = vector.shape_cast %get3A_121 : vector<1x16xf32> to vector<16xf32>
      %add3A_123 = arith.addf %get3A_118, %get3A_122 : vector<16xf32>
      %swap3A_124 = arith.index_cast %scan3A_74 : i32 to index
      %swap3A_125 = arith.constant 48 : index
      %swap3A_126 = tpu.vector_load %arg6[%swap3A_124, %swap3A_125] {strides = array<i32>} : memref<32x1024xf32, #tpu.memory_space<vmem>>, vector<1x16xf32>,
      %swap3A_127 = vector.shape_cast %swap3A_126 : vector<1x16xf32> to vector<16xf32>
      %swap3A_128 = vector.shape_cast %add3A_123 : vector<16xf32> to vector<1x16xf32>
      tpu.vector_store %arg6[%swap3A_124, %swap3A_125], %swap3A_128 {strides = array<i32>} : memref<32x1024xf32, #tpu.memory_space<vmem>>, vector<1x16xf32>,
      %get3A_129 = arith.index_cast %scan3A_74 : i32 to index
      %get3A_130 = arith.constant 64 : index
      %get3A_131 = tpu.vector_load %arg6[%get3A_129, %get3A_130] {strides = array<i32>} : memref<32x1024xf32, #tpu.memory_space<vmem>>, vector<1x16xf32>,
      %get3A_132 = vector.shape_cast %get3A_131 : vector<1x16xf32> to vector<16xf32>
      %get3A_133 = arith.index_cast %scan3A_74 : i32 to index
      %get3A_134 = arith.constant 64 : index
      %get3A_135 = tpu.vector_load %arg7[%get3A_133, %get3A_134] {strides = array<i32>} : memref<32x1024xf32, #tpu.memory_space<vmem>>, vector<1x16xf32>,
      %get3A_136 = vector.shape_cast %get3A_135 : vector<1x16xf32> to vector<16xf32>
      %add3A_137 = arith.addf %get3A_132, %get3A_136 : vector<16xf32>
      %swap3A_138 = arith.index_cast %scan3A_74 : i32 to index
      %swap3A_139 = arith.constant 64 : index
      %swap3A_140 = tpu.vector_load %arg6[%swap3A_138, %swap3A_139] {strides = array<i32>} : memref<32x1024xf32, #tpu.memory_space<vmem>>, vector<1x16xf32>,
      %swap3A_141 = vector.shape_cast %swap3A_140 : vector<1x16xf32> to vector<16xf32>
      %swap3A_142 = vector.shape_cast %add3A_137 : vector<16xf32> to vector<1x16xf32>
      tpu.vector_store %arg6[%swap3A_138, %swap3A_139], %swap3A_142 {strides = array<i32>} : memref<32x1024xf32, #tpu.memory_space<vmem>>, vector<1x16xf32>,
      %get3A_143 = arith.index_cast %scan3A_74 : i32 to index
      %get3A_144 = arith.constant 80 : index
      %get3A_145 = tpu.vector_load %arg6[%get3A_143, %get3A_144] {strides = array<i32>} : memref<32x1024xf32, #tpu.memory_space<vmem>>, vector<1x16xf32>,
      %get3A_146 = vector.shape_cast %get3A_145 : vector<1x16xf32> to vector<16xf32>
      %get3A_147 = arith.index_cast %scan3A_74 : i32 to index
      %get3A_148 = arith.constant 80 : index
      %get3A_149 = tpu.vector_load %arg7[%get3A_147, %get3A_148] {strides = array<i32>} : memref<32x1024xf32, #tpu.memory_space<vmem>>, vector<1x16xf32>,
      %get3A_150 = vector.shape_cast %get3A_149 : vector<1x16xf32> to vector<16xf32>
      %add3A_151 = arith.addf %get3A_146, %get3A_150 : vector<16xf32>
      %swap3A_152 = arith.index_cast %scan3A_74 : i32 to index
      %swap3A_153 = arith.constant 80 : index
      %swap3A_154 = tpu.vector_load %arg6[%swap3A_152, %swap3A_153] {strides = array<i32>} : memref<32x1024xf32, #tpu.memory_space<vmem>>, vector<1x16xf32>,
      %swap3A_155 = vector.shape_cast %swap3A_154 : vector<1x16xf32> to vector<16xf32>
      %swap3A_156 = vector.shape_cast %add3A_151 : vector<16xf32> to vector<1x16xf32>
      tpu.vector_store %arg6[%swap3A_152, %swap3A_153], %swap3A_156 {strides = array<i32>} : memref<32x1024xf32, #tpu.memory_space<vmem>>, vector<1x16xf32>,
      %get3A_157 = arith.index_cast %scan3A_74 : i32 to index
      %get3A_158 = arith.constant 96 : index
      %get3A_159 = tpu.vector_load %arg6[%get3A_157, %get3A_158] {strides = array<i32>} : memref<32x1024xf32, #tpu.memory_space<vmem>>, vector<1x16xf32>,
      %get3A_160 = vector.shape_cast %get3A_159 : vector<1x16xf32> to vector<16xf32>
      %get3A_161 = arith.index_cast %scan3A_74 : i32 to index
      %get3A_162 = arith.constant 96 : index
      %get3A_163 = tpu.vector_load %arg7[%get3A_161, %get3A_162] {strides = array<i32>} : memref<32x1024xf32, #tpu.memory_space<vmem>>, vector<1x16xf32>,
      %get3A_164 = vector.shape_cast %get3A_163 : vector<1x16xf32> to vector<16xf32>
      %add3A_165 = arith.addf %get3A_160, %get3A_164 : vector<16xf32>
      %swap3A_166 = arith.index_cast %scan3A_74 : i32 to index
      %swap3A_167 = arith.constant 96 : index
      %swap3A_168 = tpu.vector_load %arg6[%swap3A_166, %swap3A_167] {strides = array<i32>} : memref<32x1024xf32, #tpu.memory_space<vmem>>, vector<1x16xf32>,
      %swap3A_169 = vector.shape_cast %swap3A_168 : vector<1x16xf32> to vector<16xf32>
      %swap3A_170 = vector.shape_cast %add3A_165 : vector<16xf32> to vector<1x16xf32>
      tpu.vector_store %arg6[%swap3A_166, %swap3A_167], %swap3A_170 {strides = array<i32>} : memref<32x1024xf32, #tpu.memory_space<vmem>>, vector<1x16xf32>,
      %get3A_171 = arith.index_cast %scan3A_74 : i32 to index
      %get3A_172 = arith.constant 112 : index
      %get3A_173 = tpu.vector_load %arg6[%get3A_171, %get3A_172] {strides = array<i32>} : memref<32x1024xf32, #tpu.memory_space<vmem>>, vector<1x16xf32>,
      %get3A_174 = vector.shape_cast %get3A_173 : vector<1x16xf32> to vector<16xf32>
      %get3A_175 = arith.index_cast %scan3A_74 : i32 to index
      %get3A_176 = arith.constant 112 : index
      %get3A_177 = tpu.vector_load %arg7[%get3A_175, %get3A_176] {strides = array<i32>} : memref<32x1024xf32, #tpu.memory_space<vmem>>, vector<1x16xf32>,
      %get3A_178 = vector.shape_cast %get3A_177 : vector<1x16xf32> to vector<16xf32>
      %add3A_179 = arith.addf %get3A_174, %get3A_178 : vector<16xf32>
      %swap3A_180 = arith.index_cast %scan3A_74 : i32 to index
      %swap3A_181 = arith.constant 112 : index
      %swap3A_182 = tpu.vector_load %arg6[%swap3A_180, %swap3A_181] {strides = array<i32>} : memref<32x1024xf32, #tpu.memory_space<vmem>>, vector<1x16xf32>,
      %swap3A_183 = vector.shape_cast %swap3A_182 : vector<1x16xf32> to vector<16xf32>
      %swap3A_184 = vector.shape_cast %add3A_179 : vector<16xf32> to vector<1x16xf32>
      tpu.vector_store %arg6[%swap3A_180, %swap3A_181], %swap3A_184 {strides = array<i32>} : memref<32x1024xf32, #tpu.memory_space<vmem>>, vector<1x16xf32>,
      %get3A_185 = arith.index_cast %scan3A_74 : i32 to index
      %get3A_186 = arith.constant 128 : index
      %get3A_187 = tpu.vector_load %arg6[%get3A_185, %get3A_186] {strides = array<i32>} : memref<32x1024xf32, #tpu.memory_space<vmem>>, vector<1x16xf32>,
      %get3A_188 = vector.shape_cast %get3A_187 : vector<1x16xf32> to vector<16xf32>
      %get3A_189 = arith.index_cast %scan3A_74 : i32 to index
      %get3A_190 = arith.constant 128 : index
      %get3A_191 = tpu.vector_load %arg7[%get3A_189, %get3A_190] {strides = array<i32>} : memref<32x1024xf32, #tpu.memory_space<vmem>>, vector<1x16xf32>,
      %get3A_192 = vector.shape_cast %get3A_191 : vector<1x16xf32> to vector<16xf32>
      %add3A_193 = arith.addf %get3A_188, %get3A_192 : vector<16xf32>
      %swap3A_194 = arith.index_cast %scan3A_74 : i32 to index
      %swap3A_195 = arith.constant 128 : index
      %swap3A_196 = tpu.vector_load %arg6[%swap3A_194, %swap3A_195] {strides = array<i32>} : memref<32x1024xf32, #tpu.memory_space<vmem>>, vector<1x16xf32>,
      %swap3A_197 = vector.shape_cast %swap3A_196 : vector<1x16xf32> to vector<16xf32>
      %swap3A_198 = vector.shape_cast %add3A_193 : vector<16xf32> to vector<1x16xf32>
      tpu.vector_store %arg6[%swap3A_194, %swap3A_195], %swap3A_198 {strides = array<i32>} : memref<32x1024xf32, #tpu.memory_space<vmem>>, vector<1x16xf32>,
      %get3A_199 = arith.index_cast %scan3A_74 : i32 to index
      %get3A_200 = arith.constant 144 : index
      %get3A_201 = tpu.vector_load %arg6[%get3A_199, %get3A_200] {strides = array<i32>} : memref<32x1024xf32, #tpu.memory_space<vmem>>, vector<1x16xf32>,
      %get3A_202 = vector.shape_cast %get3A_201 : vector<1x16xf32> to vector<16xf32>
      %get3A_203 = arith.index_cast %scan3A_74 : i32 to index
      %get3A_204 = arith.constant 144 : index
      %get3A_205 = tpu.vector_load %arg7[%get3A_203, %get3A_204] {strides = array<i32>} : memref<32x1024xf32, #tpu.memory_space<vmem>>, vector<1x16xf32>,
      %get3A_206 = vector.shape_cast %get3A_205 : vector<1x16xf32> to vector<16xf32>
      %add3A_207 = arith.addf %get3A_202, %get3A_206 : vector<16xf32>
      %swap3A_208 = arith.index_cast %scan3A_74 : i32 to index
      %swap3A_209 = arith.constant 144 : index
      %swap3A_210 = tpu.vector_load %arg6[%swap3A_208, %swap3A_209] {strides = array<i32>} : memref<32x1024xf32, #tpu.memory_space<vmem>>, vector<1x16xf32>,
      %swap3A_211 = vector.shape_cast %swap3A_210 : vector<1x16xf32> to vector<16xf32>
      %swap3A_212 = vector.shape_cast %add3A_207 : vector<16xf32> to vector<1x16xf32>
      tpu.vector_store %arg6[%swap3A_208, %swap3A_209], %swap3A_212 {strides = array<i32>} : memref<32x1024xf32, #tpu.memory_space<vmem>>, vector<1x16xf32>,
      %get3A_213 = arith.index_cast %scan3A_74 : i32 to index
      %get3A_214 = arith.constant 160 : index
      %get3A_215 = tpu.vector_load %arg6[%get3A_213, %get3A_214] {strides = array<i32>} : memref<32x1024xf32, #tpu.memory_space<vmem>>, vector<1x16xf32>,
      %get3A_216 = vector.shape_cast %get3A_215 : vector<1x16xf32> to vector<16xf32>
      %get3A_217 = arith.index_cast %scan3A_74 : i32 to index
      %get3A_218 = arith.constant 160 : index
      %get3A_219 = tpu.vector_load %arg7[%get3A_217, %get3A_218] {strides = array<i32>} : memref<32x1024xf32, #tpu.memory_space<vmem>>, vector<1x16xf32>,
      %get3A_220 = vector.shape_cast %get3A_219 : vector<1x16xf32> to vector<16xf32>
      %add3A_221 = arith.addf %get3A_216, %get3A_220 : vector<16xf32>
      %swap3A_222 = arith.index_cast %scan3A_74 : i32 to index
      %swap3A_223 = arith.constant 160 : index
      %swap3A_224 = tpu.vector_load %arg6[%swap3A_222, %swap3A_223] {strides = array<i32>} : memref<32x1024xf32, #tpu.memory_space<vmem>>, vector<1x16xf32>,
      %swap3A_225 = vector.shape_cast %swap3A_224 : vector<1x16xf32> to vector<16xf32>
      %swap3A_226 = vector.shape_cast %add3A_221 : vector<16xf32> to vector<1x16xf32>
      tpu.vector_store %arg6[%swap3A_222, %swap3A_223], %swap3A_226 {strides = array<i32>} : memref<32x1024xf32, #tpu.memory_space<vmem>>, vector<1x16xf32>,
      %get3A_227 = arith.index_cast %scan3A_74 : i32 to index
      %get3A_228 = arith.constant 176 : index
      %get3A_229 = tpu.vector_load %arg6[%get3A_227, %get3A_228] {strides = array<i32>} : memref<32x1024xf32, #tpu.memory_space<vmem>>, vector<1x16xf32>,
      %get3A_230 = vector.shape_cast %get3A_229 : vector<1x16xf32> to vector<16xf32>
      %get3A_231 = arith.index_cast %scan3A_74 : i32 to index
      %get3A_232 = arith.constant 176 : index
      %get3A_233 = tpu.vector_load %arg7[%get3A_231, %get3A_232] {strides = array<i32>} : memref<32x1024xf32, #tpu.memory_space<vmem>>, vector<1x16xf32>,
      %get3A_234 = vector.shape_cast %get3A_233 : vector<1x16xf32> to vector<16xf32>
      %add3A_235 = arith.addf %get3A_230, %get3A_234 : vector<16xf32>
      %swap3A_236 = arith.index_cast %scan3A_74 : i32 to index
      %swap3A_237 = arith.constant 176 : index
      %swap3A_238 = tpu.vector_load %arg6[%swap3A_236, %swap3A_237] {strides = array<i32>} : memref<32x1024xf32, #tpu.memory_space<vmem>>, vector<1x16xf32>,
      %swap3A_239 = vector.shape_cast %swap3A_238 : vector<1x16xf32> to vector<16xf32>
      %swap3A_240 = vector.shape_cast %add3A_235 : vector<16xf32> to vector<1x16xf32>
      tpu.vector_store %arg6[%swap3A_236, %swap3A_237], %swap3A_240 {strides = array<i32>} : memref<32x1024xf32, #tpu.memory_space<vmem>>, vector<1x16xf32>,
      %get3A_241 = arith.index_cast %scan3A_74 : i32 to index
      %get3A_242 = arith.constant 192 : index
      %get3A_243 = tpu.vector_load %arg6[%get3A_241, %get3A_242] {strides = array<i32>} : memref<32x1024xf32, #tpu.memory_space<vmem>>, vector<1x16xf32>,
      %get3A_244 = vector.shape_cast %get3A_243 : vector<1x16xf32> to vector<16xf32>
      %get3A_245 = arith.index_cast %scan3A_74 : i32 to index
      %get3A_246 = arith.constant 192 : index
      %get3A_247 = tpu.vector_load %arg7[%get3A_245, %get3A_246] {strides = array<i32>} : memref<32x1024xf32, #tpu.memory_space<vmem>>, vector<1x16xf32>,
      %get3A_248 = vector.shape_cast %get3A_247 : vector<1x16xf32> to vector<16xf32>
      %add3A_249 = arith.addf %get3A_244, %get3A_248 : vector<16xf32>
      %swap3A_250 = arith.index_cast %scan3A_74 : i32 to index
      %swap3A_251 = arith.constant 192 : index
      %swap3A_252 = tpu.vector_load %arg6[%swap3A_250, %swap3A_251] {strides = array<i32>} : memref<32x1024xf32, #tpu.memory_space<vmem>>, vector<1x16xf32>,
      %swap3A_253 = vector.shape_cast %swap3A_252 : vector<1x16xf32> to vector<16xf32>
      %swap3A_254 = vector.shape_cast %add3A_249 : vector<16xf32> to vector<1x16xf32>
      tpu.vector_store %arg6[%swap3A_250, %swap3A_251], %swap3A_254 {strides = array<i32>} : memref<32x1024xf32, #tpu.memory_space<vmem>>, vector<1x16xf32>,
      %get3A_255 = arith.index_cast %scan3A_74 : i32 to index
      %get3A_256 = arith.constant 208 : index
      %get3A_257 = tpu.vector_load %arg6[%get3A_255, %get3A_256] {strides = array<i32>} : memref<32x1024xf32, #tpu.memory_space<vmem>>, vector<1x16xf32>,
      %get3A_258 = vector.shape_cast %get3A_257 : vector<1x16xf32> to vector<16xf32>
      %get3A_259 = arith.index_cast %scan3A_74 : i32 to index
      %get3A_260 = arith.constant 208 : index
      %get3A_261 = tpu.vector_load %arg7[%get3A_259, %get3A_260] {strides = array<i32>} : memref<32x1024xf32, #tpu.memory_space<vmem>>, vector<1x16xf32>,
      %get3A_262 = vector.shape_cast %get3A_261 : vector<1x16xf32> to vector<16xf32>
      %add3A_263 = arith.addf %get3A_258, %get3A_262 : vector<16xf32>
      %swap3A_264 = arith.index_cast %scan3A_74 : i32 to index
      %swap3A_265 = arith.constant 208 : index
      %swap3A_266 = tpu.vector_load %arg6[%swap3A_264, %swap3A_265] {strides = array<i32>} : memref<32x1024xf32, #tpu.memory_space<vmem>>, vector<1x16xf32>,
      %swap3A_267 = vector.shape_cast %swap3A_266 : vector<1x16xf32> to vector<16xf32>
      %swap3A_268 = vector.shape_cast %add3A_263 : vector<16xf32> to vector<1x16xf32>
      tpu.vector_store %arg6[%swap3A_264, %swap3A_265], %swap3A_268 {strides = array<i32>} : memref<32x1024xf32, #tpu.memory_space<vmem>>, vector<1x16xf32>,
      %get3A_269 = arith.index_cast %scan3A_74 : i32 to index
      %get3A_270 = arith.constant 224 : index
      %get3A_271 = tpu.vector_load %arg6[%get3A_269, %get3A_270] {strides = array<i32>} : memref<32x1024xf32, #tpu.memory_space<vmem>>, vector<1x16xf32>,
      %get3A_272 = vector.shape_cast %get3A_271 : vector<1x16xf32> to vector<16xf32>
      %get3A_273 = arith.index_cast %scan3A_74 : i32 to index
      %get3A_274 = arith.constant 224 : index
      %get3A_275 = tpu.vector_load %arg7[%get3A_273, %get3A_274] {strides = array<i32>} : memref<32x1024xf32, #tpu.memory_space<vmem>>, vector<1x16xf32>,
      %get3A_276 = vector.shape_cast %get3A_275 : vector<1x16xf32> to vector<16xf32>
      %add3A_277 = arith.addf %get3A_272, %get3A_276 : vector<16xf32>
      %swap3A_278 = arith.index_cast %scan3A_74 : i32 to index
      %swap3A_279 = arith.constant 224 : index
      %swap3A_280 = tpu.vector_load %arg6[%swap3A_278, %swap3A_279] {strides = array<i32>} : memref<32x1024xf32, #tpu.memory_space<vmem>>, vector<1x16xf32>,
      %swap3A_281 = vector.shape_cast %swap3A_280 : vector<1x16xf32> to vector<16xf32>
      %swap3A_282 = vector.shape_cast %add3A_277 : vector<16xf32> to vector<1x16xf32>
      tpu.vector_store %arg6[%swap3A_278, %swap3A_279], %swap3A_282 {strides = array<i32>} : memref<32x1024xf32, #tpu.memory_space<vmem>>, vector<1x16xf32>,
      %get3A_283 = arith.index_cast %scan3A_74 : i32 to index
      %get3A_284 = arith.constant 240 : index
      %get3A_285 = tpu.vector_load %arg6[%get3A_283, %get3A_284] {strides = array<i32>} : memref<32x1024xf32, #tpu.memory_space<vmem>>, vector<1x16xf32>,
      %get3A_286 = vector.shape_cast %get3A_285 : vector<1x16xf32> to vector<16xf32>
      %get3A_287 = arith.index_cast %scan3A_74 : i32 to index
      %get3A_288 = arith.constant 240 : index
      %get3A_289 = tpu.vector_load %arg7[%get3A_287, %get3A_288] {strides = array<i32>} : memref<32x1024xf32, #tpu.memory_space<vmem>>, vector<1x16xf32>,
      %get3A_290 = vector.shape_cast %get3A_289 : vector<1x16xf32> to vector<16xf32>
      %add3A_291 = arith.addf %get3A_286, %get3A_290 : vector<16xf32>
      %swap3A_292 = arith.index_cast %scan3A_74 : i32 to index
      %swap3A_293 = arith.constant 240 : index
      %swap3A_294 = tpu.vector_load %arg6[%swap3A_292, %swap3A_293] {strides = array<i32>} : memref<32x1024xf32, #tpu.memory_space<vmem>>, vector<1x16xf32>,
      %swap3A_295 = vector.shape_cast %swap3A_294 : vector<1x16xf32> to vector<16xf32>
      %swap3A_296 = vector.shape_cast %add3A_291 : vector<16xf32> to vector<1x16xf32>
      tpu.vector_store %arg6[%swap3A_292, %swap3A_293], %swap3A_296 {strides = array<i32>} : memref<32x1024xf32, #tpu.memory_space<vmem>>, vector<1x16xf32>,
      %get3A_297 = arith.index_cast %scan3A_74 : i32 to index
      %get3A_298 = arith.constant 256 : index
      %get3A_299 = tpu.vector_load %arg6[%get3A_297, %get3A_298] {strides = array<i32>} : memref<32x1024xf32, #tpu.memory_space<vmem>>, vector<1x16xf32>,
      %get3A_300 = vector.shape_cast %get3A_299 : vector<1x16xf32> to vector<16xf32>
      %get3A_301 = arith.index_cast %scan3A_74 : i32 to index
      %get3A_302 = arith.constant 256 : index
      %get3A_303 = tpu.vector_load %arg7[%get3A_301, %get3A_302] {strides = array<i32>} : memref<32x1024xf32, #tpu.memory_space<vmem>>, vector<1x16xf32>,
      %get3A_304 = vector.shape_cast %get3A_303 : vector<1x16xf32> to vector<16xf32>
      %add3A_305 = arith.addf %get3A_300, %get3A_304 : vector<16xf32>
      %swap3A_306 = arith.index_cast %scan3A_74 : i32 to index
      %swap3A_307 = arith.constant 256 : index
      %swap3A_308 = tpu.vector_load %arg6[%swap3A_306, %swap3A_307] {strides = array<i32>} : memref<32x1024xf32, #tpu.memory_space<vmem>>, vector<1x16xf32>,
      %swap3A_309 = vector.shape_cast %swap3A_308 : vector<1x16xf32> to vector<16xf32>
      %swap3A_310 = vector.shape_cast %add3A_305 : vector<16xf32> to vector<1x16xf32>
      tpu.vector_store %arg6[%swap3A_306, %swap3A_307], %swap3A_310 {strides = array<i32>} : memref<32x1024xf32, #tpu.memory_space<vmem>>, vector<1x16xf32>,
      %get3A_311 = arith.index_cast %scan3A_74 : i32 to index
      %get3A_312 = arith.constant 272 : index
      %get3A_313 = tpu.vector_load %arg6[%get3A_311, %get3A_312] {strides = array<i32>} : memref<32x1024xf32, #tpu.memory_space<vmem>>, vector<1x16xf32>,
      %get3A_314 = vector.shape_cast %get3A_313 : vector<1x16xf32> to vector<16xf32>
      %get3A_315 = arith.index_cast %scan3A_74 : i32 to index
      %get3A_316 = arith.constant 272 : index
      %get3A_317 = tpu.vector_load %arg7[%get3A_315, %get3A_316] {strides = array<i32>} : memref<32x1024xf32, #tpu.memory_space<vmem>>, vector<1x16xf32>,
      %get3A_318 = vector.shape_cast %get3A_317 : vector<1x16xf32> to vector<16xf32>
      %add3A_319 = arith.addf %get3A_314, %get3A_318 : vector<16xf32>
      %swap3A_320 = arith.index_cast %scan3A_74 : i32 to index
      %swap3A_321 = arith.constant 272 : index
      %swap3A_322 = tpu.vector_load %arg6[%swap3A_320, %swap3A_321] {strides = array<i32>} : memref<32x1024xf32, #tpu.memory_space<vmem>>, vector<1x16xf32>,
      %swap3A_323 = vector.shape_cast %swap3A_322 : vector<1x16xf32> to vector<16xf32>
      %swap3A_324 = vector.shape_cast %add3A_319 : vector<16xf32> to vector<1x16xf32>
      tpu.vector_store %arg6[%swap3A_320, %swap3A_321], %swap3A_324 {strides = array<i32>} : memref<32x1024xf32, #tpu.memory_space<vmem>>, vector<1x16xf32>,
      %get3A_325 = arith.index_cast %scan3A_74 : i32 to index
      %get3A_326 = arith.constant 288 : index
      %get3A_327 = tpu.vector_load %arg6[%get3A_325, %get3A_326] {strides = array<i32>} : memref<32x1024xf32, #tpu.memory_space<vmem>>, vector<1x16xf32>,
      %get3A_328 = vector.shape_cast %get3A_327 : vector<1x16xf32> to vector<16xf32>
      %get3A_329 = arith.index_cast %scan3A_74 : i32 to index
      %get3A_330 = arith.constant 288 : index
      %get3A_331 = tpu.vector_load %arg7[%get3A_329, %get3A_330] {strides = array<i32>} : memref<32x1024xf32, #tpu.memory_space<vmem>>, vector<1x16xf32>,
      %get3A_332 = vector.shape_cast %get3A_331 : vector<1x16xf32> to vector<16xf32>
      %add3A_333 = arith.addf %get3A_328, %get3A_332 : vector<16xf32>
      %swap3A_334 = arith.index_cast %scan3A_74 : i32 to index
      %swap3A_335 = arith.constant 288 : index
      %swap3A_336 = tpu.vector_load %arg6[%swap3A_334, %swap3A_335] {strides = array<i32>} : memref<32x1024xf32, #tpu.memory_space<vmem>>, vector<1x16xf32>,
      %swap3A_337 = vector.shape_cast %swap3A_336 : vector<1x16xf32> to vector<16xf32>
      %swap3A_338 = vector.shape_cast %add3A_333 : vector<16xf32> to vector<1x16xf32>
      tpu.vector_store %arg6[%swap3A_334, %swap3A_335], %swap3A_338 {strides = array<i32>} : memref<32x1024xf32, #tpu.memory_space<vmem>>, vector<1x16xf32>,
      %get3A_339 = arith.index_cast %scan3A_74 : i32 to index
      %get3A_340 = arith.constant 304 : index
      %get3A_341 = tpu.vector_load %arg6[%get3A_339, %get3A_340] {strides = array<i32>} : memref<32x1024xf32, #tpu.memory_space<vmem>>, vector<1x16xf32>,
      %get3A_342 = vector.shape_cast %get3A_341 : vector<1x16xf32> to vector<16xf32>
      %get3A_343 = arith.index_cast %scan3A_74 : i32 to index
      %get3A_344 = arith.constant 304 : index
      %get3A_345 = tpu.vector_load %arg7[%get3A_343, %get3A_344] {strides = array<i32>} : memref<32x1024xf32, #tpu.memory_space<vmem>>, vector<1x16xf32>,
      %get3A_346 = vector.shape_cast %get3A_345 : vector<1x16xf32> to vector<16xf32>
      %add3A_347 = arith.addf %get3A_342, %get3A_346 : vector<16xf32>
      %swap3A_348 = arith.index_cast %scan3A_74 : i32 to index
      %swap3A_349 = arith.constant 304 : index
      %swap3A_350 = tpu.vector_load %arg6[%swap3A_348, %swap3A_349] {strides = array<i32>} : memref<32x1024xf32, #tpu.memory_space<vmem>>, vector<1x16xf32>,
      %swap3A_351 = vector.shape_cast %swap3A_350 : vector<1x16xf32> to vector<16xf32>
      %swap3A_352 = vector.shape_cast %add3A_347 : vector<16xf32> to vector<1x16xf32>
      tpu.vector_store %arg6[%swap3A_348, %swap3A_349], %swap3A_352 {strides = array<i32>} : memref<32x1024xf32, #tpu.memory_space<vmem>>, vector<1x16xf32>,
      %get3A_353 = arith.index_cast %scan3A_74 : i32 to index
      %get3A_354 = arith.constant 320 : index
      %get3A_355 = tpu.vector_load %arg6[%get3A_353, %get3A_354] {strides = array<i32>} : memref<32x1024xf32, #tpu.memory_space<vmem>>, vector<1x16xf32>,
      %get3A_356 = vector.shape_cast %get3A_355 : vector<1x16xf32> to vector<16xf32>
      %get3A_357 = arith.index_cast %scan3A_74 : i32 to index
      %get3A_358 = arith.constant 320 : index
      %get3A_359 = tpu.vector_load %arg7[%get3A_357, %get3A_358] {strides = array<i32>} : memref<32x1024xf32, #tpu.memory_space<vmem>>, vector<1x16xf32>,
      %get3A_360 = vector.shape_cast %get3A_359 : vector<1x16xf32> to vector<16xf32>
      %add3A_361 = arith.addf %get3A_356, %get3A_360 : vector<16xf32>
      %swap3A_362 = arith.index_cast %scan3A_74 : i32 to index
      %swap3A_363 = arith.constant 320 : index
      %swap3A_364 = tpu.vector_load %arg6[%swap3A_362, %swap3A_363] {strides = array<i32>} : memref<32x1024xf32, #tpu.memory_space<vmem>>, vector<1x16xf32>,
      %swap3A_365 = vector.shape_cast %swap3A_364 : vector<1x16xf32> to vector<16xf32>
      %swap3A_366 = vector.shape_cast %add3A_361 : vector<16xf32> to vector<1x16xf32>
      tpu.vector_store %arg6[%swap3A_362, %swap3A_363], %swap3A_366 {strides = array<i32>} : memref<32x1024xf32, #tpu.memory_space<vmem>>, vector<1x16xf32>,
      %get3A_367 = arith.index_cast %scan3A_74 : i32 to index
      %get3A_368 = arith.constant 336 : index
      %get3A_369 = tpu.vector_load %arg6[%get3A_367, %get3A_368] {strides = array<i32>} : memref<32x1024xf32, #tpu.memory_space<vmem>>, vector<1x16xf32>,
      %get3A_370 = vector.shape_cast %get3A_369 : vector<1x16xf32> to vector<16xf32>
      %get3A_371 = arith.index_cast %scan3A_74 : i32 to index
      %get3A_372 = arith.constant 336 : index
      %get3A_373 = tpu.vector_load %arg7[%get3A_371, %get3A_372] {strides = array<i32>} : memref<32x1024xf32, #tpu.memory_space<vmem>>, vector<1x16xf32>,
      %get3A_374 = vector.shape_cast %get3A_373 : vector<1x16xf32> to vector<16xf32>
      %add3A_375 = arith.addf %get3A_370, %get3A_374 : vector<16xf32>
      %swap3A_376 = arith.index_cast %scan3A_74 : i32 to index
      %swap3A_377 = arith.constant 336 : index
      %swap3A_378 = tpu.vector_load %arg6[%swap3A_376, %swap3A_377] {strides = array<i32>} : memref<32x1024xf32, #tpu.memory_space<vmem>>, vector<1x16xf32>,
      %swap3A_379 = vector.shape_cast %swap3A_378 : vector<1x16xf32> to vector<16xf32>
      %swap3A_380 = vector.shape_cast %add3A_375 : vector<16xf32> to vector<1x16xf32>
      tpu.vector_store %arg6[%swap3A_376, %swap3A_377], %swap3A_380 {strides = array<i32>} : memref<32x1024xf32, #tpu.memory_space<vmem>>, vector<1x16xf32>,
      %get3A_381 = arith.index_cast %scan3A_74 : i32 to index
      %get3A_382 = arith.constant 352 : index
      %get3A_383 = tpu.vector_load %arg6[%get3A_381, %get3A_382] {strides = array<i32>} : memref<32x1024xf32, #tpu.memory_space<vmem>>, vector<1x16xf32>,
      %get3A_384 = vector.shape_cast %get3A_383 : vector<1x16xf32> to vector<16xf32>
      %get3A_385 = arith.index_cast %scan3A_74 : i32 to index
      %get3A_386 = arith.constant 352 : index
      %get3A_387 = tpu.vector_load %arg7[%get3A_385, %get3A_386] {strides = array<i32>} : memref<32x1024xf32, #tpu.memory_space<vmem>>, vector<1x16xf32>,
      %get3A_388 = vector.shape_cast %get3A_387 : vector<1x16xf32> to vector<16xf32>
      %add3A_389 = arith.addf %get3A_384, %get3A_388 : vector<16xf32>
      %swap3A_390 = arith.index_cast %scan3A_74 : i32 to index
      %swap3A_391 = arith.constant 352 : index
      %swap3A_392 = tpu.vector_load %arg6[%swap3A_390, %swap3A_391] {strides = array<i32>} : memref<32x1024xf32, #tpu.memory_space<vmem>>, vector<1x16xf32>,
      %swap3A_393 = vector.shape_cast %swap3A_392 : vector<1x16xf32> to vector<16xf32>
      %swap3A_394 = vector.shape_cast %add3A_389 : vector<16xf32> to vector<1x16xf32>
      tpu.vector_store %arg6[%swap3A_390, %swap3A_391], %swap3A_394 {strides = array<i32>} : memref<32x1024xf32, #tpu.memory_space<vmem>>, vector<1x16xf32>,
      %get3A_395 = arith.index_cast %scan3A_74 : i32 to index
      %get3A_396 = arith.constant 368 : index
      %get3A_397 = tpu.vector_load %arg6[%get3A_395, %get3A_396] {strides = array<i32>} : memref<32x1024xf32, #tpu.memory_space<vmem>>, vector<1x16xf32>,
      %get3A_398 = vector.shape_cast %get3A_397 : vector<1x16xf32> to vector<16xf32>
      %get3A_399 = arith.index_cast %scan3A_74 : i32 to index
      %get3A_400 = arith.constant 368 : index
      %get3A_401 = tpu.vector_load %arg7[%get3A_399, %get3A_400] {strides = array<i32>} : memref<32x1024xf32, #tpu.memory_space<vmem>>, vector<1x16xf32>,
      %get3A_402 = vector.shape_cast %get3A_401 : vector<1x16xf32> to vector<16xf32>
      %add3A_403 = arith.addf %get3A_398, %get3A_402 : vector<16xf32>
      %swap3A_404 = arith.index_cast %scan3A_74 : i32 to index
      %swap3A_405 = arith.constant 368 : index
      %swap3A_406 = tpu.vector_load %arg6[%swap3A_404, %swap3A_405] {strides = array<i32>} : memref<32x1024xf32, #tpu.memory_space<vmem>>, vector<1x16xf32>,
      %swap3A_407 = vector.shape_cast %swap3A_406 : vector<1x16xf32> to vector<16xf32>
      %swap3A_408 = vector.shape_cast %add3A_403 : vector<16xf32> to vector<1x16xf32>
      tpu.vector_store %arg6[%swap3A_404, %swap3A_405], %swap3A_408 {strides = array<i32>} : memref<32x1024xf32, #tpu.memory_space<vmem>>, vector<1x16xf32>,
      %get3A_409 = arith.index_cast %scan3A_74 : i32 to index
      %get3A_410 = arith.constant 384 : index
      %get3A_411 = tpu.vector_load %arg6[%get3A_409, %get3A_410] {strides = array<i32>} : memref<32x1024xf32, #tpu.memory_space<vmem>>, vector<1x16xf32>,
      %get3A_412 = vector.shape_cast %get3A_411 : vector<1x16xf32> to vector<16xf32>
      %get3A_413 = arith.index_cast %scan3A_74 : i32 to index
      %get3A_414 = arith.constant 384 : index
      %get3A_415 = tpu.vector_load %arg7[%get3A_413, %get3A_414] {strides = array<i32>} : memref<32x1024xf32, #tpu.memory_space<vmem>>, vector<1x16xf32>,
      %get3A_416 = vector.shape_cast %get3A_415 : vector<1x16xf32> to vector<16xf32>
      %add3A_417 = arith.addf %get3A_412, %get3A_416 : vector<16xf32>
      %swap3A_418 = arith.index_cast %scan3A_74 : i32 to index
      %swap3A_419 = arith.constant 384 : index
      %swap3A_420 = tpu.vector_load %arg6[%swap3A_418, %swap3A_419] {strides = array<i32>} : memref<32x1024xf32, #tpu.memory_space<vmem>>, vector<1x16xf32>,
      %swap3A_421 = vector.shape_cast %swap3A_420 : vector<1x16xf32> to vector<16xf32>
      %swap3A_422 = vector.shape_cast %add3A_417 : vector<16xf32> to vector<1x16xf32>
      tpu.vector_store %arg6[%swap3A_418, %swap3A_419], %swap3A_422 {strides = array<i32>} : memref<32x1024xf32, #tpu.memory_space<vmem>>, vector<1x16xf32>,
      %get3A_423 = arith.index_cast %scan3A_74 : i32 to index
      %get3A_424 = arith.constant 400 : index
      %get3A_425 = tpu.vector_load %arg6[%get3A_423, %get3A_424] {strides = array<i32>} : memref<32x1024xf32, #tpu.memory_space<vmem>>, vector<1x16xf32>,
      %get3A_426 = vector.shape_cast %get3A_425 : vector<1x16xf32> to vector<16xf32>
      %get3A_427 = arith.index_cast %scan3A_74 : i32 to index
      %get3A_428 = arith.constant 400 : index
      %get3A_429 = tpu.vector_load %arg7[%get3A_427, %get3A_428] {strides = array<i32>} : memref<32x1024xf32, #tpu.memory_space<vmem>>, vector<1x16xf32>,
      %get3A_430 = vector.shape_cast %get3A_429 : vector<1x16xf32> to vector<16xf32>
      %add3A_431 = arith.addf %get3A_426, %get3A_430 : vector<16xf32>
      %swap3A_432 = arith.index_cast %scan3A_74 : i32 to index
      %swap3A_433 = arith.constant 400 : index
      %swap3A_434 = tpu.vector_load %arg6[%swap3A_432, %swap3A_433] {strides = array<i32>} : memref<32x1024xf32, #tpu.memory_space<vmem>>, vector<1x16xf32>,
      %swap3A_435 = vector.shape_cast %swap3A_434 : vector<1x16xf32> to vector<16xf32>
      %swap3A_436 = vector.shape_cast %add3A_431 : vector<16xf32> to vector<1x16xf32>
      tpu.vector_store %arg6[%swap3A_432, %swap3A_433], %swap3A_436 {strides = array<i32>} : memref<32x1024xf32, #tpu.memory_space<vmem>>, vector<1x16xf32>,
      %get3A_437 = arith.index_cast %scan3A_74 : i32 to index
      %get3A_438 = arith.constant 416 : index
      %get3A_439 = tpu.vector_load %arg6[%get3A_437, %get3A_438] {strides = array<i32>} : memref<32x1024xf32, #tpu.memory_space<vmem>>, vector<1x16xf32>,
      %get3A_440 = vector.shape_cast %get3A_439 : vector<1x16xf32> to vector<16xf32>
      %get3A_441 = arith.index_cast %scan3A_74 : i32 to index
      %get3A_442 = arith.constant 416 : index
      %get3A_443 = tpu.vector_load %arg7[%get3A_441, %get3A_442] {strides = array<i32>} : memref<32x1024xf32, #tpu.memory_space<vmem>>, vector<1x16xf32>,
      %get3A_444 = vector.shape_cast %get3A_443 : vector<1x16xf32> to vector<16xf32>
      %add3A_445 = arith.addf %get3A_440, %get3A_444 : vector<16xf32>
      %swap3A_446 = arith.index_cast %scan3A_74 : i32 to index
      %swap3A_447 = arith.constant 416 : index
      %swap3A_448 = tpu.vector_load %arg6[%swap3A_446, %swap3A_447] {strides = array<i32>} : memref<32x1024xf32, #tpu.memory_space<vmem>>, vector<1x16xf32>,
      %swap3A_449 = vector.shape_cast %swap3A_448 : vector<1x16xf32> to vector<16xf32>
      %swap3A_450 = vector.shape_cast %add3A_445 : vector<16xf32> to vector<1x16xf32>
      tpu.vector_store %arg6[%swap3A_446, %swap3A_447], %swap3A_450 {strides = array<i32>} : memref<32x1024xf32, #tpu.memory_space<vmem>>, vector<1x16xf32>,
      %get3A_451 = arith.index_cast %scan3A_74 : i32 to index
      %get3A_452 = arith.constant 432 : index
      %get3A_453 = tpu.vector_load %arg6[%get3A_451, %get3A_452] {strides = array<i32>} : memref<32x1024xf32, #tpu.memory_space<vmem>>, vector<1x16xf32>,
      %get3A_454 = vector.shape_cast %get3A_453 : vector<1x16xf32> to vector<16xf32>
      %get3A_455 = arith.index_cast %scan3A_74 : i32 to index
      %get3A_456 = arith.constant 432 : index
      %get3A_457 = tpu.vector_load %arg7[%get3A_455, %get3A_456] {strides = array<i32>} : memref<32x1024xf32, #tpu.memory_space<vmem>>, vector<1x16xf32>,
      %get3A_458 = vector.shape_cast %get3A_457 : vector<1x16xf32> to vector<16xf32>
      %add3A_459 = arith.addf %get3A_454, %get3A_458 : vector<16xf32>
      %swap3A_460 = arith.index_cast %scan3A_74 : i32 to index
      %swap3A_461 = arith.constant 432 : index
      %swap3A_462 = tpu.vector_load %arg6[%swap3A_460, %swap3A_461] {strides = array<i32>} : memref<32x1024xf32, #tpu.memory_space<vmem>>, vector<1x16xf32>,
      %swap3A_463 = vector.shape_cast %swap3A_462 : vector<1x16xf32> to vector<16xf32>
      %swap3A_464 = vector.shape_cast %add3A_459 : vector<16xf32> to vector<1x16xf32>
      tpu.vector_store %arg6[%swap3A_460, %swap3A_461], %swap3A_464 {strides = array<i32>} : memref<32x1024xf32, #tpu.memory_space<vmem>>, vector<1x16xf32>,
      %get3A_465 = arith.index_cast %scan3A_74 : i32 to index
      %get3A_466 = arith.constant 448 : index
      %get3A_467 = tpu.vector_load %arg6[%get3A_465, %get3A_466] {strides = array<i32>} : memref<32x1024xf32, #tpu.memory_space<vmem>>, vector<1x16xf32>,
      %get3A_468 = vector.shape_cast %get3A_467 : vector<1x16xf32> to vector<16xf32>
      %get3A_469 = arith.index_cast %scan3A_74 : i32 to index
      %get3A_470 = arith.constant 448 : index
      %get3A_471 = tpu.vector_load %arg7[%get3A_469, %get3A_470] {strides = array<i32>} : memref<32x1024xf32, #tpu.memory_space<vmem>>, vector<1x16xf32>,
      %get3A_472 = vector.shape_cast %get3A_471 : vector<1x16xf32> to vector<16xf32>
      %add3A_473 = arith.addf %get3A_468, %get3A_472 : vector<16xf32>
      %swap3A_474 = arith.index_cast %scan3A_74 : i32 to index
      %swap3A_475 = arith.constant 448 : index
      %swap3A_476 = tpu.vector_load %arg6[%swap3A_474, %swap3A_475] {strides = array<i32>} : memref<32x1024xf32, #tpu.memory_space<vmem>>, vector<1x16xf32>,
      %swap3A_477 = vector.shape_cast %swap3A_476 : vector<1x16xf32> to vector<16xf32>
      %swap3A_478 = vector.shape_cast %add3A_473 : vector<16xf32> to vector<1x16xf32>
      tpu.vector_store %arg6[%swap3A_474, %swap3A_475], %swap3A_478 {strides = array<i32>} : memref<32x1024xf32, #tpu.memory_space<vmem>>, vector<1x16xf32>,
      %get3A_479 = arith.index_cast %scan3A_74 : i32 to index
      %get3A_480 = arith.constant 464 : index
      %get3A_481 = tpu.vector_load %arg6[%get3A_479, %get3A_480] {strides = array<i32>} : memref<32x1024xf32, #tpu.memory_space<vmem>>, vector<1x16xf32>,
      %get3A_482 = vector.shape_cast %get3A_481 : vector<1x16xf32> to vector<16xf32>
      %get3A_483 = arith.index_cast %scan3A_74 : i32 to index
      %get3A_484 = arith.constant 464 : index
      %get3A_485 = tpu.vector_load %arg7[%get3A_483, %get3A_484] {strides = array<i32>} : memref<32x1024xf32, #tpu.memory_space<vmem>>, vector<1x16xf32>,
      %get3A_486 = vector.shape_cast %get3A_485 : vector<1x16xf32> to vector<16xf32>
      %add3A_487 = arith.addf %get3A_482, %get3A_486 : vector<16xf32>
      %swap3A_488 = arith.index_cast %scan3A_74 : i32 to index
      %swap3A_489 = arith.constant 464 : index
      %swap3A_490 = tpu.vector_load %arg6[%swap3A_488, %swap3A_489] {strides = array<i32>} : memref<32x1024xf32, #tpu.memory_space<vmem>>, vector<1x16xf32>,
      %swap3A_491 = vector.shape_cast %swap3A_490 : vector<1x16xf32> to vector<16xf32>
      %swap3A_492 = vector.shape_cast %add3A_487 : vector<16xf32> to vector<1x16xf32>
      tpu.vector_store %arg6[%swap3A_488, %swap3A_489], %swap3A_492 {strides = array<i32>} : memref<32x1024xf32, #tpu.memory_space<vmem>>, vector<1x16xf32>,
      %get3A_493 = arith.index_cast %scan3A_74 : i32 to index
      %get3A_494 = arith.constant 480 : index
      %get3A_495 = tpu.vector_load %arg6[%get3A_493, %get3A_494] {strides = array<i32>} : memref<32x1024xf32, #tpu.memory_space<vmem>>, vector<1x16xf32>,
      %get3A_496 = vector.shape_cast %get3A_495 : vector<1x16xf32> to vector<16xf32>
      %get3A_497 = arith.index_cast %scan3A_74 : i32 to index
      %get3A_498 = arith.constant 480 : index
      %get3A_499 = tpu.vector_load %arg7[%get3A_497, %get3A_498] {strides = array<i32>} : memref<32x1024xf32, #tpu.memory_space<vmem>>, vector<1x16xf32>,
      %get3A_500 = vector.shape_cast %get3A_499 : vector<1x16xf32> to vector<16xf32>
      %add3A_501 = arith.addf %get3A_496, %get3A_500 : vector<16xf32>
      %swap3A_502 = arith.index_cast %scan3A_74 : i32 to index
      %swap3A_503 = arith.constant 480 : index
      %swap3A_504 = tpu.vector_load %arg6[%swap3A_502, %swap3A_503] {strides = array<i32>} : memref<32x1024xf32, #tpu.memory_space<vmem>>, vector<1x16xf32>,
      %swap3A_505 = vector.shape_cast %swap3A_504 : vector<1x16xf32> to vector<16xf32>
      %swap3A_506 = vector.shape_cast %add3A_501 : vector<16xf32> to vector<1x16xf32>
      tpu.vector_store %arg6[%swap3A_502, %swap3A_503], %swap3A_506 {strides = array<i32>} : memref<32x1024xf32, #tpu.memory_space<vmem>>, vector<1x16xf32>,
      %get3A_507 = arith.index_cast %scan3A_74 : i32 to index
      %get3A_508 = arith.constant 496 : index
      %get3A_509 = tpu.vector_load %arg6[%get3A_507, %get3A_508] {strides = array<i32>} : memref<32x1024xf32, #tpu.memory_space<vmem>>, vector<1x16xf32>,
      %get3A_510 = vector.shape_cast %get3A_509 : vector<1x16xf32> to vector<16xf32>
      %get3A_511 = arith.index_cast %scan3A_74 : i32 to index
      %get3A_512 = arith.constant 496 : index
      %get3A_513 = tpu.vector_load %arg7[%get3A_511, %get3A_512] {strides = array<i32>} : memref<32x1024xf32, #tpu.memory_space<vmem>>, vector<1x16xf32>,
      %get3A_514 = vector.shape_cast %get3A_513 : vector<1x16xf32> to vector<16xf32>
      %add3A_515 = arith.addf %get3A_510, %get3A_514 : vector<16xf32>
      %swap3A_516 = arith.index_cast %scan3A_74 : i32 to index
      %swap3A_517 = arith.constant 496 : index
      %swap3A_518 = tpu.vector_load %arg6[%swap3A_516, %swap3A_517] {strides = array<i32>} : memref<32x1024xf32, #tpu.memory_space<vmem>>, vector<1x16xf32>,
      %swap3A_519 = vector.shape_cast %swap3A_518 : vector<1x16xf32> to vector<16xf32>
      %swap3A_520 = vector.shape_cast %add3A_515 : vector<16xf32> to vector<1x16xf32>
      tpu.vector_store %arg6[%swap3A_516, %swap3A_517], %swap3A_520 {strides = array<i32>} : memref<32x1024xf32, #tpu.memory_space<vmem>>, vector<1x16xf32>,
      %get3A_521 = arith.index_cast %scan3A_74 : i32 to index
      %get3A_522 = arith.constant 512 : index
      %get3A_523 = tpu.vector_load %arg6[%get3A_521, %get3A_522] {strides = array<i32>} : memref<32x1024xf32, #tpu.memory_space<vmem>>, vector<1x16xf32>,
      %get3A_524 = vector.shape_cast %get3A_523 : vector<1x16xf32> to vector<16xf32>
      %get3A_525 = arith.index_cast %scan3A_74 : i32 to index
      %get3A_526 = arith.constant 512 : index
      %get3A_527 = tpu.vector_load %arg7[%get3A_525, %get3A_526] {strides = array<i32>} : memref<32x1024xf32, #tpu.memory_space<vmem>>, vector<1x16xf32>,
      %get3A_528 = vector.shape_cast %get3A_527 : vector<1x16xf32> to vector<16xf32>
      %add3A_529 = arith.addf %get3A_524, %get3A_528 : vector<16xf32>
      %swap3A_530 = arith.index_cast %scan3A_74 : i32 to index
      %swap3A_531 = arith.constant 512 : index
      %swap3A_532 = tpu.vector_load %arg6[%swap3A_530, %swap3A_531] {strides = array<i32>} : memref<32x1024xf32, #tpu.memory_space<vmem>>, vector<1x16xf32>,
      %swap3A_533 = vector.shape_cast %swap3A_532 : vector<1x16xf32> to vector<16xf32>
      %swap3A_534 = vector.shape_cast %add3A_529 : vector<16xf32> to vector<1x16xf32>
      tpu.vector_store %arg6[%swap3A_530, %swap3A_531], %swap3A_534 {strides = array<i32>} : memref<32x1024xf32, #tpu.memory_space<vmem>>, vector<1x16xf32>,
      %get3A_535 = arith.index_cast %scan3A_74 : i32 to index
      %get3A_536 = arith.constant 528 : index
      %get3A_537 = tpu.vector_load %arg6[%get3A_535, %get3A_536] {strides = array<i32>} : memref<32x1024xf32, #tpu.memory_space<vmem>>, vector<1x16xf32>,
      %get3A_538 = vector.shape_cast %get3A_537 : vector<1x16xf32> to vector<16xf32>
      %get3A_539 = arith.index_cast %scan3A_74 : i32 to index
      %get3A_540 = arith.constant 528 : index
      %get3A_541 = tpu.vector_load %arg7[%get3A_539, %get3A_540] {strides = array<i32>} : memref<32x1024xf32, #tpu.memory_space<vmem>>, vector<1x16xf32>,
      %get3A_542 = vector.shape_cast %get3A_541 : vector<1x16xf32> to vector<16xf32>
      %add3A_543 = arith.addf %get3A_538, %get3A_542 : vector<16xf32>
      %swap3A_544 = arith.index_cast %scan3A_74 : i32 to index
      %swap3A_545 = arith.constant 528 : index
      %swap3A_546 = tpu.vector_load %arg6[%swap3A_544, %swap3A_545] {strides = array<i32>} : memref<32x1024xf32, #tpu.memory_space<vmem>>, vector<1x16xf32>,
      %swap3A_547 = vector.shape_cast %swap3A_546 : vector<1x16xf32> to vector<16xf32>
      %swap3A_548 = vector.shape_cast %add3A_543 : vector<16xf32> to vector<1x16xf32>
      tpu.vector_store %arg6[%swap3A_544, %swap3A_545], %swap3A_548 {strides = array<i32>} : memref<32x1024xf32, #tpu.memory_space<vmem>>, vector<1x16xf32>,
      %get3A_549 = arith.index_cast %scan3A_74 : i32 to index
      %get3A_550 = arith.constant 544 : index
      %get3A_551 = tpu.vector_load %arg6[%get3A_549, %get3A_550] {strides = array<i32>} : memref<32x1024xf32, #tpu.memory_space<vmem>>, vector<1x16xf32>,
      %get3A_552 = vector.shape_cast %get3A_551 : vector<1x16xf32> to vector<16xf32>
      %get3A_553 = arith.index_cast %scan3A_74 : i32 to index
      %get3A_554 = arith.constant 544 : index
      %get3A_555 = tpu.vector_load %arg7[%get3A_553, %get3A_554] {strides = array<i32>} : memref<32x1024xf32, #tpu.memory_space<vmem>>, vector<1x16xf32>,
      %get3A_556 = vector.shape_cast %get3A_555 : vector<1x16xf32> to vector<16xf32>
      %add3A_557 = arith.addf %get3A_552, %get3A_556 : vector<16xf32>
      %swap3A_558 = arith.index_cast %scan3A_74 : i32 to index
      %swap3A_559 = arith.constant 544 : index
      %swap3A_560 = tpu.vector_load %arg6[%swap3A_558, %swap3A_559] {strides = array<i32>} : memref<32x1024xf32, #tpu.memory_space<vmem>>, vector<1x16xf32>,
      %swap3A_561 = vector.shape_cast %swap3A_560 : vector<1x16xf32> to vector<16xf32>
      %swap3A_562 = vector.shape_cast %add3A_557 : vector<16xf32> to vector<1x16xf32>
      tpu.vector_store %arg6[%swap3A_558, %swap3A_559], %swap3A_562 {strides = array<i32>} : memref<32x1024xf32, #tpu.memory_space<vmem>>, vector<1x16xf32>,
      %get3A_563 = arith.index_cast %scan3A_74 : i32 to index
      %get3A_564 = arith.constant 560 : index
      %get3A_565 = tpu.vector_load %arg6[%get3A_563, %get3A_564] {strides = array<i32>} : memref<32x1024xf32, #tpu.memory_space<vmem>>, vector<1x16xf32>,
      %get3A_566 = vector.shape_cast %get3A_565 : vector<1x16xf32> to vector<16xf32>
      %get3A_567 = arith.index_cast %scan3A_74 : i32 to index
      %get3A_568 = arith.constant 560 : index
      %get3A_569 = tpu.vector_load %arg7[%get3A_567, %get3A_568] {strides = array<i32>} : memref<32x1024xf32, #tpu.memory_space<vmem>>, vector<1x16xf32>,
      %get3A_570 = vector.shape_cast %get3A_569 : vector<1x16xf32> to vector<16xf32>
      %add3A_571 = arith.addf %get3A_566, %get3A_570 : vector<16xf32>
      %swap3A_572 = arith.index_cast %scan3A_74 : i32 to index
      %swap3A_573 = arith.constant 560 : index
      %swap3A_574 = tpu.vector_load %arg6[%swap3A_572, %swap3A_573] {strides = array<i32>} : memref<32x1024xf32, #tpu.memory_space<vmem>>, vector<1x16xf32>,
      %swap3A_575 = vector.shape_cast %swap3A_574 : vector<1x16xf32> to vector<16xf32>
      %swap3A_576 = vector.shape_cast %add3A_571 : vector<16xf32> to vector<1x16xf32>
      tpu.vector_store %arg6[%swap3A_572, %swap3A_573], %swap3A_576 {strides = array<i32>} : memref<32x1024xf32, #tpu.memory_space<vmem>>, vector<1x16xf32>,
      %get3A_577 = arith.index_cast %scan3A_74 : i32 to index
      %get3A_578 = arith.constant 576 : index
      %get3A_579 = tpu.vector_load %arg6[%get3A_577, %get3A_578] {strides = array<i32>} : memref<32x1024xf32, #tpu.memory_space<vmem>>, vector<1x16xf32>,
      %get3A_580 = vector.shape_cast %get3A_579 : vector<1x16xf32> to vector<16xf32>
      %get3A_581 = arith.index_cast %scan3A_74 : i32 to index
      %get3A_582 = arith.constant 576 : index
      %get3A_583 = tpu.vector_load %arg7[%get3A_581, %get3A_582] {strides = array<i32>} : memref<32x1024xf32, #tpu.memory_space<vmem>>, vector<1x16xf32>,
      %get3A_584 = vector.shape_cast %get3A_583 : vector<1x16xf32> to vector<16xf32>
      %add3A_585 = arith.addf %get3A_580, %get3A_584 : vector<16xf32>
      %swap3A_586 = arith.index_cast %scan3A_74 : i32 to index
      %swap3A_587 = arith.constant 576 : index
      %swap3A_588 = tpu.vector_load %arg6[%swap3A_586, %swap3A_587] {strides = array<i32>} : memref<32x1024xf32, #tpu.memory_space<vmem>>, vector<1x16xf32>,
      %swap3A_589 = vector.shape_cast %swap3A_588 : vector<1x16xf32> to vector<16xf32>
      %swap3A_590 = vector.shape_cast %add3A_585 : vector<16xf32> to vector<1x16xf32>
      tpu.vector_store %arg6[%swap3A_586, %swap3A_587], %swap3A_590 {strides = array<i32>} : memref<32x1024xf32, #tpu.memory_space<vmem>>, vector<1x16xf32>,
      %get3A_591 = arith.index_cast %scan3A_74 : i32 to index
      %get3A_592 = arith.constant 592 : index
      %get3A_593 = tpu.vector_load %arg6[%get3A_591, %get3A_592] {strides = array<i32>} : memref<32x1024xf32, #tpu.memory_space<vmem>>, vector<1x16xf32>,
      %get3A_594 = vector.shape_cast %get3A_593 : vector<1x16xf32> to vector<16xf32>
      %get3A_595 = arith.index_cast %scan3A_74 : i32 to index
      %get3A_596 = arith.constant 592 : index
      %get3A_597 = tpu.vector_load %arg7[%get3A_595, %get3A_596] {strides = array<i32>} : memref<32x1024xf32, #tpu.memory_space<vmem>>, vector<1x16xf32>,
      %get3A_598 = vector.shape_cast %get3A_597 : vector<1x16xf32> to vector<16xf32>
      %add3A_599 = arith.addf %get3A_594, %get3A_598 : vector<16xf32>
      %swap3A_600 = arith.index_cast %scan3A_74 : i32 to index
      %swap3A_601 = arith.constant 592 : index
      %swap3A_602 = tpu.vector_load %arg6[%swap3A_600, %swap3A_601] {strides = array<i32>} : memref<32x1024xf32, #tpu.memory_space<vmem>>, vector<1x16xf32>,
      %swap3A_603 = vector.shape_cast %swap3A_602 : vector<1x16xf32> to vector<16xf32>
      %swap3A_604 = vector.shape_cast %add3A_599 : vector<16xf32> to vector<1x16xf32>
      tpu.vector_store %arg6[%swap3A_600, %swap3A_601], %swap3A_604 {strides = array<i32>} : memref<32x1024xf32, #tpu.memory_space<vmem>>, vector<1x16xf32>,
      %get3A_605 = arith.index_cast %scan3A_74 : i32 to index
      %get3A_606 = arith.constant 608 : index
      %get3A_607 = tpu.vector_load %arg6[%get3A_605, %get3A_606] {strides = array<i32>} : memref<32x1024xf32, #tpu.memory_space<vmem>>, vector<1x16xf32>,
      %get3A_608 = vector.shape_cast %get3A_607 : vector<1x16xf32> to vector<16xf32>
      %get3A_609 = arith.index_cast %scan3A_74 : i32 to index
      %get3A_610 = arith.constant 608 : index
      %get3A_611 = tpu.vector_load %arg7[%get3A_609, %get3A_610] {strides = array<i32>} : memref<32x1024xf32, #tpu.memory_space<vmem>>, vector<1x16xf32>,
      %get3A_612 = vector.shape_cast %get3A_611 : vector<1x16xf32> to vector<16xf32>
      %add3A_613 = arith.addf %get3A_608, %get3A_612 : vector<16xf32>
      %swap3A_614 = arith.index_cast %scan3A_74 : i32 to index
      %swap3A_615 = arith.constant 608 : index
      %swap3A_616 = tpu.vector_load %arg6[%swap3A_614, %swap3A_615] {strides = array<i32>} : memref<32x1024xf32, #tpu.memory_space<vmem>>, vector<1x16xf32>,
      %swap3A_617 = vector.shape_cast %swap3A_616 : vector<1x16xf32> to vector<16xf32>
      %swap3A_618 = vector.shape_cast %add3A_613 : vector<16xf32> to vector<1x16xf32>
      tpu.vector_store %arg6[%swap3A_614, %swap3A_615], %swap3A_618 {strides = array<i32>} : memref<32x1024xf32, #tpu.memory_space<vmem>>, vector<1x16xf32>,
      %get3A_619 = arith.index_cast %scan3A_74 : i32 to index
      %get3A_620 = arith.constant 624 : index
      %get3A_621 = tpu.vector_load %arg6[%get3A_619, %get3A_620] {strides = array<i32>} : memref<32x1024xf32, #tpu.memory_space<vmem>>, vector<1x16xf32>,
      %get3A_622 = vector.shape_cast %get3A_621 : vector<1x16xf32> to vector<16xf32>
      %get3A_623 = arith.index_cast %scan3A_74 : i32 to index
      %get3A_624 = arith.constant 624 : index
      %get3A_625 = tpu.vector_load %arg7[%get3A_623, %get3A_624] {strides = array<i32>} : memref<32x1024xf32, #tpu.memory_space<vmem>>, vector<1x16xf32>,
      %get3A_626 = vector.shape_cast %get3A_625 : vector<1x16xf32> to vector<16xf32>
      %add3A_627 = arith.addf %get3A_622, %get3A_626 : vector<16xf32>
      %swap3A_628 = arith.index_cast %scan3A_74 : i32 to index
      %swap3A_629 = arith.constant 624 : index
      %swap3A_630 = tpu.vector_load %arg6[%swap3A_628, %swap3A_629] {strides = array<i32>} : memref<32x1024xf32, #tpu.memory_space<vmem>>, vector<1x16xf32>,
      %swap3A_631 = vector.shape_cast %swap3A_630 : vector<1x16xf32> to vector<16xf32>
      %swap3A_632 = vector.shape_cast %add3A_627 : vector<16xf32> to vector<1x16xf32>
      tpu.vector_store %arg6[%swap3A_628, %swap3A_629], %swap3A_632 {strides = array<i32>} : memref<32x1024xf32, #tpu.memory_space<vmem>>, vector<1x16xf32>,
      %get3A_633 = arith.index_cast %scan3A_74 : i32 to index
      %get3A_634 = arith.constant 640 : index
      %get3A_635 = tpu.vector_load %arg6[%get3A_633, %get3A_634] {strides = array<i32>} : memref<32x1024xf32, #tpu.memory_space<vmem>>, vector<1x16xf32>,
      %get3A_636 = vector.shape_cast %get3A_635 : vector<1x16xf32> to vector<16xf32>
      %get3A_637 = arith.index_cast %scan3A_74 : i32 to index
      %get3A_638 = arith.constant 640 : index
      %get3A_639 = tpu.vector_load %arg7[%get3A_637, %get3A_638] {strides = array<i32>} : memref<32x1024xf32, #tpu.memory_space<vmem>>, vector<1x16xf32>,
      %get3A_640 = vector.shape_cast %get3A_639 : vector<1x16xf32> to vector<16xf32>
      %add3A_641 = arith.addf %get3A_636, %get3A_640 : vector<16xf32>
      %swap3A_642 = arith.index_cast %scan3A_74 : i32 to index
      %swap3A_643 = arith.constant 640 : index
      %swap3A_644 = tpu.vector_load %arg6[%swap3A_642, %swap3A_643] {strides = array<i32>} : memref<32x1024xf32, #tpu.memory_space<vmem>>, vector<1x16xf32>,
      %swap3A_645 = vector.shape_cast %swap3A_644 : vector<1x16xf32> to vector<16xf32>
      %swap3A_646 = vector.shape_cast %add3A_641 : vector<16xf32> to vector<1x16xf32>
      tpu.vector_store %arg6[%swap3A_642, %swap3A_643], %swap3A_646 {strides = array<i32>} : memref<32x1024xf32, #tpu.memory_space<vmem>>, vector<1x16xf32>,
      %get3A_647 = arith.index_cast %scan3A_74 : i32 to index
      %get3A_648 = arith.constant 656 : index
      %get3A_649 = tpu.vector_load %arg6[%get3A_647, %get3A_648] {strides = array<i32>} : memref<32x1024xf32, #tpu.memory_space<vmem>>, vector<1x16xf32>,
      %get3A_650 = vector.shape_cast %get3A_649 : vector<1x16xf32> to vector<16xf32>
      %get3A_651 = arith.index_cast %scan3A_74 : i32 to index
      %get3A_652 = arith.constant 656 : index
      %get3A_653 = tpu.vector_load %arg7[%get3A_651, %get3A_652] {strides = array<i32>} : memref<32x1024xf32, #tpu.memory_space<vmem>>, vector<1x16xf32>,
      %get3A_654 = vector.shape_cast %get3A_653 : vector<1x16xf32> to vector<16xf32>
      %add3A_655 = arith.addf %get3A_650, %get3A_654 : vector<16xf32>
      %swap3A_656 = arith.index_cast %scan3A_74 : i32 to index
      %swap3A_657 = arith.constant 656 : index
      %swap3A_658 = tpu.vector_load %arg6[%swap3A_656, %swap3A_657] {strides = array<i32>} : memref<32x1024xf32, #tpu.memory_space<vmem>>, vector<1x16xf32>,
      %swap3A_659 = vector.shape_cast %swap3A_658 : vector<1x16xf32> to vector<16xf32>
      %swap3A_660 = vector.shape_cast %add3A_655 : vector<16xf32> to vector<1x16xf32>
      tpu.vector_store %arg6[%swap3A_656, %swap3A_657], %swap3A_660 {strides = array<i32>} : memref<32x1024xf32, #tpu.memory_space<vmem>>, vector<1x16xf32>,
      %get3A_661 = arith.index_cast %scan3A_74 : i32 to index
      %get3A_662 = arith.constant 672 : index
      %get3A_663 = tpu.vector_load %arg6[%get3A_661, %get3A_662] {strides = array<i32>} : memref<32x1024xf32, #tpu.memory_space<vmem>>, vector<1x16xf32>,
      %get3A_664 = vector.shape_cast %get3A_663 : vector<1x16xf32> to vector<16xf32>
      %get3A_665 = arith.index_cast %scan3A_74 : i32 to index
      %get3A_666 = arith.constant 672 : index
      %get3A_667 = tpu.vector_load %arg7[%get3A_665, %get3A_666] {strides = array<i32>} : memref<32x1024xf32, #tpu.memory_space<vmem>>, vector<1x16xf32>,
      %get3A_668 = vector.shape_cast %get3A_667 : vector<1x16xf32> to vector<16xf32>
      %add3A_669 = arith.addf %get3A_664, %get3A_668 : vector<16xf32>
      %swap3A_670 = arith.index_cast %scan3A_74 : i32 to index
      %swap3A_671 = arith.constant 672 : index
      %swap3A_672 = tpu.vector_load %arg6[%swap3A_670, %swap3A_671] {strides = array<i32>} : memref<32x1024xf32, #tpu.memory_space<vmem>>, vector<1x16xf32>,
      %swap3A_673 = vector.shape_cast %swap3A_672 : vector<1x16xf32> to vector<16xf32>
      %swap3A_674 = vector.shape_cast %add3A_669 : vector<16xf32> to vector<1x16xf32>
      tpu.vector_store %arg6[%swap3A_670, %swap3A_671], %swap3A_674 {strides = array<i32>} : memref<32x1024xf32, #tpu.memory_space<vmem>>, vector<1x16xf32>,
      %get3A_675 = arith.index_cast %scan3A_74 : i32 to index
      %get3A_676 = arith.constant 688 : index
      %get3A_677 = tpu.vector_load %arg6[%get3A_675, %get3A_676] {strides = array<i32>} : memref<32x1024xf32, #tpu.memory_space<vmem>>, vector<1x16xf32>,
      %get3A_678 = vector.shape_cast %get3A_677 : vector<1x16xf32> to vector<16xf32>
      %get3A_679 = arith.index_cast %scan3A_74 : i32 to index
      %get3A_680 = arith.constant 688 : index
      %get3A_681 = tpu.vector_load %arg7[%get3A_679, %get3A_680] {strides = array<i32>} : memref<32x1024xf32, #tpu.memory_space<vmem>>, vector<1x16xf32>,
      %get3A_682 = vector.shape_cast %get3A_681 : vector<1x16xf32> to vector<16xf32>
      %add3A_683 = arith.addf %get3A_678, %get3A_682 : vector<16xf32>
      %swap3A_684 = arith.index_cast %scan3A_74 : i32 to index
      %swap3A_685 = arith.constant 688 : index
      %swap3A_686 = tpu.vector_load %arg6[%swap3A_684, %swap3A_685] {strides = array<i32>} : memref<32x1024xf32, #tpu.memory_space<vmem>>, vector<1x16xf32>,
      %swap3A_687 = vector.shape_cast %swap3A_686 : vector<1x16xf32> to vector<16xf32>
      %swap3A_688 = vector.shape_cast %add3A_683 : vector<16xf32> to vector<1x16xf32>
      tpu.vector_store %arg6[%swap3A_684, %swap3A_685], %swap3A_688 {strides = array<i32>} : memref<32x1024xf32, #tpu.memory_space<vmem>>, vector<1x16xf32>,
      %get3A_689 = arith.index_cast %scan3A_74 : i32 to index
      %get3A_690 = arith.constant 704 : index
      %get3A_691 = tpu.vector_load %arg6[%get3A_689, %get3A_690] {strides = array<i32>} : memref<32x1024xf32, #tpu.memory_space<vmem>>, vector<1x16xf32>,
      %get3A_692 = vector.shape_cast %get3A_691 : vector<1x16xf32> to vector<16xf32>
      %get3A_693 = arith.index_cast %scan3A_74 : i32 to index
      %get3A_694 = arith.constant 704 : index
      %get3A_695 = tpu.vector_load %arg7[%get3A_693, %get3A_694] {strides = array<i32>} : memref<32x1024xf32, #tpu.memory_space<vmem>>, vector<1x16xf32>,
      %get3A_696 = vector.shape_cast %get3A_695 : vector<1x16xf32> to vector<16xf32>
      %add3A_697 = arith.addf %get3A_692, %get3A_696 : vector<16xf32>
      %swap3A_698 = arith.index_cast %scan3A_74 : i32 to index
      %swap3A_699 = arith.constant 704 : index
      %swap3A_700 = tpu.vector_load %arg6[%swap3A_698, %swap3A_699] {strides = array<i32>} : memref<32x1024xf32, #tpu.memory_space<vmem>>, vector<1x16xf32>,
      %swap3A_701 = vector.shape_cast %swap3A_700 : vector<1x16xf32> to vector<16xf32>
      %swap3A_702 = vector.shape_cast %add3A_697 : vector<16xf32> to vector<1x16xf32>
      tpu.vector_store %arg6[%swap3A_698, %swap3A_699], %swap3A_702 {strides = array<i32>} : memref<32x1024xf32, #tpu.memory_space<vmem>>, vector<1x16xf32>,
      %get3A_703 = arith.index_cast %scan3A_74 : i32 to index
      %get3A_704 = arith.constant 720 : index
      %get3A_705 = tpu.vector_load %arg6[%get3A_703, %get3A_704] {strides = array<i32>} : memref<32x1024xf32, #tpu.memory_space<vmem>>, vector<1x16xf32>,
      %get3A_706 = vector.shape_cast %get3A_705 : vector<1x16xf32> to vector<16xf32>
      %get3A_707 = arith.index_cast %scan3A_74 : i32 to index
      %get3A_708 = arith.constant 720 : index
      %get3A_709 = tpu.vector_load %arg7[%get3A_707, %get3A_708] {strides = array<i32>} : memref<32x1024xf32, #tpu.memory_space<vmem>>, vector<1x16xf32>,
      %get3A_710 = vector.shape_cast %get3A_709 : vector<1x16xf32> to vector<16xf32>
      %add3A_711 = arith.addf %get3A_706, %get3A_710 : vector<16xf32>
      %swap3A_712 = arith.index_cast %scan3A_74 : i32 to index
      %swap3A_713 = arith.constant 720 : index
      %swap3A_714 = tpu.vector_load %arg6[%swap3A_712, %swap3A_713] {strides = array<i32>} : memref<32x1024xf32, #tpu.memory_space<vmem>>, vector<1x16xf32>,
      %swap3A_715 = vector.shape_cast %swap3A_714 : vector<1x16xf32> to vector<16xf32>
      %swap3A_716 = vector.shape_cast %add3A_711 : vector<16xf32> to vector<1x16xf32>
      tpu.vector_store %arg6[%swap3A_712, %swap3A_713], %swap3A_716 {strides = array<i32>} : memref<32x1024xf32, #tpu.memory_space<vmem>>, vector<1x16xf32>,
      %get3A_717 = arith.index_cast %scan3A_74 : i32 to index
      %get3A_718 = arith.constant 736 : index
      %get3A_719 = tpu.vector_load %arg6[%get3A_717, %get3A_718] {strides = array<i32>} : memref<32x1024xf32, #tpu.memory_space<vmem>>, vector<1x16xf32>,
      %get3A_720 = vector.shape_cast %get3A_719 : vector<1x16xf32> to vector<16xf32>
      %get3A_721 = arith.index_cast %scan3A_74 : i32 to index
      %get3A_722 = arith.constant 736 : index
      %get3A_723 = tpu.vector_load %arg7[%get3A_721, %get3A_722] {strides = array<i32>} : memref<32x1024xf32, #tpu.memory_space<vmem>>, vector<1x16xf32>,
      %get3A_724 = vector.shape_cast %get3A_723 : vector<1x16xf32> to vector<16xf32>
      %add3A_725 = arith.addf %get3A_720, %get3A_724 : vector<16xf32>
      %swap3A_726 = arith.index_cast %scan3A_74 : i32 to index
      %swap3A_727 = arith.constant 736 : index
      %swap3A_728 = tpu.vector_load %arg6[%swap3A_726, %swap3A_727] {strides = array<i32>} : memref<32x1024xf32, #tpu.memory_space<vmem>>, vector<1x16xf32>,
      %swap3A_729 = vector.shape_cast %swap3A_728 : vector<1x16xf32> to vector<16xf32>
      %swap3A_730 = vector.shape_cast %add3A_725 : vector<16xf32> to vector<1x16xf32>
      tpu.vector_store %arg6[%swap3A_726, %swap3A_727], %swap3A_730 {strides = array<i32>} : memref<32x1024xf32, #tpu.memory_space<vmem>>, vector<1x16xf32>,
      %get3A_731 = arith.index_cast %scan3A_74 : i32 to index
      %get3A_732 = arith.constant 752 : index
      %get3A_733 = tpu.vector_load %arg6[%get3A_731, %get3A_732] {strides = array<i32>} : memref<32x1024xf32, #tpu.memory_space<vmem>>, vector<1x16xf32>,
      %get3A_734 = vector.shape_cast %get3A_733 : vector<1x16xf32> to vector<16xf32>
      %get3A_735 = arith.index_cast %scan3A_74 : i32 to index
      %get3A_736 = arith.constant 752 : index
      %get3A_737 = tpu.vector_load %arg7[%get3A_735, %get3A_736] {strides = array<i32>} : memref<32x1024xf32, #tpu.memory_space<vmem>>, vector<1x16xf32>,
      %get3A_738 = vector.shape_cast %get3A_737 : vector<1x16xf32> to vector<16xf32>
      %add3A_739 = arith.addf %get3A_734, %get3A_738 : vector<16xf32>
      %swap3A_740 = arith.index_cast %scan3A_74 : i32 to index
      %swap3A_741 = arith.constant 752 : index
      %swap3A_742 = tpu.vector_load %arg6[%swap3A_740, %swap3A_741] {strides = array<i32>} : memref<32x1024xf32, #tpu.memory_space<vmem>>, vector<1x16xf32>,
      %swap3A_743 = vector.shape_cast %swap3A_742 : vector<1x16xf32> to vector<16xf32>
      %swap3A_744 = vector.shape_cast %add3A_739 : vector<16xf32> to vector<1x16xf32>
      tpu.vector_store %arg6[%swap3A_740, %swap3A_741], %swap3A_744 {strides = array<i32>} : memref<32x1024xf32, #tpu.memory_space<vmem>>, vector<1x16xf32>,
      %get3A_745 = arith.index_cast %scan3A_74 : i32 to index
      %get3A_746 = arith.constant 768 : index
      %get3A_747 = tpu.vector_load %arg6[%get3A_745, %get3A_746] {strides = array<i32>} : memref<32x1024xf32, #tpu.memory_space<vmem>>, vector<1x16xf32>,
      %get3A_748 = vector.shape_cast %get3A_747 : vector<1x16xf32> to vector<16xf32>
      %get3A_749 = arith.index_cast %scan3A_74 : i32 to index
      %get3A_750 = arith.constant 768 : index
      %get3A_751 = tpu.vector_load %arg7[%get3A_749, %get3A_750] {strides = array<i32>} : memref<32x1024xf32, #tpu.memory_space<vmem>>, vector<1x16xf32>,
      %get3A_752 = vector.shape_cast %get3A_751 : vector<1x16xf32> to vector<16xf32>
      %add3A_753 = arith.addf %get3A_748, %get3A_752 : vector<16xf32>
      %swap3A_754 = arith.index_cast %scan3A_74 : i32 to index
      %swap3A_755 = arith.constant 768 : index
      %swap3A_756 = tpu.vector_load %arg6[%swap3A_754, %swap3A_755] {strides = array<i32>} : memref<32x1024xf32, #tpu.memory_space<vmem>>, vector<1x16xf32>,
      %swap3A_757 = vector.shape_cast %swap3A_756 : vector<1x16xf32> to vector<16xf32>
      %swap3A_758 = vector.shape_cast %add3A_753 : vector<16xf32> to vector<1x16xf32>
      tpu.vector_store %arg6[%swap3A_754, %swap3A_755], %swap3A_758 {strides = array<i32>} : memref<32x1024xf32, #tpu.memory_space<vmem>>, vector<1x16xf32>,
      %get3A_759 = arith.index_cast %scan3A_74 : i32 to index
      %get3A_760 = arith.constant 784 : index
      %get3A_761 = tpu.vector_load %arg6[%get3A_759, %get3A_760] {strides = array<i32>} : memref<32x1024xf32, #tpu.memory_space<vmem>>, vector<1x16xf32>,
      %get3A_762 = vector.shape_cast %get3A_761 : vector<1x16xf32> to vector<16xf32>
      %get3A_763 = arith.index_cast %scan3A_74 : i32 to index
      %get3A_764 = arith.constant 784 : index
      %get3A_765 = tpu.vector_load %arg7[%get3A_763, %get3A_764] {strides = array<i32>} : memref<32x1024xf32, #tpu.memory_space<vmem>>, vector<1x16xf32>,
      %get3A_766 = vector.shape_cast %get3A_765 : vector<1x16xf32> to vector<16xf32>
      %add3A_767 = arith.addf %get3A_762, %get3A_766 : vector<16xf32>
      %swap3A_768 = arith.index_cast %scan3A_74 : i32 to index
      %swap3A_769 = arith.constant 784 : index
      %swap3A_770 = tpu.vector_load %arg6[%swap3A_768, %swap3A_769] {strides = array<i32>} : memref<32x1024xf32, #tpu.memory_space<vmem>>, vector<1x16xf32>,
      %swap3A_771 = vector.shape_cast %swap3A_770 : vector<1x16xf32> to vector<16xf32>
      %swap3A_772 = vector.shape_cast %add3A_767 : vector<16xf32> to vector<1x16xf32>
      tpu.vector_store %arg6[%swap3A_768, %swap3A_769], %swap3A_772 {strides = array<i32>} : memref<32x1024xf32, #tpu.memory_space<vmem>>, vector<1x16xf32>,
      %get3A_773 = arith.index_cast %scan3A_74 : i32 to index
      %get3A_774 = arith.constant 800 : index
      %get3A_775 = tpu.vector_load %arg6[%get3A_773, %get3A_774] {strides = array<i32>} : memref<32x1024xf32, #tpu.memory_space<vmem>>, vector<1x16xf32>,
      %get3A_776 = vector.shape_cast %get3A_775 : vector<1x16xf32> to vector<16xf32>
      %get3A_777 = arith.index_cast %scan3A_74 : i32 to index
      %get3A_778 = arith.constant 800 : index
      %get3A_779 = tpu.vector_load %arg7[%get3A_777, %get3A_778] {strides = array<i32>} : memref<32x1024xf32, #tpu.memory_space<vmem>>, vector<1x16xf32>,
      %get3A_780 = vector.shape_cast %get3A_779 : vector<1x16xf32> to vector<16xf32>
      %add3A_781 = arith.addf %get3A_776, %get3A_780 : vector<16xf32>
      %swap3A_782 = arith.index_cast %scan3A_74 : i32 to index
      %swap3A_783 = arith.constant 800 : index
      %swap3A_784 = tpu.vector_load %arg6[%swap3A_782, %swap3A_783] {strides = array<i32>} : memref<32x1024xf32, #tpu.memory_space<vmem>>, vector<1x16xf32>,
      %swap3A_785 = vector.shape_cast %swap3A_784 : vector<1x16xf32> to vector<16xf32>
      %swap3A_786 = vector.shape_cast %add3A_781 : vector<16xf32> to vector<1x16xf32>
      tpu.vector_store %arg6[%swap3A_782, %swap3A_783], %swap3A_786 {strides = array<i32>} : memref<32x1024xf32, #tpu.memory_space<vmem>>, vector<1x16xf32>,
      %get3A_787 = arith.index_cast %scan3A_74 : i32 to index
      %get3A_788 = arith.constant 816 : index
      %get3A_789 = tpu.vector_load %arg6[%get3A_787, %get3A_788] {strides = array<i32>} : memref<32x1024xf32, #tpu.memory_space<vmem>>, vector<1x16xf32>,
      %get3A_790 = vector.shape_cast %get3A_789 : vector<1x16xf32> to vector<16xf32>
      %get3A_791 = arith.index_cast %scan3A_74 : i32 to index
      %get3A_792 = arith.constant 816 : index
      %get3A_793 = tpu.vector_load %arg7[%get3A_791, %get3A_792] {strides = array<i32>} : memref<32x1024xf32, #tpu.memory_space<vmem>>, vector<1x16xf32>,
      %get3A_794 = vector.shape_cast %get3A_793 : vector<1x16xf32> to vector<16xf32>
      %add3A_795 = arith.addf %get3A_790, %get3A_794 : vector<16xf32>
      %swap3A_796 = arith.index_cast %scan3A_74 : i32 to index
      %swap3A_797 = arith.constant 816 : index
      %swap3A_798 = tpu.vector_load %arg6[%swap3A_796, %swap3A_797] {strides = array<i32>} : memref<32x1024xf32, #tpu.memory_space<vmem>>, vector<1x16xf32>,
      %swap3A_799 = vector.shape_cast %swap3A_798 : vector<1x16xf32> to vector<16xf32>
      %swap3A_800 = vector.shape_cast %add3A_795 : vector<16xf32> to vector<1x16xf32>
      tpu.vector_store %arg6[%swap3A_796, %swap3A_797], %swap3A_800 {strides = array<i32>} : memref<32x1024xf32, #tpu.memory_space<vmem>>, vector<1x16xf32>,
      %get3A_801 = arith.index_cast %scan3A_74 : i32 to index
      %get3A_802 = arith.constant 832 : index
      %get3A_803 = tpu.vector_load %arg6[%get3A_801, %get3A_802] {strides = array<i32>} : memref<32x1024xf32, #tpu.memory_space<vmem>>, vector<1x16xf32>,
      %get3A_804 = vector.shape_cast %get3A_803 : vector<1x16xf32> to vector<16xf32>
      %get3A_805 = arith.index_cast %scan3A_74 : i32 to index
      %get3A_806 = arith.constant 832 : index
      %get3A_807 = tpu.vector_load %arg7[%get3A_805, %get3A_806] {strides = array<i32>} : memref<32x1024xf32, #tpu.memory_space<vmem>>, vector<1x16xf32>,
      %get3A_808 = vector.shape_cast %get3A_807 : vector<1x16xf32> to vector<16xf32>
      %add3A_809 = arith.addf %get3A_804, %get3A_808 : vector<16xf32>
      %swap3A_810 = arith.index_cast %scan3A_74 : i32 to index
      %swap3A_811 = arith.constant 832 : index
      %swap3A_812 = tpu.vector_load %arg6[%swap3A_810, %swap3A_811] {strides = array<i32>} : memref<32x1024xf32, #tpu.memory_space<vmem>>, vector<1x16xf32>,
      %swap3A_813 = vector.shape_cast %swap3A_812 : vector<1x16xf32> to vector<16xf32>
      %swap3A_814 = vector.shape_cast %add3A_809 : vector<16xf32> to vector<1x16xf32>
      tpu.vector_store %arg6[%swap3A_810, %swap3A_811], %swap3A_814 {strides = array<i32>} : memref<32x1024xf32, #tpu.memory_space<vmem>>, vector<1x16xf32>,
      %get3A_815 = arith.index_cast %scan3A_74 : i32 to index
      %get3A_816 = arith.constant 848 : index
      %get3A_817 = tpu.vector_load %arg6[%get3A_815, %get3A_816] {strides = array<i32>} : memref<32x1024xf32, #tpu.memory_space<vmem>>, vector<1x16xf32>,
      %get3A_818 = vector.shape_cast %get3A_817 : vector<1x16xf32> to vector<16xf32>
      %get3A_819 = arith.index_cast %scan3A_74 : i32 to index
      %get3A_820 = arith.constant 848 : index
      %get3A_821 = tpu.vector_load %arg7[%get3A_819, %get3A_820] {strides = array<i32>} : memref<32x1024xf32, #tpu.memory_space<vmem>>, vector<1x16xf32>,
      %get3A_822 = vector.shape_cast %get3A_821 : vector<1x16xf32> to vector<16xf32>
      %add3A_823 = arith.addf %get3A_818, %get3A_822 : vector<16xf32>
      %swap3A_824 = arith.index_cast %scan3A_74 : i32 to index
      %swap3A_825 = arith.constant 848 : index
      %swap3A_826 = tpu.vector_load %arg6[%swap3A_824, %swap3A_825] {strides = array<i32>} : memref<32x1024xf32, #tpu.memory_space<vmem>>, vector<1x16xf32>,
      %swap3A_827 = vector.shape_cast %swap3A_826 : vector<1x16xf32> to vector<16xf32>
      %swap3A_828 = vector.shape_cast %add3A_823 : vector<16xf32> to vector<1x16xf32>
      tpu.vector_store %arg6[%swap3A_824, %swap3A_825], %swap3A_828 {strides = array<i32>} : memref<32x1024xf32, #tpu.memory_space<vmem>>, vector<1x16xf32>,
      %get3A_829 = arith.index_cast %scan3A_74 : i32 to index
      %get3A_830 = arith.constant 864 : index
      %get3A_831 = tpu.vector_load %arg6[%get3A_829, %get3A_830] {strides = array<i32>} : memref<32x1024xf32, #tpu.memory_space<vmem>>, vector<1x16xf32>,
      %get3A_832 = vector.shape_cast %get3A_831 : vector<1x16xf32> to vector<16xf32>
      %get3A_833 = arith.index_cast %scan3A_74 : i32 to index
      %get3A_834 = arith.constant 864 : index
      %get3A_835 = tpu.vector_load %arg7[%get3A_833, %get3A_834] {strides = array<i32>} : memref<32x1024xf32, #tpu.memory_space<vmem>>, vector<1x16xf32>,
      %get3A_836 = vector.shape_cast %get3A_835 : vector<1x16xf32> to vector<16xf32>
      %add3A_837 = arith.addf %get3A_832, %get3A_836 : vector<16xf32>
      %swap3A_838 = arith.index_cast %scan3A_74 : i32 to index
      %swap3A_839 = arith.constant 864 : index
      %swap3A_840 = tpu.vector_load %arg6[%swap3A_838, %swap3A_839] {strides = array<i32>} : memref<32x1024xf32, #tpu.memory_space<vmem>>, vector<1x16xf32>,
      %swap3A_841 = vector.shape_cast %swap3A_840 : vector<1x16xf32> to vector<16xf32>
      %swap3A_842 = vector.shape_cast %add3A_837 : vector<16xf32> to vector<1x16xf32>
      tpu.vector_store %arg6[%swap3A_838, %swap3A_839], %swap3A_842 {strides = array<i32>} : memref<32x1024xf32, #tpu.memory_space<vmem>>, vector<1x16xf32>,
      %get3A_843 = arith.index_cast %scan3A_74 : i32 to index
      %get3A_844 = arith.constant 880 : index
      %get3A_845 = tpu.vector_load %arg6[%get3A_843, %get3A_844] {strides = array<i32>} : memref<32x1024xf32, #tpu.memory_space<vmem>>, vector<1x16xf32>,
      %get3A_846 = vector.shape_cast %get3A_845 : vector<1x16xf32> to vector<16xf32>
      %get3A_847 = arith.index_cast %scan3A_74 : i32 to index
      %get3A_848 = arith.constant 880 : index
      %get3A_849 = tpu.vector_load %arg7[%get3A_847, %get3A_848] {strides = array<i32>} : memref<32x1024xf32, #tpu.memory_space<vmem>>, vector<1x16xf32>,
      %get3A_850 = vector.shape_cast %get3A_849 : vector<1x16xf32> to vector<16xf32>
      %add3A_851 = arith.addf %get3A_846, %get3A_850 : vector<16xf32>
      %swap3A_852 = arith.index_cast %scan3A_74 : i32 to index
      %swap3A_853 = arith.constant 880 : index
      %swap3A_854 = tpu.vector_load %arg6[%swap3A_852, %swap3A_853] {strides = array<i32>} : memref<32x1024xf32, #tpu.memory_space<vmem>>, vector<1x16xf32>,
      %swap3A_855 = vector.shape_cast %swap3A_854 : vector<1x16xf32> to vector<16xf32>
      %swap3A_856 = vector.shape_cast %add3A_851 : vector<16xf32> to vector<1x16xf32>
      tpu.vector_store %arg6[%swap3A_852, %swap3A_853], %swap3A_856 {strides = array<i32>} : memref<32x1024xf32, #tpu.memory_space<vmem>>, vector<1x16xf32>,
      %get3A_857 = arith.index_cast %scan3A_74 : i32 to index
      %get3A_858 = arith.constant 896 : index
      %get3A_859 = tpu.vector_load %arg6[%get3A_857, %get3A_858] {strides = array<i32>} : memref<32x1024xf32, #tpu.memory_space<vmem>>, vector<1x16xf32>,
      %get3A_860 = vector.shape_cast %get3A_859 : vector<1x16xf32> to vector<16xf32>
      %get3A_861 = arith.index_cast %scan3A_74 : i32 to index
      %get3A_862 = arith.constant 896 : index
      %get3A_863 = tpu.vector_load %arg7[%get3A_861, %get3A_862] {strides = array<i32>} : memref<32x1024xf32, #tpu.memory_space<vmem>>, vector<1x16xf32>,
      %get3A_864 = vector.shape_cast %get3A_863 : vector<1x16xf32> to vector<16xf32>
      %add3A_865 = arith.addf %get3A_860, %get3A_864 : vector<16xf32>
      %swap3A_866 = arith.index_cast %scan3A_74 : i32 to index
      %swap3A_867 = arith.constant 896 : index
      %swap3A_868 = tpu.vector_load %arg6[%swap3A_866, %swap3A_867] {strides = array<i32>} : memref<32x1024xf32, #tpu.memory_space<vmem>>, vector<1x16xf32>,
      %swap3A_869 = vector.shape_cast %swap3A_868 : vector<1x16xf32> to vector<16xf32>
      %swap3A_870 = vector.shape_cast %add3A_865 : vector<16xf32> to vector<1x16xf32>
      tpu.vector_store %arg6[%swap3A_866, %swap3A_867], %swap3A_870 {strides = array<i32>} : memref<32x1024xf32, #tpu.memory_space<vmem>>, vector<1x16xf32>,
      %get3A_871 = arith.index_cast %scan3A_74 : i32 to index
      %get3A_872 = arith.constant 912 : index
      %get3A_873 = tpu.vector_load %arg6[%get3A_871, %get3A_872] {strides = array<i32>} : memref<32x1024xf32, #tpu.memory_space<vmem>>, vector<1x16xf32>,
      %get3A_874 = vector.shape_cast %get3A_873 : vector<1x16xf32> to vector<16xf32>
      %get3A_875 = arith.index_cast %scan3A_74 : i32 to index
      %get3A_876 = arith.constant 912 : index
      %get3A_877 = tpu.vector_load %arg7[%get3A_875, %get3A_876] {strides = array<i32>} : memref<32x1024xf32, #tpu.memory_space<vmem>>, vector<1x16xf32>,
      %get3A_878 = vector.shape_cast %get3A_877 : vector<1x16xf32> to vector<16xf32>
      %add3A_879 = arith.addf %get3A_874, %get3A_878 : vector<16xf32>
      %swap3A_880 = arith.index_cast %scan3A_74 : i32 to index
      %swap3A_881 = arith.constant 912 : index
      %swap3A_882 = tpu.vector_load %arg6[%swap3A_880, %swap3A_881] {strides = array<i32>} : memref<32x1024xf32, #tpu.memory_space<vmem>>, vector<1x16xf32>,
      %swap3A_883 = vector.shape_cast %swap3A_882 : vector<1x16xf32> to vector<16xf32>
      %swap3A_884 = vector.shape_cast %add3A_879 : vector<16xf32> to vector<1x16xf32>
      tpu.vector_store %arg6[%swap3A_880, %swap3A_881], %swap3A_884 {strides = array<i32>} : memref<32x1024xf32, #tpu.memory_space<vmem>>, vector<1x16xf32>,
      %get3A_885 = arith.index_cast %scan3A_74 : i32 to index
      %get3A_886 = arith.constant 928 : index
      %get3A_887 = tpu.vector_load %arg6[%get3A_885, %get3A_886] {strides = array<i32>} : memref<32x1024xf32, #tpu.memory_space<vmem>>, vector<1x16xf32>,
      %get3A_888 = vector.shape_cast %get3A_887 : vector<1x16xf32> to vector<16xf32>
      %get3A_889 = arith.index_cast %scan3A_74 : i32 to index
      %get3A_890 = arith.constant 928 : index
      %get3A_891 = tpu.vector_load %arg7[%get3A_889, %get3A_890] {strides = array<i32>} : memref<32x1024xf32, #tpu.memory_space<vmem>>, vector<1x16xf32>,
      %get3A_892 = vector.shape_cast %get3A_891 : vector<1x16xf32> to vector<16xf32>
      %add3A_893 = arith.addf %get3A_888, %get3A_892 : vector<16xf32>
      %swap3A_894 = arith.index_cast %scan3A_74 : i32 to index
      %swap3A_895 = arith.constant 928 : index
      %swap3A_896 = tpu.vector_load %arg6[%swap3A_894, %swap3A_895] {strides = array<i32>} : memref<32x1024xf32, #tpu.memory_space<vmem>>, vector<1x16xf32>,
      %swap3A_897 = vector.shape_cast %swap3A_896 : vector<1x16xf32> to vector<16xf32>
      %swap3A_898 = vector.shape_cast %add3A_893 : vector<16xf32> to vector<1x16xf32>
      tpu.vector_store %arg6[%swap3A_894, %swap3A_895], %swap3A_898 {strides = array<i32>} : memref<32x1024xf32, #tpu.memory_space<vmem>>, vector<1x16xf32>,
      %get3A_899 = arith.index_cast %scan3A_74 : i32 to index
      %get3A_900 = arith.constant 944 : index
      %get3A_901 = tpu.vector_load %arg6[%get3A_899, %get3A_900] {strides = array<i32>} : memref<32x1024xf32, #tpu.memory_space<vmem>>, vector<1x16xf32>,
      %get3A_902 = vector.shape_cast %get3A_901 : vector<1x16xf32> to vector<16xf32>
      %get3A_903 = arith.index_cast %scan3A_74 : i32 to index
      %get3A_904 = arith.constant 944 : index
      %get3A_905 = tpu.vector_load %arg7[%get3A_903, %get3A_904] {strides = array<i32>} : memref<32x1024xf32, #tpu.memory_space<vmem>>, vector<1x16xf32>,
      %get3A_906 = vector.shape_cast %get3A_905 : vector<1x16xf32> to vector<16xf32>
      %add3A_907 = arith.addf %get3A_902, %get3A_906 : vector<16xf32>
      %swap3A_908 = arith.index_cast %scan3A_74 : i32 to index
      %swap3A_909 = arith.constant 944 : index
      %swap3A_910 = tpu.vector_load %arg6[%swap3A_908, %swap3A_909] {strides = array<i32>} : memref<32x1024xf32, #tpu.memory_space<vmem>>, vector<1x16xf32>,
      %swap3A_911 = vector.shape_cast %swap3A_910 : vector<1x16xf32> to vector<16xf32>
      %swap3A_912 = vector.shape_cast %add3A_907 : vector<16xf32> to vector<1x16xf32>
      tpu.vector_store %arg6[%swap3A_908, %swap3A_909], %swap3A_912 {strides = array<i32>} : memref<32x1024xf32, #tpu.memory_space<vmem>>, vector<1x16xf32>,
      %get3A_913 = arith.index_cast %scan3A_74 : i32 to index
      %get3A_914 = arith.constant 960 : index
      %get3A_915 = tpu.vector_load %arg6[%get3A_913, %get3A_914] {strides = array<i32>} : memref<32x1024xf32, #tpu.memory_space<vmem>>, vector<1x16xf32>,
      %get3A_916 = vector.shape_cast %get3A_915 : vector<1x16xf32> to vector<16xf32>
      %get3A_917 = arith.index_cast %scan3A_74 : i32 to index
      %get3A_918 = arith.constant 960 : index
      %get3A_919 = tpu.vector_load %arg7[%get3A_917, %get3A_918] {strides = array<i32>} : memref<32x1024xf32, #tpu.memory_space<vmem>>, vector<1x16xf32>,
      %get3A_920 = vector.shape_cast %get3A_919 : vector<1x16xf32> to vector<16xf32>
      %add3A_921 = arith.addf %get3A_916, %get3A_920 : vector<16xf32>
      %swap3A_922 = arith.index_cast %scan3A_74 : i32 to index
      %swap3A_923 = arith.constant 960 : index
      %swap3A_924 = tpu.vector_load %arg6[%swap3A_922, %swap3A_923] {strides = array<i32>} : memref<32x1024xf32, #tpu.memory_space<vmem>>, vector<1x16xf32>,
      %swap3A_925 = vector.shape_cast %swap3A_924 : vector<1x16xf32> to vector<16xf32>
      %swap3A_926 = vector.shape_cast %add3A_921 : vector<16xf32> to vector<1x16xf32>
      tpu.vector_store %arg6[%swap3A_922, %swap3A_923], %swap3A_926 {strides = array<i32>} : memref<32x1024xf32, #tpu.memory_space<vmem>>, vector<1x16xf32>,
      %get3A_927 = arith.index_cast %scan3A_74 : i32 to index
      %get3A_928 = arith.constant 976 : index
      %get3A_929 = tpu.vector_load %arg6[%get3A_927, %get3A_928] {strides = array<i32>} : memref<32x1024xf32, #tpu.memory_space<vmem>>, vector<1x16xf32>,
      %get3A_930 = vector.shape_cast %get3A_929 : vector<1x16xf32> to vector<16xf32>
      %get3A_931 = arith.index_cast %scan3A_74 : i32 to index
      %get3A_932 = arith.constant 976 : index
      %get3A_933 = tpu.vector_load %arg7[%get3A_931, %get3A_932] {strides = array<i32>} : memref<32x1024xf32, #tpu.memory_space<vmem>>, vector<1x16xf32>,
      %get3A_934 = vector.shape_cast %get3A_933 : vector<1x16xf32> to vector<16xf32>
      %add3A_935 = arith.addf %get3A_930, %get3A_934 : vector<16xf32>
      %swap3A_936 = arith.index_cast %scan3A_74 : i32 to index
      %swap3A_937 = arith.constant 976 : index
      %swap3A_938 = tpu.vector_load %arg6[%swap3A_936, %swap3A_937] {strides = array<i32>} : memref<32x1024xf32, #tpu.memory_space<vmem>>, vector<1x16xf32>,
      %swap3A_939 = vector.shape_cast %swap3A_938 : vector<1x16xf32> to vector<16xf32>
      %swap3A_940 = vector.shape_cast %add3A_935 : vector<16xf32> to vector<1x16xf32>
      tpu.vector_store %arg6[%swap3A_936, %swap3A_937], %swap3A_940 {strides = array<i32>} : memref<32x1024xf32, #tpu.memory_space<vmem>>, vector<1x16xf32>,
      %get3A_941 = arith.index_cast %scan3A_74 : i32 to index
      %get3A_942 = arith.constant 992 : index
      %get3A_943 = tpu.vector_load %arg6[%get3A_941, %get3A_942] {strides = array<i32>} : memref<32x1024xf32, #tpu.memory_space<vmem>>, vector<1x16xf32>,
      %get3A_944 = vector.shape_cast %get3A_943 : vector<1x16xf32> to vector<16xf32>
      %get3A_945 = arith.index_cast %scan3A_74 : i32 to index
      %get3A_946 = arith.constant 992 : index
      %get3A_947 = tpu.vector_load %arg7[%get3A_945, %get3A_946] {strides = array<i32>} : memref<32x1024xf32, #tpu.memory_space<vmem>>, vector<1x16xf32>,
      %get3A_948 = vector.shape_cast %get3A_947 : vector<1x16xf32> to vector<16xf32>
      %add3A_949 = arith.addf %get3A_944, %get3A_948 : vector<16xf32>
      %swap3A_950 = arith.index_cast %scan3A_74 : i32 to index
      %swap3A_951 = arith.constant 992 : index
      %swap3A_952 = tpu.vector_load %arg6[%swap3A_950, %swap3A_951] {strides = array<i32>} : memref<32x1024xf32, #tpu.memory_space<vmem>>, vector<1x16xf32>,
      %swap3A_953 = vector.shape_cast %swap3A_952 : vector<1x16xf32> to vector<16xf32>
      %swap3A_954 = vector.shape_cast %add3A_949 : vector<16xf32> to vector<1x16xf32>
      tpu.vector_store %arg6[%swap3A_950, %swap3A_951], %swap3A_954 {strides = array<i32>} : memref<32x1024xf32, #tpu.memory_space<vmem>>, vector<1x16xf32>,
      %get3A_955 = arith.index_cast %scan3A_74 : i32 to index
      %get3A_956 = arith.constant 1008 : index
      %get3A_957 = tpu.vector_load %arg6[%get3A_955, %get3A_956] {strides = array<i32>} : memref<32x1024xf32, #tpu.memory_space<vmem>>, vector<1x16xf32>,
      %get3A_958 = vector.shape_cast %get3A_957 : vector<1x16xf32> to vector<16xf32>
      %get3A_959 = arith.index_cast %scan3A_74 : i32 to index
      %get3A_960 = arith.constant 1008 : index
      %get3A_961 = tpu.vector_load %arg7[%get3A_959, %get3A_960] {strides = array<i32>} : memref<32x1024xf32, #tpu.memory_space<vmem>>, vector<1x16xf32>,
      %get3A_962 = vector.shape_cast %get3A_961 : vector<1x16xf32> to vector<16xf32>
      %add3A_963 = arith.addf %get3A_958, %get3A_962 : vector<16xf32>
      %swap3A_964 = arith.index_cast %scan3A_74 : i32 to index
      %swap3A_965 = arith.constant 1008 : index
      %swap3A_966 = tpu.vector_load %arg6[%swap3A_964, %swap3A_965] {strides = array<i32>} : memref<32x1024xf32, #tpu.memory_space<vmem>>, vector<1x16xf32>,
      %swap3A_967 = vector.shape_cast %swap3A_966 : vector<1x16xf32> to vector<16xf32>
      %swap3A_968 = vector.shape_cast %add3A_963 : vector<16xf32> to vector<1x16xf32>
      tpu.vector_store %arg6[%swap3A_964, %swap3A_965], %swap3A_968 {strides = array<i32>} : memref<32x1024xf32, #tpu.memory_space<vmem>>, vector<1x16xf32>,
    }
    %scan3A_69 = arith.constant 32 : i32
    %mul3A_70 = arith.constant 64 : i32
    %mul3A_71 = arith.muli %add3A, %mul3A_70 : i32
    %add3A_72 = arith.constant 32 : i32
    %add3A_73 = arith.addi %mul3A_71, %add3A_72 : i32
    "tpu.region"() ({
      %run_scoped3A = tpu.sem_alloc : memref<!tpu.dma_semaphore, #tpu.memory_space<semaphore_mem>>
      %dma_start3A_74 = arith.constant 0 : i32
      %dma_start3A_75 = tpu.memref_slice %arg4[%add3A_73, %dma_start3A_74] : memref<2048x1024xf32, #tpu.memory_space<hbm>> -> memref<32x1024xf32, #tpu.memory_space<hbm>>
      %dma_start3A_76 = arith.constant 0 : i32
      %dma_start3A_77 = tpu.memref_slice %arg4[%add3A_73, %dma_start3A_76] : memref<2048x1024xf32, #tpu.memory_space<hbm>> -> memref<32x1024xf32, #tpu.memory_space<hbm>>
      tpu.enqueue_dma source(%arg6 : memref<32x1024xf32, #tpu.memory_space<vmem>>) target(%dma_start3A_77 : memref<32x1024xf32, #tpu.memory_space<hbm>>) target_semaphore(%run_scoped3A : memref<!tpu.dma_semaphore, #tpu.memory_space<semaphore_mem>>)
      %dma_wait3A_78 = arith.constant 0 : i32
      %dma_wait3A_79 = tpu.memref_slice %arg4[%add3A_73, %dma_wait3A_78] : memref<2048x1024xf32, #tpu.memory_space<hbm>> -> memref<32x1024xf32, #tpu.memory_space<hbm>>
      %dma_wait3A_80 = arith.constant 0 : i32
      %dma_wait3A_81 = tpu.memref_slice %arg4[%add3A_73, %dma_wait3A_80] : memref<2048x1024xf32, #tpu.memory_space<hbm>> -> memref<32x1024xf32, #tpu.memory_space<hbm>>
      tpu.wait_dma2 semaphore(%run_scoped3A : memref<!tpu.dma_semaphore, #tpu.memory_space<semaphore_mem>>) src(%arg6 : memref<32x1024xf32, #tpu.memory_space<vmem>>) dst(%dma_wait3A_81 : memref<32x1024xf32, #tpu.memory_space<hbm>>)
      tpu.yield
    }) : () -> ()
    return
  }
}

module attributes {stable_mosaic.version = 14 : i64} {
  func.func @_router_body(%arg0: memref<2048x1024xf32, #tpu.memory_space<vmem>>, %arg1: memref<128x1024xf32, #tpu.memory_space<vmem>>, %arg2: memref<2048x128xf32, #tpu.memory_space<vmem>>, %arg3: memref<2048x128xf32, #tpu.memory_space<vmem>>, %arg4: memref<2048x128xf32, #tpu.memory_space<vmem>>, %arg5: memref<2x128xf32, #tpu.memory_space<vmem>>) attributes {dimension_semantics = [], scalar_prefetch = 0 : i64, scratch_operands = 0 : i64, tpu.core_type = #tpu.core_type<tc>} {
    %get3A = arith.constant 0 : index
    %get3A_0 = arith.constant 0 : index
    %get3A_1 = vector.load %arg0[%get3A, %get3A_0] : memref<2048x1024xf32, #tpu.memory_space<vmem>>, vector<2048x1024xf32>
    %get3A_2 = arith.constant 0 : index
    %get3A_3 = arith.constant 0 : index
    %get3A_4 = vector.load %arg1[%get3A_2, %get3A_3] : memref<128x1024xf32, #tpu.memory_space<vmem>>, vector<128x1024xf32>
    %dot_general3A = arith.constant dense<0.000000e+00> : vector<2048x128xf32>
    %dot_general3A_5 = tpu.matmul %get3A_1, %get3A_4, %dot_general3A {dimension_numbers = #tpu.dot_dimension_numbers<[1], [1], [0], [0], [0, 0, 1, 0], [], []>, transpose_lhs_hint = false} : vector<2048x1024xf32>, vector<128x1024xf32>, vector<2048x128xf32> -> vector<2048x128xf32>
    %swap3A = arith.constant 0 : index
    %swap3A_6 = arith.constant 0 : index
    %swap3A_7 = vector.load %arg2[%swap3A, %swap3A_6] : memref<2048x128xf32, #tpu.memory_space<vmem>>, vector<2048x128xf32>
    tpu.vector_store %arg2[%swap3A, %swap3A_6], %dot_general3A_5 {strides = array<i32>} : memref<2048x128xf32, #tpu.memory_space<vmem>>, vector<2048x128xf32>,
    %iota3A = tpu.iota {dimensions = array<i32: 1>} : vector<2048x128xi32>
    %lt3A = arith.constant 8 : i32
    %lt3A_8 = vector.broadcast %lt3A : i32 to vector<2048x128xi32>
    %lt3A_9 = arith.cmpi slt, %iota3A, %lt3A_8 : vector<2048x128xi32>
    %jit3A = arith.constant 0xFF800000 : f32
    %broadcast_in_dim3A = vector.broadcast %jit3A : f32 to vector<2048x128xf32>
    %select_n3A = arith.select %lt3A_9, %dot_general3A_5, %broadcast_in_dim3A : vector<2048x128xi1>, vector<2048x128xf32>
    %reduce_max3A = arith.constant dense<0xFF800000> : vector<2048xf32>
    %reduce_max3A_10 = vector.multi_reduction <maximumf>, %select_n3A, %reduce_max3A [1] : vector<2048x128xf32> to vector<2048xf32>
    %broadcast_in_dim3A_11 = vector.shape_cast %reduce_max3A_10 : vector<2048xf32> to vector<2048x1xf32>
    %sub3A = vector.broadcast %broadcast_in_dim3A_11 : vector<2048x1xf32> to vector<2048x128xf32>
    %sub3A_12 = arith.subf %select_n3A, %sub3A : vector<2048x128xf32>
    %exp3A = math.exp %sub3A_12 : vector<2048x128xf32>
    %reduce_sum3A = arith.constant dense<0.000000e+00> : vector<2048xf32>
    %reduce_sum3A_13 = vector.multi_reduction <add>, %exp3A, %reduce_sum3A [1] : vector<2048x128xf32> to vector<2048xf32>
    %broadcast_in_dim3A_14 = vector.shape_cast %reduce_sum3A_13 : vector<2048xf32> to vector<2048x1xf32>
    %div3A = vector.broadcast %broadcast_in_dim3A_14 : vector<2048x1xf32> to vector<2048x128xf32>
    %div3A_15 = arith.divf %exp3A, %div3A : vector<2048x128xf32>
    %swap3A_16 = arith.constant 0 : index
    %swap3A_17 = arith.constant 0 : index
    %swap3A_18 = vector.load %arg3[%swap3A_16, %swap3A_17] : memref<2048x128xf32, #tpu.memory_space<vmem>>, vector<2048x128xf32>
    tpu.vector_store %arg3[%swap3A_16, %swap3A_17], %div3A_15 {strides = array<i32>} : memref<2048x128xf32, #tpu.memory_space<vmem>>, vector<2048x128xf32>,
    %jit3A_19 = arith.constant -1.000000e+00 : f32
    %broadcast_in_dim3A_20 = vector.broadcast %jit3A_19 : f32 to vector<2048x128xf32>
    %select_n3A_21 = arith.select %lt3A_9, %div3A_15, %broadcast_in_dim3A_20 : vector<2048x128xi1>, vector<2048x128xf32>
    %reduce_max3A_22 = arith.constant dense<0xFF800000> : vector<2048xf32>
    %reduce_max3A_23 = vector.multi_reduction <maximumf>, %select_n3A_21, %reduce_max3A_22 [1] : vector<2048x128xf32> to vector<2048xf32>
    %broadcast_in_dim3A_24 = vector.shape_cast %reduce_max3A_23 : vector<2048xf32> to vector<2048x1xf32>
    %eq3A = vector.broadcast %broadcast_in_dim3A_24 : vector<2048x1xf32> to vector<2048x128xf32>
    %eq3A_25 = arith.cmpf oeq, %div3A_15, %eq3A : vector<2048x128xf32>
    %and3A = arith.andi %lt3A_9, %eq3A_25 : vector<2048x128xi1>
    %jit3A_26 = arith.constant 128 : i32
    %broadcast_in_dim3A_27 = vector.broadcast %jit3A_26 : i32 to vector<2048x128xi32>
    %select_n3A_28 = arith.select %and3A, %iota3A, %broadcast_in_dim3A_27 : vector<2048x128xi1>, vector<2048x128xi32>
    %reduce_min3A = arith.constant dense<2147483647> : vector<2048xi32>
    %reduce_min3A_29 = vector.multi_reduction <minsi>, %select_n3A_28, %reduce_min3A [1] : vector<2048x128xi32> to vector<2048xi32>
    %broadcast_in_dim3A_30 = vector.shape_cast %reduce_min3A_29 : vector<2048xi32> to vector<2048x1xi32>
    %eq3A_31 = vector.broadcast %broadcast_in_dim3A_30 : vector<2048x1xi32> to vector<2048x128xi32>
    %eq3A_32 = arith.cmpi eq, %iota3A, %eq3A_31 : vector<2048x128xi32>
    %not3A = arith.constant dense<true> : vector<2048x128xi1>
    %not3A_33 = arith.xori %eq3A_32, %not3A : vector<2048x128xi1>
    %and3A_34 = arith.andi %lt3A_9, %not3A_33 : vector<2048x128xi1>
    %jit3A_35 = arith.constant -1.000000e+00 : f32
    %broadcast_in_dim3A_36 = vector.broadcast %jit3A_35 : f32 to vector<2048x128xf32>
    %select_n3A_37 = arith.select %and3A_34, %div3A_15, %broadcast_in_dim3A_36 : vector<2048x128xi1>, vector<2048x128xf32>
    %reduce_max3A_38 = arith.constant dense<0xFF800000> : vector<2048xf32>
    %reduce_max3A_39 = vector.multi_reduction <maximumf>, %select_n3A_37, %reduce_max3A_38 [1] : vector<2048x128xf32> to vector<2048xf32>
    %broadcast_in_dim3A_40 = vector.shape_cast %reduce_max3A_39 : vector<2048xf32> to vector<2048x1xf32>
    %not3A_41 = arith.constant dense<true> : vector<2048x128xi1>
    %not3A_42 = arith.xori %eq3A_32, %not3A_41 : vector<2048x128xi1>
    %and3A_43 = arith.andi %lt3A_9, %not3A_42 : vector<2048x128xi1>
    %eq3A_44 = vector.broadcast %broadcast_in_dim3A_40 : vector<2048x1xf32> to vector<2048x128xf32>
    %eq3A_45 = arith.cmpf oeq, %div3A_15, %eq3A_44 : vector<2048x128xf32>
    %and3A_46 = arith.andi %and3A_43, %eq3A_45 : vector<2048x128xi1>
    %jit3A_47 = arith.constant 128 : i32
    %broadcast_in_dim3A_48 = vector.broadcast %jit3A_47 : i32 to vector<2048x128xi32>
    %select_n3A_49 = arith.select %and3A_46, %iota3A, %broadcast_in_dim3A_48 : vector<2048x128xi1>, vector<2048x128xi32>
    %reduce_min3A_50 = arith.constant dense<2147483647> : vector<2048xi32>
    %reduce_min3A_51 = vector.multi_reduction <minsi>, %select_n3A_49, %reduce_min3A_50 [1] : vector<2048x128xi32> to vector<2048xi32>
    %broadcast_in_dim3A_52 = vector.shape_cast %reduce_min3A_51 : vector<2048xi32> to vector<2048x1xi32>
    %eq3A_53 = vector.broadcast %broadcast_in_dim3A_52 : vector<2048x1xi32> to vector<2048x128xi32>
    %eq3A_54 = arith.cmpi eq, %iota3A, %eq3A_53 : vector<2048x128xi32>
    %add3A = arith.addf %broadcast_in_dim3A_24, %broadcast_in_dim3A_40 : vector<2048x1xf32>
    %div3A_55 = arith.divf %broadcast_in_dim3A_24, %add3A : vector<2048x1xf32>
    %div3A_56 = arith.divf %broadcast_in_dim3A_40, %add3A : vector<2048x1xf32>
    %convert_element_type3A = arith.extui %eq3A_32 : vector<2048x128xi1> to vector<2048x128xi32>
    %convert_element_type3A_57 = arith.sitofp %convert_element_type3A : vector<2048x128xi32> to vector<2048x128xf32>
    %convert_element_type3A_58 = arith.extui %eq3A_54 : vector<2048x128xi1> to vector<2048x128xi32>
    %convert_element_type3A_59 = arith.sitofp %convert_element_type3A_58 : vector<2048x128xi32> to vector<2048x128xf32>
    %reduce_sum3A_60 = arith.constant dense<0.000000e+00> : vector<128xf32>
    %reduce_sum3A_61 = vector.multi_reduction <add>, %convert_element_type3A_57, %reduce_sum3A_60 [0] : vector<2048x128xf32> to vector<128xf32>
    %broadcast_in_dim3A_62 = vector.shape_cast %reduce_sum3A_61 : vector<128xf32> to vector<1x128xf32>
    %reduce_sum3A_63 = arith.constant dense<0.000000e+00> : vector<128xf32>
    %reduce_sum3A_64 = vector.multi_reduction <add>, %convert_element_type3A_59, %reduce_sum3A_63 [0] : vector<2048x128xf32> to vector<128xf32>
    %broadcast_in_dim3A_65 = vector.shape_cast %reduce_sum3A_64 : vector<128xf32> to vector<1x128xf32>
    %add3A_66 = arith.addf %broadcast_in_dim3A_62, %broadcast_in_dim3A_65 : vector<1x128xf32>
    %iota3A_67 = tpu.iota {dimensions = array<i32: 0>} : vector<128x128xi32>
    %iota3A_68 = tpu.iota {dimensions = array<i32: 1>} : vector<128x128xi32>
    %lt3A_69 = arith.cmpi slt, %iota3A_67, %iota3A_68 : vector<128x128xi32>
    %convert_element_type3A_70 = arith.extui %lt3A_69 : vector<128x128xi1> to vector<128x128xi32>
    %convert_element_type3A_71 = arith.sitofp %convert_element_type3A_70 : vector<128x128xi32> to vector<128x128xf32>
    %dot_general3A_72 = arith.constant dense<0.000000e+00> : vector<1x128xf32>
    %dot_general3A_73 = tpu.matmul %add3A_66, %convert_element_type3A_71, %dot_general3A_72 {dimension_numbers = #tpu.dot_dimension_numbers<[1], [0], [0], [1], [0, 0, 1, 1], [], []>, precision = #tpu.contract_precision<fp32>, transpose_lhs_hint = false} : vector<1x128xf32>, vector<128x128xf32>, vector<1x128xf32> -> vector<1x128xf32>
    %iota3A_74 = tpu.iota {dimensions = array<i32: 0>} : vector<2048x2048xi32>
    %iota3A_75 = tpu.iota {dimensions = array<i32: 1>} : vector<2048x2048xi32>
    %lt3A_76 = arith.cmpi slt, %iota3A_75, %iota3A_74 : vector<2048x2048xi32>
    %convert_element_type3A_77 = arith.extui %lt3A_76 : vector<2048x2048xi1> to vector<2048x2048xi32>
    %convert_element_type3A_78 = arith.sitofp %convert_element_type3A_77 : vector<2048x2048xi32> to vector<2048x2048xf32>
    %dot_general3A_79 = arith.constant dense<0.000000e+00> : vector<2048x128xf32>
    %dot_general3A_80 = tpu.matmul %convert_element_type3A_78, %convert_element_type3A_57, %dot_general3A_79 {dimension_numbers = #tpu.dot_dimension_numbers<[1], [0], [0], [1], [0, 0, 1, 1], [], []>, transpose_lhs_hint = false} : vector<2048x2048xf32>, vector<2048x128xf32>, vector<2048x128xf32> -> vector<2048x128xf32>
    %dot_general3A_81 = arith.constant dense<0.000000e+00> : vector<2048x128xf32>
    %dot_general3A_82 = tpu.matmul %convert_element_type3A_78, %convert_element_type3A_59, %dot_general3A_81 {dimension_numbers = #tpu.dot_dimension_numbers<[1], [0], [0], [1], [0, 0, 1, 1], [], []>, transpose_lhs_hint = false} : vector<2048x2048xf32>, vector<2048x128xf32>, vector<2048x128xf32> -> vector<2048x128xf32>
    %add3A_83 = vector.broadcast %dot_general3A_73 : vector<1x128xf32> to vector<2048x128xf32>
    %add3A_84 = arith.addf %add3A_83, %dot_general3A_80 : vector<2048x128xf32>
    %jit3A_85 = arith.constant 0.000000e+00 : f32
    %broadcast_in_dim3A_86 = vector.broadcast %jit3A_85 : f32 to vector<2048x128xf32>
    %select_n3A_87 = arith.select %eq3A_32, %add3A_84, %broadcast_in_dim3A_86 : vector<2048x128xi1>, vector<2048x128xf32>
    %reduce_sum3A_88 = arith.constant dense<0.000000e+00> : vector<2048xf32>
    %reduce_sum3A_89 = vector.multi_reduction <add>, %select_n3A_87, %reduce_sum3A_88 [1] : vector<2048x128xf32> to vector<2048xf32>
    %broadcast_in_dim3A_90 = vector.shape_cast %reduce_sum3A_89 : vector<2048xf32> to vector<2048x1xf32>
    %add3A_91 = arith.addf %dot_general3A_73, %broadcast_in_dim3A_62 : vector<1x128xf32>
    %add3A_92 = vector.broadcast %add3A_91 : vector<1x128xf32> to vector<2048x128xf32>
    %add3A_93 = arith.addf %add3A_92, %dot_general3A_82 : vector<2048x128xf32>
    %jit3A_94 = arith.constant 0.000000e+00 : f32
    %broadcast_in_dim3A_95 = vector.broadcast %jit3A_94 : f32 to vector<2048x128xf32>
    %select_n3A_96 = arith.select %eq3A_54, %add3A_93, %broadcast_in_dim3A_95 : vector<2048x128xi1>, vector<2048x128xf32>
    %reduce_sum3A_97 = arith.constant dense<0.000000e+00> : vector<2048xf32>
    %reduce_sum3A_98 = vector.multi_reduction <add>, %select_n3A_96, %reduce_sum3A_97 [1] : vector<2048x128xf32> to vector<2048xf32>
    %broadcast_in_dim3A_99 = vector.shape_cast %reduce_sum3A_98 : vector<2048xf32> to vector<2048x1xf32>
    %eq3A_100 = arith.constant 0 : i32
    %eq3A_101 = vector.broadcast %eq3A_100 : i32 to vector<2048x128xi32>
    %eq3A_102 = arith.cmpi eq, %iota3A, %eq3A_101 : vector<2048x128xi32>
    %convert_element_type3A_103 = arith.sitofp %broadcast_in_dim3A_30 : vector<2048x1xi32> to vector<2048x1xf32>
    %jit3A_104 = arith.constant 0.000000e+00 : f32
    %broadcast_in_dim3A_105 = vector.shape_cast %convert_element_type3A_103 : vector<2048x1xf32> to vector<2048x1xf32>
    %broadcast_in_dim3A_106 = vector.broadcast %broadcast_in_dim3A_105 : vector<2048x1xf32> to vector<2048x128xf32>
    %broadcast_in_dim3A_107 = vector.broadcast %jit3A_104 : f32 to vector<2048x128xf32>
    %select_n3A_108 = arith.select %eq3A_102, %broadcast_in_dim3A_106, %broadcast_in_dim3A_107 : vector<2048x128xi1>, vector<2048x128xf32>
    %eq3A_109 = arith.constant 1 : i32
    %eq3A_110 = vector.broadcast %eq3A_109 : i32 to vector<2048x128xi32>
    %eq3A_111 = arith.cmpi eq, %iota3A, %eq3A_110 : vector<2048x128xi32>
    %convert_element_type3A_112 = arith.sitofp %broadcast_in_dim3A_52 : vector<2048x1xi32> to vector<2048x1xf32>
    %jit3A_113 = arith.constant 0.000000e+00 : f32
    %broadcast_in_dim3A_114 = vector.shape_cast %convert_element_type3A_112 : vector<2048x1xf32> to vector<2048x1xf32>
    %broadcast_in_dim3A_115 = vector.broadcast %broadcast_in_dim3A_114 : vector<2048x1xf32> to vector<2048x128xf32>
    %broadcast_in_dim3A_116 = vector.broadcast %jit3A_113 : f32 to vector<2048x128xf32>
    %select_n3A_117 = arith.select %eq3A_111, %broadcast_in_dim3A_115, %broadcast_in_dim3A_116 : vector<2048x128xi1>, vector<2048x128xf32>
    %add3A_118 = arith.addf %select_n3A_108, %select_n3A_117 : vector<2048x128xf32>
    %eq3A_119 = arith.constant 2 : i32
    %eq3A_120 = vector.broadcast %eq3A_119 : i32 to vector<2048x128xi32>
    %eq3A_121 = arith.cmpi eq, %iota3A, %eq3A_120 : vector<2048x128xi32>
    %jit3A_122 = arith.constant 0.000000e+00 : f32
    %broadcast_in_dim3A_123 = vector.shape_cast %div3A_55 : vector<2048x1xf32> to vector<2048x1xf32>
    %broadcast_in_dim3A_124 = vector.broadcast %broadcast_in_dim3A_123 : vector<2048x1xf32> to vector<2048x128xf32>
    %broadcast_in_dim3A_125 = vector.broadcast %jit3A_122 : f32 to vector<2048x128xf32>
    %select_n3A_126 = arith.select %eq3A_121, %broadcast_in_dim3A_124, %broadcast_in_dim3A_125 : vector<2048x128xi1>, vector<2048x128xf32>
    %add3A_127 = arith.addf %add3A_118, %select_n3A_126 : vector<2048x128xf32>
    %eq3A_128 = arith.constant 3 : i32
    %eq3A_129 = vector.broadcast %eq3A_128 : i32 to vector<2048x128xi32>
    %eq3A_130 = arith.cmpi eq, %iota3A, %eq3A_129 : vector<2048x128xi32>
    %jit3A_131 = arith.constant 0.000000e+00 : f32
    %broadcast_in_dim3A_132 = vector.shape_cast %div3A_56 : vector<2048x1xf32> to vector<2048x1xf32>
    %broadcast_in_dim3A_133 = vector.broadcast %broadcast_in_dim3A_132 : vector<2048x1xf32> to vector<2048x128xf32>
    %broadcast_in_dim3A_134 = vector.broadcast %jit3A_131 : f32 to vector<2048x128xf32>
    %select_n3A_135 = arith.select %eq3A_130, %broadcast_in_dim3A_133, %broadcast_in_dim3A_134 : vector<2048x128xi1>, vector<2048x128xf32>
    %add3A_136 = arith.addf %add3A_127, %select_n3A_135 : vector<2048x128xf32>
    %eq3A_137 = arith.constant 4 : i32
    %eq3A_138 = vector.broadcast %eq3A_137 : i32 to vector<2048x128xi32>
    %eq3A_139 = arith.cmpi eq, %iota3A, %eq3A_138 : vector<2048x128xi32>
    %jit3A_140 = arith.constant 0.000000e+00 : f32
    %broadcast_in_dim3A_141 = vector.shape_cast %broadcast_in_dim3A_90 : vector<2048x1xf32> to vector<2048x1xf32>
    %broadcast_in_dim3A_142 = vector.broadcast %broadcast_in_dim3A_141 : vector<2048x1xf32> to vector<2048x128xf32>
    %broadcast_in_dim3A_143 = vector.broadcast %jit3A_140 : f32 to vector<2048x128xf32>
    %select_n3A_144 = arith.select %eq3A_139, %broadcast_in_dim3A_142, %broadcast_in_dim3A_143 : vector<2048x128xi1>, vector<2048x128xf32>
    %add3A_145 = arith.addf %add3A_136, %select_n3A_144 : vector<2048x128xf32>
    %eq3A_146 = arith.constant 5 : i32
    %eq3A_147 = vector.broadcast %eq3A_146 : i32 to vector<2048x128xi32>
    %eq3A_148 = arith.cmpi eq, %iota3A, %eq3A_147 : vector<2048x128xi32>
    %jit3A_149 = arith.constant 0.000000e+00 : f32
    %broadcast_in_dim3A_150 = vector.shape_cast %broadcast_in_dim3A_99 : vector<2048x1xf32> to vector<2048x1xf32>
    %broadcast_in_dim3A_151 = vector.broadcast %broadcast_in_dim3A_150 : vector<2048x1xf32> to vector<2048x128xf32>
    %broadcast_in_dim3A_152 = vector.broadcast %jit3A_149 : f32 to vector<2048x128xf32>
    %select_n3A_153 = arith.select %eq3A_148, %broadcast_in_dim3A_151, %broadcast_in_dim3A_152 : vector<2048x128xi1>, vector<2048x128xf32>
    %add3A_154 = arith.addf %add3A_145, %select_n3A_153 : vector<2048x128xf32>
    %swap3A_155 = arith.constant 0 : index
    %swap3A_156 = arith.constant 0 : index
    %swap3A_157 = vector.load %arg4[%swap3A_155, %swap3A_156] : memref<2048x128xf32, #tpu.memory_space<vmem>>, vector<2048x128xf32>
    tpu.vector_store %arg4[%swap3A_155, %swap3A_156], %add3A_154 {strides = array<i32>} : memref<2048x128xf32, #tpu.memory_space<vmem>>, vector<2048x128xf32>,
    %reduce_sum3A_158 = arith.constant dense<0.000000e+00> : vector<128xf32>
    %reduce_sum3A_159 = vector.multi_reduction <add>, %div3A_15, %reduce_sum3A_158 [0] : vector<2048x128xf32> to vector<128xf32>
    %broadcast_in_dim3A_160 = vector.shape_cast %reduce_sum3A_159 : vector<128xf32> to vector<1x128xf32>
    %div3A_161 = arith.constant 2.048000e+03 : f32
    %div3A_162 = vector.broadcast %div3A_161 : f32 to vector<1x128xf32>
    %div3A_163 = arith.divf %broadcast_in_dim3A_160, %div3A_162 : vector<1x128xf32>
    %div3A_164 = arith.constant 4.096000e+03 : f32
    %div3A_165 = vector.broadcast %div3A_164 : f32 to vector<1x128xf32>
    %div3A_166 = arith.divf %add3A_66, %div3A_165 : vector<1x128xf32>
    %concatenate3A = tpu.concatenate %div3A_166, %div3A_163 in 0 : vector<1x128xf32>, vector<1x128xf32> -> vector<2x128xf32>
    %swap3A_167 = arith.constant 0 : index
    %swap3A_168 = arith.constant 0 : index
    %swap3A_169 = vector.load %arg5[%swap3A_167, %swap3A_168] : memref<2x128xf32, #tpu.memory_space<vmem>>, vector<2x128xf32>
    tpu.vector_store %arg5[%swap3A_167, %swap3A_168], %concatenate3A {strides = array<i32>} : memref<2x128xf32, #tpu.memory_space<vmem>>, vector<2x128xf32>,
    return
  }
}

module attributes {stable_mosaic.version = 14 : i64} {
  func.func @_ffn_body(%arg0: i32, %arg1: i32, %arg2: memref<15xi32, #tpu.memory_space<smem>>, %arg3: memref<15xi32, #tpu.memory_space<smem>>, %arg4: memref<15xi32, #tpu.memory_space<smem>>, %arg5: memref<15xi32, #tpu.memory_space<smem>>, %arg6: memref<15xi32, #tpu.memory_space<smem>>, %arg7: memref<512x1024xf32, #tpu.memory_space<vmem>>, %arg8: memref<512x128xf32, #tpu.memory_space<vmem>>, %arg9: memref<1x1408x1024xf32, #tpu.memory_space<vmem>>, %arg10: memref<1x1408x1024xf32, #tpu.memory_space<vmem>>, %arg11: memref<1x1024x1408xf32, #tpu.memory_space<vmem>>, %arg12: memref<512x1024xf32, #tpu.memory_space<vmem>>, %arg13: memref<8x512x1024xf32, #tpu.memory_space<vmem>>) attributes {dimension_semantics = [#tpu.dimension_semantics<arbitrary>, #tpu.dimension_semantics<arbitrary>], iteration_bounds = array<i64: 2, 15>, scalar_prefetch = 5 : i64, scratch_operands = 1 : i64, tpu.core_type = #tpu.core_type<tc>, window_params = [{transform_indices = @transform_0, window_bounds = array<i64: 512, 1024>}, {transform_indices = @transform_1, window_bounds = array<i64: 512, 128>}, {transform_indices = @transform_2, window_bounds = array<i64: 1, 1408, 1024>}, {transform_indices = @transform_3, window_bounds = array<i64: 1, 1408, 1024>}, {transform_indices = @transform_4, window_bounds = array<i64: 1, 1024, 1408>}, {transform_indices = @transform_5, window_bounds = array<i64: 512, 1024>}]} {
    %get3A = arith.index_cast %arg1 : i32 to index
    %get3A_0 = memref.load %arg5[%get3A] : memref<15xi32, #tpu.memory_space<smem>>
    %get3A_1 = arith.index_cast %arg1 : i32 to index
    %get3A_2 = memref.load %arg6[%get3A_1] : memref<15xi32, #tpu.memory_space<smem>>
    %get3A_3 = arith.index_cast %arg1 : i32 to index
    %get3A_4 = memref.load %arg3[%get3A_3] : memref<15xi32, #tpu.memory_space<smem>>
    %get3A_5 = arith.constant 0 : index
    %get3A_6 = arith.constant 0 : index
    %get3A_7 = vector.load %arg7[%get3A_5, %get3A_6] : memref<512x1024xf32, #tpu.memory_space<vmem>>, vector<512x1024xf32>
    %get3A_8 = arith.constant 0 : index
    %get3A_9 = arith.constant 0 : index
    %get3A_10 = arith.constant 0 : index
    %get3A_11 = vector.load %arg9[%get3A_8, %get3A_9, %get3A_10] : memref<1x1408x1024xf32, #tpu.memory_space<vmem>>, vector<1x1408x1024xf32>
    %get3A_12 = vector.shape_cast %get3A_11 : vector<1x1408x1024xf32> to vector<1408x1024xf32>
    %dot_general3A = arith.constant dense<0.000000e+00> : vector<512x1408xf32>
    %dot_general3A_13 = tpu.matmul %get3A_7, %get3A_12, %dot_general3A {dimension_numbers = #tpu.dot_dimension_numbers<[1], [1], [0], [0], [0, 0, 1, 0], [], []>, transpose_lhs_hint = false} : vector<512x1024xf32>, vector<1408x1024xf32>, vector<512x1408xf32> -> vector<512x1408xf32>
    %get3A_14 = arith.constant 0 : index
    %get3A_15 = arith.constant 0 : index
    %get3A_16 = arith.constant 0 : index
    %get3A_17 = vector.load %arg10[%get3A_14, %get3A_15, %get3A_16] : memref<1x1408x1024xf32, #tpu.memory_space<vmem>>, vector<1x1408x1024xf32>
    %get3A_18 = vector.shape_cast %get3A_17 : vector<1x1408x1024xf32> to vector<1408x1024xf32>
    %dot_general3A_19 = arith.constant dense<0.000000e+00> : vector<512x1408xf32>
    %dot_general3A_20 = tpu.matmul %get3A_7, %get3A_18, %dot_general3A_19 {dimension_numbers = #tpu.dot_dimension_numbers<[1], [1], [0], [0], [0, 0, 1, 0], [], []>, transpose_lhs_hint = false} : vector<512x1024xf32>, vector<1408x1024xf32>, vector<512x1408xf32> -> vector<512x1408xf32>
    %neg3A = arith.constant 0.000000e+00 : f32
    %neg3A_21 = vector.broadcast %neg3A : f32 to vector<512x1408xf32>
    %neg3A_22 = arith.subf %neg3A_21, %dot_general3A_13 : vector<512x1408xf32>
    %exp3A = math.exp %neg3A_22 : vector<512x1408xf32>
    %add3A = arith.constant 1.000000e+00 : f32
    %add3A_23 = vector.broadcast %add3A : f32 to vector<512x1408xf32>
    %add3A_24 = arith.addf %add3A_23, %exp3A : vector<512x1408xf32>
    %div3A = arith.divf %dot_general3A_13, %add3A_24 : vector<512x1408xf32>
    %mul3A = arith.mulf %div3A, %dot_general3A_20 : vector<512x1408xf32>
    %iota3A = tpu.iota {dimensions = array<i32: 0>} : vector<512x1xi32>
    %ge3A = vector.broadcast %get3A_0 : i32 to vector<512x1xi32>
    %ge3A_25 = arith.cmpi sge, %iota3A, %ge3A : vector<512x1xi32>
    %lt3A = vector.broadcast %get3A_2 : i32 to vector<512x1xi32>
    %lt3A_26 = arith.cmpi slt, %iota3A, %lt3A : vector<512x1xi32>
    %and3A = arith.andi %ge3A_25, %lt3A_26 : vector<512x1xi1>
    %get3A_27 = arith.constant 0 : index
    %get3A_28 = arith.constant 0 : index
    %get3A_29 = vector.load %arg8[%get3A_27, %get3A_28] : memref<512x128xf32, #tpu.memory_space<vmem>>, vector<512x1xf32>
    %jit3A = arith.constant 0.000000e+00 : f32
    %broadcast_in_dim3A = vector.broadcast %jit3A : f32 to vector<512x1xf32>
    %select_n3A = arith.select %and3A, %get3A_29, %broadcast_in_dim3A : vector<512x1xi1>, vector<512x1xf32>
    %mul3A_30 = vector.broadcast %select_n3A : vector<512x1xf32> to vector<512x1408xf32>
    %mul3A_31 = arith.mulf %mul3A, %mul3A_30 : vector<512x1408xf32>
    %get3A_32 = arith.constant 0 : index
    %get3A_33 = arith.constant 0 : index
    %get3A_34 = arith.constant 0 : index
    %get3A_35 = vector.load %arg11[%get3A_32, %get3A_33, %get3A_34] : memref<1x1024x1408xf32, #tpu.memory_space<vmem>>, vector<1x1024x1408xf32>
    %get3A_36 = vector.shape_cast %get3A_35 : vector<1x1024x1408xf32> to vector<1024x1408xf32>
    %dot_general3A_37 = arith.constant dense<0.000000e+00> : vector<512x1024xf32>
    %dot_general3A_38 = tpu.matmul %mul3A_31, %get3A_36, %dot_general3A_37 {dimension_numbers = #tpu.dot_dimension_numbers<[1], [1], [0], [0], [0, 0, 1, 0], [], []>, transpose_lhs_hint = false} : vector<512x1408xf32>, vector<1024x1408xf32>, vector<512x1024xf32> -> vector<512x1024xf32>
    %eq3A = arith.constant 0 : i32
    %eq3A_39 = arith.cmpi eq, %arg0, %eq3A : i32
    %get3A_40 = arith.index_cast %arg1 : i32 to index
    %get3A_41 = memref.load %arg4[%get3A_40] : memref<15xi32, #tpu.memory_space<smem>>
    %eq3A_42 = arith.constant 1 : i32
    %eq3A_43 = arith.cmpi eq, %get3A_41, %eq3A_42 : i32
    %and3A_44 = arith.andi %eq3A_39, %eq3A_43 : i1
    %convert_element_type3A = arith.extui %and3A_44 : i1 to i32
    %cond3A = arith.constant 0 : i32
    %cond3A_45 = arith.cmpi ne, %convert_element_type3A, %cond3A : i32
    scf.if %cond3A_45 {
      %swap3A = arith.index_cast %get3A_4 : i32 to index
      %swap3A_55 = arith.constant 0 : index
      %swap3A_56 = arith.constant 0 : index
      %swap3A_57 = vector.load %arg13[%swap3A, %swap3A_55, %swap3A_56] : memref<8x512x1024xf32, #tpu.memory_space<vmem>>, vector<1x512x1024xf32>
      %swap3A_58 = vector.shape_cast %swap3A_57 : vector<1x512x1024xf32> to vector<512x1024xf32>
      %swap3A_59 = vector.shape_cast %dot_general3A_38 : vector<512x1024xf32> to vector<1x512x1024xf32>
      tpu.vector_store %arg13[%swap3A, %swap3A_55, %swap3A_56], %swap3A_59 {strides = array<i32>} : memref<8x512x1024xf32, #tpu.memory_space<vmem>>, vector<1x512x1024xf32>,
    } else {
    }
    %not3A = arith.constant true
    %not3A_46 = arith.xori %and3A_44, %not3A : i1
    %convert_element_type3A_47 = arith.extui %not3A_46 : i1 to i32
    %cond3A_48 = arith.constant 0 : i32
    %cond3A_49 = arith.cmpi ne, %convert_element_type3A_47, %cond3A_48 : i32
    scf.if %cond3A_49 {
      %get3A_55 = arith.index_cast %get3A_4 : i32 to index
      %get3A_56 = arith.constant 0 : index
      %get3A_57 = arith.constant 0 : index
      %get3A_58 = vector.load %arg13[%get3A_55, %get3A_56, %get3A_57] : memref<8x512x1024xf32, #tpu.memory_space<vmem>>, vector<1x512x1024xf32>
      %get3A_59 = vector.shape_cast %get3A_58 : vector<1x512x1024xf32> to vector<512x1024xf32>
      %add3A_60 = arith.addf %get3A_59, %dot_general3A_38 : vector<512x1024xf32>
      %swap3A = arith.index_cast %get3A_4 : i32 to index
      %swap3A_61 = arith.constant 0 : index
      %swap3A_62 = arith.constant 0 : index
      %swap3A_63 = vector.load %arg13[%swap3A, %swap3A_61, %swap3A_62] : memref<8x512x1024xf32, #tpu.memory_space<vmem>>, vector<1x512x1024xf32>
      %swap3A_64 = vector.shape_cast %swap3A_63 : vector<1x512x1024xf32> to vector<512x1024xf32>
      %swap3A_65 = vector.shape_cast %add3A_60 : vector<512x1024xf32> to vector<1x512x1024xf32>
      tpu.vector_store %arg13[%swap3A, %swap3A_61, %swap3A_62], %swap3A_65 {strides = array<i32>} : memref<8x512x1024xf32, #tpu.memory_space<vmem>>, vector<1x512x1024xf32>,
    } else {
    }
    %eq3A_50 = arith.constant 1 : i32
    %eq3A_51 = arith.cmpi eq, %arg0, %eq3A_50 : i32
    %convert_element_type3A_52 = arith.extui %eq3A_51 : i1 to i32
    %cond3A_53 = arith.constant 0 : i32
    %cond3A_54 = arith.cmpi ne, %convert_element_type3A_52, %cond3A_53 : i32
    scf.if %cond3A_54 {
      %get3A_55 = arith.index_cast %get3A_4 : i32 to index
      %get3A_56 = arith.constant 0 : index
      %get3A_57 = arith.constant 0 : index
      %get3A_58 = vector.load %arg13[%get3A_55, %get3A_56, %get3A_57] : memref<8x512x1024xf32, #tpu.memory_space<vmem>>, vector<1x512x1024xf32>
      %get3A_59 = vector.shape_cast %get3A_58 : vector<1x512x1024xf32> to vector<512x1024xf32>
      %swap3A = arith.constant 0 : index
      %swap3A_60 = arith.constant 0 : index
      %swap3A_61 = vector.load %arg12[%swap3A, %swap3A_60] : memref<512x1024xf32, #tpu.memory_space<vmem>>, vector<512x1024xf32>
      tpu.vector_store %arg12[%swap3A, %swap3A_60], %get3A_59 {strides = array<i32>} : memref<512x1024xf32, #tpu.memory_space<vmem>>, vector<512x1024xf32>,
    } else {
    }
    return
  }
  func.func @transform_0(%arg0: i32, %arg1: i32, %arg2: memref<15xi32, #tpu.memory_space<smem>>, %arg3: memref<15xi32, #tpu.memory_space<smem>>, %arg4: memref<15xi32, #tpu.memory_space<smem>>, %arg5: memref<15xi32, #tpu.memory_space<smem>>, %arg6: memref<15xi32, #tpu.memory_space<smem>>) -> (i32, i32) {
    %get3A = arith.index_cast %arg1 : i32 to index
    %get3A_0 = memref.load %arg3[%get3A] : memref<15xi32, #tpu.memory_space<smem>>
    %c0_i32 = arith.constant 0 : i32
    %c0_i32_1 = arith.constant 0 : i32
    return %get3A_0, %c0_i32 : i32, i32
  }
  func.func @transform_1(%arg0: i32, %arg1: i32, %arg2: memref<15xi32, #tpu.memory_space<smem>>, %arg3: memref<15xi32, #tpu.memory_space<smem>>, %arg4: memref<15xi32, #tpu.memory_space<smem>>, %arg5: memref<15xi32, #tpu.memory_space<smem>>, %arg6: memref<15xi32, #tpu.memory_space<smem>>) -> (i32, i32) {
    %get3A = arith.index_cast %arg1 : i32 to index
    %get3A_0 = memref.load %arg3[%get3A] : memref<15xi32, #tpu.memory_space<smem>>
    %c0_i32 = arith.constant 0 : i32
    %c0_i32_1 = arith.constant 0 : i32
    return %get3A_0, %c0_i32 : i32, i32
  }
  func.func @transform_2(%arg0: i32, %arg1: i32, %arg2: memref<15xi32, #tpu.memory_space<smem>>, %arg3: memref<15xi32, #tpu.memory_space<smem>>, %arg4: memref<15xi32, #tpu.memory_space<smem>>, %arg5: memref<15xi32, #tpu.memory_space<smem>>, %arg6: memref<15xi32, #tpu.memory_space<smem>>) -> (i32, i32, i32) {
    %get3A = arith.index_cast %arg1 : i32 to index
    %get3A_0 = memref.load %arg2[%get3A] : memref<15xi32, #tpu.memory_space<smem>>
    %c0_i32 = arith.constant 0 : i32
    %c0_i32_1 = arith.constant 0 : i32
    return %get3A_0, %arg0, %c0_i32 : i32, i32, i32
  }
  func.func @transform_3(%arg0: i32, %arg1: i32, %arg2: memref<15xi32, #tpu.memory_space<smem>>, %arg3: memref<15xi32, #tpu.memory_space<smem>>, %arg4: memref<15xi32, #tpu.memory_space<smem>>, %arg5: memref<15xi32, #tpu.memory_space<smem>>, %arg6: memref<15xi32, #tpu.memory_space<smem>>) -> (i32, i32, i32) {
    %get3A = arith.index_cast %arg1 : i32 to index
    %get3A_0 = memref.load %arg2[%get3A] : memref<15xi32, #tpu.memory_space<smem>>
    %c0_i32 = arith.constant 0 : i32
    %c0_i32_1 = arith.constant 0 : i32
    return %get3A_0, %arg0, %c0_i32 : i32, i32, i32
  }
  func.func @transform_4(%arg0: i32, %arg1: i32, %arg2: memref<15xi32, #tpu.memory_space<smem>>, %arg3: memref<15xi32, #tpu.memory_space<smem>>, %arg4: memref<15xi32, #tpu.memory_space<smem>>, %arg5: memref<15xi32, #tpu.memory_space<smem>>, %arg6: memref<15xi32, #tpu.memory_space<smem>>) -> (i32, i32, i32) {
    %get3A = arith.index_cast %arg1 : i32 to index
    %get3A_0 = memref.load %arg2[%get3A] : memref<15xi32, #tpu.memory_space<smem>>
    %c0_i32 = arith.constant 0 : i32
    %c0_i32_1 = arith.constant 0 : i32
    return %get3A_0, %c0_i32, %arg0 : i32, i32, i32
  }
  func.func @transform_5(%arg0: i32, %arg1: i32, %arg2: memref<15xi32, #tpu.memory_space<smem>>, %arg3: memref<15xi32, #tpu.memory_space<smem>>, %arg4: memref<15xi32, #tpu.memory_space<smem>>, %arg5: memref<15xi32, #tpu.memory_space<smem>>, %arg6: memref<15xi32, #tpu.memory_space<smem>>) -> (i32, i32) {
    %get3A = arith.index_cast %arg1 : i32 to index
    %get3A_0 = memref.load %arg3[%get3A] : memref<15xi32, #tpu.memory_space<smem>>
    %c0_i32 = arith.constant 0 : i32
    %c0_i32_1 = arith.constant 0 : i32
    return %get3A_0, %c0_i32 : i32, i32
  }
}

</mosaic_0001>

<sc_bundles>
// kernel: kernel.6.cloned.1.call-start
scs
__scs_entry_jumppad:
0x0: {  	(pc) =	sbr.rel $0x88, $3  }
0x1: {  	(tag) =	ssettag $0x0;
	lr =	simm.s32 $0x1  }
0x2: {  	[smem:$0x3F9C] =	sst lr;
	_ =	strace $0xD0000000  }
0x3: {  	_ = 	snop  }
0x4: {  	_ = 	snop  }
0x5: {  	_ = 	snop  }
0x6: {  	_ = 	snop  }
0x7: {  	_ = 	snop  }
__scs_overlays_trampoline_lowered:
0x8: {  	[smem:$0x3FAB] =	sst s0  }
0x9: {  	[smem:$0x3FAC] =	sst s1  }
0xa: {  	[smem:$0x3FAD] =	sst s2  }
0xb: {  	[smem:$0x3FAE] =	sst s3  }
0xc: {  	[smem:$0x3FAF] =	sst s4  }
0xd: {  	[smem:$0x3FB0] =	sst s5  }
0xe: {  	[smem:$0x3FB1] =	sst s6  }
0xf: {  	[smem:$0x3FB2] =	sst s7  }
0x10: {  	[smem:$0x3FB3] =	sst s8  }
0x11: {  	[smem:$0x3FB4] =	sst s9;
	s0 =	simm.s32 @!p0 $0x0  }
0x12: {  	s1 =	sld [smem:$0x3F9A];
	s0 =	simm.s32 @p0 $0x1  }
0x13: {  	[smem:$0x3FB5] =	sst s0;
	s0 =	simm.s32 @!p1 $0x0  }
0x14: {  	s2 =	sld [smem:$0x3F99];
	s0 =	simm.s32 @p1 $0x1  }
0x15: {  	[smem:$0x3FB6] =	sst s0;
	s0 =	simm.s32 @!p2 $0x0  }
0x16: {  	s3 =	sld [smem:$0x3FDB];
	s0 =	simm.s32 @p2 $0x1  }
0x17: {  	s4 =	simm.s32 $0x1BF5;
	[smem:$0x3FB8] =	sst s0  }
0x18: {  	s0 =	sld [smem:$0x3F9B];
	_ =	swait.ge [sflag:s4], $0x0  }
0x19: {  	s7 =	sld [smem:$0x3F9C]  }
0x1a: {  	s8 =	sadd.s32 $0xFFFFE003, lr  }
0x1b: {  	s9 =	sadd.s32 $0xFFFFFEF7, lr;
	s5 =	simm.s32 $0xFFFFFFFF;
	p2 =	slt.u32 s8, $0xFFFFF086  }
0x1c: {  	p1 =	slt.u32 s9, $0xF7A;
	s5 =	simm.s32 @!p2 $0x0  }
0x1d: {  	s5 =	simm.s32 @p1 $0x1;
	p0 =	seq.s32 s7, s2  }
0x1e: {  	s7 =	smul.u32 @!p0 $0xF7A, s2;
	p2 =	seq.s32 @!p0 s5, $0x0  }
0x1f: {  	s9 =	smul.u32 $0xF7A, s1;
	s8 =	simm.s32 @!p0 $0x1BF5;
	p2 =	por !p2, p0  }
0x20: {  	[sflag:s8] =	ssyncset.s32 @!p0 $0xFFFFF086;
	s6 =	sadd.s32 @!p0 s3, s7;
	s7 =	simm.s32 @!p0 $0x108  }
0x21: {  	s3 =	sadd.s32 s3, s9;
	s6 =	sadd.s32 @!p0 $0x88, s6;
	s7 =	simm.s32 @p2 $0x1082  }
0x22: {  	[simem:s7], [sflag:s8] =	dma.local @!p0 [hbm:s6], $0xF7A  }
0x23: {  	s9 =	sor.u32 $0xD0000000, s2;
	s6 =	simm.s32 $0x108;
	_ =	swait.ge @!p0 [sflag:s8], $0x0  }
0x24: {  	s3 =	sadd.s32 $0x88, s3;
	s6 =	simm.s32 @!p1 $0x1082;
	[sflag:s4] =	ssyncset.s32 $0xFFFFF086  }
0x25: {  	[simem:s6], [sflag:s4] =	dma.local [hbm:s3], $0xF7A  }
0x26: {  	[smem:$0x3F9C] =	sst s1;
	(tag) =	ssettag s2;
	_ =	strace s9  }
0x27: {  	s1 =	sld [smem:$0x3FAC]  }
0x28: {  	s2 =	sld [smem:$0x3FAD]  }
0x29: {  	s4 =	sld [smem:$0x3FAF]  }
0x2a: {  	p0 =	seq.s32 s5, $0x0;
	s5 =	sld [smem:$0x3FB0]  }
0x2b: {  	s6 =	sld [smem:$0x3FB1]  }
0x2c: {  	s7 =	sld [smem:$0x3FB2]  }
0x2d: {  	s3 =	simm.s32 $0x108;
	s8 =	sld [smem:$0x3FB3]  }
0x2e: {  	s3 =	simm.s32 @!p0 $0x1082;
	s9 =	sld [smem:$0x3FB4]  }
0x2f: {  	lr =	sadd.s32 s0, s3;
	s0 =	sld [smem:$0x3FAB]  }
0x30: {  	s3 =	sld [smem:$0x3FAE]  }
0x31: {  	[smem:$0x3FB7] =	sst s10  }
0x32: {  	s10 =	sld [smem:$0x3FB5];
	_ =	sdelay $0x3  }
0x33: {  	p0 =	seq.s32 s10, $0x1;
	s10 =	sld [smem:$0x3FB7];
	_ =	sdelay $0x3  }
0x34: {  	[smem:$0x3FB7] =	sst s10  }
0x35: {  	s10 =	sld [smem:$0x3FB6];
	_ =	sdelay $0x3  }
0x36: {  	p1 =	seq.s32 s10, $0x1;
	s10 =	sld [smem:$0x3FB7];
	_ =	sdelay $0x3  }
0x37: {  	[smem:$0x3FB7] =	sst s10  }
0x38: {  	s10 =	sld [smem:$0x3FB8]  }
0x39: {  	_ = 	snop;
	(pc) =	sbr.ind lr, $3  }
0x3a: {  	_ = 	snop  }
0x3b: {  	_ = 	snop  }
0x3c: {  	p2 =	seq.s32 s10, $0x1;
	s10 =	sld [smem:$0x3FB7]  }
0x3d: {  	_ =	shalt  }
0x3e: {  	_ =	shalt  }
0x3f: {  	_ =	shalt  }
0x40: {  	_ =	shalt  }
0x41: {  	_ =	shalt  }
0x42: {  	_ =	shalt  }
0x43: {  	_ =	shalt  }
0x44: {  	_ =	shalt  }
0x45: {  	_ =	shalt  }
0x46: {  	_ =	shalt  }
0x47: {  	_ =	shalt  }
0x48: {  	_ =	shalt  }
0x49: {  	_ =	shalt  }
0x4a: {  	_ =	shalt  }
0x4b: {  	_ =	shalt  }
0x4c: {  	_ =	shalt  }
0x4d: {  	_ =	shalt  }
0x4e: {  	_ =	shalt  }
0x4f: {  	_ =	shalt  }
0x50: {  	_ =	shalt  }
0x51: {  	_ =	shalt  }
0x52: {  	_ =	shalt  }
0x53: {  	_ =	shalt  }
0x54: {  	_ =	shalt  }
0x55: {  	_ =	shalt  }
0x56: {  	_ =	shalt  }
0x57: {  	_ =	shalt  }
0x58: {  	_ =	shalt  }
0x59: {  	_ =	shalt  }
0x5a: {  	_ =	shalt  }
0x5b: {  	_ =	shalt  }
0x5c: {  	_ =	shalt  }
0x5d: {  	_ =	shalt  }
0x5e: {  	_ =	shalt  }
0x5f: {  	_ =	shalt  }
0x60: {  	_ =	shalt  }
0x61: {  	_ =	shalt  }
0x62: {  	_ =	shalt  }
0x63: {  	_ =	shalt  }
0x64: {  	_ =	shalt  }
0x65: {  	_ =	shalt  }
0x66: {  	_ =	shalt  }
0x67: {  	_ =	shalt  }
0x68: {  	_ =	shalt  }
0x69: {  	_ =	shalt  }
0x6a: {  	_ =	shalt  }
0x6b: {  	_ =	shalt  }
0x6c: {  	_ =	shalt  }
0x6d: {  	_ =	shalt  }
0x6e: {  	_ =	shalt  }
0x6f: {  	_ =	shalt  }
0x70: {  	_ =	shalt  }
0x71: {  	_ =	shalt  }
0x72: {  	_ =	shalt  }
0x73: {  	_ =	shalt  }
0x74: {  	_ =	shalt  }
0x75: {  	_ =	shalt  }
0x76: {  	_ =	shalt  }
0x77: {  	_ =	shalt  }
0x78: {  	_ =	shalt  }
0x79: {  	_ =	shalt  }
0x7a: {  	_ =	shalt  }
0x7b: {  	_ =	shalt  }
0x7c: {  	_ =	shalt  }
0x7d: {  	_ =	shalt  }
0x7e: {  	_ =	shalt  }
0x7f: {  	_ =	shalt  }
0x80: {  	_ =	shalt  }
0x81: {  	_ =	shalt  }
0x82: {  	_ =	shalt  }
0x83: {  	_ =	shalt  }
0x84: {  	_ =	shalt  }
0x85: {  	_ =	shalt  }
0x86: {  	_ =	shalt  }
0x87: {  	_ =	shalt  }
.Lfunc_end0:
.L_simem_size_0:
called_computation_lowered:
.L_overlay_start_0:
0x88: {  	s2 =	sld [smem:$0x3FD9]  }
0x89: {  	s3 =	sld [smem:$0x3FFE];
	_ =	sdelay $0x1  }
0x8a: {  	s1 =	srdreg.scid  }
0x8b: {  	s0 =	sand.u32 $0x1, s1  }
0x8c: {  	s14 =	sshll.u32 s0, $0xA;
	s2 =	sadd.s32 s3, s2  }
0x8d: {  	s2 =	sadd.s32 s2, s14  }
0x8e: {  	[smem:$0x3FC3] =	sst s2  }
0x8f: {  	_ = 	snop  }
0x90: {  	s2 =	sld [smem:$0x3FD0];
	_ =	sdelay $0x2  }
0x91: {  	s4 =	simm.s32 $0xA;
	s5 =	simm.s32 $0x10;
	s15 =	sld [smem:$0x3FC9]  }
0x92: {  	[smem:s5], [sflag:s4] =	dma.local [hbm:s2], $0x1  }
0x93: {  	_ =	swait.eq [sflag:s4], $0x1  }
0x94: {  	[sflag:s4] =	ssyncset.done $0x0  }
0x95: {  	[sflag:s4] =	ssyncadd.s32 $0xFFFFFFFF  }
0x96: {  	s16 =	sld [smem:$0x10];
	(tm) =	ssettm $0x1  }
0x97: {  	s17 =	sld [smem:$0x3FFB];
	_ =	sdelay $0x3  }
0x98: {  	_ =	strace s17  }
0x99: {  	s4 =	sld [smem:$0x3FFC];
	_ =	sdelay $0x3  }
0x9a: {  	_ =	strace s4  }
0x9b: {  	s4 =	sld [smem:$0x3FFD];
	_ =	sdelay $0x3  }
0x9c: {  	_ =	strace s4  }
0x9d: {  	_ =	strace $0x8FFFFFFF  }
0x9e: {  	s18 =	sld [smem:$0x3FDB];
	_ =	sdelay $0x1  }
0x9f: {  	s19 =	simm.s32 $_scs_section_size  }
0xa0: {  	s6 =	simm.s32 $_size__tile_overlayer_lowered;
	s7 =	simm.s32 $_tile_overlayer_lowered  }
0xa1: {  	s22 =	simm.s32 $0x1BFF;
	s21 =	sshll.u32 s7, $0x1;
	s4 =	sadd.s32 s19, s18  }
0xa2: {  	s8 =	simm.s32 $0x0;
	s20 =	sshll.u32 s6, $0x1;
	s6 =	sadd.s32 s21, s4  }
0xa3: {  	[timem:s8], [sflag:s22] =	dma.local [hbm:s6], s20  }
0xa4: {  	_ =	swait.ge [sflag:s22], s20  }
0xa5: {  	s5 =	ssub.s32 $0x0, s20;
	[sflag:s22] =	ssyncset.done $0x0  }
0xa6: {  	[sflag:s22] =	ssyncadd.s32 s5;
	_ =	sdelay $0x1  }
0xa7: {  	s23 =	simm.s32 $0x1B8B  }
0xa8: {  	_ =	swait.ge [sflag:s23], $0x1  }
0xa9: {  	[sflag:s23] =	ssyncset.done $0x0  }
0xaa: {  	s25 =	simm.s32 $0x1B8E;
	s24 =	sld [smem:$0x3FFE];
	[sflag:s23] =	ssyncadd.s32 $0xFFFFFFFF  }
0xab: {  	s26 =	simm.s32 $execute0_lowered;
	[smem:$0x3FD2] =	sst s25  }
0xac: {  	s6 =	sshll.u32 s26, $0x1;
	_ =	strace $0x80000046;
	[dreg:$0x1] =	wrdreg $0xFFFFFFFF  }
0xad: {  	s28 =	simm.s32 $_size_execute0_lowered;
	s4 =	sadd.s32 s4, s6;
	[dreg:$0x0] =	wrdreg $0x0  }
0xae: {  	s6 =	sshll.u32 s28, $0x1;
	[dreg:$0x2] =	wrdreg s4  }
0xaf: {  	[dreg:$0x3] =	wrdreg s6  }
0xb0: {  	[dreg:$0x4] =	wrdreg $0xC0  }
0xb1: {  	_ =	task [dreg:s8], $0x5FFFF  }
0xb2: {  	[dreg:$0x1] =	wrdreg $0xFFFFFFFF  }
0xb3: {  	[dreg:$0x0] =	wrdreg $0x60  }
0xb4: {  	[dreg:$0x2] =	wrdreg s15  }
0xb5: {  	[dreg:$0x3] =	wrdreg s24  }
0xb6: {  	[dreg:$0x4] =	wrdreg s16  }
0xb7: {  	[dreg:$0x5] =	wrdreg $0x9  }
0xb8: {  	_ =	task.clear_ibuf [dreg:s8], $0x6FFFF;
	_ =	strace $0x90000046  }
0xb9: {  	s29 =	simm.s32 $0x9;
	_ =	strace $0x80000048  }
0xba: {  	_ =	swait.ge [sflag:s29], $0x1  }
0xbb: {  	[sflag:s29] =	ssyncadd.s32 $0xFFFFFFFF  }
0xbc: {  	_ =	strace $0x90000048  }
0xbd: {  	_ =	sfence  }
0xbe: {  	s30 =	sld [smem:$0x0];
	_ =	sdelay $0x2  }
0xbf: {  	s31 =	sshll.u32 s1, $0xD;
	s1 =	sshrl.u32 s1, $0x2  }
0xc0: {  	s3 =	sand.u32 $0x4000, s31;
	s1 =	sadd.s32 s1, s30  }
0xc1: {  	s0 =	sor.u32 s3, s0;
	s1 =	sshll.u32 s1, $0x11  }
0xc2: {  	s0 =	sor.u32 s1, s0  }
0xc3: {  	s0 =	sadd.s32 $0x8F2B, s0  }
0xc4: {  	[sflag:s0] =	ssyncadd.remote.s32 $0x1  }
0xc5: {  	_ =	sfence.sel $0xFFFF  }
0xc6: {  	[dreg:$0x0] =	wrdreg $0xFFFFFFFF;
	(pc) =	sbr.abs _section_cstart, $3  }
0xc7: {  	[dreg:$0x1] =	wrdreg $0xFFFFFFFF  }
0xc8: {  	_ =	task.clear_ibuf [dreg:s8], $0x2FFFF;
	_ =	strace $0x9FFFFFFF  }
0xc9: {  	(tm) =	ssettm $0x7FFFFFFF  }
tec
execute0_lowered:
.L_overlay_start_1:
0x0: {  	(tag) =	ssettag $0x1  }
0x1: {  	s0 =	rddreg [dreg:$0x0]  }
0x2: {  	s1 =	rddreg [dreg:$0x1]  }
0x3: {  	s2 =	srdreg.scid;
	s3 =	stileid.u32  }
0x4: {  	s5 =	rddreg [dreg:$0x2];
	s25 =	simm.s32 $0x10080;
	s26 =	simm.s32 $0x12100  }
0x5: {  	s20 =	simm.s32 $0x1;
	s28 =	simm.s32 $0x2000;
	s29 =	simm.s32 $0x2800  }
0x6: {  	s30 =	simm.s32 $0x3000;
	s31 =	simm.s32 $0x3800;
	s11 =	simm.s32 $0x5800  }
0x7: {  	s12 =	simm.s32 $0x6000;
	s13 =	simm.s32 $0x6800;
	s14 =	simm.s32 $0x7000  }
0x8: {  	s15 =	simm.s32 $0x7800;
	s16 =	simm.s32 $0x8000;
	s17 =	simm.s32 $0x8800  }
0x9: {  	s18 =	simm.s32 $0x9000;
	s19 =	simm.s32 $0x9800;
	s21 =	simm.s32 $0xA000  }
0xa: {  	s4 =	sand.u32 $0x1, s2;
	s3 =	sshll.u32 s3, $0x1;
	s2 =	simm.s32 $0x0  }
0xb: {  	s22 =	sadd.s32 $0x94400, s1;
	s6 =	sor.u32 s4, s3;
	[smem:$0x7FF] =	sst s2  }
0xc: {  	s8 =	ssub.s32 $0x2, s4;
	s4 =	simm.s32 $0x2;
	s3 =	sshll.u32 s6, $0x5  }
0xd: {  	_ =	strace $0x80000047;
	s9 =	sshll.u32 s6, $0xD;
	[dreg:$0x9] =	wrdreg s22  }
0xe: {  	s10 =	sshrl.u32 s8, $0x1;
	s6 =	sshll.u32 s6, $0xB;
	[dreg:$0x7] =	wrdreg s25  }
0xf: {  	[dreg:$0x8] =	wrdreg s26;
	s25 =	simm.s32 $0x1000;
	s26 =	simm.s32 $0x1800  }
0x10: {  	s7 =	sadd.s32 s3, s1;
	s3 =	sadd.s32 $0x14400, s1;
	s0 =	sadd.s32 s0, s9  }
0x11: {  	s8 =	ssub.s32 s8, s10;
	s24 =	sadd.s32 s5, s6;
	s5 =	sadd.s32 $0x14500, s1  }
0x12: {  	v2 =	vlaneseq.u32;
	s6 =	sadd.s32 $0x14600, s1;
	s10 =	simm.s32 $0x5000;
	[dreg:$0x4] =	wrdreg s0  }
0x13: {  	vm0 =	vmmov $0xffff;
	v1 =	vshrl.u32 v2, $0x3;
	s23 =	sadd.s32 $0x400, s7;
	[dreg:$0x6] =	wrdreg s24;
	s7 =	sadd.s32 $0x14700, s1  }
0x14: {  	v0 =	vand.u32 $0x7, v2;
	v2 =	vor.u32 $0x8, v2;
	v1 =	vmul.u32 $0x8, v1;
	s8 =	smax.u32 s8, $0x1;
	s24 =	simm.s32 $0x10100;
	[dreg:$0x5] =	wrdreg s23  }
.LBB2_1:
0x15: {  	s22 =	rddreg [dreg:$0x4]  }
0x16: {  	[tilespmem:s2], [sflag:$0x2] =	stream.linear.gather [hbm4b:s22+s2], $0x10000, $0x38;
	[tilespmem:$0x14100] =	vst v63  }
0x17: {  	_ =	swait.ge [sflag:s4], $0x10000  }
0x18: {  	[sflag:s4] =	ssyncset.done $0x0  }
0x19: {  	s0 =	simm.s32 $0x10000;
	s23 =	rddreg [dreg:$0x5];
	[sflag:s4] =	ssyncadd.s32 $0xFFFF0000  }
0x1a: {  	[tilespmem:s0], [sflag:$0x2] =	stream.linear.gather [hbm4b:s23+s2], $0x100, $0x38;
	[tilespmem:$0x14100] =	vst v63  }
0x1b: {  	_ =	swait.ge [sflag:s4], $0x100  }
0x1c: {  	[sflag:s4] =	ssyncset.done $0x0  }
0x1d: {  	s0 =	rddreg [dreg:$0x6];
	[sflag:s4] =	ssyncadd.s32 $0xFFFFFF00  }
0x1e: {  	[tilespmem:s24], [sflag:$0x2] =	stream.linear.gather [hbm4b:s0+s2], $0x4000, $0x38;
	[tilespmem:$0x14100] =	vst v63  }
0x1f: {  	_ =	swait.ge [sflag:s4], $0x4000  }
0x20: {  	[sflag:s4] =	ssyncset.done $0x0  }
0x21: {  	[sflag:s4] =	ssyncadd.s32 $0xFFFFC000  }
0x22: {  	v3 =	vld [tilespmem:$0x10000];
	_ =	sdelay $0x4  }
0x23: {  	v4 =	vshll.u32 v3, $0x3  }
0x24: {  	v3 =	vand.u32 $0x7, v3;
	v4 =	vand.u32 $0xFFFFFFC0, v4  }
0x25: {  	v3 =	vor.u32 v3, v4  }
0x26: {  	v4 =	vperm.xlane v3, v0;
	_ =	sdelay $0x1  }
0x27: {  	v4 =	vadd.s32 v1, v4;
	_ =	sdelay $0x4  }
0x28: {  	[hbm4b:s3+s2] =	stream.indirect_vreg.scatter [tilespmem:s2], [sflag:$0x1], $0x80, v4, vm0, $0xb8;
	[tilespmem:$0x14100] =	vst v63  }
0x29: {  	s22 =	simm.s32 $0x800;
	v3 =	vperm.xlane v3, v2  }
0x2a: {  	[hbm4b:s5+s2] =	stream.indirect_vreg.scatter [tilespmem:s22], [sflag:$0x1], $0x80, v4, vm0, $0xb8;
	[tilespmem:$0x14100] =	vst v63  }
0x2b: {  	v3 =	vadd.s32 v1, v3  }
0x2c: {  	[hbm4b:s6+s2] =	stream.indirect_vreg.scatter [tilespmem:s25], [sflag:$0x1], $0x80, v4, vm0, $0xb8;
	[tilespmem:$0x14100] =	vst v63  }
0x2d: {  	_ = 	snop  }
0x2e: {  	[hbm4b:s7+s2] =	stream.indirect_vreg.scatter [tilespmem:s26], [sflag:$0x1], $0x80, v4, vm0, $0xb8;
	[tilespmem:$0x14100] =	vst v63  }
0x2f: {  	_ = 	snop  }
0x30: {  	[hbm4b:s3+s2] =	stream.indirect_vreg.scatter [tilespmem:s28], [sflag:$0x1], $0x80, v3, vm0, $0xb8;
	[tilespmem:$0x14100] =	vst v63  }
0x31: {  	_ = 	snop  }
0x32: {  	[hbm4b:s5+s2] =	stream.indirect_vreg.scatter [tilespmem:s29], [sflag:$0x1], $0x80, v3, vm0, $0xb8;
	[tilespmem:$0x14100] =	vst v63  }
0x33: {  	_ = 	snop  }
0x34: {  	[hbm4b:s6+s2] =	stream.indirect_vreg.scatter [tilespmem:s30], [sflag:$0x1], $0x80, v3, vm0, $0xb8;
	[tilespmem:$0x14100] =	vst v63  }
0x35: {  	_ = 	snop  }
0x36: {  	[hbm4b:s7+s2] =	stream.indirect_vreg.scatter [tilespmem:s31], [sflag:$0x1], $0x80, v3, vm0, $0xb8;
	[tilespmem:$0x14100] =	vst v63  }
0x37: {  	v3 =	vld [tilespmem:$0x10010];
	_ =	sdelay $0x4  }
0x38: {  	v57 =	vshll.u32 v3, $0x3  }
0x39: {  	v3 =	vand.u32 $0x7, v3;
	v4 =	vand.u32 $0xFFFFFFC0, v57  }
0x3a: {  	v3 =	vor.u32 v3, v4  }
0x3b: {  	v4 =	vperm.xlane v3, v0;
	_ =	sdelay $0x1  }
0x3c: {  	v4 =	vadd.s32 v1, v4;
	_ =	sdelay $0x3  }
0x3d: {  	s1 =	simm.s32 $0x4000  }
0x3e: {  	[hbm4b:s3+s2] =	stream.indirect_vreg.scatter [tilespmem:s1], [sflag:$0x1], $0x80, v4, vm0, $0xb8;
	[tilespmem:$0x14100] =	vst v63  }
0x3f: {  	s23 =	simm.s32 $0x4800;
	v3 =	vperm.xlane v3, v2  }
0x40: {  	[hbm4b:s5+s2] =	stream.indirect_vreg.scatter [tilespmem:s23], [sflag:$0x1], $0x80, v4, vm0, $0xb8;
	[tilespmem:$0x14100] =	vst v63  }
0x41: {  	v3 =	vadd.s32 v1, v3  }
0x42: {  	[hbm4b:s6+s2] =	stream.indirect_vreg.scatter [tilespmem:s10], [sflag:$0x1], $0x80, v4, vm0, $0xb8;
	[tilespmem:$0x14100] =	vst v63  }
0x43: {  	_ = 	snop  }
0x44: {  	[hbm4b:s7+s2] =	stream.indirect_vreg.scatter [tilespmem:s11], [sflag:$0x1], $0x80, v4, vm0, $0xb8;
	[tilespmem:$0x14100] =	vst v63  }
0x45: {  	_ = 	snop  }
0x46: {  	[hbm4b:s3+s2] =	stream.indirect_vreg.scatter [tilespmem:s12], [sflag:$0x1], $0x80, v3, vm0, $0xb8;
	[tilespmem:$0x14100] =	vst v63  }
0x47: {  	_ = 	snop  }
0x48: {  	[hbm4b:s5+s2] =	stream.indirect_vreg.scatter [tilespmem:s13], [sflag:$0x1], $0x80, v3, vm0, $0xb8;
	[tilespmem:$0x14100] =	vst v63  }
0x49: {  	_ = 	snop  }
0x4a: {  	[hbm4b:s6+s2] =	stream.indirect_vreg.scatter [tilespmem:s14], [sflag:$0x1], $0x80, v3, vm0, $0xb8;
	[tilespmem:$0x14100] =	vst v63  }
0x4b: {  	_ = 	snop  }
0x4c: {  	[hbm4b:s7+s2] =	stream.indirect_vreg.scatter [tilespmem:s15], [sflag:$0x1], $0x80, v3, vm0, $0xb8;
	[tilespmem:$0x14100] =	vst v63  }
0x4d: {  	v3 =	vld [tilespmem:$0x10020];
	_ =	sdelay $0x4  }
0x4e: {  	v58 =	vshll.u32 v3, $0x3  }
0x4f: {  	v3 =	vand.u32 $0x7, v3;
	v4 =	vand.u32 $0xFFFFFFC0, v58  }
0x50: {  	v3 =	vor.u32 v3, v4  }
0x51: {  	v4 =	vperm.xlane v3, v0;
	_ =	sdelay $0x1  }
0x52: {  	v4 =	vadd.s32 v1, v4;
	_ =	sdelay $0x4  }
0x53: {  	[hbm4b:s3+s2] =	stream.indirect_vreg.scatter [tilespmem:s16], [sflag:$0x1], $0x80, v4, vm0, $0xb8;
	[tilespmem:$0x14100] =	vst v63  }
0x54: {  	v3 =	vperm.xlane v3, v2  }
0x55: {  	[hbm4b:s5+s2] =	stream.indirect_vreg.scatter [tilespmem:s17], [sflag:$0x1], $0x80, v4, vm0, $0xb8;
	[tilespmem:$0x14100] =	vst v63  }
0x56: {  	v3 =	vadd.s32 v1, v3  }
0x57: {  	[hbm4b:s6+s2] =	stream.indirect_vreg.scatter [tilespmem:s18], [sflag:$0x1], $0x80, v4, vm0, $0xb8;
	[tilespmem:$0x14100] =	vst v63  }
0x58: {  	_ = 	snop  }
0x59: {  	[hbm4b:s7+s2] =	stream.indirect_vreg.scatter [tilespmem:s19], [sflag:$0x1], $0x80, v4, vm0, $0xb8;
	[tilespmem:$0x14100] =	vst v63  }
0x5a: {  	_ = 	snop  }
0x5b: {  	[hbm4b:s3+s2] =	stream.indirect_vreg.scatter [tilespmem:s21], [sflag:$0x1], $0x80, v3, vm0, $0xb8;
	[tilespmem:$0x14100] =	vst v63  }
0x5c: {  	s9 =	simm.s32 $0xA800  }
0x5d: {  	[hbm4b:s5+s2] =	stream.indirect_vreg.scatter [tilespmem:s9], [sflag:$0x1], $0x80, v3, vm0, $0xb8;
	[tilespmem:$0x14100] =	vst v63  }
0x5e: {  	s1 =	simm.s32 $0xB000  }
0x5f: {  	[hbm4b:s6+s2] =	stream.indirect_vreg.scatter [tilespmem:s1], [sflag:$0x1], $0x80, v3, vm0, $0xb8;
	[tilespmem:$0x14100] =	vst v63  }
0x60: {  	s9 =	simm.s32 $0xB800  }
0x61: {  	[hbm4b:s7+s2] =	stream.indirect_vreg.scatter [tilespmem:s9], [sflag:$0x1], $0x80, v3, vm0, $0xb8;
	[tilespmem:$0x14100] =	vst v63  }
0x62: {  	v3 =	vld [tilespmem:$0x10030];
	_ =	sdelay $0x4  }
0x63: {  	v59 =	vshll.u32 v3, $0x3  }
0x64: {  	v3 =	vand.u32 $0x7, v3;
	v4 =	vand.u32 $0xFFFFFFC0, v59  }
0x65: {  	v3 =	vor.u32 v3, v4  }
0x66: {  	v4 =	vperm.xlane v3, v0;
	_ =	sdelay $0x1  }
0x67: {  	v4 =	vadd.s32 v1, v4;
	_ =	sdelay $0x3  }
0x68: {  	s1 =	simm.s32 $0xC000  }
0x69: {  	[hbm4b:s3+s2] =	stream.indirect_vreg.scatter [tilespmem:s1], [sflag:$0x1], $0x80, v4, vm0, $0xb8;
	[tilespmem:$0x14100] =	vst v63  }
0x6a: {  	s9 =	simm.s32 $0xC800;
	v3 =	vperm.xlane v3, v2  }
0x6b: {  	[hbm4b:s5+s2] =	stream.indirect_vreg.scatter [tilespmem:s9], [sflag:$0x1], $0x80, v4, vm0, $0xb8;
	[tilespmem:$0x14100] =	vst v63  }
0x6c: {  	v3 =	vadd.s32 v1, v3;
	s1 =	simm.s32 $0xD000  }
0x6d: {  	[hbm4b:s6+s2] =	stream.indirect_vreg.scatter [tilespmem:s1], [sflag:$0x1], $0x80, v4, vm0, $0xb8;
	[tilespmem:$0x14100] =	vst v63  }
0x6e: {  	s9 =	simm.s32 $0xD800  }
0x6f: {  	[hbm4b:s7+s2] =	stream.indirect_vreg.scatter [tilespmem:s9], [sflag:$0x1], $0x80, v4, vm0, $0xb8;
	[tilespmem:$0x14100] =	vst v63  }
0x70: {  	s1 =	simm.s32 $0xE000  }
0x71: {  	[hbm4b:s3+s2] =	stream.indirect_vreg.scatter [tilespmem:s1], [sflag:$0x1], $0x80, v3, vm0, $0xb8;
	[tilespmem:$0x14100] =	vst v63  }
0x72: {  	s9 =	simm.s32 $0xE800  }
0x73: {  	[hbm4b:s5+s2] =	stream.indirect_vreg.scatter [tilespmem:s9], [sflag:$0x1], $0x80, v3, vm0, $0xb8;
	[tilespmem:$0x14100] =	vst v63  }
0x74: {  	s1 =	simm.s32 $0xF000  }
0x75: {  	[hbm4b:s6+s2] =	stream.indirect_vreg.scatter [tilespmem:s1], [sflag:$0x1], $0x80, v3, vm0, $0xb8;
	[tilespmem:$0x14100] =	vst v63  }
0x76: {  	s9 =	simm.s32 $0xF800  }
0x77: {  	[hbm4b:s7+s2] =	stream.indirect_vreg.scatter [tilespmem:s9], [sflag:$0x1], $0x80, v3, vm0, $0xb8;
	[tilespmem:$0x14100] =	vst v63  }
0x78: {  	_ =	swait.ge [sflag:s20], $0x10000  }
0x79: {  	s1 =	simm.s32 $0x10000;
	[sflag:s20] =	ssyncset.done $0x0  }
0x7a: {  	s9 =	simm.s32 $0x40;
	s0 =	rddreg [dreg:$0x9];
	[sflag:s20] =	ssyncadd.s32 $0xFFFF0000  }
0x7b: {  	[hbm4b:s0+s9] =	stream.indirect.scatter [tilespmem:s24], [sflag:$0x1], $0x80, s1, s9, $0xb8;
	[tilespmem:$0x14100] =	vst v63  }
0x7c: {  	_ =	swait.ge [sflag:s20], $0x2000  }
0x7d: {  	[sflag:s20] =	ssyncset.done $0x0  }
0x7e: {  	[sflag:s20] =	ssyncadd.s32 $0xFFFFE000  }
0x7f: {  	v3 =	vld [tilespmem:$0x10080];
	_ =	sdelay $0x4  }
0x80: {  	v60 =	vshll.u32 v3, $0x3  }
0x81: {  	v3 =	vand.u32 $0x7, v3;
	v4 =	vand.u32 $0xFFFFFFC0, v60  }
0x82: {  	v3 =	vor.u32 v3, v4  }
0x83: {  	v4 =	vperm.xlane v3, v0;
	_ =	sdelay $0x1  }
0x84: {  	v4 =	vadd.s32 v1, v4;
	_ =	sdelay $0x4  }
0x85: {  	[hbm4b:s3+s2] =	stream.indirect_vreg.scatter [tilespmem:s2], [sflag:$0x1], $0x80, v4, vm0, $0xb8;
	[tilespmem:$0x14100] =	vst v63  }
0x86: {  	v3 =	vperm.xlane v3, v2  }
0x87: {  	[hbm4b:s5+s2] =	stream.indirect_vreg.scatter [tilespmem:s22], [sflag:$0x1], $0x80, v4, vm0, $0xb8;
	[tilespmem:$0x14100] =	vst v63  }
0x88: {  	v3 =	vadd.s32 v1, v3  }
0x89: {  	[hbm4b:s6+s2] =	stream.indirect_vreg.scatter [tilespmem:s25], [sflag:$0x1], $0x80, v4, vm0, $0xb8;
	[tilespmem:$0x14100] =	vst v63  }
0x8a: {  	_ = 	snop  }
0x8b: {  	[hbm4b:s7+s2] =	stream.indirect_vreg.scatter [tilespmem:s26], [sflag:$0x1], $0x80, v4, vm0, $0xb8;
	[tilespmem:$0x14100] =	vst v63  }
0x8c: {  	_ = 	snop  }
0x8d: {  	[hbm4b:s3+s2] =	stream.indirect_vreg.scatter [tilespmem:s28], [sflag:$0x1], $0x80, v3, vm0, $0xb8;
	[tilespmem:$0x14100] =	vst v63  }
0x8e: {  	_ = 	snop  }
0x8f: {  	[hbm4b:s5+s2] =	stream.indirect_vreg.scatter [tilespmem:s29], [sflag:$0x1], $0x80, v3, vm0, $0xb8;
	[tilespmem:$0x14100] =	vst v63  }
0x90: {  	_ = 	snop  }
0x91: {  	[hbm4b:s6+s2] =	stream.indirect_vreg.scatter [tilespmem:s30], [sflag:$0x1], $0x80, v3, vm0, $0xb8;
	[tilespmem:$0x14100] =	vst v63  }
0x92: {  	_ = 	snop  }
0x93: {  	[hbm4b:s7+s2] =	stream.indirect_vreg.scatter [tilespmem:s31], [sflag:$0x1], $0x80, v3, vm0, $0xb8;
	[tilespmem:$0x14100] =	vst v63  }
0x94: {  	v3 =	vld [tilespmem:$0x10090];
	_ =	sdelay $0x4  }
0x95: {  	v61 =	vshll.u32 v3, $0x3  }
0x96: {  	v3 =	vand.u32 $0x7, v3;
	v4 =	vand.u32 $0xFFFFFFC0, v61  }
0x97: {  	v3 =	vor.u32 v3, v4  }
0x98: {  	v4 =	vperm.xlane v3, v0;
	_ =	sdelay $0x1  }
0x99: {  	v4 =	vadd.s32 v1, v4;
	_ =	sdelay $0x3  }
0x9a: {  	s22 =	simm.s32 $0x4000  }
0x9b: {  	[hbm4b:s3+s2] =	stream.indirect_vreg.scatter [tilespmem:s22], [sflag:$0x1], $0x80, v4, vm0, $0xb8;
	[tilespmem:$0x14100] =	vst v63  }
0x9c: {  	v3 =	vperm.xlane v3, v2  }
0x9d: {  	[hbm4b:s5+s2] =	stream.indirect_vreg.scatter [tilespmem:s23], [sflag:$0x1], $0x80, v4, vm0, $0xb8;
	[tilespmem:$0x14100] =	vst v63  }
0x9e: {  	v3 =	vadd.s32 v1, v3  }
0x9f: {  	[hbm4b:s6+s2] =	stream.indirect_vreg.scatter [tilespmem:s10], [sflag:$0x1], $0x80, v4, vm0, $0xb8;
	[tilespmem:$0x14100] =	vst v63  }
0xa0: {  	_ = 	snop  }
0xa1: {  	[hbm4b:s7+s2] =	stream.indirect_vreg.scatter [tilespmem:s11], [sflag:$0x1], $0x80, v4, vm0, $0xb8;
	[tilespmem:$0x14100] =	vst v63  }
0xa2: {  	_ = 	snop  }
0xa3: {  	[hbm4b:s3+s2] =	stream.indirect_vreg.scatter [tilespmem:s12], [sflag:$0x1], $0x80, v3, vm0, $0xb8;
	[tilespmem:$0x14100] =	vst v63  }
0xa4: {  	_ = 	snop  }
0xa5: {  	[hbm4b:s5+s2] =	stream.indirect_vreg.scatter [tilespmem:s13], [sflag:$0x1], $0x80, v3, vm0, $0xb8;
	[tilespmem:$0x14100] =	vst v63  }
0xa6: {  	_ = 	snop  }
0xa7: {  	[hbm4b:s6+s2] =	stream.indirect_vreg.scatter [tilespmem:s14], [sflag:$0x1], $0x80, v3, vm0, $0xb8;
	[tilespmem:$0x14100] =	vst v63  }
0xa8: {  	_ = 	snop  }
0xa9: {  	[hbm4b:s7+s2] =	stream.indirect_vreg.scatter [tilespmem:s15], [sflag:$0x1], $0x80, v3, vm0, $0xb8;
	[tilespmem:$0x14100] =	vst v63  }
0xaa: {  	v3 =	vld [tilespmem:$0x100A0];
	_ =	sdelay $0x4  }
0xab: {  	v62 =	vshll.u32 v3, $0x3  }
0xac: {  	v3 =	vand.u32 $0x7, v3;
	v4 =	vand.u32 $0xFFFFFFC0, v62  }
0xad: {  	v3 =	vor.u32 v3, v4  }
0xae: {  	v4 =	vperm.xlane v3, v0;
	_ =	sdelay $0x1  }
0xaf: {  	v4 =	vadd.s32 v1, v4;
	_ =	sdelay $0x4  }
0xb0: {  	[hbm4b:s3+s2] =	stream.indirect_vreg.scatter [tilespmem:s16], [sflag:$0x1], $0x80, v4, vm0, $0xb8;
	[tilespmem:$0x14100] =	vst v63  }
0xb1: {  	v3 =	vperm.xlane v3, v2  }
0xb2: {  	[hbm4b:s5+s2] =	stream.indirect_vreg.scatter [tilespmem:s17], [sflag:$0x1], $0x80, v4, vm0, $0xb8;
	[tilespmem:$0x14100] =	vst v63  }
0xb3: {  	v3 =	vadd.s32 v1, v3  }
0xb4: {  	[hbm4b:s6+s2] =	stream.indirect_vreg.scatter [tilespmem:s18], [sflag:$0x1], $0x80, v4, vm0, $0xb8;
	[tilespmem:$0x14100] =	vst v63  }
0xb5: {  	_ = 	snop  }
0xb6: {  	[hbm4b:s7+s2] =	stream.indirect_vreg.scatter [tilespmem:s19], [sflag:$0x1], $0x80, v4, vm0, $0xb8;
	[tilespmem:$0x14100] =	vst v63  }
0xb7: {  	_ = 	snop  }
0xb8: {  	[hbm4b:s3+s2] =	stream.indirect_vreg.scatter [tilespmem:s21], [sflag:$0x1], $0x80, v3, vm0, $0xb8;
	[tilespmem:$0x14100] =	vst v63  }
0xb9: {  	s22 =	simm.s32 $0xA800  }
0xba: {  	[hbm4b:s5+s2] =	stream.indirect_vreg.scatter [tilespmem:s22], [sflag:$0x1], $0x80, v3, vm0, $0xb8;
	[tilespmem:$0x14100] =	vst v63  }
0xbb: {  	s23 =	simm.s32 $0xB000  }
0xbc: {  	[hbm4b:s6+s2] =	stream.indirect_vreg.scatter [tilespmem:s23], [sflag:$0x1], $0x80, v3, vm0, $0xb8;
	[tilespmem:$0x14100] =	vst v63  }
0xbd: {  	s22 =	simm.s32 $0xB800  }
0xbe: {  	[hbm4b:s7+s2] =	stream.indirect_vreg.scatter [tilespmem:s22], [sflag:$0x1], $0x80, v3, vm0, $0xb8;
	[tilespmem:$0x14100] =	vst v63  }
0xbf: {  	v3 =	vld [tilespmem:$0x100B0];
	_ =	sdelay $0x4  }
0xc0: {  	v63 =	vshll.u32 v3, $0x3  }
0xc1: {  	v3 =	vand.u32 $0x7, v3;
	v4 =	vand.u32 $0xFFFFFFC0, v63  }
0xc2: {  	v3 =	vor.u32 v3, v4  }
0xc3: {  	v4 =	vperm.xlane v3, v0;
	_ =	sdelay $0x1  }
0xc4: {  	v4 =	vadd.s32 v1, v4;
	_ =	sdelay $0x3  }
0xc5: {  	s23 =	simm.s32 $0xC000  }
0xc6: {  	[hbm4b:s3+s2] =	stream.indirect_vreg.scatter [tilespmem:s23], [sflag:$0x1], $0x80, v4, vm0, $0xb8;
	[tilespmem:$0x14100] =	vst v63  }
0xc7: {  	s22 =	simm.s32 $0xC800;
	v3 =	vperm.xlane v3, v2  }
0xc8: {  	[hbm4b:s5+s2] =	stream.indirect_vreg.scatter [tilespmem:s22], [sflag:$0x1], $0x80, v4, vm0, $0xb8;
	[tilespmem:$0x14100] =	vst v63  }
0xc9: {  	v3 =	vadd.s32 v1, v3;
	s23 =	simm.s32 $0xD000  }
0xca: {  	[hbm4b:s6+s2] =	stream.indirect_vreg.scatter [tilespmem:s23], [sflag:$0x1], $0x80, v4, vm0, $0xb8;
	[tilespmem:$0x14100] =	vst v63  }
0xcb: {  	s22 =	simm.s32 $0xD800  }
0xcc: {  	[hbm4b:s7+s2] =	stream.indirect_vreg.scatter [tilespmem:s22], [sflag:$0x1], $0x80, v4, vm0, $0xb8;
	[tilespmem:$0x14100] =	vst v63  }
0xcd: {  	s23 =	simm.s32 $0xE000  }
0xce: {  	[hbm4b:s3+s2] =	stream.indirect_vreg.scatter [tilespmem:s23], [sflag:$0x1], $0x80, v3, vm0, $0xb8;
	[tilespmem:$0x14100] =	vst v63  }
0xcf: {  	s22 =	simm.s32 $0xE800  }
0xd0: {  	[hbm4b:s5+s2] =	stream.indirect_vreg.scatter [tilespmem:s22], [sflag:$0x1], $0x80, v3, vm0, $0xb8;
	[tilespmem:$0x14100] =	vst v63  }
0xd1: {  	s23 =	simm.s32 $0xF000  }
0xd2: {  	[hbm4b:s6+s2] =	stream.indirect_vreg.scatter [tilespmem:s23], [sflag:$0x1], $0x80, v3, vm0, $0xb8;
	[tilespmem:$0x14100] =	vst v63  }
0xd3: {  	s22 =	simm.s32 $0xF800  }
0xd4: {  	[hbm4b:s7+s2] =	stream.indirect_vreg.scatter [tilespmem:s22], [sflag:$0x1], $0x80, v3, vm0, $0xb8;
	[tilespmem:$0x14100] =	vst v63  }
0xd5: {  	p0 =	sne.s32 s8, $0x1;
	_ =	swait.ge [sflag:s20], $0x10000  }
0xd6: {  	s1 =	simm.s32 $0x40;
	s23 =	rddreg [dreg:$0x7];
	[sflag:s20] =	ssyncset.done $0x0  }
.Ltmp0:
0xd7: {  	s9 =	rddreg [dreg:$0x8];
	[sflag:s20] =	ssyncadd.s32 $0xFFFF0000;
	(pc) =	sbr.rel @p0 .LBB2_1-.Ltmp0, $4  }
0xd8: {  	[hbm4b:s0+s1] =	stream.indirect.scatter [tilespmem:s9], [sflag:$0x1], $0x80, s23, s1, $0xb8;
	[tilespmem:$0x14100] =	vst v63  }
0xd9: {  	_ =	swait.ge [sflag:s20], $0x2000  }
0xda: {  	[sflag:s20] =	ssyncset.done $0x0  }
0xdb: {  	s8 =	sadd.s32 $0xFFFFFFFF, s8;
	[sflag:s20] =	ssyncadd.s32 $0xFFFFE000  }
0xdc: {  	_ =	sfence.sel $0x180000  }
0xdd: {  	[bflag:$0x0] =	sbarrier.arrive $0xFFFF  }
0xde: {  	_ =	strace $0x90000047  }
0xdf: {  	s0 =	stileid.u32;
	[bflag:$0x2] =	sbarrier.arrive $0xFFFF  }
0xe0: {  	p0 =	sne.s32 s0, $0x0;
	s0 =	rddreg [dreg:$0x3]  }
0xe1: {  	s0 =	sadd.s32 @!p0 $0x100000, s0  }
0xe2: {  	[sflag:s0] =	ssyncadd.tile.s32 @!p0 $0x1;
	_ =	shalt  }
.Lfunc_end2:
_tile_overlayer_lowered:
.L_overlay_start_2:
0xe3: {  	(tag) =	ssettag $0x2  }
0xe4: {  	s0 =	rddreg [dreg:$0x0];
	s2 =	stileid.u32  }
0xe5: {  	s1 =	rddreg [dreg:$0x1];
	p0 =	sne.s32 s2, $0x0  }
0xe6: {  	s3 =	rddreg [dreg:$0x2];
	[bflag:$0x3] =	sbarrier.arrive $0xFFFF;
	s2 =	simm.s32 @!p0 $0x1C02  }
0xe7: {  	[timem:s3], [sflag:s2] =	dma.local @!p0 [hbm:s0], s1  }
0xe8: {  	s0 =	simm.s32 @!p0 $0x2  }
0xe9: {  	_ =	swait.ge @!p0 [sflag:s0], s1  }
0xea: {  	s1 =	ssub.s32 @!p0 $0x0, s1;
	[sflag:s0] =	ssyncset.done @!p0 $0x0  }
0xeb: {  	[sflag:s0] =	ssyncadd.s32 @!p0 s1  }
0xec: {  	[bflag:$0x3] =	sbarrier.arrive $0xFFFF  }
0xed: {  	_ =	shalt  }

// kernel: kernel.9.cloned.1.call-start
scs
__scs_entry_jumppad:
0x0: {  	(pc) =	sbr.rel $0x88, $3  }
0x1: {  	(tag) =	ssettag $0x0;
	lr =	simm.s32 $0x1  }
0x2: {  	[smem:$0x3F9C] =	sst lr;
	_ =	strace $0xD0000000  }
0x3: {  	_ = 	snop  }
0x4: {  	_ = 	snop  }
0x5: {  	_ = 	snop  }
0x6: {  	_ = 	snop  }
0x7: {  	_ = 	snop  }
__scs_overlays_trampoline_lowered:
0x8: {  	[smem:$0x3FAB] =	sst s0  }
0x9: {  	[smem:$0x3FAC] =	sst s1  }
0xa: {  	[smem:$0x3FAD] =	sst s2  }
0xb: {  	[smem:$0x3FAE] =	sst s3  }
0xc: {  	[smem:$0x3FAF] =	sst s4  }
0xd: {  	[smem:$0x3FB0] =	sst s5  }
0xe: {  	[smem:$0x3FB1] =	sst s6  }
0xf: {  	[smem:$0x3FB2] =	sst s7  }
0x10: {  	[smem:$0x3FB3] =	sst s8  }
0x11: {  	[smem:$0x3FB4] =	sst s9;
	s0 =	simm.s32 @!p0 $0x0  }
0x12: {  	s1 =	sld [smem:$0x3F9A];
	s0 =	simm.s32 @p0 $0x1  }
0x13: {  	[smem:$0x3FB5] =	sst s0;
	s0 =	simm.s32 @!p1 $0x0  }
0x14: {  	s2 =	sld [smem:$0x3F99];
	s0 =	simm.s32 @p1 $0x1  }
0x15: {  	[smem:$0x3FB6] =	sst s0;
	s0 =	simm.s32 @!p2 $0x0  }
0x16: {  	s3 =	sld [smem:$0x3FDB];
	s0 =	simm.s32 @p2 $0x1  }
0x17: {  	s4 =	simm.s32 $0x1BF5;
	[smem:$0x3FB8] =	sst s0  }
0x18: {  	s0 =	sld [smem:$0x3F9B];
	_ =	swait.ge [sflag:s4], $0x0  }
0x19: {  	s7 =	sld [smem:$0x3F9C]  }
0x1a: {  	s8 =	sadd.s32 $0xFFFFE003, lr  }
0x1b: {  	s9 =	sadd.s32 $0xFFFFFEF7, lr;
	s5 =	simm.s32 $0xFFFFFFFF;
	p2 =	slt.u32 s8, $0xFFFFF086  }
0x1c: {  	p1 =	slt.u32 s9, $0xF7A;
	s5 =	simm.s32 @!p2 $0x0  }
0x1d: {  	s5 =	simm.s32 @p1 $0x1;
	p0 =	seq.s32 s7, s2  }
0x1e: {  	s7 =	smul.u32 @!p0 $0xF7A, s2;
	p2 =	seq.s32 @!p0 s5, $0x0  }
0x1f: {  	s9 =	smul.u32 $0xF7A, s1;
	s8 =	simm.s32 @!p0 $0x1BF5;
	p2 =	por !p2, p0  }
0x20: {  	[sflag:s8] =	ssyncset.s32 @!p0 $0xFFFFF086;
	s6 =	sadd.s32 @!p0 s3, s7;
	s7 =	simm.s32 @!p0 $0x108  }
0x21: {  	s3 =	sadd.s32 s3, s9;
	s6 =	sadd.s32 @!p0 $0x88, s6;
	s7 =	simm.s32 @p2 $0x1082  }
0x22: {  	[simem:s7], [sflag:s8] =	dma.local @!p0 [hbm:s6], $0xF7A  }
0x23: {  	s9 =	sor.u32 $0xD0000000, s2;
	s6 =	simm.s32 $0x108;
	_ =	swait.ge @!p0 [sflag:s8], $0x0  }
0x24: {  	s3 =	sadd.s32 $0x88, s3;
	s6 =	simm.s32 @!p1 $0x1082;
	[sflag:s4] =	ssyncset.s32 $0xFFFFF086  }
0x25: {  	[simem:s6], [sflag:s4] =	dma.local [hbm:s3], $0xF7A  }
0x26: {  	[smem:$0x3F9C] =	sst s1;
	(tag) =	ssettag s2;
	_ =	strace s9  }
0x27: {  	s1 =	sld [smem:$0x3FAC]  }
0x28: {  	s2 =	sld [smem:$0x3FAD]  }
0x29: {  	s4 =	sld [smem:$0x3FAF]  }
0x2a: {  	p0 =	seq.s32 s5, $0x0;
	s5 =	sld [smem:$0x3FB0]  }
0x2b: {  	s6 =	sld [smem:$0x3FB1]  }
0x2c: {  	s7 =	sld [smem:$0x3FB2]  }
0x2d: {  	s3 =	simm.s32 $0x108;
	s8 =	sld [smem:$0x3FB3]  }
0x2e: {  	s3 =	simm.s32 @!p0 $0x1082;
	s9 =	sld [smem:$0x3FB4]  }
0x2f: {  	lr =	sadd.s32 s0, s3;
	s0 =	sld [smem:$0x3FAB]  }
0x30: {  	s3 =	sld [smem:$0x3FAE]  }
0x31: {  	[smem:$0x3FB7] =	sst s10  }
0x32: {  	s10 =	sld [smem:$0x3FB5];
	_ =	sdelay $0x3  }
0x33: {  	p0 =	seq.s32 s10, $0x1;
	s10 =	sld [smem:$0x3FB7];
	_ =	sdelay $0x3  }
0x34: {  	[smem:$0x3FB7] =	sst s10  }
0x35: {  	s10 =	sld [smem:$0x3FB6];
	_ =	sdelay $0x3  }
0x36: {  	p1 =	seq.s32 s10, $0x1;
	s10 =	sld [smem:$0x3FB7];
	_ =	sdelay $0x3  }
0x37: {  	[smem:$0x3FB7] =	sst s10  }
0x38: {  	s10 =	sld [smem:$0x3FB8]  }
0x39: {  	_ = 	snop;
	(pc) =	sbr.ind lr, $3  }
0x3a: {  	_ = 	snop  }
0x3b: {  	_ = 	snop  }
0x3c: {  	p2 =	seq.s32 s10, $0x1;
	s10 =	sld [smem:$0x3FB7]  }
0x3d: {  	_ =	shalt  }
0x3e: {  	_ =	shalt  }
0x3f: {  	_ =	shalt  }
0x40: {  	_ =	shalt  }
0x41: {  	_ =	shalt  }
0x42: {  	_ =	shalt  }
0x43: {  	_ =	shalt  }
0x44: {  	_ =	shalt  }
0x45: {  	_ =	shalt  }
0x46: {  	_ =	shalt  }
0x47: {  	_ =	shalt  }
0x48: {  	_ =	shalt  }
0x49: {  	_ =	shalt  }
0x4a: {  	_ =	shalt  }
0x4b: {  	_ =	shalt  }
0x4c: {  	_ =	shalt  }
0x4d: {  	_ =	shalt  }
0x4e: {  	_ =	shalt  }
0x4f: {  	_ =	shalt  }
0x50: {  	_ =	shalt  }
0x51: {  	_ =	shalt  }
0x52: {  	_ =	shalt  }
0x53: {  	_ =	shalt  }
0x54: {  	_ =	shalt  }
0x55: {  	_ =	shalt  }
0x56: {  	_ =	shalt  }
0x57: {  	_ =	shalt  }
0x58: {  	_ =	shalt  }
0x59: {  	_ =	shalt  }
0x5a: {  	_ =	shalt  }
0x5b: {  	_ =	shalt  }
0x5c: {  	_ =	shalt  }
0x5d: {  	_ =	shalt  }
0x5e: {  	_ =	shalt  }
0x5f: {  	_ =	shalt  }
0x60: {  	_ =	shalt  }
0x61: {  	_ =	shalt  }
0x62: {  	_ =	shalt  }
0x63: {  	_ =	shalt  }
0x64: {  	_ =	shalt  }
0x65: {  	_ =	shalt  }
0x66: {  	_ =	shalt  }
0x67: {  	_ =	shalt  }
0x68: {  	_ =	shalt  }
0x69: {  	_ =	shalt  }
0x6a: {  	_ =	shalt  }
0x6b: {  	_ =	shalt  }
0x6c: {  	_ =	shalt  }
0x6d: {  	_ =	shalt  }
0x6e: {  	_ =	shalt  }
0x6f: {  	_ =	shalt  }
0x70: {  	_ =	shalt  }
0x71: {  	_ =	shalt  }
0x72: {  	_ =	shalt  }
0x73: {  	_ =	shalt  }
0x74: {  	_ =	shalt  }
0x75: {  	_ =	shalt  }
0x76: {  	_ =	shalt  }
0x77: {  	_ =	shalt  }
0x78: {  	_ =	shalt  }
0x79: {  	_ =	shalt  }
0x7a: {  	_ =	shalt  }
0x7b: {  	_ =	shalt  }
0x7c: {  	_ =	shalt  }
0x7d: {  	_ =	shalt  }
0x7e: {  	_ =	shalt  }
0x7f: {  	_ =	shalt  }
0x80: {  	_ =	shalt  }
0x81: {  	_ =	shalt  }
0x82: {  	_ =	shalt  }
0x83: {  	_ =	shalt  }
0x84: {  	_ =	shalt  }
0x85: {  	_ =	shalt  }
0x86: {  	_ =	shalt  }
0x87: {  	_ =	shalt  }
.Lfunc_end0:
.L_simem_size_0:
called_computation.1_lowered:
.L_overlay_start_0:
0x88: {  	s2 =	sld [smem:$0x3FD9]  }
0x89: {  	s3 =	sld [smem:$0x3FFE];
	_ =	sdelay $0x1  }
0x8a: {  	s1 =	srdreg.scid  }
0x8b: {  	s0 =	sand.u32 $0x1, s1  }
0x8c: {  	s14 =	sshll.u32 s0, $0xA;
	s2 =	sadd.s32 s3, s2  }
0x8d: {  	s2 =	sadd.s32 s2, s14  }
0x8e: {  	[smem:$0x3FC3] =	sst s2  }
0x8f: {  	_ = 	snop  }
0x90: {  	s2 =	sld [smem:$0x3FD0];
	_ =	sdelay $0x2  }
0x91: {  	s15 =	simm.s32 $0xA;
	s4 =	simm.s32 $0x10  }
0x92: {  	[smem:s4], [sflag:s15] =	dma.local [hbm:s2], $0x1  }
0x93: {  	_ =	swait.eq [sflag:s15], $0x1  }
0x94: {  	[sflag:s15] =	ssyncset.done $0x0  }
0x95: {  	[sflag:s15] =	ssyncadd.s32 $0xFFFFFFFF  }
0x96: {  	s16 =	sld [smem:$0x10];
	(tm) =	ssettm $0x1  }
0x97: {  	s17 =	sld [smem:$0x3FFB];
	_ =	sdelay $0x3  }
0x98: {  	_ =	strace s17  }
0x99: {  	s3 =	sld [smem:$0x3FFC];
	_ =	sdelay $0x3  }
0x9a: {  	_ =	strace s3  }
0x9b: {  	s3 =	sld [smem:$0x3FFD];
	_ =	sdelay $0x3  }
0x9c: {  	_ =	strace s3  }
0x9d: {  	_ =	strace $0x8FFFFFFF  }
0x9e: {  	s18 =	sld [smem:$0x3FDB];
	_ =	sdelay $0x1  }
0x9f: {  	s19 =	simm.s32 $_scs_section_size  }
0xa0: {  	s5 =	simm.s32 $_size__tile_overlayer_lowered;
	s6 =	simm.s32 $_tile_overlayer_lowered  }
0xa1: {  	s22 =	simm.s32 $0x1BFF;
	s21 =	sshll.u32 s6, $0x1;
	s3 =	sadd.s32 s19, s18  }
0xa2: {  	s7 =	simm.s32 $0x0;
	s20 =	sshll.u32 s5, $0x1;
	s5 =	sadd.s32 s21, s3  }
0xa3: {  	[timem:s7], [sflag:s22] =	dma.local [hbm:s5], s20  }
0xa4: {  	_ =	swait.ge [sflag:s22], s20  }
0xa5: {  	s4 =	ssub.s32 $0x0, s20;
	[sflag:s22] =	ssyncset.done $0x0  }
0xa6: {  	[sflag:s22] =	ssyncadd.s32 s4;
	_ =	sdelay $0x1  }
0xa7: {  	s23 =	simm.s32 $0x1B8B  }
0xa8: {  	_ =	swait.ge [sflag:s23], $0x1  }
0xa9: {  	[sflag:s23] =	ssyncset.done $0x0  }
0xaa: {  	s25 =	simm.s32 $0x1B8E;
	s24 =	sld [smem:$0x3FFE];
	[sflag:s23] =	ssyncadd.s32 $0xFFFFFFFF  }
0xab: {  	s26 =	simm.s32 $execute0_lowered;
	[smem:$0x3FD2] =	sst s25  }
0xac: {  	s5 =	sshll.u32 s26, $0x1;
	_ =	strace $0x80000049;
	[dreg:$0x1] =	wrdreg $0xFFFFFFFF  }
0xad: {  	s28 =	simm.s32 $_size_execute0_lowered;
	s3 =	sadd.s32 s3, s5;
	[dreg:$0x0] =	wrdreg $0x0  }
0xae: {  	s5 =	sshll.u32 s28, $0x1;
	[dreg:$0x2] =	wrdreg s3  }
0xaf: {  	[dreg:$0x3] =	wrdreg s5  }
0xb0: {  	[dreg:$0x4] =	wrdreg $0xC0  }
0xb1: {  	_ =	task [dreg:s7], $0x5FFFF  }
0xb2: {  	[dreg:$0x1] =	wrdreg $0xFFFFFFFF  }
0xb3: {  	[dreg:$0x0] =	wrdreg $0x60  }
0xb4: {  	[dreg:$0x2] =	wrdreg s24  }
0xb5: {  	[dreg:$0x3] =	wrdreg s16  }
0xb6: {  	[dreg:$0x4] =	wrdreg $0x9  }
0xb7: {  	_ =	task.clear_ibuf [dreg:s7], $0x5FFFF;
	_ =	strace $0x90000049  }
0xb8: {  	s29 =	simm.s32 $0x9;
	_ =	strace $0x8000004B  }
0xb9: {  	_ =	swait.ge [sflag:s29], $0x1  }
0xba: {  	[sflag:s29] =	ssyncadd.s32 $0xFFFFFFFF  }
0xbb: {  	_ =	strace $0x9000004B  }
0xbc: {  	_ =	sfence  }
0xbd: {  	s30 =	sld [smem:$0x0];
	_ =	sdelay $0x2  }
0xbe: {  	s31 =	sshll.u32 s1, $0xD;
	s1 =	sshrl.u32 s1, $0x2  }
0xbf: {  	s3 =	sand.u32 $0x4000, s31;
	s1 =	sadd.s32 s1, s30  }
0xc0: {  	s0 =	sor.u32 s3, s0;
	s1 =	sshll.u32 s1, $0x11  }
0xc1: {  	s0 =	sor.u32 s1, s0  }
0xc2: {  	s0 =	sadd.s32 $0x8F2B, s0  }
0xc3: {  	[sflag:s0] =	ssyncadd.remote.s32 $0x1  }
0xc4: {  	_ =	sfence.sel $0xFFFF  }
0xc5: {  	[dreg:$0x0] =	wrdreg $0xFFFFFFFF;
	(pc) =	sbr.abs _section_cstart, $3  }
0xc6: {  	[dreg:$0x1] =	wrdreg $0xFFFFFFFF  }
0xc7: {  	_ =	task.clear_ibuf [dreg:s7], $0x2FFFF;
	_ =	strace $0x9FFFFFFF  }
0xc8: {  	(tm) =	ssettm $0x7FFFFFFF  }
0xc9: {  	_ =	shalt  }
tec
execute0_lowered:
.L_overlay_start_1:
0x0: {  	(tag) =	ssettag $0x1  }
0x1: {  	s0 =	rddreg [dreg:$0x0]  }
0x2: {  	s1 =	rddreg [dreg:$0x1];
	s2 =	simm.s32 $0x0  }
0x3: {  	s3 =	srdreg.scid;
	s4 =	stileid.u32;
	s11 =	simm.s32 $0x2  }
0x4: {  	s12 =	simm.s32 $0x100;
	s29 =	simm.s32 $0x1;
	s13 =	simm.s32 $0xA100  }
0x5: {  	s14 =	simm.s32 $0xA900;
	s15 =	simm.s32 $0xB100;
	s16 =	simm.s32 $0xB900  }
0x6: {  	s17 =	simm.s32 $0xC900;
	s18 =	simm.s32 $0xD100;
	s19 =	simm.s32 $0xD900  }
0x7: {  	s20 =	simm.s32 $0xE100;
	s21 =	simm.s32 $0xE900;
	s22 =	simm.s32 $0xF900  }
0x8: {  	s10 =	simm.s32 $0x0;
	[smem:$0x7FF] =	sst s2;
	s3 =	sand.u32 $0x1, s3  }
0x9: {  	s4 =	sshll.u32 s4, $0x1;
	s8 =	sadd.s32 $0xA4700, s0;
	_ =	strace $0x8000004A  }
0xa: {  	s4 =	sor.u32 s3, s4;
	s5 =	ssub.s32 $0x2, s3;
	s3 =	sadd.s32 $0xA4400, s0  }
0xb: {  	s6 =	sshll.u32 s4, $0x5;
	s7 =	sshrl.u32 s5, $0x1;
	s4 =	sshll.u32 s4, $0xD  }
0xc: {  	s6 =	sadd.s32 s6, s0;
	s9 =	ssub.s32 s5, s7;
	s5 =	sadd.s32 $0xA4500, s0  }
0xd: {  	s7 =	sadd.s32 $0xA4600, s0;
	s0 =	simm.s32 $0x9100;
	s28 =	sadd.s32 $0x400, s6  }
0xe: {  	v2 =	vlaneseq.u32;
	s6 =	sadd.s32 s1, s4;
	s31 =	smax.u32 s9, $0x1;
	[dreg:$0x3] =	wrdreg s28  }
0xf: {  	vm0 =	vmmov $0xffff;
	v1 =	vshrl.u32 v2, $0x3;
	s1 =	simm.s32 $0x9900;
	s30 =	sadd.s32 $0x1000, s6;
	[dreg:$0x5] =	wrdreg s31  }
0x10: {  	v0 =	vand.u32 $0x7, v2;
	v2 =	vor.u32 $0x8, v2;
	v1 =	vmul.u32 $0x8, v1;
	s4 =	simm.s32 $0xC100;
	s9 =	simm.s32 $0xF100;
	[dreg:$0x4] =	wrdreg s30  }
.LBB2_1:
0x11: {  	s23 =	rddreg [dreg:$0x3]  }
0x12: {  	[tilespmem:s2], [sflag:$0x2] =	stream.linear.gather [hbm4b:s23+s2], $0x100, $0x38;
	[tilespmem:$0x10100] =	vst v63  }
0x13: {  	_ =	swait.ge [sflag:s11], $0x100  }
0x14: {  	[sflag:s11] =	ssyncset.done $0x0  }
0x15: {  	[sflag:s11] =	ssyncadd.s32 $0xFFFFFF00  }
0x16: {  	v3 =	vld [tilespmem:$0x0];
	_ =	sdelay $0x4  }
0x17: {  	v4 =	vshll.u32 v3, $0x3  }
0x18: {  	v3 =	vand.u32 $0x7, v3;
	v4 =	vand.u32 $0xFFFFFFC0, v4  }
0x19: {  	v3 =	vor.u32 v3, v4  }
0x1a: {  	v4 =	vperm.xlane v3, v0;
	_ =	sdelay $0x1  }
0x1b: {  	v4 =	vadd.s32 v1, v4;
	_ =	sdelay $0x4  }
0x1c: {  	[tilespmem:s12], [sflag:$0x1] =	stream.indirect_vreg.gather [hbm4b:s3+s2], $0x80, v4, vm0, $0xb8;
	[tilespmem:$0x10100] =	vst v63  }
0x1d: {  	s25 =	simm.s32 $0x900;
	v3 =	vperm.xlane v3, v2  }
0x1e: {  	[tilespmem:s25], [sflag:$0x1] =	stream.indirect_vreg.gather [hbm4b:s5+s2], $0x80, v4, vm0, $0xb8;
	[tilespmem:$0x10100] =	vst v63  }
0x1f: {  	s26 =	simm.s32 $0x1100;
	v3 =	vadd.s32 v1, v3  }
0x20: {  	[tilespmem:s26], [sflag:$0x1] =	stream.indirect_vreg.gather [hbm4b:s7+s2], $0x80, v4, vm0, $0xb8;
	[tilespmem:$0x10100] =	vst v63  }
0x21: {  	s28 =	simm.s32 $0x1900  }
0x22: {  	[tilespmem:s28], [sflag:$0x1] =	stream.indirect_vreg.gather [hbm4b:s8+s2], $0x80, v4, vm0, $0xb8;
	[tilespmem:$0x10100] =	vst v63  }
0x23: {  	s30 =	simm.s32 $0x2100  }
0x24: {  	[tilespmem:s30], [sflag:$0x1] =	stream.indirect_vreg.gather [hbm4b:s3+s2], $0x80, v3, vm0, $0xb8;
	[tilespmem:$0x10100] =	vst v63  }
0x25: {  	s31 =	simm.s32 $0x2900  }
0x26: {  	[tilespmem:s31], [sflag:$0x1] =	stream.indirect_vreg.gather [hbm4b:s5+s2], $0x80, v3, vm0, $0xb8;
	[tilespmem:$0x10100] =	vst v63  }
0x27: {  	s24 =	simm.s32 $0x3100  }
0x28: {  	[tilespmem:s24], [sflag:$0x1] =	stream.indirect_vreg.gather [hbm4b:s7+s2], $0x80, v3, vm0, $0xb8;
	[tilespmem:$0x10100] =	vst v63  }
0x29: {  	s25 =	simm.s32 $0x3900  }
0x2a: {  	[tilespmem:s25], [sflag:$0x1] =	stream.indirect_vreg.gather [hbm4b:s8+s2], $0x80, v3, vm0, $0xb8;
	[tilespmem:$0x10100] =	vst v63  }
0x2b: {  	v3 =	vld [tilespmem:$0x10];
	_ =	sdelay $0x4  }
0x2c: {  	v61 =	vshll.u32 v3, $0x3  }
0x2d: {  	v3 =	vand.u32 $0x7, v3;
	v4 =	vand.u32 $0xFFFFFFC0, v61  }
0x2e: {  	v3 =	vor.u32 v3, v4  }
0x2f: {  	v4 =	vperm.xlane v3, v0;
	_ =	sdelay $0x1  }
0x30: {  	v4 =	vadd.s32 v1, v4;
	_ =	sdelay $0x3  }
0x31: {  	s26 =	simm.s32 $0x4100  }
0x32: {  	[tilespmem:s26], [sflag:$0x1] =	stream.indirect_vreg.gather [hbm4b:s3+s2], $0x80, v4, vm0, $0xb8;
	[tilespmem:$0x10100] =	vst v63  }
0x33: {  	s28 =	simm.s32 $0x4900;
	v3 =	vperm.xlane v3, v2  }
0x34: {  	[tilespmem:s28], [sflag:$0x1] =	stream.indirect_vreg.gather [hbm4b:s5+s2], $0x80, v4, vm0, $0xb8;
	[tilespmem:$0x10100] =	vst v63  }
0x35: {  	s30 =	simm.s32 $0x5100;
	v3 =	vadd.s32 v1, v3  }
0x36: {  	[tilespmem:s30], [sflag:$0x1] =	stream.indirect_vreg.gather [hbm4b:s7+s2], $0x80, v4, vm0, $0xb8;
	[tilespmem:$0x10100] =	vst v63  }
0x37: {  	s31 =	simm.s32 $0x5900  }
0x38: {  	[tilespmem:s31], [sflag:$0x1] =	stream.indirect_vreg.gather [hbm4b:s8+s2], $0x80, v4, vm0, $0xb8;
	[tilespmem:$0x10100] =	vst v63  }
0x39: {  	s24 =	simm.s32 $0x6100  }
0x3a: {  	[tilespmem:s24], [sflag:$0x1] =	stream.indirect_vreg.gather [hbm4b:s3+s2], $0x80, v3, vm0, $0xb8;
	[tilespmem:$0x10100] =	vst v63  }
0x3b: {  	s25 =	simm.s32 $0x6900  }
0x3c: {  	[tilespmem:s25], [sflag:$0x1] =	stream.indirect_vreg.gather [hbm4b:s5+s2], $0x80, v3, vm0, $0xb8;
	[tilespmem:$0x10100] =	vst v63  }
0x3d: {  	s26 =	simm.s32 $0x7100  }
0x3e: {  	[tilespmem:s26], [sflag:$0x1] =	stream.indirect_vreg.gather [hbm4b:s7+s2], $0x80, v3, vm0, $0xb8;
	[tilespmem:$0x10100] =	vst v63  }
0x3f: {  	s28 =	simm.s32 $0x7900  }
0x40: {  	[tilespmem:s28], [sflag:$0x1] =	stream.indirect_vreg.gather [hbm4b:s8+s2], $0x80, v3, vm0, $0xb8;
	[tilespmem:$0x10100] =	vst v63  }
0x41: {  	_ =	swait.ge [sflag:s29], $0x8000  }
0x42: {  	[sflag:s29] =	ssyncset.done $0x0  }
0x43: {  	[sflag:s29] =	ssyncadd.s32 $0xFFFF8000  }
0x44: {  	v3 =	vld [tilespmem:$0x80];
	_ =	sdelay $0x4  }
0x45: {  	v62 =	vshll.u32 v3, $0x3  }
0x46: {  	v3 =	vand.u32 $0x7, v3;
	v4 =	vand.u32 $0xFFFFFFC0, v62  }
0x47: {  	v3 =	vor.u32 v3, v4  }
0x48: {  	v4 =	vperm.xlane v3, v0;
	_ =	sdelay $0x1  }
0x49: {  	v4 =	vadd.s32 v1, v4;
	_ =	sdelay $0x3  }
0x4a: {  	s30 =	simm.s32 $0x8100  }
0x4b: {  	[tilespmem:s30], [sflag:$0x1] =	stream.indirect_vreg.gather [hbm4b:s3+s2], $0x80, v4, vm0, $0xb8;
	[tilespmem:$0x10100] =	vst v63  }
0x4c: {  	s31 =	simm.s32 $0x8900;
	v3 =	vperm.xlane v3, v2  }
0x4d: {  	[tilespmem:s31], [sflag:$0x1] =	stream.indirect_vreg.gather [hbm4b:s5+s2], $0x80, v4, vm0, $0xb8;
	[tilespmem:$0x10100] =	vst v63  }
0x4e: {  	v3 =	vadd.s32 v1, v3  }
0x4f: {  	[tilespmem:s0], [sflag:$0x1] =	stream.indirect_vreg.gather [hbm4b:s7+s2], $0x80, v4, vm0, $0xb8;
	[tilespmem:$0x10100] =	vst v63  }
0x50: {  	_ = 	snop  }
0x51: {  	[tilespmem:s1], [sflag:$0x1] =	stream.indirect_vreg.gather [hbm4b:s8+s2], $0x80, v4, vm0, $0xb8;
	[tilespmem:$0x10100] =	vst v63  }
0x52: {  	_ = 	snop  }
0x53: {  	[tilespmem:s13], [sflag:$0x1] =	stream.indirect_vreg.gather [hbm4b:s3+s2], $0x80, v3, vm0, $0xb8;
	[tilespmem:$0x10100] =	vst v63  }
0x54: {  	_ = 	snop  }
0x55: {  	[tilespmem:s14], [sflag:$0x1] =	stream.indirect_vreg.gather [hbm4b:s5+s2], $0x80, v3, vm0, $0xb8;
	[tilespmem:$0x10100] =	vst v63  }
0x56: {  	_ = 	snop  }
0x57: {  	[tilespmem:s15], [sflag:$0x1] =	stream.indirect_vreg.gather [hbm4b:s7+s2], $0x80, v3, vm0, $0xb8;
	[tilespmem:$0x10100] =	vst v63  }
0x58: {  	_ = 	snop  }
0x59: {  	[tilespmem:s16], [sflag:$0x1] =	stream.indirect_vreg.gather [hbm4b:s8+s2], $0x80, v3, vm0, $0xb8;
	[tilespmem:$0x10100] =	vst v63  }
0x5a: {  	v3 =	vld [tilespmem:$0x90];
	_ =	sdelay $0x4  }
0x5b: {  	v63 =	vshll.u32 v3, $0x3  }
0x5c: {  	v3 =	vand.u32 $0x7, v3;
	v4 =	vand.u32 $0xFFFFFFC0, v63  }
0x5d: {  	v3 =	vor.u32 v3, v4  }
0x5e: {  	v4 =	vperm.xlane v3, v0;
	_ =	sdelay $0x1  }
0x5f: {  	v4 =	vadd.s32 v1, v4;
	_ =	sdelay $0x4  }
0x60: {  	[tilespmem:s4], [sflag:$0x1] =	stream.indirect_vreg.gather [hbm4b:s3+s2], $0x80, v4, vm0, $0xb8;
	[tilespmem:$0x10100] =	vst v63  }
0x61: {  	v3 =	vperm.xlane v3, v2  }
0x62: {  	[tilespmem:s17], [sflag:$0x1] =	stream.indirect_vreg.gather [hbm4b:s5+s2], $0x80, v4, vm0, $0xb8;
	[tilespmem:$0x10100] =	vst v63  }
0x63: {  	v3 =	vadd.s32 v1, v3  }
0x64: {  	[tilespmem:s18], [sflag:$0x1] =	stream.indirect_vreg.gather [hbm4b:s7+s2], $0x80, v4, vm0, $0xb8;
	[tilespmem:$0x10100] =	vst v63  }
0x65: {  	_ = 	snop  }
0x66: {  	[tilespmem:s19], [sflag:$0x1] =	stream.indirect_vreg.gather [hbm4b:s8+s2], $0x80, v4, vm0, $0xb8;
	[tilespmem:$0x10100] =	vst v63  }
0x67: {  	_ = 	snop  }
0x68: {  	[tilespmem:s20], [sflag:$0x1] =	stream.indirect_vreg.gather [hbm4b:s3+s2], $0x80, v3, vm0, $0xb8;
	[tilespmem:$0x10100] =	vst v63  }
0x69: {  	_ = 	snop  }
0x6a: {  	[tilespmem:s21], [sflag:$0x1] =	stream.indirect_vreg.gather [hbm4b:s5+s2], $0x80, v3, vm0, $0xb8;
	[tilespmem:$0x10100] =	vst v63  }
0x6b: {  	_ = 	snop  }
0x6c: {  	[tilespmem:s9], [sflag:$0x1] =	stream.indirect_vreg.gather [hbm4b:s7+s2], $0x80, v3, vm0, $0xb8;
	[tilespmem:$0x10100] =	vst v63  }
0x6d: {  	_ = 	snop  }
0x6e: {  	[tilespmem:s22], [sflag:$0x1] =	stream.indirect_vreg.gather [hbm4b:s8+s2], $0x80, v3, vm0, $0xb8;
	[tilespmem:$0x10100] =	vst v63  }
0x6f: {  	_ =	swait.ge [sflag:s29], $0x8000  }
0x70: {  	s23 =	simm.s32 $0xFFFF8000;
	s24 =	simm.s32 $0x0;
	[sflag:s29] =	ssyncset.done $0x0  }
0x71: {  	s25 =	simm.s32 $0x0;
	s26 =	simm.s32 $0x0;
	[sflag:s29] =	ssyncadd.s32 $0xFFFF8000  }
.LBB2_2:
0x72: {  	s28 =	sadd.s32 $0x8000, s23  }
0x73: {  	s30 =	sand.u32 $0x380, s26;
	s28 =	sand.u32 $0x6000, s28  }
0x74: {  	s28 =	sor.u32 s30, s28  }
0x75: {  	v3 =	vld [tilespmem:s28+$0x100]  }
0x76: {  	v4 =	vld [tilespmem:s28+$0x8100]  }
0x77: {  	v5 =	vld [tilespmem:s28+$0x110]  }
0x78: {  	v6 =	vld [tilespmem:s28+$0x8110]  }
0x79: {  	v7 =	vld [tilespmem:s28+$0x120]  }
0x7a: {  	v8 =	vld [tilespmem:s28+$0x8120]  }
0x7b: {  	v9 =	vld [tilespmem:s28+$0x130]  }
0x7c: {  	v10 =	vld [tilespmem:s28+$0x8130]  }
0x7d: {  	v11 =	vld [tilespmem:s28+$0x140]  }
0x7e: {  	v12 =	vld [tilespmem:s28+$0x8140]  }
0x7f: {  	v13 =	vld [tilespmem:s28+$0x150]  }
0x80: {  	v14 =	vld [tilespmem:s28+$0x8150]  }
0x81: {  	v15 =	vld [tilespmem:s28+$0x160]  }
0x82: {  	v16 =	vld [tilespmem:s28+$0x8160]  }
0x83: {  	v17 =	vld [tilespmem:s28+$0x170]  }
0x84: {  	v18 =	vld [tilespmem:s28+$0x8170]  }
0x85: {  	v19 =	vld [tilespmem:s28+$0x500]  }
0x86: {  	v20 =	vld [tilespmem:s28+$0x8500]  }
0x87: {  	v21 =	vld [tilespmem:s28+$0x510]  }
0x88: {  	v22 =	vld [tilespmem:s28+$0x8510]  }
0x89: {  	v23 =	vld [tilespmem:s28+$0x520]  }
0x8a: {  	v24 =	vld [tilespmem:s28+$0x8520]  }
0x8b: {  	v25 =	vld [tilespmem:s28+$0x530]  }
0x8c: {  	v26 =	vld [tilespmem:s28+$0x8530]  }
0x8d: {  	v27 =	vld [tilespmem:s28+$0x540]  }
0x8e: {  	v28 =	vld [tilespmem:s28+$0x8540]  }
0x8f: {  	v29 =	vld [tilespmem:s28+$0x550]  }
0x90: {  	v30 =	vld [tilespmem:s28+$0x8550]  }
0x91: {  	v31 =	vld [tilespmem:s28+$0x560]  }
0x92: {  	v32 =	vld [tilespmem:s28+$0x8560]  }
0x93: {  	v33 =	vld [tilespmem:s28+$0x570]  }
0x94: {  	v34 =	vld [tilespmem:s28+$0x8570]  }
0x95: {  	v35 =	vld [tilespmem:s28+$0x900]  }
0x96: {  	v36 =	vld [tilespmem:s28+$0x8900]  }
0x97: {  	v37 =	vld [tilespmem:s28+$0x910]  }
0x98: {  	v38 =	vld [tilespmem:s28+$0x8910]  }
0x99: {  	v39 =	vld [tilespmem:s28+$0x920]  }
0x9a: {  	v40 =	vld [tilespmem:s28+$0x8920]  }
0x9b: {  	v41 =	vld [tilespmem:s28+$0x930]  }
0x9c: {  	v42 =	vld [tilespmem:s28+$0x8930]  }
0x9d: {  	v43 =	vld [tilespmem:s28+$0x940]  }
0x9e: {  	v44 =	vld [tilespmem:s28+$0x8940]  }
0x9f: {  	v45 =	vld [tilespmem:s28+$0x950]  }
0xa0: {  	v46 =	vld [tilespmem:s28+$0x8950]  }
0xa1: {  	v47 =	vld [tilespmem:s28+$0x960]  }
0xa2: {  	v48 =	vld [tilespmem:s28+$0x8960]  }
0xa3: {  	v49 =	vld [tilespmem:s28+$0x970]  }
0xa4: {  	v50 =	vld [tilespmem:s28+$0x8970]  }
0xa5: {  	v51 =	vld [tilespmem:s28+$0xD00]  }
0xa6: {  	v52 =	vld [tilespmem:s28+$0x8D00]  }
0xa7: {  	v53 =	vld [tilespmem:s28+$0xD10]  }
0xa8: {  	v54 =	vld [tilespmem:s28+$0x8D10]  }
0xa9: {  	v55 =	vld [tilespmem:s28+$0xD20]  }
0xaa: {  	v56 =	vld [tilespmem:s28+$0x8D20]  }
0xab: {  	v57 =	vld [tilespmem:s28+$0xD30]  }
0xac: {  	v58 =	vld [tilespmem:s28+$0x8D30]  }
0xad: {  	v59 =	vld [tilespmem:s28+$0xD40]  }
0xae: {  	v60 =	vld [tilespmem:s28+$0x8D40]  }
0xaf: {  	v61 =	vld [tilespmem:s28+$0xD50]  }
0xb0: {  	v62 =	vld [tilespmem:s28+$0x8D50]  }
0xb1: {  	v63 =	vld [tilespmem:s28+$0xD60]  }
0xb2: {  	v3 =	vadd.f32 v4, v3;
	v4 =	vld [tilespmem:s28+$0x8D60]  }
0xb3: {  	v5 =	vadd.f32 v6, v5;
	v6 =	vld [tilespmem:s28+$0xD70]  }
0xb4: {  	v14 =	vadd.f32 v14, v13;
	v13 =	vld [tilespmem:s28+$0x9120];
	[tilespmem:s28+$0x100] =	vst v3;
	v3 =	vadd.f32 v8, v7  }
0xb5: {  	v18 =	vadd.f32 v18, v17;
	v17 =	vld [tilespmem:s28+$0x9140];
	[tilespmem:s28+$0x110] =	vst v5  }
0xb6: {  	v22 =	vadd.f32 v22, v21;
	v21 =	vld [tilespmem:s28+$0x9160];
	[tilespmem:s28+$0x120] =	vst v3;
	v3 =	vadd.f32 v12, v11  }
0xb7: {  	v7 =	vld [tilespmem:s28+$0x8D70];
	[tilespmem:s28+$0x150] =	vst v14  }
0xb8: {  	v8 =	vld [tilespmem:s28+$0x1100];
	[tilespmem:s28+$0x140] =	vst v3;
	v3 =	vadd.f32 v16, v15  }
0xb9: {  	v5 =	vadd.f32 v10, v9;
	v9 =	vld [tilespmem:s28+$0x9100];
	[tilespmem:s28+$0x170] =	vst v18  }
0xba: {  	v10 =	vld [tilespmem:s28+$0x1110];
	[tilespmem:s28+$0x160] =	vst v3;
	v3 =	vadd.f32 v20, v19  }
0xbb: {  	v26 =	vadd.f32 v26, v25;
	v14 =	vld [tilespmem:s28+$0x1130];
	[tilespmem:s28+$0x510] =	vst v22  }
0xbc: {  	v18 =	vld [tilespmem:s28+$0x1150];
	[tilespmem:s28+$0x500] =	vst v3;
	v3 =	vadd.f32 v24, v23  }
0xbd: {  	v30 =	vadd.f32 v30, v29;
	[tilespmem:s28+$0x530] =	vst v26;
	v22 =	vld [tilespmem:s28+$0x1170]  }
0xbe: {  	v19 =	vld [tilespmem:s28+$0x9150];
	[tilespmem:s28+$0x520] =	vst v3;
	v3 =	vadd.f32 v28, v27  }
0xbf: {  	v34 =	vadd.f32 v34, v33;
	[tilespmem:s28+$0x550] =	vst v30;
	v11 =	vld [tilespmem:s28+$0x9110]  }
0xc0: {  	v12 =	vld [tilespmem:s28+$0x1120];
	[tilespmem:s28+$0x540] =	vst v3;
	v3 =	vadd.f32 v32, v31  }
0xc1: {  	[tilespmem:s28+$0x570] =	vst v34;
	v15 =	vld [tilespmem:s28+$0x9130]  }
0xc2: {  	v16 =	vld [tilespmem:s28+$0x1140];
	[tilespmem:s28+$0x560] =	vst v3;
	v3 =	vadd.f32 v36, v35  }
0xc3: {  	[tilespmem:s28+$0x130] =	vst v5;
	v20 =	vld [tilespmem:s28+$0x1160];
	v19 =	vadd.f32 v19, v18  }
0xc4: {  	v24 =	vld [tilespmem:s28+$0x1500];
	[tilespmem:s28+$0x900] =	vst v3;
	v3 =	vadd.f32 v40, v39  }
0xc5: {  	[tilespmem:s28+$0x1150] =	vst v19;
	v36 =	vadd.f32 v38, v37;
	v37 =	vld [tilespmem:s28+$0x9170]  }
0xc6: {  	v38 =	vadd.f32 v42, v41;
	v41 =	vld [tilespmem:s28+$0x1510];
	[tilespmem:s28+$0x920] =	vst v3;
	v3 =	vadd.f32 v44, v43  }
0xc7: {  	v42 =	vld [tilespmem:s28+$0x9510];
	[tilespmem:s28+$0x910] =	vst v36  }
0xc8: {  	v35 =	vld [tilespmem:s28+$0x1910];
	[tilespmem:s28+$0x940] =	vst v3;
	v3 =	vadd.f32 v48, v47  }
0xc9: {  	v39 =	vld [tilespmem:s28+$0x9500];
	[tilespmem:s28+$0x930] =	vst v38;
	v40 =	vadd.f32 v46, v45  }
0xca: {  	v45 =	vld [tilespmem:s28+$0x9520];
	[tilespmem:s28+$0x960] =	vst v3;
	v3 =	vadd.f32 v52, v51  }
0xcb: {  	v46 =	vadd.f32 v54, v53;
	v53 =	vld [tilespmem:s28+$0x1550];
	[tilespmem:s28+$0x950] =	vst v40  }
0xcc: {  	v54 =	vld [tilespmem:s28+$0x9550];
	[tilespmem:s28+$0xD00] =	vst v3;
	v3 =	vadd.f32 v56, v55  }
0xcd: {  	v36 =	vld [tilespmem:s28+$0x9910];
	v43 =	vadd.f32 v50, v49;
	[tilespmem:s28+$0xD10] =	vst v46  }
0xce: {  	v38 =	vld [tilespmem:s28+$0x1920];
	[tilespmem:s28+$0xD20] =	vst v3;
	v3 =	vadd.f32 v60, v59  }
0xcf: {  	v44 =	vld [tilespmem:s28+$0x1520];
	v49 =	vadd.f32 v58, v57;
	[tilespmem:s28+$0x970] =	vst v43  }
0xd0: {  	v50 =	vld [tilespmem:s28+$0x1540];
	[tilespmem:s28+$0xD40] =	vst v3;
	v3 =	vadd.f32 v4, v63  }
0xd1: {  	v57 =	vld [tilespmem:s28+$0x9560];
	v58 =	vadd.f32 v11, v10;
	[tilespmem:s28+$0xD30] =	vst v49  }
0xd2: {  	v46 =	vld [tilespmem:s28+$0x9950];
	[tilespmem:s28+$0xD60] =	vst v3;
	v3 =	vadd.f32 v9, v8  }
0xd3: {  	v37 =	vadd.f32 v37, v22;
	v40 =	vadd.f32 v42, v41;
	v41 =	vld [tilespmem:s28+$0x1930];
	[tilespmem:s28+$0x1110] =	vst v58  }
0xd4: {  	v42 =	vld [tilespmem:s28+$0x9930];
	[tilespmem:s28+$0x1100] =	vst v3;
	v3 =	vadd.f32 v13, v12  }
0xd5: {  	v47 =	vld [tilespmem:s28+$0x1530];
	[tilespmem:s28+$0x1170] =	vst v37  }
0xd6: {  	v48 =	vld [tilespmem:s28+$0x9530];
	[tilespmem:s28+$0x1120] =	vst v3;
	v3 =	vadd.f32 v17, v16  }
0xd7: {  	v49 =	vld [tilespmem:s28+$0x9960];
	[tilespmem:s28+$0x1510] =	vst v40;
	v52 =	vadd.f32 v62, v61  }
0xd8: {  	v51 =	vld [tilespmem:s28+$0x9540];
	[tilespmem:s28+$0x1140] =	vst v3;
	v3 =	vadd.f32 v21, v20  }
0xd9: {  	v61 =	vadd.f32 v15, v14;
	v62 =	vld [tilespmem:s28+$0x1900];
	[tilespmem:s28+$0xD50] =	vst v52  }
0xda: {  	v56 =	vld [tilespmem:s28+$0x1560];
	[tilespmem:s28+$0x1160] =	vst v3;
	v3 =	vadd.f32 v39, v24  }
0xdb: {  	v55 =	vadd.f32 v7, v6;
	[tilespmem:s28+$0x1130] =	vst v61;
	v52 =	vld [tilespmem:s28+$0x9970]  }
0xdc: {  	v43 =	vadd.f32 v48, v47;
	v47 =	vld [tilespmem:s28+$0x1960];
	[tilespmem:s28+$0x1500] =	vst v3;
	v3 =	vadd.f32 v45, v44  }
0xdd: {  	[tilespmem:s28+$0xD70] =	vst v55;
	v63 =	vld [tilespmem:s28+$0x9900]  }
0xde: {  	v59 =	vld [tilespmem:s28+$0x1570];
	[tilespmem:s28+$0x1520] =	vst v3;
	v3 =	vadd.f32 v51, v50  }
0xdf: {  	[tilespmem:s28+$0x1530] =	vst v43;
	v4 =	vadd.f32 v54, v53;
	v39 =	vld [tilespmem:s28+$0x9920]  }
0xe0: {  	v60 =	vld [tilespmem:s28+$0x9570];
	[tilespmem:s28+$0x1540] =	vst v3;
	v3 =	vadd.f32 v57, v56  }
0xe1: {  	v54 =	vadd.f32 v42, v41;
	[tilespmem:s28+$0x1550] =	vst v4;
	v45 =	vld [tilespmem:s28+$0x1950]  }
0xe2: {  	v53 =	vld [tilespmem:s28+$0x9940];
	[tilespmem:s28+$0x1560] =	vst v3;
	v3 =	vadd.f32 v63, v62  }
0xe3: {  	[tilespmem:s28+$0x1930] =	vst v54;
	v55 =	vadd.f32 v49, v47;
	v50 =	vld [tilespmem:s28+$0x1970]  }
0xe4: {  	v44 =	vld [tilespmem:s28+$0x1940];
	[tilespmem:s28+$0x1900] =	vst v3;
	v3 =	vadd.f32 v39, v38  }
0xe5: {  	v48 =	vadd.f32 v60, v59;
	[tilespmem:s28+$0x1960] =	vst v55  }
0xe6: {  	[tilespmem:s28+$0x1920] =	vst v3;
	v3 =	vadd.f32 v46, v45  }
0xe7: {  	s31 =	sand.u32 $0x7, s24;
	[tilespmem:s28+$0x1570] =	vst v48;
	v51 =	vadd.f32 v36, v35  }
0xe8: {  	s30 =	sshll.u32 s31, $0x7;
	[tilespmem:s28+$0x1950] =	vst v3;
	v3 =	vadd.f32 v52, v50  }
0xe9: {  	s30 =	sadd.s32 s30, s25;
	[tilespmem:s28+$0x1910] =	vst v51;
	v56 =	vadd.f32 v53, v44  }
0xea: {  	s31 =	sor.u32 $0x1C00, s30;
	[tilespmem:s28+$0x1970] =	vst v3  }
0xeb: {  	[tilespmem:s28+$0x1940] =	vst v56;
	v3 =	vld [tilespmem:s31+$0x100]  }
0xec: {  	v4 =	vld [tilespmem:s31+$0x8100];
	_ =	sdelay $0x4  }
0xed: {  	v3 =	vadd.f32 v4, v3;
	_ =	sdelay $0x1  }
0xee: {  	[tilespmem:s31+$0x100] =	vst v3;
	s31 =	sor.u32 $0x1C10, s30  }
0xef: {  	v3 =	vld [tilespmem:s31+$0x100]  }
0xf0: {  	v57 =	vld [tilespmem:s31+$0x8100];
	_ =	sdelay $0x4  }
0xf1: {  	v3 =	vadd.f32 v57, v3;
	_ =	sdelay $0x1  }
0xf2: {  	[tilespmem:s31+$0x100] =	vst v3;
	s31 =	sor.u32 $0x1C20, s30  }
0xf3: {  	v3 =	vld [tilespmem:s31+$0x100]  }
0xf4: {  	v58 =	vld [tilespmem:s31+$0x8100];
	_ =	sdelay $0x4  }
0xf5: {  	v3 =	vadd.f32 v58, v3;
	_ =	sdelay $0x1  }
0xf6: {  	[tilespmem:s31+$0x100] =	vst v3;
	s31 =	sor.u32 $0x1C30, s30  }
0xf7: {  	v3 =	vld [tilespmem:s31+$0x100]  }
0xf8: {  	v59 =	vld [tilespmem:s31+$0x8100];
	_ =	sdelay $0x4  }
0xf9: {  	v3 =	vadd.f32 v59, v3;
	_ =	sdelay $0x1  }
0xfa: {  	[tilespmem:s31+$0x100] =	vst v3;
	s31 =	sor.u32 $0x1C40, s30  }
0xfb: {  	v3 =	vld [tilespmem:s31+$0x100]  }
0xfc: {  	v60 =	vld [tilespmem:s31+$0x8100];
	_ =	sdelay $0x4  }
0xfd: {  	v3 =	vadd.f32 v60, v3;
	_ =	sdelay $0x1  }
0xfe: {  	[tilespmem:s31+$0x100] =	vst v3;
	s31 =	sor.u32 $0x1C50, s30  }
0xff: {  	v3 =	vld [tilespmem:s31+$0x100]  }
0x100: {  	v61 =	vld [tilespmem:s31+$0x8100];
	_ =	sdelay $0x4  }
0x101: {  	v3 =	vadd.f32 v61, v3;
	_ =	sdelay $0x1  }
0x102: {  	[tilespmem:s31+$0x100] =	vst v3;
	s31 =	sor.u32 $0x1C60, s30  }
0x103: {  	v3 =	vld [tilespmem:s31+$0x100]  }
0x104: {  	v62 =	vld [tilespmem:s31+$0x8100];
	_ =	sdelay $0x4  }
0x105: {  	v3 =	vadd.f32 v62, v3;
	_ =	sdelay $0x1  }
0x106: {  	[tilespmem:s31+$0x100] =	vst v3;
	s31 =	sor.u32 $0x1C70, s30  }
0x107: {  	v3 =	vld [tilespmem:s31+$0x100]  }
0x108: {  	v63 =	vld [tilespmem:s31+$0x8100];
	_ =	sdelay $0x1  }
0x109: {  	p0 =	sne.s32 s26, $0xF80  }
.Ltmp0:
0x10a: {  	_ = 	snop;
	(pc) =	sbr.rel @p0 .LBB2_2-.Ltmp0, $4  }
0x10b: {  	_ = 	snop  }
0x10c: {  	v3 =	vadd.f32 v63, v3  }
0x10d: {  	s24 =	sadd.s32 $0x1, s24  }
0x10e: {  	s23 =	sadd.s32 $0x400, s23;
	s26 =	sadd.s32 $0x80, s26;
	s25 =	sadd.s32 $0x400, s25;
	[tilespmem:s31+$0x100] =	vst v3  }
0x10f: {  	s23 =	simm.s32 $0x0  }
0x110: {  	[hbm4b:s6+s23] =	stream.linear.scatter [tilespmem:s12], [sflag:$0x2], $0x8000, $0x38;
	[tilespmem:$0x10100] =	vst v63  }
0x111: {  	_ =	swait.ge [sflag:s11], $0x8000  }
0x112: {  	[sflag:s11] =	ssyncset.done $0x0  }
0x113: {  	[sflag:s11] =	ssyncadd.s32 $0xFFFF8000  }
0x114: {  	v3 =	vld [tilespmem:$0x20];
	_ =	sdelay $0x4  }
0x115: {  	v4 =	vshll.u32 v3, $0x3  }
0x116: {  	v3 =	vand.u32 $0x7, v3;
	v4 =	vand.u32 $0xFFFFFFC0, v4  }
0x117: {  	v3 =	vor.u32 v3, v4  }
0x118: {  	v4 =	vperm.xlane v3, v0;
	_ =	sdelay $0x1  }
0x119: {  	v4 =	vadd.s32 v1, v4;
	_ =	sdelay $0x4  }
0x11a: {  	[tilespmem:s12], [sflag:$0x1] =	stream.indirect_vreg.gather [hbm4b:s3+s23], $0x80, v4, vm0, $0xb8;
	[tilespmem:$0x10100] =	vst v63  }
0x11b: {  	s24 =	simm.s32 $0x900;
	v3 =	vperm.xlane v3, v2  }
0x11c: {  	[tilespmem:s24], [sflag:$0x1] =	stream.indirect_vreg.gather [hbm4b:s5+s23], $0x80, v4, vm0, $0xb8;
	[tilespmem:$0x10100] =	vst v63  }
0x11d: {  	s31 =	simm.s32 $0x1100;
	v3 =	vadd.s32 v1, v3  }
0x11e: {  	[tilespmem:s31], [sflag:$0x1] =	stream.indirect_vreg.gather [hbm4b:s7+s23], $0x80, v4, vm0, $0xb8;
	[tilespmem:$0x10100] =	vst v63  }
0x11f: {  	s25 =	simm.s32 $0x1900  }
0x120: {  	[tilespmem:s25], [sflag:$0x1] =	stream.indirect_vreg.gather [hbm4b:s8+s23], $0x80, v4, vm0, $0xb8;
	[tilespmem:$0x10100] =	vst v63  }
0x121: {  	s26 =	simm.s32 $0x2100  }
0x122: {  	[tilespmem:s26], [sflag:$0x1] =	stream.indirect_vreg.gather [hbm4b:s3+s23], $0x80, v3, vm0, $0xb8;
	[tilespmem:$0x10100] =	vst v63  }
0x123: {  	s28 =	simm.s32 $0x2900  }
0x124: {  	[tilespmem:s28], [sflag:$0x1] =	stream.indirect_vreg.gather [hbm4b:s5+s23], $0x80, v3, vm0, $0xb8;
	[tilespmem:$0x10100] =	vst v63  }
0x125: {  	s30 =	simm.s32 $0x3100  }
0x126: {  	[tilespmem:s30], [sflag:$0x1] =	stream.indirect_vreg.gather [hbm4b:s7+s23], $0x80, v3, vm0, $0xb8;
	[tilespmem:$0x10100] =	vst v63  }
0x127: {  	s31 =	simm.s32 $0x3900  }
0x128: {  	[tilespmem:s31], [sflag:$0x1] =	stream.indirect_vreg.gather [hbm4b:s8+s23], $0x80, v3, vm0, $0xb8;
	[tilespmem:$0x10100] =	vst v63  }
0x129: {  	v3 =	vld [tilespmem:$0x30];
	_ =	sdelay $0x4  }
0x12a: {  	v61 =	vshll.u32 v3, $0x3  }
0x12b: {  	v3 =	vand.u32 $0x7, v3;
	v4 =	vand.u32 $0xFFFFFFC0, v61  }
0x12c: {  	v3 =	vor.u32 v3, v4  }
0x12d: {  	v4 =	vperm.xlane v3, v0;
	_ =	sdelay $0x1  }
0x12e: {  	v4 =	vadd.s32 v1, v4;
	_ =	sdelay $0x3  }
0x12f: {  	s25 =	simm.s32 $0x4100  }
0x130: {  	[tilespmem:s25], [sflag:$0x1] =	stream.indirect_vreg.gather [hbm4b:s3+s23], $0x80, v4, vm0, $0xb8;
	[tilespmem:$0x10100] =	vst v63  }
0x131: {  	s26 =	simm.s32 $0x4900;
	v3 =	vperm.xlane v3, v2  }
0x132: {  	[tilespmem:s26], [sflag:$0x1] =	stream.indirect_vreg.gather [hbm4b:s5+s23], $0x80, v4, vm0, $0xb8;
	[tilespmem:$0x10100] =	vst v63  }
0x133: {  	s28 =	simm.s32 $0x5100;
	v3 =	vadd.s32 v1, v3  }
0x134: {  	[tilespmem:s28], [sflag:$0x1] =	stream.indirect_vreg.gather [hbm4b:s7+s23], $0x80, v4, vm0, $0xb8;
	[tilespmem:$0x10100] =	vst v63  }
0x135: {  	s30 =	simm.s32 $0x5900  }
0x136: {  	[tilespmem:s30], [sflag:$0x1] =	stream.indirect_vreg.gather [hbm4b:s8+s23], $0x80, v4, vm0, $0xb8;
	[tilespmem:$0x10100] =	vst v63  }
0x137: {  	s31 =	simm.s32 $0x6100  }
0x138: {  	[tilespmem:s31], [sflag:$0x1] =	stream.indirect_vreg.gather [hbm4b:s3+s23], $0x80, v3, vm0, $0xb8;
	[tilespmem:$0x10100] =	vst v63  }
0x139: {  	s25 =	simm.s32 $0x6900  }
0x13a: {  	[tilespmem:s25], [sflag:$0x1] =	stream.indirect_vreg.gather [hbm4b:s5+s23], $0x80, v3, vm0, $0xb8;
	[tilespmem:$0x10100] =	vst v63  }
0x13b: {  	s26 =	simm.s32 $0x7100  }
0x13c: {  	[tilespmem:s26], [sflag:$0x1] =	stream.indirect_vreg.gather [hbm4b:s7+s23], $0x80, v3, vm0, $0xb8;
	[tilespmem:$0x10100] =	vst v63  }
0x13d: {  	s28 =	simm.s32 $0x7900  }
0x13e: {  	[tilespmem:s28], [sflag:$0x1] =	stream.indirect_vreg.gather [hbm4b:s8+s23], $0x80, v3, vm0, $0xb8;
	[tilespmem:$0x10100] =	vst v63  }
0x13f: {  	_ =	swait.ge [sflag:s29], $0x8000  }
0x140: {  	[sflag:s29] =	ssyncset.done $0x0  }
0x141: {  	[sflag:s29] =	ssyncadd.s32 $0xFFFF8000  }
0x142: {  	v3 =	vld [tilespmem:$0xA0];
	_ =	sdelay $0x4  }
0x143: {  	v62 =	vshll.u32 v3, $0x3  }
0x144: {  	v3 =	vand.u32 $0x7, v3;
	v4 =	vand.u32 $0xFFFFFFC0, v62  }
0x145: {  	v3 =	vor.u32 v3, v4  }
0x146: {  	v4 =	vperm.xlane v3, v0;
	_ =	sdelay $0x1  }
0x147: {  	v4 =	vadd.s32 v1, v4;
	_ =	sdelay $0x3  }
0x148: {  	s30 =	simm.s32 $0x8100  }
0x149: {  	[tilespmem:s30], [sflag:$0x1] =	stream.indirect_vreg.gather [hbm4b:s3+s23], $0x80, v4, vm0, $0xb8;
	[tilespmem:$0x10100] =	vst v63  }
0x14a: {  	s31 =	simm.s32 $0x8900;
	v3 =	vperm.xlane v3, v2  }
0x14b: {  	[tilespmem:s31], [sflag:$0x1] =	stream.indirect_vreg.gather [hbm4b:s5+s23], $0x80, v4, vm0, $0xb8;
	[tilespmem:$0x10100] =	vst v63  }
0x14c: {  	v3 =	vadd.s32 v1, v3  }
0x14d: {  	[tilespmem:s0], [sflag:$0x1] =	stream.indirect_vreg.gather [hbm4b:s7+s23], $0x80, v4, vm0, $0xb8;
	[tilespmem:$0x10100] =	vst v63  }
0x14e: {  	_ = 	snop  }
0x14f: {  	[tilespmem:s1], [sflag:$0x1] =	stream.indirect_vreg.gather [hbm4b:s8+s23], $0x80, v4, vm0, $0xb8;
	[tilespmem:$0x10100] =	vst v63  }
0x150: {  	_ = 	snop  }
0x151: {  	[tilespmem:s13], [sflag:$0x1] =	stream.indirect_vreg.gather [hbm4b:s3+s23], $0x80, v3, vm0, $0xb8;
	[tilespmem:$0x10100] =	vst v63  }
0x152: {  	_ = 	snop  }
0x153: {  	[tilespmem:s14], [sflag:$0x1] =	stream.indirect_vreg.gather [hbm4b:s5+s23], $0x80, v3, vm0, $0xb8;
	[tilespmem:$0x10100] =	vst v63  }
0x154: {  	_ = 	snop  }
0x155: {  	[tilespmem:s15], [sflag:$0x1] =	stream.indirect_vreg.gather [hbm4b:s7+s23], $0x80, v3, vm0, $0xb8;
	[tilespmem:$0x10100] =	vst v63  }
0x156: {  	_ = 	snop  }
0x157: {  	[tilespmem:s16], [sflag:$0x1] =	stream.indirect_vreg.gather [hbm4b:s8+s23], $0x80, v3, vm0, $0xb8;
	[tilespmem:$0x10100] =	vst v63  }
0x158: {  	v3 =	vld [tilespmem:$0xB0];
	_ =	sdelay $0x4  }
0x159: {  	v63 =	vshll.u32 v3, $0x3  }
0x15a: {  	v3 =	vand.u32 $0x7, v3;
	v4 =	vand.u32 $0xFFFFFFC0, v63  }
0x15b: {  	v3 =	vor.u32 v3, v4  }
0x15c: {  	v4 =	vperm.xlane v3, v0;
	_ =	sdelay $0x1  }
0x15d: {  	v4 =	vadd.s32 v1, v4;
	_ =	sdelay $0x4  }
0x15e: {  	[tilespmem:s4], [sflag:$0x1] =	stream.indirect_vreg.gather [hbm4b:s3+s23], $0x80, v4, vm0, $0xb8;
	[tilespmem:$0x10100] =	vst v63  }
0x15f: {  	v3 =	vperm.xlane v3, v2  }
0x160: {  	[tilespmem:s17], [sflag:$0x1] =	stream.indirect_vreg.gather [hbm4b:s5+s23], $0x80, v4, vm0, $0xb8;
	[tilespmem:$0x10100] =	vst v63  }
0x161: {  	v3 =	vadd.s32 v1, v3  }
0x162: {  	[tilespmem:s18], [sflag:$0x1] =	stream.indirect_vreg.gather [hbm4b:s7+s23], $0x80, v4, vm0, $0xb8;
	[tilespmem:$0x10100] =	vst v63  }
0x163: {  	_ = 	snop  }
0x164: {  	[tilespmem:s19], [sflag:$0x1] =	stream.indirect_vreg.gather [hbm4b:s8+s23], $0x80, v4, vm0, $0xb8;
	[tilespmem:$0x10100] =	vst v63  }
0x165: {  	_ = 	snop  }
0x166: {  	[tilespmem:s20], [sflag:$0x1] =	stream.indirect_vreg.gather [hbm4b:s3+s23], $0x80, v3, vm0, $0xb8;
	[tilespmem:$0x10100] =	vst v63  }
0x167: {  	_ = 	snop  }
0x168: {  	[tilespmem:s21], [sflag:$0x1] =	stream.indirect_vreg.gather [hbm4b:s5+s23], $0x80, v3, vm0, $0xb8;
	[tilespmem:$0x10100] =	vst v63  }
0x169: {  	_ = 	snop  }
0x16a: {  	[tilespmem:s9], [sflag:$0x1] =	stream.indirect_vreg.gather [hbm4b:s7+s23], $0x80, v3, vm0, $0xb8;
	[tilespmem:$0x10100] =	vst v63  }
0x16b: {  	_ = 	snop  }
0x16c: {  	[tilespmem:s22], [sflag:$0x1] =	stream.indirect_vreg.gather [hbm4b:s8+s23], $0x80, v3, vm0, $0xb8;
	[tilespmem:$0x10100] =	vst v63  }
0x16d: {  	_ =	swait.ge [sflag:s29], $0x8000  }
0x16e: {  	s24 =	simm.s32 $0xFFFF8000;
	[sflag:s29] =	ssyncset.done $0x0  }
0x16f: {  	s25 =	simm.s32 $0x0;
	s26 =	simm.s32 $0x0;
	[sflag:s29] =	ssyncadd.s32 $0xFFFF8000  }
.LBB2_4:
0x170: {  	s28 =	sadd.s32 $0x8000, s24  }
0x171: {  	s30 =	sand.u32 $0x380, s26;
	s28 =	sand.u32 $0x6000, s28  }
0x172: {  	s28 =	sor.u32 s30, s28  }
0x173: {  	v3 =	vld [tilespmem:s28+$0x100]  }
0x174: {  	v4 =	vld [tilespmem:s28+$0x8100]  }
0x175: {  	v5 =	vld [tilespmem:s28+$0x110]  }
0x176: {  	v6 =	vld [tilespmem:s28+$0x8110]  }
0x177: {  	v7 =	vld [tilespmem:s28+$0x120]  }
0x178: {  	v8 =	vld [tilespmem:s28+$0x8120]  }
0x179: {  	v9 =	vld [tilespmem:s28+$0x130]  }
0x17a: {  	v10 =	vld [tilespmem:s28+$0x8130]  }
0x17b: {  	v11 =	vld [tilespmem:s28+$0x140]  }
0x17c: {  	v12 =	vld [tilespmem:s28+$0x8140]  }
0x17d: {  	v13 =	vld [tilespmem:s28+$0x150]  }
0x17e: {  	v14 =	vld [tilespmem:s28+$0x8150]  }
0x17f: {  	v15 =	vld [tilespmem:s28+$0x160]  }
0x180: {  	v16 =	vld [tilespmem:s28+$0x8160]  }
0x181: {  	v17 =	vld [tilespmem:s28+$0x170]  }
0x182: {  	v18 =	vld [tilespmem:s28+$0x8170]  }
0x183: {  	v19 =	vld [tilespmem:s28+$0x500]  }
0x184: {  	v20 =	vld [tilespmem:s28+$0x8500]  }
0x185: {  	v21 =	vld [tilespmem:s28+$0x510]  }
0x186: {  	v22 =	vld [tilespmem:s28+$0x8510]  }
0x187: {  	v23 =	vld [tilespmem:s28+$0x520]  }
0x188: {  	v24 =	vld [tilespmem:s28+$0x8520]  }
0x189: {  	v25 =	vld [tilespmem:s28+$0x530]  }
0x18a: {  	v26 =	vld [tilespmem:s28+$0x8530]  }
0x18b: {  	v27 =	vld [tilespmem:s28+$0x540]  }
0x18c: {  	v28 =	vld [tilespmem:s28+$0x8540]  }
0x18d: {  	v29 =	vld [tilespmem:s28+$0x550]  }
0x18e: {  	v30 =	vld [tilespmem:s28+$0x8550]  }
0x18f: {  	v31 =	vld [tilespmem:s28+$0x560]  }
0x190: {  	v32 =	vld [tilespmem:s28+$0x8560]  }
0x191: {  	v33 =	vld [tilespmem:s28+$0x570]  }
0x192: {  	v34 =	vld [tilespmem:s28+$0x8570]  }
0x193: {  	v35 =	vld [tilespmem:s28+$0x900]  }
0x194: {  	v36 =	vld [tilespmem:s28+$0x8900]  }
0x195: {  	v37 =	vld [tilespmem:s28+$0x910]  }
0x196: {  	v38 =	vld [tilespmem:s28+$0x8910]  }
0x197: {  	v39 =	vld [tilespmem:s28+$0x920]  }
0x198: {  	v40 =	vld [tilespmem:s28+$0x8920]  }
0x199: {  	v41 =	vld [tilespmem:s28+$0x930]  }
0x19a: {  	v42 =	vld [tilespmem:s28+$0x8930]  }
0x19b: {  	v43 =	vld [tilespmem:s28+$0x940]  }
0x19c: {  	v44 =	vld [tilespmem:s28+$0x8940]  }
0x19d: {  	v45 =	vld [tilespmem:s28+$0x950]  }
0x19e: {  	v46 =	vld [tilespmem:s28+$0x8950]  }
0x19f: {  	v47 =	vld [tilespmem:s28+$0x960]  }
0x1a0: {  	v48 =	vld [tilespmem:s28+$0x8960]  }
0x1a1: {  	v49 =	vld [tilespmem:s28+$0x970]  }
0x1a2: {  	v50 =	vld [tilespmem:s28+$0x8970]  }
0x1a3: {  	v51 =	vld [tilespmem:s28+$0xD00]  }
0x1a4: {  	v52 =	vld [tilespmem:s28+$0x8D00]  }
0x1a5: {  	v53 =	vld [tilespmem:s28+$0xD10]  }
0x1a6: {  	v54 =	vld [tilespmem:s28+$0x8D10]  }
0x1a7: {  	v55 =	vld [tilespmem:s28+$0xD20]  }
0x1a8: {  	v56 =	vld [tilespmem:s28+$0x8D20]  }
0x1a9: {  	v57 =	vld [tilespmem:s28+$0xD30]  }
0x1aa: {  	v58 =	vld [tilespmem:s28+$0x8D30]  }
0x1ab: {  	v59 =	vld [tilespmem:s28+$0xD40]  }
0x1ac: {  	v60 =	vld [tilespmem:s28+$0x8D40]  }
0x1ad: {  	v61 =	vld [tilespmem:s28+$0xD50]  }
0x1ae: {  	v62 =	vld [tilespmem:s28+$0x8D50]  }
0x1af: {  	v63 =	vld [tilespmem:s28+$0xD60]  }
0x1b0: {  	v3 =	vadd.f32 v4, v3;
	v4 =	vld [tilespmem:s28+$0x8D60]  }
0x1b1: {  	v5 =	vadd.f32 v6, v5;
	v6 =	vld [tilespmem:s28+$0xD70]  }
0x1b2: {  	v14 =	vadd.f32 v14, v13;
	v13 =	vld [tilespmem:s28+$0x9120];
	[tilespmem:s28+$0x100] =	vst v3;
	v3 =	vadd.f32 v8, v7  }
0x1b3: {  	v18 =	vadd.f32 v18, v17;
	v17 =	vld [tilespmem:s28+$0x9140];
	[tilespmem:s28+$0x110] =	vst v5  }
0x1b4: {  	v22 =	vadd.f32 v22, v21;
	v21 =	vld [tilespmem:s28+$0x9160];
	[tilespmem:s28+$0x120] =	vst v3;
	v3 =	vadd.f32 v12, v11  }
0x1b5: {  	v7 =	vld [tilespmem:s28+$0x8D70];
	[tilespmem:s28+$0x150] =	vst v14  }
0x1b6: {  	v8 =	vld [tilespmem:s28+$0x1100];
	[tilespmem:s28+$0x140] =	vst v3;
	v3 =	vadd.f32 v16, v15  }
0x1b7: {  	v5 =	vadd.f32 v10, v9;
	v9 =	vld [tilespmem:s28+$0x9100];
	[tilespmem:s28+$0x170] =	vst v18  }
0x1b8: {  	v10 =	vld [tilespmem:s28+$0x1110];
	[tilespmem:s28+$0x160] =	vst v3;
	v3 =	vadd.f32 v20, v19  }
0x1b9: {  	v26 =	vadd.f32 v26, v25;
	v14 =	vld [tilespmem:s28+$0x1130];
	[tilespmem:s28+$0x510] =	vst v22  }
0x1ba: {  	v18 =	vld [tilespmem:s28+$0x1150];
	[tilespmem:s28+$0x500] =	vst v3;
	v3 =	vadd.f32 v24, v23  }
0x1bb: {  	v30 =	vadd.f32 v30, v29;
	[tilespmem:s28+$0x530] =	vst v26;
	v22 =	vld [tilespmem:s28+$0x1170]  }
0x1bc: {  	v19 =	vld [tilespmem:s28+$0x9150];
	[tilespmem:s28+$0x520] =	vst v3;
	v3 =	vadd.f32 v28, v27  }
0x1bd: {  	v34 =	vadd.f32 v34, v33;
	[tilespmem:s28+$0x550] =	vst v30;
	v11 =	vld [tilespmem:s28+$0x9110]  }
0x1be: {  	v12 =	vld [tilespmem:s28+$0x1120];
	[tilespmem:s28+$0x540] =	vst v3;
	v3 =	vadd.f32 v32, v31  }
0x1bf: {  	[tilespmem:s28+$0x570] =	vst v34;
	v15 =	vld [tilespmem:s28+$0x9130]  }
0x1c0: {  	v16 =	vld [tilespmem:s28+$0x1140];
	[tilespmem:s28+$0x560] =	vst v3;
	v3 =	vadd.f32 v36, v35  }
0x1c1: {  	[tilespmem:s28+$0x130] =	vst v5;
	v20 =	vld [tilespmem:s28+$0x1160];
	v19 =	vadd.f32 v19, v18  }
0x1c2: {  	v24 =	vld [tilespmem:s28+$0x1500];
	[tilespmem:s28+$0x900] =	vst v3;
	v3 =	vadd.f32 v40, v39  }
0x1c3: {  	[tilespmem:s28+$0x1150] =	vst v19;
	v36 =	vadd.f32 v38, v37;
	v37 =	vld [tilespmem:s28+$0x9170]  }
0x1c4: {  	v38 =	vadd.f32 v42, v41;
	v41 =	vld [tilespmem:s28+$0x1510];
	[tilespmem:s28+$0x920] =	vst v3;
	v3 =	vadd.f32 v44, v43  }
0x1c5: {  	v42 =	vld [tilespmem:s28+$0x9510];
	[tilespmem:s28+$0x910] =	vst v36  }
0x1c6: {  	v35 =	vld [tilespmem:s28+$0x1910];
	[tilespmem:s28+$0x940] =	vst v3;
	v3 =	vadd.f32 v48, v47  }
0x1c7: {  	v39 =	vld [tilespmem:s28+$0x9500];
	[tilespmem:s28+$0x930] =	vst v38;
	v40 =	vadd.f32 v46, v45  }
0x1c8: {  	v45 =	vld [tilespmem:s28+$0x9520];
	[tilespmem:s28+$0x960] =	vst v3;
	v3 =	vadd.f32 v52, v51  }
0x1c9: {  	v46 =	vadd.f32 v54, v53;
	v53 =	vld [tilespmem:s28+$0x1550];
	[tilespmem:s28+$0x950] =	vst v40  }
0x1ca: {  	v54 =	vld [tilespmem:s28+$0x9550];
	[tilespmem:s28+$0xD00] =	vst v3;
	v3 =	vadd.f32 v56, v55  }
0x1cb: {  	v36 =	vld [tilespmem:s28+$0x9910];
	v43 =	vadd.f32 v50, v49;
	[tilespmem:s28+$0xD10] =	vst v46  }
0x1cc: {  	v38 =	vld [tilespmem:s28+$0x1920];
	[tilespmem:s28+$0xD20] =	vst v3;
	v3 =	vadd.f32 v60, v59  }
0x1cd: {  	v44 =	vld [tilespmem:s28+$0x1520];
	v49 =	vadd.f32 v58, v57;
	[tilespmem:s28+$0x970] =	vst v43  }
0x1ce: {  	v50 =	vld [tilespmem:s28+$0x1540];
	[tilespmem:s28+$0xD40] =	vst v3;
	v3 =	vadd.f32 v4, v63  }
0x1cf: {  	v57 =	vld [tilespmem:s28+$0x9560];
	v58 =	vadd.f32 v11, v10;
	[tilespmem:s28+$0xD30] =	vst v49  }
0x1d0: {  	v46 =	vld [tilespmem:s28+$0x9950];
	[tilespmem:s28+$0xD60] =	vst v3;
	v3 =	vadd.f32 v9, v8  }
0x1d1: {  	v37 =	vadd.f32 v37, v22;
	v40 =	vadd.f32 v42, v41;
	v41 =	vld [tilespmem:s28+$0x1930];
	[tilespmem:s28+$0x1110] =	vst v58  }
0x1d2: {  	v42 =	vld [tilespmem:s28+$0x9930];
	[tilespmem:s28+$0x1100] =	vst v3;
	v3 =	vadd.f32 v13, v12  }
0x1d3: {  	v47 =	vld [tilespmem:s28+$0x1530];
	[tilespmem:s28+$0x1170] =	vst v37  }
0x1d4: {  	v48 =	vld [tilespmem:s28+$0x9530];
	[tilespmem:s28+$0x1120] =	vst v3;
	v3 =	vadd.f32 v17, v16  }
0x1d5: {  	v49 =	vld [tilespmem:s28+$0x9960];
	[tilespmem:s28+$0x1510] =	vst v40;
	v52 =	vadd.f32 v62, v61  }
0x1d6: {  	v51 =	vld [tilespmem:s28+$0x9540];
	[tilespmem:s28+$0x1140] =	vst v3;
	v3 =	vadd.f32 v21, v20  }
0x1d7: {  	v61 =	vadd.f32 v15, v14;
	v62 =	vld [tilespmem:s28+$0x1900];
	[tilespmem:s28+$0xD50] =	vst v52  }
0x1d8: {  	v56 =	vld [tilespmem:s28+$0x1560];
	[tilespmem:s28+$0x1160] =	vst v3;
	v3 =	vadd.f32 v39, v24  }
0x1d9: {  	v55 =	vadd.f32 v7, v6;
	[tilespmem:s28+$0x1130] =	vst v61;
	v52 =	vld [tilespmem:s28+$0x9970]  }
0x1da: {  	v43 =	vadd.f32 v48, v47;
	v47 =	vld [tilespmem:s28+$0x1960];
	[tilespmem:s28+$0x1500] =	vst v3;
	v3 =	vadd.f32 v45, v44  }
0x1db: {  	[tilespmem:s28+$0xD70] =	vst v55;
	v63 =	vld [tilespmem:s28+$0x9900]  }
0x1dc: {  	v59 =	vld [tilespmem:s28+$0x1570];
	[tilespmem:s28+$0x1520] =	vst v3;
	v3 =	vadd.f32 v51, v50  }
0x1dd: {  	[tilespmem:s28+$0x1530] =	vst v43;
	v4 =	vadd.f32 v54, v53;
	v39 =	vld [tilespmem:s28+$0x9920]  }
0x1de: {  	v60 =	vld [tilespmem:s28+$0x9570];
	[tilespmem:s28+$0x1540] =	vst v3;
	v3 =	vadd.f32 v57, v56  }
0x1df: {  	v54 =	vadd.f32 v42, v41;
	[tilespmem:s28+$0x1550] =	vst v4;
	v45 =	vld [tilespmem:s28+$0x1950]  }
0x1e0: {  	v53 =	vld [tilespmem:s28+$0x9940];
	[tilespmem:s28+$0x1560] =	vst v3;
	v3 =	vadd.f32 v63, v62  }
0x1e1: {  	[tilespmem:s28+$0x1930] =	vst v54;
	v55 =	vadd.f32 v49, v47;
	v50 =	vld [tilespmem:s28+$0x1970]  }
0x1e2: {  	v44 =	vld [tilespmem:s28+$0x1940];
	[tilespmem:s28+$0x1900] =	vst v3;
	v3 =	vadd.f32 v39, v38  }
0x1e3: {  	v48 =	vadd.f32 v60, v59;
	[tilespmem:s28+$0x1960] =	vst v55  }
0x1e4: {  	[tilespmem:s28+$0x1920] =	vst v3;
	v3 =	vadd.f32 v46, v45  }
0x1e5: {  	s31 =	sand.u32 $0x7, s23;
	[tilespmem:s28+$0x1570] =	vst v48;
	v51 =	vadd.f32 v36, v35  }
0x1e6: {  	s30 =	sshll.u32 s31, $0x7;
	[tilespmem:s28+$0x1950] =	vst v3;
	v3 =	vadd.f32 v52, v50  }
0x1e7: {  	s30 =	sadd.s32 s30, s25;
	[tilespmem:s28+$0x1910] =	vst v51;
	v56 =	vadd.f32 v53, v44  }
0x1e8: {  	s31 =	sor.u32 $0x1C00, s30;
	[tilespmem:s28+$0x1970] =	vst v3  }
0x1e9: {  	[tilespmem:s28+$0x1940] =	vst v56;
	v3 =	vld [tilespmem:s31+$0x100]  }
0x1ea: {  	v4 =	vld [tilespmem:s31+$0x8100];
	_ =	sdelay $0x4  }
0x1eb: {  	v3 =	vadd.f32 v4, v3;
	_ =	sdelay $0x1  }
0x1ec: {  	[tilespmem:s31+$0x100] =	vst v3;
	s31 =	sor.u32 $0x1C10, s30  }
0x1ed: {  	v3 =	vld [tilespmem:s31+$0x100]  }
0x1ee: {  	v57 =	vld [tilespmem:s31+$0x8100];
	_ =	sdelay $0x4  }
0x1ef: {  	v3 =	vadd.f32 v57, v3;
	_ =	sdelay $0x1  }
0x1f0: {  	[tilespmem:s31+$0x100] =	vst v3;
	s31 =	sor.u32 $0x1C20, s30  }
0x1f1: {  	v3 =	vld [tilespmem:s31+$0x100]  }
0x1f2: {  	v58 =	vld [tilespmem:s31+$0x8100];
	_ =	sdelay $0x4  }
0x1f3: {  	v3 =	vadd.f32 v58, v3;
	_ =	sdelay $0x1  }
0x1f4: {  	[tilespmem:s31+$0x100] =	vst v3;
	s31 =	sor.u32 $0x1C30, s30  }
0x1f5: {  	v3 =	vld [tilespmem:s31+$0x100]  }
0x1f6: {  	v59 =	vld [tilespmem:s31+$0x8100];
	_ =	sdelay $0x4  }
0x1f7: {  	v3 =	vadd.f32 v59, v3;
	_ =	sdelay $0x1  }
0x1f8: {  	[tilespmem:s31+$0x100] =	vst v3;
	s31 =	sor.u32 $0x1C40, s30  }
0x1f9: {  	v3 =	vld [tilespmem:s31+$0x100]  }
0x1fa: {  	v60 =	vld [tilespmem:s31+$0x8100];
	_ =	sdelay $0x4  }
0x1fb: {  	v3 =	vadd.f32 v60, v3;
	_ =	sdelay $0x1  }
0x1fc: {  	[tilespmem:s31+$0x100] =	vst v3;
	s31 =	sor.u32 $0x1C50, s30  }
0x1fd: {  	v3 =	vld [tilespmem:s31+$0x100]  }
0x1fe: {  	v61 =	vld [tilespmem:s31+$0x8100];
	_ =	sdelay $0x4  }
0x1ff: {  	v3 =	vadd.f32 v61, v3;
	_ =	sdelay $0x1  }
0x200: {  	[tilespmem:s31+$0x100] =	vst v3;
	s31 =	sor.u32 $0x1C60, s30  }
0x201: {  	v3 =	vld [tilespmem:s31+$0x100]  }
0x202: {  	v62 =	vld [tilespmem:s31+$0x8100];
	_ =	sdelay $0x4  }
0x203: {  	v3 =	vadd.f32 v62, v3;
	_ =	sdelay $0x1  }
0x204: {  	[tilespmem:s31+$0x100] =	vst v3;
	s31 =	sor.u32 $0x1C70, s30  }
0x205: {  	v3 =	vld [tilespmem:s31+$0x100]  }
0x206: {  	v63 =	vld [tilespmem:s31+$0x8100];
	_ =	sdelay $0x1  }
0x207: {  	p0 =	sne.s32 s26, $0xF80  }
.Ltmp1:
0x208: {  	_ = 	snop;
	(pc) =	sbr.rel @p0 .LBB2_4-.Ltmp1, $4  }
0x209: {  	_ = 	snop  }
0x20a: {  	v3 =	vadd.f32 v63, v3  }
0x20b: {  	s23 =	sadd.s32 $0x1, s23  }
0x20c: {  	s24 =	sadd.s32 $0x400, s24;
	s26 =	sadd.s32 $0x80, s26;
	s25 =	sadd.s32 $0x400, s25;
	[tilespmem:s31+$0x100] =	vst v3  }
0x20d: {  	s23 =	rddreg [dreg:$0x4]  }
0x20e: {  	[hbm4b:s23+s2] =	stream.linear.scatter [tilespmem:s12], [sflag:$0x2], $0x8000, $0x38;
	[tilespmem:$0x10100] =	vst v63  }
0x20f: {  	_ =	swait.ge [sflag:s11], $0x8000  }
0x210: {  	s10 =	sadd.s32 $0x1, s10;
	s31 =	rddreg [dreg:$0x5]  }
0x211: {  	p0 =	sne.s32 s10, s31  }
.Ltmp2:
0x212: {  	_ = 	snop;
	(pc) =	sbr.rel @p0 .LBB2_1-.Ltmp2, $3  }
0x213: {  	_ =	sdelay $0x1  }
0x214: {  	[sflag:s11] =	ssyncset.done $0x0  }
0x215: {  	[sflag:s11] =	ssyncadd.s32 $0xFFFF8000  }
0x216: {  	_ =	sfence.sel $0x180000  }
0x217: {  	[bflag:$0x0] =	sbarrier.arrive $0xFFFF  }
0x218: {  	_ =	strace $0x9000004A  }
0x219: {  	s0 =	stileid.u32;
	[bflag:$0x2] =	sbarrier.arrive $0xFFFF  }
0x21a: {  	p0 =	sne.s32 s0, $0x0;
	s0 =	rddreg [dreg:$0x2]  }
0x21b: {  	s0 =	sadd.s32 @!p0 $0x100000, s0  }
0x21c: {  	[sflag:s0] =	ssyncadd.tile.s32 @!p0 $0x1;
	_ =	shalt  }
.Lfunc_end2:
_tile_overlayer_lowered:
.L_overlay_start_2:
0x21d: {  	(tag) =	ssettag $0x2  }
0x21e: {  	s0 =	rddreg [dreg:$0x0];
	s2 =	stileid.u32  }
0x21f: {  	s1 =	rddreg [dreg:$0x1];
	p0 =	sne.s32 s2, $0x0  }
0x220: {  	s3 =	rddreg [dreg:$0x2];
	[bflag:$0x3] =	sbarrier.arrive $0xFFFF;
	s2 =	simm.s32 @!p0 $0x1C02  }
0x221: {  	[timem:s3], [sflag:s2] =	dma.local @!p0 [hbm:s0], s1  }
0x222: {  	s0 =	simm.s32 @!p0 $0x2  }
0x223: {  	_ =	swait.ge @!p0 [sflag:s0], s1  }
0x224: {  	s1 =	ssub.s32 @!p0 $0x0, s1;
	[sflag:s0] =	ssyncset.done @!p0 $0x0  }
0x225: {  	[sflag:s0] =	ssyncadd.s32 @!p0 s1  }
0x226: {  	[bflag:$0x3] =	sbarrier.arrive $0xFFFF  }
0x227: {  	_ =	shalt  }

</sc_bundles>
